<compile_context>
chip_gen: v7x
topology: tpu7x:2x2x1
jax: 0.10.2.dev20260603
libtpu: 0.0.44.dev20260713+nightly
codegen_flags: <defaults>
</compile_context>

<pallas_src>
import functools

import jax
import jax.numpy as jnp
from jax import lax
from jax.experimental import pallas as pl
from jax.experimental.pallas import tpu as pltpu
from jax.experimental.pallas import tpu_sc as plsc

GLOVE_DIM = 300
D_MODEL = 768
PACK_W = 256
BF_W = 2 * PACK_W
N_CHUNKS = 5


def _make_sc_gather(num_rows: int, row_off: int):
    info = plsc.get_sparse_core_info()
    nc, ns = info.num_cores, info.num_subcores
    nw = nc * ns
    assert num_rows % (8 * nw) == 0
    b_per_w = num_rows // nw
    chunk = 80
    assert b_per_w % chunk == 0 and chunk % 8 == 0
    n_chunks = b_per_w // chunk
    n_slices = PACK_W // 128

    mesh = plsc.VectorSubcoreMesh(core_axis_name="c", subcore_axis_name="s")

    @functools.partial(
        pl.kernel,
        mesh=mesh,
        out_type=jax.ShapeDtypeStruct((num_rows, PACK_W), jnp.int32),
        scratch_types=[
            pltpu.VMEM((2, chunk), jnp.int32),
            pltpu.VMEM((2, chunk, PACK_W), jnp.int32),
            pltpu.SemaphoreType.DMA,
            pltpu.SemaphoreType.DMA,
        ],
    )
    def gather(tab_hbm, idx_hbm, out_hbm, idx_v, rows_v, sem0, sem1):
        wid = lax.axis_index("s") * nc + lax.axis_index("c")
        base = wid * b_per_w
        sems = (sem0, sem1)

        def fire(g, buf):
            off = base + g * chunk
            pltpu.sync_copy(idx_hbm.at[pl.ds(row_off + off, chunk)], idx_v.at[buf])
            for t in range(n_slices):
                pltpu.async_copy(
                    tab_hbm.at[idx_v.at[buf], pl.ds(t * 128, 128)],
                    rows_v.at[buf, :, pl.ds(t * 128, 128)],
                    sems[buf],
                )

        def drain_write(g, buf):
            for t in range(n_slices):
                pltpu.make_async_copy(
                    tab_hbm.at[idx_v.at[buf], pl.ds(t * 128, 128)],
                    rows_v.at[buf, :, pl.ds(t * 128, 128)],
                    sems[buf],
                ).wait()
            pltpu.sync_copy(rows_v.at[buf], out_hbm.at[pl.ds(base + g * chunk, chunk)])

        fire(0, 0)

        def body(t, _):
            g = 2 * t

            @pl.when(g + 1 < n_chunks)
            def _():
                fire(g + 1, 1)

            drain_write(g, 0)

            @pl.when(g + 1 < n_chunks)
            def _():
                @pl.when(g + 2 < n_chunks)
                def _():
                    fire(g + 2, 0)

                drain_write(g + 1, 1)

            return 0

        lax.fori_loop(0, (n_chunks + 1) // 2, body, 0)

    return gather


def _repack_body(t_ref, o_ref):
    res = jnp.swapaxes(t_ref[...], 0, 1)
    u = lax.bitcast_convert_type(res, jnp.uint32)
    rne = (u + jnp.uint32(0x7FFF) + ((u >> 16) & jnp.uint32(1))) >> 16
    lo = rne[:, :PACK_W]
    hi = jnp.concatenate(
        [
            rne[:, PACK_W:],
            jnp.zeros((res.shape[0], 2 * PACK_W - GLOVE_DIM), jnp.uint32),
        ],
        axis=1,
    )
    o_ref[...] = lax.bitcast_convert_type(lo | (hi << 16), jnp.int32)


def _repack_tc(table_t):
    vocab = table_t.shape[1]
    bn = 2048
    return pl.pallas_call(
        _repack_body,
        grid=(pl.cdiv(vocab, bn),),
        in_specs=[pl.BlockSpec((GLOVE_DIM, bn), lambda i: (0, i))],
        out_specs=pl.BlockSpec((bn, PACK_W), lambda i: (i, 0)),
        out_shape=jax.ShapeDtypeStruct((vocab, PACK_W), jnp.int32),
    )(table_t)


def _mm_compute(a_ref, w_ref, b_ref, o_ref):
    au = lax.bitcast_convert_type(a_ref[...], jnp.uint32)
    a_lo = lax.bitcast_convert_type(au << 16, jnp.float32)
    a_hi = lax.bitcast_convert_type(au & jnp.uint32(0xFFFF0000), jnp.float32)
    w = w_ref[...].astype(jnp.bfloat16)
    res = jnp.dot(
        a_lo.astype(jnp.bfloat16),
        w[:PACK_W],
        preferred_element_type=jnp.float32,
    )
    res += jnp.dot(
        a_hi.astype(jnp.bfloat16),
        w[PACK_W:],
        preferred_element_type=jnp.float32,
    )
    o_ref[...] = (res + b_ref[...]).reshape(1, -1, D_MODEL)


def _mm_body_first(a_ref, w_ref, b_ref, o_ref):
    _mm_compute(a_ref, w_ref, b_ref, o_ref)


def _mm_body_chained(a_ref, w_ref, b_ref, prev_ref, o_ref):
    del prev_ref
    _mm_compute(a_ref, w_ref, b_ref, o_ref)


def _mm_chunk(emb, wp, b, prev, batch, hist, h_off, h_len):
    in_specs = [
        pl.BlockSpec((batch, PACK_W), lambda i: (i, 0)),
        pl.BlockSpec((BF_W, D_MODEL), lambda i: (0, 0)),
        pl.BlockSpec((1, D_MODEL), lambda i: (0, 0)),
    ]
    operands = [emb, wp, b.reshape(1, D_MODEL)]
    aliases = {}
    if prev is not None:
        in_specs.append(pl.BlockSpec(memory_space=pl.ANY))
        operands.append(prev)
        aliases = {3: 0}
    return pl.pallas_call(
        _mm_body_chained if prev is not None else _mm_body_first,
        grid=(h_len,),
        in_specs=in_specs,
        out_specs=pl.BlockSpec((1, batch, D_MODEL), lambda i: (i + h_off, 0, 0)),
        out_shape=jax.ShapeDtypeStruct((hist, batch, D_MODEL), jnp.float32),
        input_output_aliases=aliases,
    )(*operands)


def kernel(x, glove_table, W, b):
    batch, hist = x.shape
    idx = x.T.astype(jnp.int32).reshape(-1)
    tpad = _repack_tc(glove_table.T)
    wp = jnp.pad(W, ((0, BF_W - GLOVE_DIM), (0, 0)))

    assert hist % N_CHUNKS == 0
    h_len = hist // N_CHUNKS
    rows_per_chunk = h_len * batch

    embs = [
        _make_sc_gather(rows_per_chunk, q * rows_per_chunk)(tpad, idx)
        for q in range(N_CHUNKS)
    ]
    out_t = None
    for q in range(N_CHUNKS):
        out_t = _mm_chunk(embs[q], wp, b, out_t, batch, hist, q * h_len, h_len)
    return jnp.transpose(out_t, (1, 0, 2))

# --- scband reference (transcript-rebuilt; emitter-appended) ---
"""Pipeline reference for scband-glove-embedding-8727373546130 (READ-ONLY COPY).

The authoritative reference and input builder live on the scoring server;
editing this copy changes nothing except your own understanding.
"""

import jax, jax.numpy as jnp
import numpy as np

VOCAB = 100000
GLOVE_DIM = 300
D_MODEL = 768
BATCH = 1024
HIST = 50


def setup_inputs(seed: int = 0) -> dict:
    key = jax.random.key(seed)
    k1, k2, k3 = jax.random.split(key, 3)
    x = jax.random.randint(k1, (BATCH, HIST), 0, VOCAB, dtype=jnp.int32)
    # Frozen GloVe embedding table (stand-in for np.load of pretrained dict)
    glove_table = jax.random.normal(k2, (VOCAB, GLOVE_DIM), dtype=jnp.float32) * 0.1
    # nn.Linear(glove_dim, d_model) parameters
    W = jax.random.normal(k3, (GLOVE_DIM, D_MODEL), dtype=jnp.float32) * (1.0 / np.sqrt(GLOVE_DIM))
    b = jnp.zeros((D_MODEL,), dtype=jnp.float32)
    return {"x": x, "glove_table": glove_table, "W": W, "b": b}


def reference(x, glove_table, W, b):
    batch_size = x.shape[0]
    idx = x.astype(jnp.int32).reshape(-1)
    # torch.index_select(self.dict, 0, x) -> gather rows
    emb = jnp.take(glove_table, idx, axis=0).reshape(batch_size, -1, GLOVE_DIM)
    # self.pro(...) -> linear projection
    out = jnp.dot(emb, W) + b
    return out

if __name__ == "__main__":
    import jax
    _d = setup_inputs()
    print(jax.jit(kernel)(*tuple(_d.values())))

</pallas_src>

<mosaic_0001>
#map = affine_map<(d0, d1) -> (0, 0)>
#map1 = affine_map<(d0, d1) -> (0)>
module attributes {stable_mosaic.version = 14 : i64} {
  func.func @gather(%arg0: i32, %arg1: i32, %arg2: memref<100000x256xi32, #tpu.memory_space<hbm>>, %arg3: memref<51200xi32, #tpu.memory_space<hbm>>, %arg4: memref<10240x256xi32, #tpu.memory_space<hbm>>, %arg5: memref<2x80xi32, #tpu.memory_space<vmem>>, %arg6: memref<2x80x256xi32, #tpu.memory_space<vmem>>, %arg7: memref<!tpu.dma_semaphore, #tpu.memory_space<semaphore_mem>>, %arg8: memref<!tpu.dma_semaphore, #tpu.memory_space<semaphore_mem>>) attributes {dimension_semantics = [#tpu.dimension_semantics<core_parallel>, #tpu.dimension_semantics<subcore_parallel>], iteration_bounds = array<i64: 2, 16>, scalar_prefetch = 0 : i64, scratch_operands = 4 : i64, tpu.core_type = #tpu.core_type<sc_vector_subcore>, window_params = [{transform_indices = #map}, {transform_indices = #map1}, {transform_indices = #map}]} {
    %mul3A = arith.constant 2 : i32
    %mul3A_0 = arith.muli %arg1, %mul3A : i32
    %add3A = arith.addi %mul3A_0, %arg0 : i32
    %mul3A_1 = arith.constant 320 : i32
    %mul3A_2 = arith.muli %add3A, %mul3A_1 : i32
    %add3A_3 = arith.constant 0 : i32
    %add3A_4 = arith.addi %mul3A_2, %add3A_3 : i32
    %add3A_5 = arith.constant 0 : i32
    %add3A_6 = arith.addi %add3A_5, %add3A_4 : i32
    %run_scoped3A = arith.constant 0 : i32
    "tpu.region"() ({
      %run_scoped3A_36 = tpu.sem_alloc : memref<!tpu.dma_semaphore, #tpu.memory_space<semaphore_mem>>
      %dma_start3A_37 = arith.constant 0 : i32
      %dma_start3A_38 = tpu.memref_slice %arg5[%run_scoped3A, %dma_start3A_37] : memref<2x80xi32, #tpu.memory_space<vmem>> -> memref<1x80xi32, #tpu.memory_space<vmem>>
      %dma_start3A_39 = tpu.memref_squeeze %dma_start3A_38 : memref<1x80xi32, #tpu.memory_space<vmem>> -> memref<80xi32, #tpu.memory_space<vmem>>
      %dma_start3A_40 = tpu.memref_slice %arg3[%add3A_6] : memref<51200xi32, #tpu.memory_space<hbm>> -> memref<80xi32, #tpu.memory_space<hbm>>
      %dma_start3A_41 = arith.constant 0 : i32
      %dma_start3A_42 = tpu.memref_slice %arg5[%run_scoped3A, %dma_start3A_41] : memref<2x80xi32, #tpu.memory_space<vmem>> -> memref<1x80xi32, #tpu.memory_space<vmem>>
      %dma_start3A_43 = tpu.memref_squeeze %dma_start3A_42 : memref<1x80xi32, #tpu.memory_space<vmem>> -> memref<80xi32, #tpu.memory_space<vmem>>
      %dma_start3A_44 = tpu.memref_slice %arg3[%add3A_6] : memref<51200xi32, #tpu.memory_space<hbm>> -> memref<80xi32, #tpu.memory_space<hbm>>
      tpu.enqueue_dma source(%dma_start3A_44 : memref<80xi32, #tpu.memory_space<hbm>>) target(%dma_start3A_43 : memref<80xi32, #tpu.memory_space<vmem>>) target_semaphore(%run_scoped3A_36 : memref<!tpu.dma_semaphore, #tpu.memory_space<semaphore_mem>>)
      %dma_wait3A = arith.constant 0 : i32
      %dma_wait3A_45 = tpu.memref_slice %arg5[%run_scoped3A, %dma_wait3A] : memref<2x80xi32, #tpu.memory_space<vmem>> -> memref<1x80xi32, #tpu.memory_space<vmem>>
      %dma_wait3A_46 = tpu.memref_squeeze %dma_wait3A_45 : memref<1x80xi32, #tpu.memory_space<vmem>> -> memref<80xi32, #tpu.memory_space<vmem>>
      %dma_wait3A_47 = tpu.memref_slice %arg3[%add3A_6] : memref<51200xi32, #tpu.memory_space<hbm>> -> memref<80xi32, #tpu.memory_space<hbm>>
      %dma_wait3A_48 = arith.constant 0 : i32
      %dma_wait3A_49 = tpu.memref_slice %arg5[%run_scoped3A, %dma_wait3A_48] : memref<2x80xi32, #tpu.memory_space<vmem>> -> memref<1x80xi32, #tpu.memory_space<vmem>>
      %dma_wait3A_50 = tpu.memref_squeeze %dma_wait3A_49 : memref<1x80xi32, #tpu.memory_space<vmem>> -> memref<80xi32, #tpu.memory_space<vmem>>
      %dma_wait3A_51 = tpu.memref_slice %arg3[%add3A_6] : memref<51200xi32, #tpu.memory_space<hbm>> -> memref<80xi32, #tpu.memory_space<hbm>>
      tpu.wait_dma2 semaphore(%run_scoped3A_36 : memref<!tpu.dma_semaphore, #tpu.memory_space<semaphore_mem>>) src(%dma_wait3A_51 : memref<80xi32, #tpu.memory_space<hbm>>) dst(%dma_wait3A_50 : memref<80xi32, #tpu.memory_space<vmem>>)
      tpu.yield
    }) : () -> ()
    %dma_start3A = arith.constant 0 : i32
    %dma_start3A_7 = arith.constant 0 : i32
    %dma_start3A_8 = arith.constant 0 : i32
    %dma_start3A_9 = arith.constant 0 : i32
    %dma_start3A_10 = tpu.memref_slice %arg6[%dma_start3A_7, %dma_start3A_8, %dma_start3A_9] : memref<2x80x256xi32, #tpu.memory_space<vmem>> -> memref<1x80x128xi32, #tpu.memory_space<vmem>>
    %dma_start3A_11 = tpu.memref_squeeze %dma_start3A_10 : memref<1x80x128xi32, #tpu.memory_space<vmem>> -> memref<80x128xi32, #tpu.memory_space<vmem>>
    %dma_start3A_12 = arith.constant 0 : i32
    %dma_start3A_13 = tpu.memref_slice %arg5[%dma_start3A, %dma_start3A_12] : memref<2x80xi32, #tpu.memory_space<vmem>> -> memref<1x80xi32, #tpu.memory_space<vmem>>
    %dma_start3A_14 = tpu.memref_squeeze %dma_start3A_13 : memref<1x80xi32, #tpu.memory_space<vmem>> -> memref<80xi32, #tpu.memory_space<vmem>>
    %dma_start3A_15 = arith.constant 0 : i32
    %dma_start3A_16 = arith.constant 0 : i32
    %dma_start3A_17 = tpu.memref_slice %arg2[%dma_start3A_15, %dma_start3A_16] : memref<100000x256xi32, #tpu.memory_space<hbm>> -> memref<100000x128xi32, #tpu.memory_space<hbm>>
    tpu.enqueue_indirect_dma source(%dma_start3A_17 : memref<100000x128xi32, #tpu.memory_space<hbm>>) target(%dma_start3A_11 : memref<80x128xi32, #tpu.memory_space<vmem>>) offsets(%dma_start3A_14 : memref<80xi32, #tpu.memory_space<vmem>>) semaphore(%arg7 : memref<!tpu.dma_semaphore, #tpu.memory_space<semaphore_mem>>)
    %dma_start3A_18 = arith.constant 0 : i32
    %dma_start3A_19 = arith.constant 0 : i32
    %dma_start3A_20 = arith.constant 0 : i32
    %dma_start3A_21 = arith.constant 128 : i32
    %dma_start3A_22 = tpu.memref_slice %arg6[%dma_start3A_19, %dma_start3A_20, %dma_start3A_21] : memref<2x80x256xi32, #tpu.memory_space<vmem>> -> memref<1x80x128xi32, #tpu.memory_space<vmem>>
    %dma_start3A_23 = tpu.memref_squeeze %dma_start3A_22 : memref<1x80x128xi32, #tpu.memory_space<vmem>> -> memref<80x128xi32, #tpu.memory_space<vmem>>
    %dma_start3A_24 = arith.constant 0 : i32
    %dma_start3A_25 = tpu.memref_slice %arg5[%dma_start3A_18, %dma_start3A_24] : memref<2x80xi32, #tpu.memory_space<vmem>> -> memref<1x80xi32, #tpu.memory_space<vmem>>
    %dma_start3A_26 = tpu.memref_squeeze %dma_start3A_25 : memref<1x80xi32, #tpu.memory_space<vmem>> -> memref<80xi32, #tpu.memory_space<vmem>>
    %dma_start3A_27 = arith.constant 0 : i32
    %dma_start3A_28 = arith.constant 128 : i32
    %dma_start3A_29 = tpu.memref_slice %arg2[%dma_start3A_27, %dma_start3A_28] : memref<100000x256xi32, #tpu.memory_space<hbm>> -> memref<100000x128xi32, #tpu.memory_space<hbm>>
    tpu.enqueue_indirect_dma source(%dma_start3A_29 : memref<100000x128xi32, #tpu.memory_space<hbm>>) target(%dma_start3A_23 : memref<80x128xi32, #tpu.memory_space<vmem>>) offsets(%dma_start3A_26 : memref<80xi32, #tpu.memory_space<vmem>>) semaphore(%arg7 : memref<!tpu.dma_semaphore, #tpu.memory_space<semaphore_mem>>)
    %scan3A = arith.constant 0 : i32
    %scan3A_30 = arith.constant 0 : i32
    %scan3A_31 = arith.constant 2 : i32
    %scan3A_32 = arith.addi %scan3A_30, %scan3A_31 : i32
    %scan3A_33 = arith.constant 1 : i32
    %scan3A_34 = scf.for %scan3A_36 = %scan3A_30 to %scan3A_32 step %scan3A_33 iter_args(%scan3A_37 = %scan3A) -> (i32)  : i32 {
      %mul3A_38 = arith.constant 2 : i32
      %mul3A_39 = arith.muli %mul3A_38, %scan3A_36 : i32
      %add3A_40 = arith.constant 1 : i32
      %add3A_41 = arith.addi %mul3A_39, %add3A_40 : i32
      %lt3A = arith.constant 4 : i32
      %lt3A_42 = arith.cmpi slt, %add3A_41, %lt3A : i32
      %convert_element_type3A = arith.extui %lt3A_42 : i1 to i32
      %cond3A = arith.constant 0 : i32
      %cond3A_43 = arith.cmpi ne, %convert_element_type3A, %cond3A : i32
      scf.if %cond3A_43 {
        %add3A_79 = arith.constant 1 : i32
        %add3A_80 = arith.addi %mul3A_39, %add3A_79 : i32
        %mul3A_81 = arith.constant 80 : i32
        %mul3A_82 = arith.muli %add3A_80, %mul3A_81 : i32
        %add3A_83 = arith.addi %mul3A_2, %mul3A_82 : i32
        %add3A_84 = arith.constant 0 : i32
        %add3A_85 = arith.addi %add3A_84, %add3A_83 : i32
        %run_scoped3A_86 = arith.constant 1 : i32
        "tpu.region"() ({
          %run_scoped3A_111 = tpu.sem_alloc : memref<!tpu.dma_semaphore, #tpu.memory_space<semaphore_mem>>
          %dma_start3A_112 = arith.constant 0 : i32
          %dma_start3A_113 = tpu.memref_slice %arg5[%run_scoped3A_86, %dma_start3A_112] : memref<2x80xi32, #tpu.memory_space<vmem>> -> memref<1x80xi32, #tpu.memory_space<vmem>>
          %dma_start3A_114 = tpu.memref_squeeze %dma_start3A_113 : memref<1x80xi32, #tpu.memory_space<vmem>> -> memref<80xi32, #tpu.memory_space<vmem>>
          %dma_start3A_115 = tpu.memref_slice %arg3[%add3A_85] : memref<51200xi32, #tpu.memory_space<hbm>> -> memref<80xi32, #tpu.memory_space<hbm>>
          %dma_start3A_116 = arith.constant 0 : i32
          %dma_start3A_117 = tpu.memref_slice %arg5[%run_scoped3A_86, %dma_start3A_116] : memref<2x80xi32, #tpu.memory_space<vmem>> -> memref<1x80xi32, #tpu.memory_space<vmem>>
          %dma_start3A_118 = tpu.memref_squeeze %dma_start3A_117 : memref<1x80xi32, #tpu.memory_space<vmem>> -> memref<80xi32, #tpu.memory_space<vmem>>
          %dma_start3A_119 = tpu.memref_slice %arg3[%add3A_85] : memref<51200xi32, #tpu.memory_space<hbm>> -> memref<80xi32, #tpu.memory_space<hbm>>
          tpu.enqueue_dma source(%dma_start3A_119 : memref<80xi32, #tpu.memory_space<hbm>>) target(%dma_start3A_118 : memref<80xi32, #tpu.memory_space<vmem>>) target_semaphore(%run_scoped3A_111 : memref<!tpu.dma_semaphore, #tpu.memory_space<semaphore_mem>>)
          %dma_wait3A_120 = arith.constant 0 : i32
          %dma_wait3A_121 = tpu.memref_slice %arg5[%run_scoped3A_86, %dma_wait3A_120] : memref<2x80xi32, #tpu.memory_space<vmem>> -> memref<1x80xi32, #tpu.memory_space<vmem>>
          %dma_wait3A_122 = tpu.memref_squeeze %dma_wait3A_121 : memref<1x80xi32, #tpu.memory_space<vmem>> -> memref<80xi32, #tpu.memory_space<vmem>>
          %dma_wait3A_123 = tpu.memref_slice %arg3[%add3A_85] : memref<51200xi32, #tpu.memory_space<hbm>> -> memref<80xi32, #tpu.memory_space<hbm>>
          %dma_wait3A_124 = arith.constant 0 : i32
          %dma_wait3A_125 = tpu.memref_slice %arg5[%run_scoped3A_86, %dma_wait3A_124] : memref<2x80xi32, #tpu.memory_space<vmem>> -> memref<1x80xi32, #tpu.memory_space<vmem>>
          %dma_wait3A_126 = tpu.memref_squeeze %dma_wait3A_125 : memref<1x80xi32, #tpu.memory_space<vmem>> -> memref<80xi32, #tpu.memory_space<vmem>>
          %dma_wait3A_127 = tpu.memref_slice %arg3[%add3A_85] : memref<51200xi32, #tpu.memory_space<hbm>> -> memref<80xi32, #tpu.memory_space<hbm>>
          tpu.wait_dma2 semaphore(%run_scoped3A_111 : memref<!tpu.dma_semaphore, #tpu.memory_space<semaphore_mem>>) src(%dma_wait3A_127 : memref<80xi32, #tpu.memory_space<hbm>>) dst(%dma_wait3A_126 : memref<80xi32, #tpu.memory_space<vmem>>)
          tpu.yield
        }) : () -> ()
        %dma_start3A_87 = arith.constant 1 : i32
        %dma_start3A_88 = arith.constant 1 : i32
        %dma_start3A_89 = arith.constant 0 : i32
        %dma_start3A_90 = arith.constant 0 : i32
        %dma_start3A_91 = tpu.memref_slice %arg6[%dma_start3A_88, %dma_start3A_89, %dma_start3A_90] : memref<2x80x256xi32, #tpu.memory_space<vmem>> -> memref<1x80x128xi32, #tpu.memory_space<vmem>>
        %dma_start3A_92 = tpu.memref_squeeze %dma_start3A_91 : memref<1x80x128xi32, #tpu.memory_space<vmem>> -> memref<80x128xi32, #tpu.memory_space<vmem>>
        %dma_start3A_93 = arith.constant 0 : i32
        %dma_start3A_94 = tpu.memref_slice %arg5[%dma_start3A_87, %dma_start3A_93] : memref<2x80xi32, #tpu.memory_space<vmem>> -> memref<1x80xi32, #tpu.memory_space<vmem>>
        %dma_start3A_95 = tpu.memref_squeeze %dma_start3A_94 : memref<1x80xi32, #tpu.memory_space<vmem>> -> memref<80xi32, #tpu.memory_space<vmem>>
        %dma_start3A_96 = arith.constant 0 : i32
        %dma_start3A_97 = arith.constant 0 : i32
        %dma_start3A_98 = tpu.memref_slice %arg2[%dma_start3A_96, %dma_start3A_97] : memref<100000x256xi32, #tpu.memory_space<hbm>> -> memref<100000x128xi32, #tpu.memory_space<hbm>>
        tpu.enqueue_indirect_dma source(%dma_start3A_98 : memref<100000x128xi32, #tpu.memory_space<hbm>>) target(%dma_start3A_92 : memref<80x128xi32, #tpu.memory_space<vmem>>) offsets(%dma_start3A_95 : memref<80xi32, #tpu.memory_space<vmem>>) semaphore(%arg8 : memref<!tpu.dma_semaphore, #tpu.memory_space<semaphore_mem>>)
        %dma_start3A_99 = arith.constant 1 : i32
        %dma_start3A_100 = arith.constant 1 : i32
        %dma_start3A_101 = arith.constant 0 : i32
        %dma_start3A_102 = arith.constant 128 : i32
        %dma_start3A_103 = tpu.memref_slice %arg6[%dma_start3A_100, %dma_start3A_101, %dma_start3A_102] : memref<2x80x256xi32, #tpu.memory_space<vmem>> -> memref<1x80x128xi32, #tpu.memory_space<vmem>>
        %dma_start3A_104 = tpu.memref_squeeze %dma_start3A_103 : memref<1x80x128xi32, #tpu.memory_space<vmem>> -> memref<80x128xi32, #tpu.memory_space<vmem>>
        %dma_start3A_105 = arith.constant 0 : i32
        %dma_start3A_106 = tpu.memref_slice %arg5[%dma_start3A_99, %dma_start3A_105] : memref<2x80xi32, #tpu.memory_space<vmem>> -> memref<1x80xi32, #tpu.memory_space<vmem>>
        %dma_start3A_107 = tpu.memref_squeeze %dma_start3A_106 : memref<1x80xi32, #tpu.memory_space<vmem>> -> memref<80xi32, #tpu.memory_space<vmem>>
        %dma_start3A_108 = arith.constant 0 : i32
        %dma_start3A_109 = arith.constant 128 : i32
        %dma_start3A_110 = tpu.memref_slice %arg2[%dma_start3A_108, %dma_start3A_109] : memref<100000x256xi32, #tpu.memory_space<hbm>> -> memref<100000x128xi32, #tpu.memory_space<hbm>>
        tpu.enqueue_indirect_dma source(%dma_start3A_110 : memref<100000x128xi32, #tpu.memory_space<hbm>>) target(%dma_start3A_104 : memref<80x128xi32, #tpu.memory_space<vmem>>) offsets(%dma_start3A_107 : memref<80xi32, #tpu.memory_space<vmem>>) semaphore(%arg8 : memref<!tpu.dma_semaphore, #tpu.memory_space<semaphore_mem>>)
      } else {
      }
      %dma_wait3A = arith.constant 0 : i32
      %dma_wait3A_44 = arith.constant 0 : i32
      %dma_wait3A_45 = arith.constant 0 : i32
      %dma_wait3A_46 = arith.constant 0 : i32
      %dma_wait3A_47 = tpu.memref_slice %arg6[%dma_wait3A_44, %dma_wait3A_45, %dma_wait3A_46] : memref<2x80x256xi32, #tpu.memory_space<vmem>> -> memref<1x80x128xi32, #tpu.memory_space<vmem>>
      %dma_wait3A_48 = tpu.memref_squeeze %dma_wait3A_47 : memref<1x80x128xi32, #tpu.memory_space<vmem>> -> memref<80x128xi32, #tpu.memory_space<vmem>>
      %dma_wait3A_49 = arith.constant 0 : i32
      %dma_wait3A_50 = tpu.memref_slice %arg5[%dma_wait3A, %dma_wait3A_49] : memref<2x80xi32, #tpu.memory_space<vmem>> -> memref<1x80xi32, #tpu.memory_space<vmem>>
      %dma_wait3A_51 = tpu.memref_squeeze %dma_wait3A_50 : memref<1x80xi32, #tpu.memory_space<vmem>> -> memref<80xi32, #tpu.memory_space<vmem>>
      %dma_wait3A_52 = arith.constant 0 : i32
      %dma_wait3A_53 = arith.constant 0 : i32
      %dma_wait3A_54 = tpu.memref_slice %arg2[%dma_wait3A_52, %dma_wait3A_53] : memref<100000x256xi32, #tpu.memory_space<hbm>> -> memref<100000x128xi32, #tpu.memory_space<hbm>>
      tpu.wait_indirect_dma semaphore(%arg7 : memref<!tpu.dma_semaphore, #tpu.memory_space<semaphore_mem>>) src(%dma_wait3A_54 : memref<100000x128xi32, #tpu.memory_space<hbm>>) dst(%dma_wait3A_48 : memref<80x128xi32, #tpu.memory_space<vmem>>)
      %dma_wait3A_55 = arith.constant 0 : i32
      %dma_wait3A_56 = arith.constant 0 : i32
      %dma_wait3A_57 = arith.constant 0 : i32
      %dma_wait3A_58 = arith.constant 128 : i32
      %dma_wait3A_59 = tpu.memref_slice %arg6[%dma_wait3A_56, %dma_wait3A_57, %dma_wait3A_58] : memref<2x80x256xi32, #tpu.memory_space<vmem>> -> memref<1x80x128xi32, #tpu.memory_space<vmem>>
      %dma_wait3A_60 = tpu.memref_squeeze %dma_wait3A_59 : memref<1x80x128xi32, #tpu.memory_space<vmem>> -> memref<80x128xi32, #tpu.memory_space<vmem>>
      %dma_wait3A_61 = arith.constant 0 : i32
      %dma_wait3A_62 = tpu.memref_slice %arg5[%dma_wait3A_55, %dma_wait3A_61] : memref<2x80xi32, #tpu.memory_space<vmem>> -> memref<1x80xi32, #tpu.memory_space<vmem>>
      %dma_wait3A_63 = tpu.memref_squeeze %dma_wait3A_62 : memref<1x80xi32, #tpu.memory_space<vmem>> -> memref<80xi32, #tpu.memory_space<vmem>>
      %dma_wait3A_64 = arith.constant 0 : i32
      %dma_wait3A_65 = arith.constant 128 : i32
      %dma_wait3A_66 = tpu.memref_slice %arg2[%dma_wait3A_64, %dma_wait3A_65] : memref<100000x256xi32, #tpu.memory_space<hbm>> -> memref<100000x128xi32, #tpu.memory_space<hbm>>
      tpu.wait_indirect_dma semaphore(%arg7 : memref<!tpu.dma_semaphore, #tpu.memory_space<semaphore_mem>>) src(%dma_wait3A_66 : memref<100000x128xi32, #tpu.memory_space<hbm>>) dst(%dma_wait3A_60 : memref<80x128xi32, #tpu.memory_space<vmem>>)
      %mul3A_67 = arith.constant 80 : i32
      %mul3A_68 = arith.muli %mul3A_39, %mul3A_67 : i32
      %add3A_69 = arith.addi %mul3A_2, %mul3A_68 : i32
      %run_scoped3A_70 = arith.constant 0 : i32
      "tpu.region"() ({
        %run_scoped3A_79 = tpu.sem_alloc : memref<!tpu.dma_semaphore, #tpu.memory_space<semaphore_mem>>
        %dma_start3A_80 = arith.constant 0 : i32
        %dma_start3A_81 = arith.constant 0 : i32
        %dma_start3A_82 = tpu.memref_slice %arg6[%run_scoped3A_70, %dma_start3A_80, %dma_start3A_81] : memref<2x80x256xi32, #tpu.memory_space<vmem>> -> memref<1x80x256xi32, #tpu.memory_space<vmem>>
        %dma_start3A_83 = tpu.memref_squeeze %dma_start3A_82 : memref<1x80x256xi32, #tpu.memory_space<vmem>> -> memref<80x256xi32, #tpu.memory_space<vmem>>
        %dma_start3A_84 = arith.constant 0 : i32
        %dma_start3A_85 = tpu.memref_slice %arg4[%add3A_69, %dma_start3A_84] : memref<10240x256xi32, #tpu.memory_space<hbm>> -> memref<80x256xi32, #tpu.memory_space<hbm>>
        %dma_start3A_86 = arith.constant 0 : i32
        %dma_start3A_87 = tpu.memref_slice %arg4[%add3A_69, %dma_start3A_86] : memref<10240x256xi32, #tpu.memory_space<hbm>> -> memref<80x256xi32, #tpu.memory_space<hbm>>
        %dma_start3A_88 = arith.constant 0 : i32
        %dma_start3A_89 = arith.constant 0 : i32
        %dma_start3A_90 = tpu.memref_slice %arg6[%run_scoped3A_70, %dma_start3A_88, %dma_start3A_89] : memref<2x80x256xi32, #tpu.memory_space<vmem>> -> memref<1x80x256xi32, #tpu.memory_space<vmem>>
        %dma_start3A_91 = tpu.memref_squeeze %dma_start3A_90 : memref<1x80x256xi32, #tpu.memory_space<vmem>> -> memref<80x256xi32, #tpu.memory_space<vmem>>
        tpu.enqueue_dma source(%dma_start3A_91 : memref<80x256xi32, #tpu.memory_space<vmem>>) target(%dma_start3A_87 : memref<80x256xi32, #tpu.memory_space<hbm>>) target_semaphore(%run_scoped3A_79 : memref<!tpu.dma_semaphore, #tpu.memory_space<semaphore_mem>>)
        %dma_wait3A_92 = arith.constant 0 : i32
        %dma_wait3A_93 = arith.constant 0 : i32
        %dma_wait3A_94 = tpu.memref_slice %arg6[%run_scoped3A_70, %dma_wait3A_92, %dma_wait3A_93] : memref<2x80x256xi32, #tpu.memory_space<vmem>> -> memref<1x80x256xi32, #tpu.memory_space<vmem>>
        %dma_wait3A_95 = tpu.memref_squeeze %dma_wait3A_94 : memref<1x80x256xi32, #tpu.memory_space<vmem>> -> memref<80x256xi32, #tpu.memory_space<vmem>>
        %dma_wait3A_96 = arith.constant 0 : i32
        %dma_wait3A_97 = tpu.memref_slice %arg4[%add3A_69, %dma_wait3A_96] : memref<10240x256xi32, #tpu.memory_space<hbm>> -> memref<80x256xi32, #tpu.memory_space<hbm>>
        %dma_wait3A_98 = arith.constant 0 : i32
        %dma_wait3A_99 = tpu.memref_slice %arg4[%add3A_69, %dma_wait3A_98] : memref<10240x256xi32, #tpu.memory_space<hbm>> -> memref<80x256xi32, #tpu.memory_space<hbm>>
        %dma_wait3A_100 = arith.constant 0 : i32
        %dma_wait3A_101 = arith.constant 0 : i32
        %dma_wait3A_102 = tpu.memref_slice %arg6[%run_scoped3A_70, %dma_wait3A_100, %dma_wait3A_101] : memref<2x80x256xi32, #tpu.memory_space<vmem>> -> memref<1x80x256xi32, #tpu.memory_space<vmem>>
        %dma_wait3A_103 = tpu.memref_squeeze %dma_wait3A_102 : memref<1x80x256xi32, #tpu.memory_space<vmem>> -> memref<80x256xi32, #tpu.memory_space<vmem>>
        tpu.wait_dma2 semaphore(%run_scoped3A_79 : memref<!tpu.dma_semaphore, #tpu.memory_space<semaphore_mem>>) src(%dma_wait3A_103 : memref<80x256xi32, #tpu.memory_space<vmem>>) dst(%dma_wait3A_99 : memref<80x256xi32, #tpu.memory_space<hbm>>)
        tpu.yield
      }) : () -> ()
      %add3A_71 = arith.constant 1 : i32
      %add3A_72 = arith.addi %mul3A_39, %add3A_71 : i32
      %lt3A_73 = arith.constant 4 : i32
      %lt3A_74 = arith.cmpi slt, %add3A_72, %lt3A_73 : i32
      %convert_element_type3A_75 = arith.extui %lt3A_74 : i1 to i32
      %cond3A_76 = arith.constant 0 : i32
      %cond3A_77 = arith.cmpi ne, %convert_element_type3A_75, %cond3A_76 : i32
      scf.if %cond3A_77 {
        %add3A_79 = arith.constant 2 : i32
        %add3A_80 = arith.addi %mul3A_39, %add3A_79 : i32
        %lt3A_81 = arith.constant 4 : i32
        %lt3A_82 = arith.cmpi slt, %add3A_80, %lt3A_81 : i32
        %convert_element_type3A_83 = arith.extui %lt3A_82 : i1 to i32
        %cond3A_84 = arith.constant 0 : i32
        %cond3A_85 = arith.cmpi ne, %convert_element_type3A_83, %cond3A_84 : i32
        scf.if %cond3A_85 {
          %add3A_116 = arith.constant 2 : i32
          %add3A_117 = arith.addi %mul3A_39, %add3A_116 : i32
          %mul3A_118 = arith.constant 80 : i32
          %mul3A_119 = arith.muli %add3A_117, %mul3A_118 : i32
          %add3A_120 = arith.addi %mul3A_2, %mul3A_119 : i32
          %add3A_121 = arith.constant 0 : i32
          %add3A_122 = arith.addi %add3A_121, %add3A_120 : i32
          %run_scoped3A_123 = arith.constant 0 : i32
          "tpu.region"() ({
            %run_scoped3A_148 = tpu.sem_alloc : memref<!tpu.dma_semaphore, #tpu.memory_space<semaphore_mem>>
            %dma_start3A_149 = arith.constant 0 : i32
            %dma_start3A_150 = tpu.memref_slice %arg5[%run_scoped3A_123, %dma_start3A_149] : memref<2x80xi32, #tpu.memory_space<vmem>> -> memref<1x80xi32, #tpu.memory_space<vmem>>
            %dma_start3A_151 = tpu.memref_squeeze %dma_start3A_150 : memref<1x80xi32, #tpu.memory_space<vmem>> -> memref<80xi32, #tpu.memory_space<vmem>>
            %dma_start3A_152 = tpu.memref_slice %arg3[%add3A_122] : memref<51200xi32, #tpu.memory_space<hbm>> -> memref<80xi32, #tpu.memory_space<hbm>>
            %dma_start3A_153 = arith.constant 0 : i32
            %dma_start3A_154 = tpu.memref_slice %arg5[%run_scoped3A_123, %dma_start3A_153] : memref<2x80xi32, #tpu.memory_space<vmem>> -> memref<1x80xi32, #tpu.memory_space<vmem>>
            %dma_start3A_155 = tpu.memref_squeeze %dma_start3A_154 : memref<1x80xi32, #tpu.memory_space<vmem>> -> memref<80xi32, #tpu.memory_space<vmem>>
            %dma_start3A_156 = tpu.memref_slice %arg3[%add3A_122] : memref<51200xi32, #tpu.memory_space<hbm>> -> memref<80xi32, #tpu.memory_space<hbm>>
            tpu.enqueue_dma source(%dma_start3A_156 : memref<80xi32, #tpu.memory_space<hbm>>) target(%dma_start3A_155 : memref<80xi32, #tpu.memory_space<vmem>>) target_semaphore(%run_scoped3A_148 : memref<!tpu.dma_semaphore, #tpu.memory_space<semaphore_mem>>)
            %dma_wait3A_157 = arith.constant 0 : i32
            %dma_wait3A_158 = tpu.memref_slice %arg5[%run_scoped3A_123, %dma_wait3A_157] : memref<2x80xi32, #tpu.memory_space<vmem>> -> memref<1x80xi32, #tpu.memory_space<vmem>>
            %dma_wait3A_159 = tpu.memref_squeeze %dma_wait3A_158 : memref<1x80xi32, #tpu.memory_space<vmem>> -> memref<80xi32, #tpu.memory_space<vmem>>
            %dma_wait3A_160 = tpu.memref_slice %arg3[%add3A_122] : memref<51200xi32, #tpu.memory_space<hbm>> -> memref<80xi32, #tpu.memory_space<hbm>>
            %dma_wait3A_161 = arith.constant 0 : i32
            %dma_wait3A_162 = tpu.memref_slice %arg5[%run_scoped3A_123, %dma_wait3A_161] : memref<2x80xi32, #tpu.memory_space<vmem>> -> memref<1x80xi32, #tpu.memory_space<vmem>>
            %dma_wait3A_163 = tpu.memref_squeeze %dma_wait3A_162 : memref<1x80xi32, #tpu.memory_space<vmem>> -> memref<80xi32, #tpu.memory_space<vmem>>
            %dma_wait3A_164 = tpu.memref_slice %arg3[%add3A_122] : memref<51200xi32, #tpu.memory_space<hbm>> -> memref<80xi32, #tpu.memory_space<hbm>>
            tpu.wait_dma2 semaphore(%run_scoped3A_148 : memref<!tpu.dma_semaphore, #tpu.memory_space<semaphore_mem>>) src(%dma_wait3A_164 : memref<80xi32, #tpu.memory_space<hbm>>) dst(%dma_wait3A_163 : memref<80xi32, #tpu.memory_space<vmem>>)
            tpu.yield
          }) : () -> ()
          %dma_start3A_124 = arith.constant 0 : i32
          %dma_start3A_125 = arith.constant 0 : i32
          %dma_start3A_126 = arith.constant 0 : i32
          %dma_start3A_127 = arith.constant 0 : i32
          %dma_start3A_128 = tpu.memref_slice %arg6[%dma_start3A_125, %dma_start3A_126, %dma_start3A_127] : memref<2x80x256xi32, #tpu.memory_space<vmem>> -> memref<1x80x128xi32, #tpu.memory_space<vmem>>
          %dma_start3A_129 = tpu.memref_squeeze %dma_start3A_128 : memref<1x80x128xi32, #tpu.memory_space<vmem>> -> memref<80x128xi32, #tpu.memory_space<vmem>>
          %dma_start3A_130 = arith.constant 0 : i32
          %dma_start3A_131 = tpu.memref_slice %arg5[%dma_start3A_124, %dma_start3A_130] : memref<2x80xi32, #tpu.memory_space<vmem>> -> memref<1x80xi32, #tpu.memory_space<vmem>>
          %dma_start3A_132 = tpu.memref_squeeze %dma_start3A_131 : memref<1x80xi32, #tpu.memory_space<vmem>> -> memref<80xi32, #tpu.memory_space<vmem>>
          %dma_start3A_133 = arith.constant 0 : i32
          %dma_start3A_134 = arith.constant 0 : i32
          %dma_start3A_135 = tpu.memref_slice %arg2[%dma_start3A_133, %dma_start3A_134] : memref<100000x256xi32, #tpu.memory_space<hbm>> -> memref<100000x128xi32, #tpu.memory_space<hbm>>
          tpu.enqueue_indirect_dma source(%dma_start3A_135 : memref<100000x128xi32, #tpu.memory_space<hbm>>) target(%dma_start3A_129 : memref<80x128xi32, #tpu.memory_space<vmem>>) offsets(%dma_start3A_132 : memref<80xi32, #tpu.memory_space<vmem>>) semaphore(%arg7 : memref<!tpu.dma_semaphore, #tpu.memory_space<semaphore_mem>>)
          %dma_start3A_136 = arith.constant 0 : i32
          %dma_start3A_137 = arith.constant 0 : i32
          %dma_start3A_138 = arith.constant 0 : i32
          %dma_start3A_139 = arith.constant 128 : i32
          %dma_start3A_140 = tpu.memref_slice %arg6[%dma_start3A_137, %dma_start3A_138, %dma_start3A_139] : memref<2x80x256xi32, #tpu.memory_space<vmem>> -> memref<1x80x128xi32, #tpu.memory_space<vmem>>
          %dma_start3A_141 = tpu.memref_squeeze %dma_start3A_140 : memref<1x80x128xi32, #tpu.memory_space<vmem>> -> memref<80x128xi32, #tpu.memory_space<vmem>>
          %dma_start3A_142 = arith.constant 0 : i32
          %dma_start3A_143 = tpu.memref_slice %arg5[%dma_start3A_136, %dma_start3A_142] : memref<2x80xi32, #tpu.memory_space<vmem>> -> memref<1x80xi32, #tpu.memory_space<vmem>>
          %dma_start3A_144 = tpu.memref_squeeze %dma_start3A_143 : memref<1x80xi32, #tpu.memory_space<vmem>> -> memref<80xi32, #tpu.memory_space<vmem>>
          %dma_start3A_145 = arith.constant 0 : i32
          %dma_start3A_146 = arith.constant 128 : i32
          %dma_start3A_147 = tpu.memref_slice %arg2[%dma_start3A_145, %dma_start3A_146] : memref<100000x256xi32, #tpu.memory_space<hbm>> -> memref<100000x128xi32, #tpu.memory_space<hbm>>
          tpu.enqueue_indirect_dma source(%dma_start3A_147 : memref<100000x128xi32, #tpu.memory_space<hbm>>) target(%dma_start3A_141 : memref<80x128xi32, #tpu.memory_space<vmem>>) offsets(%dma_start3A_144 : memref<80xi32, #tpu.memory_space<vmem>>) semaphore(%arg7 : memref<!tpu.dma_semaphore, #tpu.memory_space<semaphore_mem>>)
        } else {
        }
        %add3A_86 = arith.constant 1 : i32
        %add3A_87 = arith.addi %mul3A_39, %add3A_86 : i32
        %dma_wait3A_88 = arith.constant 1 : i32
        %dma_wait3A_89 = arith.constant 1 : i32
        %dma_wait3A_90 = arith.constant 0 : i32
        %dma_wait3A_91 = arith.constant 0 : i32
        %dma_wait3A_92 = tpu.memref_slice %arg6[%dma_wait3A_89, %dma_wait3A_90, %dma_wait3A_91] : memref<2x80x256xi32, #tpu.memory_space<vmem>> -> memref<1x80x128xi32, #tpu.memory_space<vmem>>
        %dma_wait3A_93 = tpu.memref_squeeze %dma_wait3A_92 : memref<1x80x128xi32, #tpu.memory_space<vmem>> -> memref<80x128xi32, #tpu.memory_space<vmem>>
        %dma_wait3A_94 = arith.constant 0 : i32
        %dma_wait3A_95 = tpu.memref_slice %arg5[%dma_wait3A_88, %dma_wait3A_94] : memref<2x80xi32, #tpu.memory_space<vmem>> -> memref<1x80xi32, #tpu.memory_space<vmem>>
        %dma_wait3A_96 = tpu.memref_squeeze %dma_wait3A_95 : memref<1x80xi32, #tpu.memory_space<vmem>> -> memref<80xi32, #tpu.memory_space<vmem>>
        %dma_wait3A_97 = arith.constant 0 : i32
        %dma_wait3A_98 = arith.constant 0 : i32
        %dma_wait3A_99 = tpu.memref_slice %arg2[%dma_wait3A_97, %dma_wait3A_98] : memref<100000x256xi32, #tpu.memory_space<hbm>> -> memref<100000x128xi32, #tpu.memory_space<hbm>>
        tpu.wait_indirect_dma semaphore(%arg8 : memref<!tpu.dma_semaphore, #tpu.memory_space<semaphore_mem>>) src(%dma_wait3A_99 : memref<100000x128xi32, #tpu.memory_space<hbm>>) dst(%dma_wait3A_93 : memref<80x128xi32, #tpu.memory_space<vmem>>)
        %dma_wait3A_100 = arith.constant 1 : i32
        %dma_wait3A_101 = arith.constant 1 : i32
        %dma_wait3A_102 = arith.constant 0 : i32
        %dma_wait3A_103 = arith.constant 128 : i32
        %dma_wait3A_104 = tpu.memref_slice %arg6[%dma_wait3A_101, %dma_wait3A_102, %dma_wait3A_103] : memref<2x80x256xi32, #tpu.memory_space<vmem>> -> memref<1x80x128xi32, #tpu.memory_space<vmem>>
        %dma_wait3A_105 = tpu.memref_squeeze %dma_wait3A_104 : memref<1x80x128xi32, #tpu.memory_space<vmem>> -> memref<80x128xi32, #tpu.memory_space<vmem>>
        %dma_wait3A_106 = arith.constant 0 : i32
        %dma_wait3A_107 = tpu.memref_slice %arg5[%dma_wait3A_100, %dma_wait3A_106] : memref<2x80xi32, #tpu.memory_space<vmem>> -> memref<1x80xi32, #tpu.memory_space<vmem>>
        %dma_wait3A_108 = tpu.memref_squeeze %dma_wait3A_107 : memref<1x80xi32, #tpu.memory_space<vmem>> -> memref<80xi32, #tpu.memory_space<vmem>>
        %dma_wait3A_109 = arith.constant 0 : i32
        %dma_wait3A_110 = arith.constant 128 : i32
        %dma_wait3A_111 = tpu.memref_slice %arg2[%dma_wait3A_109, %dma_wait3A_110] : memref<100000x256xi32, #tpu.memory_space<hbm>> -> memref<100000x128xi32, #tpu.memory_space<hbm>>
        tpu.wait_indirect_dma semaphore(%arg8 : memref<!tpu.dma_semaphore, #tpu.memory_space<semaphore_mem>>) src(%dma_wait3A_111 : memref<100000x128xi32, #tpu.memory_space<hbm>>) dst(%dma_wait3A_105 : memref<80x128xi32, #tpu.memory_space<vmem>>)
        %mul3A_112 = arith.constant 80 : i32
        %mul3A_113 = arith.muli %add3A_87, %mul3A_112 : i32
        %add3A_114 = arith.addi %mul3A_2, %mul3A_113 : i32
        %run_scoped3A_115 = arith.constant 1 : i32
        "tpu.region"() ({
          %run_scoped3A_116 = tpu.sem_alloc : memref<!tpu.dma_semaphore, #tpu.memory_space<semaphore_mem>>
          %dma_start3A_117 = arith.constant 0 : i32
          %dma_start3A_118 = arith.constant 0 : i32
          %dma_start3A_119 = tpu.memref_slice %arg6[%run_scoped3A_115, %dma_start3A_117, %dma_start3A_118] : memref<2x80x256xi32, #tpu.memory_space<vmem>> -> memref<1x80x256xi32, #tpu.memory_space<vmem>>
          %dma_start3A_120 = tpu.memref_squeeze %dma_start3A_119 : memref<1x80x256xi32, #tpu.memory_space<vmem>> -> memref<80x256xi32, #tpu.memory_space<vmem>>
          %dma_start3A_121 = arith.constant 0 : i32
          %dma_start3A_122 = tpu.memref_slice %arg4[%add3A_114, %dma_start3A_121] : memref<10240x256xi32, #tpu.memory_space<hbm>> -> memref<80x256xi32, #tpu.memory_space<hbm>>
          %dma_start3A_123 = arith.constant 0 : i32
          %dma_start3A_124 = tpu.memref_slice %arg4[%add3A_114, %dma_start3A_123] : memref<10240x256xi32, #tpu.memory_space<hbm>> -> memref<80x256xi32, #tpu.memory_space<hbm>>
          %dma_start3A_125 = arith.constant 0 : i32
          %dma_start3A_126 = arith.constant 0 : i32
          %dma_start3A_127 = tpu.memref_slice %arg6[%run_scoped3A_115, %dma_start3A_125, %dma_start3A_126] : memref<2x80x256xi32, #tpu.memory_space<vmem>> -> memref<1x80x256xi32, #tpu.memory_space<vmem>>
          %dma_start3A_128 = tpu.memref_squeeze %dma_start3A_127 : memref<1x80x256xi32, #tpu.memory_space<vmem>> -> memref<80x256xi32, #tpu.memory_space<vmem>>
          tpu.enqueue_dma source(%dma_start3A_128 : memref<80x256xi32, #tpu.memory_space<vmem>>) target(%dma_start3A_124 : memref<80x256xi32, #tpu.memory_space<hbm>>) target_semaphore(%run_scoped3A_116 : memref<!tpu.dma_semaphore, #tpu.memory_space<semaphore_mem>>)
          %dma_wait3A_129 = arith.constant 0 : i32
          %dma_wait3A_130 = arith.constant 0 : i32
          %dma_wait3A_131 = tpu.memref_slice %arg6[%run_scoped3A_115, %dma_wait3A_129, %dma_wait3A_130] : memref<2x80x256xi32, #tpu.memory_space<vmem>> -> memref<1x80x256xi32, #tpu.memory_space<vmem>>
          %dma_wait3A_132 = tpu.memref_squeeze %dma_wait3A_131 : memref<1x80x256xi32, #tpu.memory_space<vmem>> -> memref<80x256xi32, #tpu.memory_space<vmem>>
          %dma_wait3A_133 = arith.constant 0 : i32
          %dma_wait3A_134 = tpu.memref_slice %arg4[%add3A_114, %dma_wait3A_133] : memref<10240x256xi32, #tpu.memory_space<hbm>> -> memref<80x256xi32, #tpu.memory_space<hbm>>
          %dma_wait3A_135 = arith.constant 0 : i32
          %dma_wait3A_136 = tpu.memref_slice %arg4[%add3A_114, %dma_wait3A_135] : memref<10240x256xi32, #tpu.memory_space<hbm>> -> memref<80x256xi32, #tpu.memory_space<hbm>>
          %dma_wait3A_137 = arith.constant 0 : i32
          %dma_wait3A_138 = arith.constant 0 : i32
          %dma_wait3A_139 = tpu.memref_slice %arg6[%run_scoped3A_115, %dma_wait3A_137, %dma_wait3A_138] : memref<2x80x256xi32, #tpu.memory_space<vmem>> -> memref<1x80x256xi32, #tpu.memory_space<vmem>>
          %dma_wait3A_140 = tpu.memref_squeeze %dma_wait3A_139 : memref<1x80x256xi32, #tpu.memory_space<vmem>> -> memref<80x256xi32, #tpu.memory_space<vmem>>
          tpu.wait_dma2 semaphore(%run_scoped3A_116 : memref<!tpu.dma_semaphore, #tpu.memory_space<semaphore_mem>>) src(%dma_wait3A_140 : memref<80x256xi32, #tpu.memory_space<vmem>>) dst(%dma_wait3A_136 : memref<80x256xi32, #tpu.memory_space<hbm>>)
          tpu.yield
        }) : () -> ()
      } else {
      }
      %scan3A_78 = arith.constant 0 : i32
      scf.yield %scan3A_78 : i32
    }
    %scan3A_35 = arith.constant 2 : i32
    return
  }
}

#map = affine_map<(d0, d1) -> (0, 0)>
#map1 = affine_map<(d0, d1) -> (0)>
module attributes {stable_mosaic.version = 14 : i64} {
  func.func @gather(%arg0: i32, %arg1: i32, %arg2: memref<100000x256xi32, #tpu.memory_space<hbm>>, %arg3: memref<51200xi32, #tpu.memory_space<hbm>>, %arg4: memref<10240x256xi32, #tpu.memory_space<hbm>>, %arg5: memref<2x80xi32, #tpu.memory_space<vmem>>, %arg6: memref<2x80x256xi32, #tpu.memory_space<vmem>>, %arg7: memref<!tpu.dma_semaphore, #tpu.memory_space<semaphore_mem>>, %arg8: memref<!tpu.dma_semaphore, #tpu.memory_space<semaphore_mem>>) attributes {dimension_semantics = [#tpu.dimension_semantics<core_parallel>, #tpu.dimension_semantics<subcore_parallel>], iteration_bounds = array<i64: 2, 16>, scalar_prefetch = 0 : i64, scratch_operands = 4 : i64, tpu.core_type = #tpu.core_type<sc_vector_subcore>, window_params = [{transform_indices = #map}, {transform_indices = #map1}, {transform_indices = #map}]} {
    %mul3A = arith.constant 2 : i32
    %mul3A_0 = arith.muli %arg1, %mul3A : i32
    %add3A = arith.addi %mul3A_0, %arg0 : i32
    %mul3A_1 = arith.constant 320 : i32
    %mul3A_2 = arith.muli %add3A, %mul3A_1 : i32
    %add3A_3 = arith.constant 0 : i32
    %add3A_4 = arith.addi %mul3A_2, %add3A_3 : i32
    %add3A_5 = arith.constant 30720 : i32
    %add3A_6 = arith.addi %add3A_5, %add3A_4 : i32
    %run_scoped3A = arith.constant 0 : i32
    "tpu.region"() ({
      %run_scoped3A_36 = tpu.sem_alloc : memref<!tpu.dma_semaphore, #tpu.memory_space<semaphore_mem>>
      %dma_start3A_37 = arith.constant 0 : i32
      %dma_start3A_38 = tpu.memref_slice %arg5[%run_scoped3A, %dma_start3A_37] : memref<2x80xi32, #tpu.memory_space<vmem>> -> memref<1x80xi32, #tpu.memory_space<vmem>>
      %dma_start3A_39 = tpu.memref_squeeze %dma_start3A_38 : memref<1x80xi32, #tpu.memory_space<vmem>> -> memref<80xi32, #tpu.memory_space<vmem>>
      %dma_start3A_40 = tpu.memref_slice %arg3[%add3A_6] : memref<51200xi32, #tpu.memory_space<hbm>> -> memref<80xi32, #tpu.memory_space<hbm>>
      %dma_start3A_41 = arith.constant 0 : i32
      %dma_start3A_42 = tpu.memref_slice %arg5[%run_scoped3A, %dma_start3A_41] : memref<2x80xi32, #tpu.memory_space<vmem>> -> memref<1x80xi32, #tpu.memory_space<vmem>>
      %dma_start3A_43 = tpu.memref_squeeze %dma_start3A_42 : memref<1x80xi32, #tpu.memory_space<vmem>> -> memref<80xi32, #tpu.memory_space<vmem>>
      %dma_start3A_44 = tpu.memref_slice %arg3[%add3A_6] : memref<51200xi32, #tpu.memory_space<hbm>> -> memref<80xi32, #tpu.memory_space<hbm>>
      tpu.enqueue_dma source(%dma_start3A_44 : memref<80xi32, #tpu.memory_space<hbm>>) target(%dma_start3A_43 : memref<80xi32, #tpu.memory_space<vmem>>) target_semaphore(%run_scoped3A_36 : memref<!tpu.dma_semaphore, #tpu.memory_space<semaphore_mem>>)
      %dma_wait3A = arith.constant 0 : i32
      %dma_wait3A_45 = tpu.memref_slice %arg5[%run_scoped3A, %dma_wait3A] : memref<2x80xi32, #tpu.memory_space<vmem>> -> memref<1x80xi32, #tpu.memory_space<vmem>>
      %dma_wait3A_46 = tpu.memref_squeeze %dma_wait3A_45 : memref<1x80xi32, #tpu.memory_space<vmem>> -> memref<80xi32, #tpu.memory_space<vmem>>
      %dma_wait3A_47 = tpu.memref_slice %arg3[%add3A_6] : memref<51200xi32, #tpu.memory_space<hbm>> -> memref<80xi32, #tpu.memory_space<hbm>>
      %dma_wait3A_48 = arith.constant 0 : i32
      %dma_wait3A_49 = tpu.memref_slice %arg5[%run_scoped3A, %dma_wait3A_48] : memref<2x80xi32, #tpu.memory_space<vmem>> -> memref<1x80xi32, #tpu.memory_space<vmem>>
      %dma_wait3A_50 = tpu.memref_squeeze %dma_wait3A_49 : memref<1x80xi32, #tpu.memory_space<vmem>> -> memref<80xi32, #tpu.memory_space<vmem>>
      %dma_wait3A_51 = tpu.memref_slice %arg3[%add3A_6] : memref<51200xi32, #tpu.memory_space<hbm>> -> memref<80xi32, #tpu.memory_space<hbm>>
      tpu.wait_dma2 semaphore(%run_scoped3A_36 : memref<!tpu.dma_semaphore, #tpu.memory_space<semaphore_mem>>) src(%dma_wait3A_51 : memref<80xi32, #tpu.memory_space<hbm>>) dst(%dma_wait3A_50 : memref<80xi32, #tpu.memory_space<vmem>>)
      tpu.yield
    }) : () -> ()
    %dma_start3A = arith.constant 0 : i32
    %dma_start3A_7 = arith.constant 0 : i32
    %dma_start3A_8 = arith.constant 0 : i32
    %dma_start3A_9 = arith.constant 0 : i32
    %dma_start3A_10 = tpu.memref_slice %arg6[%dma_start3A_7, %dma_start3A_8, %dma_start3A_9] : memref<2x80x256xi32, #tpu.memory_space<vmem>> -> memref<1x80x128xi32, #tpu.memory_space<vmem>>
    %dma_start3A_11 = tpu.memref_squeeze %dma_start3A_10 : memref<1x80x128xi32, #tpu.memory_space<vmem>> -> memref<80x128xi32, #tpu.memory_space<vmem>>
    %dma_start3A_12 = arith.constant 0 : i32
    %dma_start3A_13 = tpu.memref_slice %arg5[%dma_start3A, %dma_start3A_12] : memref<2x80xi32, #tpu.memory_space<vmem>> -> memref<1x80xi32, #tpu.memory_space<vmem>>
    %dma_start3A_14 = tpu.memref_squeeze %dma_start3A_13 : memref<1x80xi32, #tpu.memory_space<vmem>> -> memref<80xi32, #tpu.memory_space<vmem>>
    %dma_start3A_15 = arith.constant 0 : i32
    %dma_start3A_16 = arith.constant 0 : i32
    %dma_start3A_17 = tpu.memref_slice %arg2[%dma_start3A_15, %dma_start3A_16] : memref<100000x256xi32, #tpu.memory_space<hbm>> -> memref<100000x128xi32, #tpu.memory_space<hbm>>
    tpu.enqueue_indirect_dma source(%dma_start3A_17 : memref<100000x128xi32, #tpu.memory_space<hbm>>) target(%dma_start3A_11 : memref<80x128xi32, #tpu.memory_space<vmem>>) offsets(%dma_start3A_14 : memref<80xi32, #tpu.memory_space<vmem>>) semaphore(%arg7 : memref<!tpu.dma_semaphore, #tpu.memory_space<semaphore_mem>>)
    %dma_start3A_18 = arith.constant 0 : i32
    %dma_start3A_19 = arith.constant 0 : i32
    %dma_start3A_20 = arith.constant 0 : i32
    %dma_start3A_21 = arith.constant 128 : i32
    %dma_start3A_22 = tpu.memref_slice %arg6[%dma_start3A_19, %dma_start3A_20, %dma_start3A_21] : memref<2x80x256xi32, #tpu.memory_space<vmem>> -> memref<1x80x128xi32, #tpu.memory_space<vmem>>
    %dma_start3A_23 = tpu.memref_squeeze %dma_start3A_22 : memref<1x80x128xi32, #tpu.memory_space<vmem>> -> memref<80x128xi32, #tpu.memory_space<vmem>>
    %dma_start3A_24 = arith.constant 0 : i32
    %dma_start3A_25 = tpu.memref_slice %arg5[%dma_start3A_18, %dma_start3A_24] : memref<2x80xi32, #tpu.memory_space<vmem>> -> memref<1x80xi32, #tpu.memory_space<vmem>>
    %dma_start3A_26 = tpu.memref_squeeze %dma_start3A_25 : memref<1x80xi32, #tpu.memory_space<vmem>> -> memref<80xi32, #tpu.memory_space<vmem>>
    %dma_start3A_27 = arith.constant 0 : i32
    %dma_start3A_28 = arith.constant 128 : i32
    %dma_start3A_29 = tpu.memref_slice %arg2[%dma_start3A_27, %dma_start3A_28] : memref<100000x256xi32, #tpu.memory_space<hbm>> -> memref<100000x128xi32, #tpu.memory_space<hbm>>
    tpu.enqueue_indirect_dma source(%dma_start3A_29 : memref<100000x128xi32, #tpu.memory_space<hbm>>) target(%dma_start3A_23 : memref<80x128xi32, #tpu.memory_space<vmem>>) offsets(%dma_start3A_26 : memref<80xi32, #tpu.memory_space<vmem>>) semaphore(%arg7 : memref<!tpu.dma_semaphore, #tpu.memory_space<semaphore_mem>>)
    %scan3A = arith.constant 0 : i32
    %scan3A_30 = arith.constant 0 : i32
    %scan3A_31 = arith.constant 2 : i32
    %scan3A_32 = arith.addi %scan3A_30, %scan3A_31 : i32
    %scan3A_33 = arith.constant 1 : i32
    %scan3A_34 = scf.for %scan3A_36 = %scan3A_30 to %scan3A_32 step %scan3A_33 iter_args(%scan3A_37 = %scan3A) -> (i32)  : i32 {
      %mul3A_38 = arith.constant 2 : i32
      %mul3A_39 = arith.muli %mul3A_38, %scan3A_36 : i32
      %add3A_40 = arith.constant 1 : i32
      %add3A_41 = arith.addi %mul3A_39, %add3A_40 : i32
      %lt3A = arith.constant 4 : i32
      %lt3A_42 = arith.cmpi slt, %add3A_41, %lt3A : i32
      %convert_element_type3A = arith.extui %lt3A_42 : i1 to i32
      %cond3A = arith.constant 0 : i32
      %cond3A_43 = arith.cmpi ne, %convert_element_type3A, %cond3A : i32
      scf.if %cond3A_43 {
        %add3A_79 = arith.constant 1 : i32
        %add3A_80 = arith.addi %mul3A_39, %add3A_79 : i32
        %mul3A_81 = arith.constant 80 : i32
        %mul3A_82 = arith.muli %add3A_80, %mul3A_81 : i32
        %add3A_83 = arith.addi %mul3A_2, %mul3A_82 : i32
        %add3A_84 = arith.constant 30720 : i32
        %add3A_85 = arith.addi %add3A_84, %add3A_83 : i32
        %run_scoped3A_86 = arith.constant 1 : i32
        "tpu.region"() ({
          %run_scoped3A_111 = tpu.sem_alloc : memref<!tpu.dma_semaphore, #tpu.memory_space<semaphore_mem>>
          %dma_start3A_112 = arith.constant 0 : i32
          %dma_start3A_113 = tpu.memref_slice %arg5[%run_scoped3A_86, %dma_start3A_112] : memref<2x80xi32, #tpu.memory_space<vmem>> -> memref<1x80xi32, #tpu.memory_space<vmem>>
          %dma_start3A_114 = tpu.memref_squeeze %dma_start3A_113 : memref<1x80xi32, #tpu.memory_space<vmem>> -> memref<80xi32, #tpu.memory_space<vmem>>
          %dma_start3A_115 = tpu.memref_slice %arg3[%add3A_85] : memref<51200xi32, #tpu.memory_space<hbm>> -> memref<80xi32, #tpu.memory_space<hbm>>
          %dma_start3A_116 = arith.constant 0 : i32
          %dma_start3A_117 = tpu.memref_slice %arg5[%run_scoped3A_86, %dma_start3A_116] : memref<2x80xi32, #tpu.memory_space<vmem>> -> memref<1x80xi32, #tpu.memory_space<vmem>>
          %dma_start3A_118 = tpu.memref_squeeze %dma_start3A_117 : memref<1x80xi32, #tpu.memory_space<vmem>> -> memref<80xi32, #tpu.memory_space<vmem>>
          %dma_start3A_119 = tpu.memref_slice %arg3[%add3A_85] : memref<51200xi32, #tpu.memory_space<hbm>> -> memref<80xi32, #tpu.memory_space<hbm>>
          tpu.enqueue_dma source(%dma_start3A_119 : memref<80xi32, #tpu.memory_space<hbm>>) target(%dma_start3A_118 : memref<80xi32, #tpu.memory_space<vmem>>) target_semaphore(%run_scoped3A_111 : memref<!tpu.dma_semaphore, #tpu.memory_space<semaphore_mem>>)
          %dma_wait3A_120 = arith.constant 0 : i32
          %dma_wait3A_121 = tpu.memref_slice %arg5[%run_scoped3A_86, %dma_wait3A_120] : memref<2x80xi32, #tpu.memory_space<vmem>> -> memref<1x80xi32, #tpu.memory_space<vmem>>
          %dma_wait3A_122 = tpu.memref_squeeze %dma_wait3A_121 : memref<1x80xi32, #tpu.memory_space<vmem>> -> memref<80xi32, #tpu.memory_space<vmem>>
          %dma_wait3A_123 = tpu.memref_slice %arg3[%add3A_85] : memref<51200xi32, #tpu.memory_space<hbm>> -> memref<80xi32, #tpu.memory_space<hbm>>
          %dma_wait3A_124 = arith.constant 0 : i32
          %dma_wait3A_125 = tpu.memref_slice %arg5[%run_scoped3A_86, %dma_wait3A_124] : memref<2x80xi32, #tpu.memory_space<vmem>> -> memref<1x80xi32, #tpu.memory_space<vmem>>
          %dma_wait3A_126 = tpu.memref_squeeze %dma_wait3A_125 : memref<1x80xi32, #tpu.memory_space<vmem>> -> memref<80xi32, #tpu.memory_space<vmem>>
          %dma_wait3A_127 = tpu.memref_slice %arg3[%add3A_85] : memref<51200xi32, #tpu.memory_space<hbm>> -> memref<80xi32, #tpu.memory_space<hbm>>
          tpu.wait_dma2 semaphore(%run_scoped3A_111 : memref<!tpu.dma_semaphore, #tpu.memory_space<semaphore_mem>>) src(%dma_wait3A_127 : memref<80xi32, #tpu.memory_space<hbm>>) dst(%dma_wait3A_126 : memref<80xi32, #tpu.memory_space<vmem>>)
          tpu.yield
        }) : () -> ()
        %dma_start3A_87 = arith.constant 1 : i32
        %dma_start3A_88 = arith.constant 1 : i32
        %dma_start3A_89 = arith.constant 0 : i32
        %dma_start3A_90 = arith.constant 0 : i32
        %dma_start3A_91 = tpu.memref_slice %arg6[%dma_start3A_88, %dma_start3A_89, %dma_start3A_90] : memref<2x80x256xi32, #tpu.memory_space<vmem>> -> memref<1x80x128xi32, #tpu.memory_space<vmem>>
        %dma_start3A_92 = tpu.memref_squeeze %dma_start3A_91 : memref<1x80x128xi32, #tpu.memory_space<vmem>> -> memref<80x128xi32, #tpu.memory_space<vmem>>
        %dma_start3A_93 = arith.constant 0 : i32
        %dma_start3A_94 = tpu.memref_slice %arg5[%dma_start3A_87, %dma_start3A_93] : memref<2x80xi32, #tpu.memory_space<vmem>> -> memref<1x80xi32, #tpu.memory_space<vmem>>
        %dma_start3A_95 = tpu.memref_squeeze %dma_start3A_94 : memref<1x80xi32, #tpu.memory_space<vmem>> -> memref<80xi32, #tpu.memory_space<vmem>>
        %dma_start3A_96 = arith.constant 0 : i32
        %dma_start3A_97 = arith.constant 0 : i32
        %dma_start3A_98 = tpu.memref_slice %arg2[%dma_start3A_96, %dma_start3A_97] : memref<100000x256xi32, #tpu.memory_space<hbm>> -> memref<100000x128xi32, #tpu.memory_space<hbm>>
        tpu.enqueue_indirect_dma source(%dma_start3A_98 : memref<100000x128xi32, #tpu.memory_space<hbm>>) target(%dma_start3A_92 : memref<80x128xi32, #tpu.memory_space<vmem>>) offsets(%dma_start3A_95 : memref<80xi32, #tpu.memory_space<vmem>>) semaphore(%arg8 : memref<!tpu.dma_semaphore, #tpu.memory_space<semaphore_mem>>)
        %dma_start3A_99 = arith.constant 1 : i32
        %dma_start3A_100 = arith.constant 1 : i32
        %dma_start3A_101 = arith.constant 0 : i32
        %dma_start3A_102 = arith.constant 128 : i32
        %dma_start3A_103 = tpu.memref_slice %arg6[%dma_start3A_100, %dma_start3A_101, %dma_start3A_102] : memref<2x80x256xi32, #tpu.memory_space<vmem>> -> memref<1x80x128xi32, #tpu.memory_space<vmem>>
        %dma_start3A_104 = tpu.memref_squeeze %dma_start3A_103 : memref<1x80x128xi32, #tpu.memory_space<vmem>> -> memref<80x128xi32, #tpu.memory_space<vmem>>
        %dma_start3A_105 = arith.constant 0 : i32
        %dma_start3A_106 = tpu.memref_slice %arg5[%dma_start3A_99, %dma_start3A_105] : memref<2x80xi32, #tpu.memory_space<vmem>> -> memref<1x80xi32, #tpu.memory_space<vmem>>
        %dma_start3A_107 = tpu.memref_squeeze %dma_start3A_106 : memref<1x80xi32, #tpu.memory_space<vmem>> -> memref<80xi32, #tpu.memory_space<vmem>>
        %dma_start3A_108 = arith.constant 0 : i32
        %dma_start3A_109 = arith.constant 128 : i32
        %dma_start3A_110 = tpu.memref_slice %arg2[%dma_start3A_108, %dma_start3A_109] : memref<100000x256xi32, #tpu.memory_space<hbm>> -> memref<100000x128xi32, #tpu.memory_space<hbm>>
        tpu.enqueue_indirect_dma source(%dma_start3A_110 : memref<100000x128xi32, #tpu.memory_space<hbm>>) target(%dma_start3A_104 : memref<80x128xi32, #tpu.memory_space<vmem>>) offsets(%dma_start3A_107 : memref<80xi32, #tpu.memory_space<vmem>>) semaphore(%arg8 : memref<!tpu.dma_semaphore, #tpu.memory_space<semaphore_mem>>)
      } else {
      }
      %dma_wait3A = arith.constant 0 : i32
      %dma_wait3A_44 = arith.constant 0 : i32
      %dma_wait3A_45 = arith.constant 0 : i32
      %dma_wait3A_46 = arith.constant 0 : i32
      %dma_wait3A_47 = tpu.memref_slice %arg6[%dma_wait3A_44, %dma_wait3A_45, %dma_wait3A_46] : memref<2x80x256xi32, #tpu.memory_space<vmem>> -> memref<1x80x128xi32, #tpu.memory_space<vmem>>
      %dma_wait3A_48 = tpu.memref_squeeze %dma_wait3A_47 : memref<1x80x128xi32, #tpu.memory_space<vmem>> -> memref<80x128xi32, #tpu.memory_space<vmem>>
      %dma_wait3A_49 = arith.constant 0 : i32
      %dma_wait3A_50 = tpu.memref_slice %arg5[%dma_wait3A, %dma_wait3A_49] : memref<2x80xi32, #tpu.memory_space<vmem>> -> memref<1x80xi32, #tpu.memory_space<vmem>>
      %dma_wait3A_51 = tpu.memref_squeeze %dma_wait3A_50 : memref<1x80xi32, #tpu.memory_space<vmem>> -> memref<80xi32, #tpu.memory_space<vmem>>
      %dma_wait3A_52 = arith.constant 0 : i32
      %dma_wait3A_53 = arith.constant 0 : i32
      %dma_wait3A_54 = tpu.memref_slice %arg2[%dma_wait3A_52, %dma_wait3A_53] : memref<100000x256xi32, #tpu.memory_space<hbm>> -> memref<100000x128xi32, #tpu.memory_space<hbm>>
      tpu.wait_indirect_dma semaphore(%arg7 : memref<!tpu.dma_semaphore, #tpu.memory_space<semaphore_mem>>) src(%dma_wait3A_54 : memref<100000x128xi32, #tpu.memory_space<hbm>>) dst(%dma_wait3A_48 : memref<80x128xi32, #tpu.memory_space<vmem>>)
      %dma_wait3A_55 = arith.constant 0 : i32
      %dma_wait3A_56 = arith.constant 0 : i32
      %dma_wait3A_57 = arith.constant 0 : i32
      %dma_wait3A_58 = arith.constant 128 : i32
      %dma_wait3A_59 = tpu.memref_slice %arg6[%dma_wait3A_56, %dma_wait3A_57, %dma_wait3A_58] : memref<2x80x256xi32, #tpu.memory_space<vmem>> -> memref<1x80x128xi32, #tpu.memory_space<vmem>>
      %dma_wait3A_60 = tpu.memref_squeeze %dma_wait3A_59 : memref<1x80x128xi32, #tpu.memory_space<vmem>> -> memref<80x128xi32, #tpu.memory_space<vmem>>
      %dma_wait3A_61 = arith.constant 0 : i32
      %dma_wait3A_62 = tpu.memref_slice %arg5[%dma_wait3A_55, %dma_wait3A_61] : memref<2x80xi32, #tpu.memory_space<vmem>> -> memref<1x80xi32, #tpu.memory_space<vmem>>
      %dma_wait3A_63 = tpu.memref_squeeze %dma_wait3A_62 : memref<1x80xi32, #tpu.memory_space<vmem>> -> memref<80xi32, #tpu.memory_space<vmem>>
      %dma_wait3A_64 = arith.constant 0 : i32
      %dma_wait3A_65 = arith.constant 128 : i32
      %dma_wait3A_66 = tpu.memref_slice %arg2[%dma_wait3A_64, %dma_wait3A_65] : memref<100000x256xi32, #tpu.memory_space<hbm>> -> memref<100000x128xi32, #tpu.memory_space<hbm>>
      tpu.wait_indirect_dma semaphore(%arg7 : memref<!tpu.dma_semaphore, #tpu.memory_space<semaphore_mem>>) src(%dma_wait3A_66 : memref<100000x128xi32, #tpu.memory_space<hbm>>) dst(%dma_wait3A_60 : memref<80x128xi32, #tpu.memory_space<vmem>>)
      %mul3A_67 = arith.constant 80 : i32
      %mul3A_68 = arith.muli %mul3A_39, %mul3A_67 : i32
      %add3A_69 = arith.addi %mul3A_2, %mul3A_68 : i32
      %run_scoped3A_70 = arith.constant 0 : i32
      "tpu.region"() ({
        %run_scoped3A_79 = tpu.sem_alloc : memref<!tpu.dma_semaphore, #tpu.memory_space<semaphore_mem>>
        %dma_start3A_80 = arith.constant 0 : i32
        %dma_start3A_81 = arith.constant 0 : i32
        %dma_start3A_82 = tpu.memref_slice %arg6[%run_scoped3A_70, %dma_start3A_80, %dma_start3A_81] : memref<2x80x256xi32, #tpu.memory_space<vmem>> -> memref<1x80x256xi32, #tpu.memory_space<vmem>>
        %dma_start3A_83 = tpu.memref_squeeze %dma_start3A_82 : memref<1x80x256xi32, #tpu.memory_space<vmem>> -> memref<80x256xi32, #tpu.memory_space<vmem>>
        %dma_start3A_84 = arith.constant 0 : i32
        %dma_start3A_85 = tpu.memref_slice %arg4[%add3A_69, %dma_start3A_84] : memref<10240x256xi32, #tpu.memory_space<hbm>> -> memref<80x256xi32, #tpu.memory_space<hbm>>
        %dma_start3A_86 = arith.constant 0 : i32
        %dma_start3A_87 = tpu.memref_slice %arg4[%add3A_69, %dma_start3A_86] : memref<10240x256xi32, #tpu.memory_space<hbm>> -> memref<80x256xi32, #tpu.memory_space<hbm>>
        %dma_start3A_88 = arith.constant 0 : i32
        %dma_start3A_89 = arith.constant 0 : i32
        %dma_start3A_90 = tpu.memref_slice %arg6[%run_scoped3A_70, %dma_start3A_88, %dma_start3A_89] : memref<2x80x256xi32, #tpu.memory_space<vmem>> -> memref<1x80x256xi32, #tpu.memory_space<vmem>>
        %dma_start3A_91 = tpu.memref_squeeze %dma_start3A_90 : memref<1x80x256xi32, #tpu.memory_space<vmem>> -> memref<80x256xi32, #tpu.memory_space<vmem>>
        tpu.enqueue_dma source(%dma_start3A_91 : memref<80x256xi32, #tpu.memory_space<vmem>>) target(%dma_start3A_87 : memref<80x256xi32, #tpu.memory_space<hbm>>) target_semaphore(%run_scoped3A_79 : memref<!tpu.dma_semaphore, #tpu.memory_space<semaphore_mem>>)
        %dma_wait3A_92 = arith.constant 0 : i32
        %dma_wait3A_93 = arith.constant 0 : i32
        %dma_wait3A_94 = tpu.memref_slice %arg6[%run_scoped3A_70, %dma_wait3A_92, %dma_wait3A_93] : memref<2x80x256xi32, #tpu.memory_space<vmem>> -> memref<1x80x256xi32, #tpu.memory_space<vmem>>
        %dma_wait3A_95 = tpu.memref_squeeze %dma_wait3A_94 : memref<1x80x256xi32, #tpu.memory_space<vmem>> -> memref<80x256xi32, #tpu.memory_space<vmem>>
        %dma_wait3A_96 = arith.constant 0 : i32
        %dma_wait3A_97 = tpu.memref_slice %arg4[%add3A_69, %dma_wait3A_96] : memref<10240x256xi32, #tpu.memory_space<hbm>> -> memref<80x256xi32, #tpu.memory_space<hbm>>
        %dma_wait3A_98 = arith.constant 0 : i32
        %dma_wait3A_99 = tpu.memref_slice %arg4[%add3A_69, %dma_wait3A_98] : memref<10240x256xi32, #tpu.memory_space<hbm>> -> memref<80x256xi32, #tpu.memory_space<hbm>>
        %dma_wait3A_100 = arith.constant 0 : i32
        %dma_wait3A_101 = arith.constant 0 : i32
        %dma_wait3A_102 = tpu.memref_slice %arg6[%run_scoped3A_70, %dma_wait3A_100, %dma_wait3A_101] : memref<2x80x256xi32, #tpu.memory_space<vmem>> -> memref<1x80x256xi32, #tpu.memory_space<vmem>>
        %dma_wait3A_103 = tpu.memref_squeeze %dma_wait3A_102 : memref<1x80x256xi32, #tpu.memory_space<vmem>> -> memref<80x256xi32, #tpu.memory_space<vmem>>
        tpu.wait_dma2 semaphore(%run_scoped3A_79 : memref<!tpu.dma_semaphore, #tpu.memory_space<semaphore_mem>>) src(%dma_wait3A_103 : memref<80x256xi32, #tpu.memory_space<vmem>>) dst(%dma_wait3A_99 : memref<80x256xi32, #tpu.memory_space<hbm>>)
        tpu.yield
      }) : () -> ()
      %add3A_71 = arith.constant 1 : i32
      %add3A_72 = arith.addi %mul3A_39, %add3A_71 : i32
      %lt3A_73 = arith.constant 4 : i32
      %lt3A_74 = arith.cmpi slt, %add3A_72, %lt3A_73 : i32
      %convert_element_type3A_75 = arith.extui %lt3A_74 : i1 to i32
      %cond3A_76 = arith.constant 0 : i32
      %cond3A_77 = arith.cmpi ne, %convert_element_type3A_75, %cond3A_76 : i32
      scf.if %cond3A_77 {
        %add3A_79 = arith.constant 2 : i32
        %add3A_80 = arith.addi %mul3A_39, %add3A_79 : i32
        %lt3A_81 = arith.constant 4 : i32
        %lt3A_82 = arith.cmpi slt, %add3A_80, %lt3A_81 : i32
        %convert_element_type3A_83 = arith.extui %lt3A_82 : i1 to i32
        %cond3A_84 = arith.constant 0 : i32
        %cond3A_85 = arith.cmpi ne, %convert_element_type3A_83, %cond3A_84 : i32
        scf.if %cond3A_85 {
          %add3A_116 = arith.constant 2 : i32
          %add3A_117 = arith.addi %mul3A_39, %add3A_116 : i32
          %mul3A_118 = arith.constant 80 : i32
          %mul3A_119 = arith.muli %add3A_117, %mul3A_118 : i32
          %add3A_120 = arith.addi %mul3A_2, %mul3A_119 : i32
          %add3A_121 = arith.constant 30720 : i32
          %add3A_122 = arith.addi %add3A_121, %add3A_120 : i32
          %run_scoped3A_123 = arith.constant 0 : i32
          "tpu.region"() ({
            %run_scoped3A_148 = tpu.sem_alloc : memref<!tpu.dma_semaphore, #tpu.memory_space<semaphore_mem>>
            %dma_start3A_149 = arith.constant 0 : i32
            %dma_start3A_150 = tpu.memref_slice %arg5[%run_scoped3A_123, %dma_start3A_149] : memref<2x80xi32, #tpu.memory_space<vmem>> -> memref<1x80xi32, #tpu.memory_space<vmem>>
            %dma_start3A_151 = tpu.memref_squeeze %dma_start3A_150 : memref<1x80xi32, #tpu.memory_space<vmem>> -> memref<80xi32, #tpu.memory_space<vmem>>
            %dma_start3A_152 = tpu.memref_slice %arg3[%add3A_122] : memref<51200xi32, #tpu.memory_space<hbm>> -> memref<80xi32, #tpu.memory_space<hbm>>
            %dma_start3A_153 = arith.constant 0 : i32
            %dma_start3A_154 = tpu.memref_slice %arg5[%run_scoped3A_123, %dma_start3A_153] : memref<2x80xi32, #tpu.memory_space<vmem>> -> memref<1x80xi32, #tpu.memory_space<vmem>>
            %dma_start3A_155 = tpu.memref_squeeze %dma_start3A_154 : memref<1x80xi32, #tpu.memory_space<vmem>> -> memref<80xi32, #tpu.memory_space<vmem>>
            %dma_start3A_156 = tpu.memref_slice %arg3[%add3A_122] : memref<51200xi32, #tpu.memory_space<hbm>> -> memref<80xi32, #tpu.memory_space<hbm>>
            tpu.enqueue_dma source(%dma_start3A_156 : memref<80xi32, #tpu.memory_space<hbm>>) target(%dma_start3A_155 : memref<80xi32, #tpu.memory_space<vmem>>) target_semaphore(%run_scoped3A_148 : memref<!tpu.dma_semaphore, #tpu.memory_space<semaphore_mem>>)
            %dma_wait3A_157 = arith.constant 0 : i32
            %dma_wait3A_158 = tpu.memref_slice %arg5[%run_scoped3A_123, %dma_wait3A_157] : memref<2x80xi32, #tpu.memory_space<vmem>> -> memref<1x80xi32, #tpu.memory_space<vmem>>
            %dma_wait3A_159 = tpu.memref_squeeze %dma_wait3A_158 : memref<1x80xi32, #tpu.memory_space<vmem>> -> memref<80xi32, #tpu.memory_space<vmem>>
            %dma_wait3A_160 = tpu.memref_slice %arg3[%add3A_122] : memref<51200xi32, #tpu.memory_space<hbm>> -> memref<80xi32, #tpu.memory_space<hbm>>
            %dma_wait3A_161 = arith.constant 0 : i32
            %dma_wait3A_162 = tpu.memref_slice %arg5[%run_scoped3A_123, %dma_wait3A_161] : memref<2x80xi32, #tpu.memory_space<vmem>> -> memref<1x80xi32, #tpu.memory_space<vmem>>
            %dma_wait3A_163 = tpu.memref_squeeze %dma_wait3A_162 : memref<1x80xi32, #tpu.memory_space<vmem>> -> memref<80xi32, #tpu.memory_space<vmem>>
            %dma_wait3A_164 = tpu.memref_slice %arg3[%add3A_122] : memref<51200xi32, #tpu.memory_space<hbm>> -> memref<80xi32, #tpu.memory_space<hbm>>
            tpu.wait_dma2 semaphore(%run_scoped3A_148 : memref<!tpu.dma_semaphore, #tpu.memory_space<semaphore_mem>>) src(%dma_wait3A_164 : memref<80xi32, #tpu.memory_space<hbm>>) dst(%dma_wait3A_163 : memref<80xi32, #tpu.memory_space<vmem>>)
            tpu.yield
          }) : () -> ()
          %dma_start3A_124 = arith.constant 0 : i32
          %dma_start3A_125 = arith.constant 0 : i32
          %dma_start3A_126 = arith.constant 0 : i32
          %dma_start3A_127 = arith.constant 0 : i32
          %dma_start3A_128 = tpu.memref_slice %arg6[%dma_start3A_125, %dma_start3A_126, %dma_start3A_127] : memref<2x80x256xi32, #tpu.memory_space<vmem>> -> memref<1x80x128xi32, #tpu.memory_space<vmem>>
          %dma_start3A_129 = tpu.memref_squeeze %dma_start3A_128 : memref<1x80x128xi32, #tpu.memory_space<vmem>> -> memref<80x128xi32, #tpu.memory_space<vmem>>
          %dma_start3A_130 = arith.constant 0 : i32
          %dma_start3A_131 = tpu.memref_slice %arg5[%dma_start3A_124, %dma_start3A_130] : memref<2x80xi32, #tpu.memory_space<vmem>> -> memref<1x80xi32, #tpu.memory_space<vmem>>
          %dma_start3A_132 = tpu.memref_squeeze %dma_start3A_131 : memref<1x80xi32, #tpu.memory_space<vmem>> -> memref<80xi32, #tpu.memory_space<vmem>>
          %dma_start3A_133 = arith.constant 0 : i32
          %dma_start3A_134 = arith.constant 0 : i32
          %dma_start3A_135 = tpu.memref_slice %arg2[%dma_start3A_133, %dma_start3A_134] : memref<100000x256xi32, #tpu.memory_space<hbm>> -> memref<100000x128xi32, #tpu.memory_space<hbm>>
          tpu.enqueue_indirect_dma source(%dma_start3A_135 : memref<100000x128xi32, #tpu.memory_space<hbm>>) target(%dma_start3A_129 : memref<80x128xi32, #tpu.memory_space<vmem>>) offsets(%dma_start3A_132 : memref<80xi32, #tpu.memory_space<vmem>>) semaphore(%arg7 : memref<!tpu.dma_semaphore, #tpu.memory_space<semaphore_mem>>)
          %dma_start3A_136 = arith.constant 0 : i32
          %dma_start3A_137 = arith.constant 0 : i32
          %dma_start3A_138 = arith.constant 0 : i32
          %dma_start3A_139 = arith.constant 128 : i32
          %dma_start3A_140 = tpu.memref_slice %arg6[%dma_start3A_137, %dma_start3A_138, %dma_start3A_139] : memref<2x80x256xi32, #tpu.memory_space<vmem>> -> memref<1x80x128xi32, #tpu.memory_space<vmem>>
          %dma_start3A_141 = tpu.memref_squeeze %dma_start3A_140 : memref<1x80x128xi32, #tpu.memory_space<vmem>> -> memref<80x128xi32, #tpu.memory_space<vmem>>
          %dma_start3A_142 = arith.constant 0 : i32
          %dma_start3A_143 = tpu.memref_slice %arg5[%dma_start3A_136, %dma_start3A_142] : memref<2x80xi32, #tpu.memory_space<vmem>> -> memref<1x80xi32, #tpu.memory_space<vmem>>
          %dma_start3A_144 = tpu.memref_squeeze %dma_start3A_143 : memref<1x80xi32, #tpu.memory_space<vmem>> -> memref<80xi32, #tpu.memory_space<vmem>>
          %dma_start3A_145 = arith.constant 0 : i32
          %dma_start3A_146 = arith.constant 128 : i32
          %dma_start3A_147 = tpu.memref_slice %arg2[%dma_start3A_145, %dma_start3A_146] : memref<100000x256xi32, #tpu.memory_space<hbm>> -> memref<100000x128xi32, #tpu.memory_space<hbm>>
          tpu.enqueue_indirect_dma source(%dma_start3A_147 : memref<100000x128xi32, #tpu.memory_space<hbm>>) target(%dma_start3A_141 : memref<80x128xi32, #tpu.memory_space<vmem>>) offsets(%dma_start3A_144 : memref<80xi32, #tpu.memory_space<vmem>>) semaphore(%arg7 : memref<!tpu.dma_semaphore, #tpu.memory_space<semaphore_mem>>)
        } else {
        }
        %add3A_86 = arith.constant 1 : i32
        %add3A_87 = arith.addi %mul3A_39, %add3A_86 : i32
        %dma_wait3A_88 = arith.constant 1 : i32
        %dma_wait3A_89 = arith.constant 1 : i32
        %dma_wait3A_90 = arith.constant 0 : i32
        %dma_wait3A_91 = arith.constant 0 : i32
        %dma_wait3A_92 = tpu.memref_slice %arg6[%dma_wait3A_89, %dma_wait3A_90, %dma_wait3A_91] : memref<2x80x256xi32, #tpu.memory_space<vmem>> -> memref<1x80x128xi32, #tpu.memory_space<vmem>>
        %dma_wait3A_93 = tpu.memref_squeeze %dma_wait3A_92 : memref<1x80x128xi32, #tpu.memory_space<vmem>> -> memref<80x128xi32, #tpu.memory_space<vmem>>
        %dma_wait3A_94 = arith.constant 0 : i32
        %dma_wait3A_95 = tpu.memref_slice %arg5[%dma_wait3A_88, %dma_wait3A_94] : memref<2x80xi32, #tpu.memory_space<vmem>> -> memref<1x80xi32, #tpu.memory_space<vmem>>
        %dma_wait3A_96 = tpu.memref_squeeze %dma_wait3A_95 : memref<1x80xi32, #tpu.memory_space<vmem>> -> memref<80xi32, #tpu.memory_space<vmem>>
        %dma_wait3A_97 = arith.constant 0 : i32
        %dma_wait3A_98 = arith.constant 0 : i32
        %dma_wait3A_99 = tpu.memref_slice %arg2[%dma_wait3A_97, %dma_wait3A_98] : memref<100000x256xi32, #tpu.memory_space<hbm>> -> memref<100000x128xi32, #tpu.memory_space<hbm>>
        tpu.wait_indirect_dma semaphore(%arg8 : memref<!tpu.dma_semaphore, #tpu.memory_space<semaphore_mem>>) src(%dma_wait3A_99 : memref<100000x128xi32, #tpu.memory_space<hbm>>) dst(%dma_wait3A_93 : memref<80x128xi32, #tpu.memory_space<vmem>>)
        %dma_wait3A_100 = arith.constant 1 : i32
        %dma_wait3A_101 = arith.constant 1 : i32
        %dma_wait3A_102 = arith.constant 0 : i32
        %dma_wait3A_103 = arith.constant 128 : i32
        %dma_wait3A_104 = tpu.memref_slice %arg6[%dma_wait3A_101, %dma_wait3A_102, %dma_wait3A_103] : memref<2x80x256xi32, #tpu.memory_space<vmem>> -> memref<1x80x128xi32, #tpu.memory_space<vmem>>
        %dma_wait3A_105 = tpu.memref_squeeze %dma_wait3A_104 : memref<1x80x128xi32, #tpu.memory_space<vmem>> -> memref<80x128xi32, #tpu.memory_space<vmem>>
        %dma_wait3A_106 = arith.constant 0 : i32
        %dma_wait3A_107 = tpu.memref_slice %arg5[%dma_wait3A_100, %dma_wait3A_106] : memref<2x80xi32, #tpu.memory_space<vmem>> -> memref<1x80xi32, #tpu.memory_space<vmem>>
        %dma_wait3A_108 = tpu.memref_squeeze %dma_wait3A_107 : memref<1x80xi32, #tpu.memory_space<vmem>> -> memref<80xi32, #tpu.memory_space<vmem>>
        %dma_wait3A_109 = arith.constant 0 : i32
        %dma_wait3A_110 = arith.constant 128 : i32
        %dma_wait3A_111 = tpu.memref_slice %arg2[%dma_wait3A_109, %dma_wait3A_110] : memref<100000x256xi32, #tpu.memory_space<hbm>> -> memref<100000x128xi32, #tpu.memory_space<hbm>>
        tpu.wait_indirect_dma semaphore(%arg8 : memref<!tpu.dma_semaphore, #tpu.memory_space<semaphore_mem>>) src(%dma_wait3A_111 : memref<100000x128xi32, #tpu.memory_space<hbm>>) dst(%dma_wait3A_105 : memref<80x128xi32, #tpu.memory_space<vmem>>)
        %mul3A_112 = arith.constant 80 : i32
        %mul3A_113 = arith.muli %add3A_87, %mul3A_112 : i32
        %add3A_114 = arith.addi %mul3A_2, %mul3A_113 : i32
        %run_scoped3A_115 = arith.constant 1 : i32
        "tpu.region"() ({
          %run_scoped3A_116 = tpu.sem_alloc : memref<!tpu.dma_semaphore, #tpu.memory_space<semaphore_mem>>
          %dma_start3A_117 = arith.constant 0 : i32
          %dma_start3A_118 = arith.constant 0 : i32
          %dma_start3A_119 = tpu.memref_slice %arg6[%run_scoped3A_115, %dma_start3A_117, %dma_start3A_118] : memref<2x80x256xi32, #tpu.memory_space<vmem>> -> memref<1x80x256xi32, #tpu.memory_space<vmem>>
          %dma_start3A_120 = tpu.memref_squeeze %dma_start3A_119 : memref<1x80x256xi32, #tpu.memory_space<vmem>> -> memref<80x256xi32, #tpu.memory_space<vmem>>
          %dma_start3A_121 = arith.constant 0 : i32
          %dma_start3A_122 = tpu.memref_slice %arg4[%add3A_114, %dma_start3A_121] : memref<10240x256xi32, #tpu.memory_space<hbm>> -> memref<80x256xi32, #tpu.memory_space<hbm>>
          %dma_start3A_123 = arith.constant 0 : i32
          %dma_start3A_124 = tpu.memref_slice %arg4[%add3A_114, %dma_start3A_123] : memref<10240x256xi32, #tpu.memory_space<hbm>> -> memref<80x256xi32, #tpu.memory_space<hbm>>
          %dma_start3A_125 = arith.constant 0 : i32
          %dma_start3A_126 = arith.constant 0 : i32
          %dma_start3A_127 = tpu.memref_slice %arg6[%run_scoped3A_115, %dma_start3A_125, %dma_start3A_126] : memref<2x80x256xi32, #tpu.memory_space<vmem>> -> memref<1x80x256xi32, #tpu.memory_space<vmem>>
          %dma_start3A_128 = tpu.memref_squeeze %dma_start3A_127 : memref<1x80x256xi32, #tpu.memory_space<vmem>> -> memref<80x256xi32, #tpu.memory_space<vmem>>
          tpu.enqueue_dma source(%dma_start3A_128 : memref<80x256xi32, #tpu.memory_space<vmem>>) target(%dma_start3A_124 : memref<80x256xi32, #tpu.memory_space<hbm>>) target_semaphore(%run_scoped3A_116 : memref<!tpu.dma_semaphore, #tpu.memory_space<semaphore_mem>>)
          %dma_wait3A_129 = arith.constant 0 : i32
          %dma_wait3A_130 = arith.constant 0 : i32
          %dma_wait3A_131 = tpu.memref_slice %arg6[%run_scoped3A_115, %dma_wait3A_129, %dma_wait3A_130] : memref<2x80x256xi32, #tpu.memory_space<vmem>> -> memref<1x80x256xi32, #tpu.memory_space<vmem>>
          %dma_wait3A_132 = tpu.memref_squeeze %dma_wait3A_131 : memref<1x80x256xi32, #tpu.memory_space<vmem>> -> memref<80x256xi32, #tpu.memory_space<vmem>>
          %dma_wait3A_133 = arith.constant 0 : i32
          %dma_wait3A_134 = tpu.memref_slice %arg4[%add3A_114, %dma_wait3A_133] : memref<10240x256xi32, #tpu.memory_space<hbm>> -> memref<80x256xi32, #tpu.memory_space<hbm>>
          %dma_wait3A_135 = arith.constant 0 : i32
          %dma_wait3A_136 = tpu.memref_slice %arg4[%add3A_114, %dma_wait3A_135] : memref<10240x256xi32, #tpu.memory_space<hbm>> -> memref<80x256xi32, #tpu.memory_space<hbm>>
          %dma_wait3A_137 = arith.constant 0 : i32
          %dma_wait3A_138 = arith.constant 0 : i32
          %dma_wait3A_139 = tpu.memref_slice %arg6[%run_scoped3A_115, %dma_wait3A_137, %dma_wait3A_138] : memref<2x80x256xi32, #tpu.memory_space<vmem>> -> memref<1x80x256xi32, #tpu.memory_space<vmem>>
          %dma_wait3A_140 = tpu.memref_squeeze %dma_wait3A_139 : memref<1x80x256xi32, #tpu.memory_space<vmem>> -> memref<80x256xi32, #tpu.memory_space<vmem>>
          tpu.wait_dma2 semaphore(%run_scoped3A_116 : memref<!tpu.dma_semaphore, #tpu.memory_space<semaphore_mem>>) src(%dma_wait3A_140 : memref<80x256xi32, #tpu.memory_space<vmem>>) dst(%dma_wait3A_136 : memref<80x256xi32, #tpu.memory_space<hbm>>)
          tpu.yield
        }) : () -> ()
      } else {
      }
      %scan3A_78 = arith.constant 0 : i32
      scf.yield %scan3A_78 : i32
    }
    %scan3A_35 = arith.constant 2 : i32
    return
  }
}

#map = affine_map<(d0, d1) -> (0, 0)>
#map1 = affine_map<(d0, d1) -> (0)>
module attributes {stable_mosaic.version = 14 : i64} {
  func.func @gather(%arg0: i32, %arg1: i32, %arg2: memref<100000x256xi32, #tpu.memory_space<hbm>>, %arg3: memref<51200xi32, #tpu.memory_space<hbm>>, %arg4: memref<10240x256xi32, #tpu.memory_space<hbm>>, %arg5: memref<2x80xi32, #tpu.memory_space<vmem>>, %arg6: memref<2x80x256xi32, #tpu.memory_space<vmem>>, %arg7: memref<!tpu.dma_semaphore, #tpu.memory_space<semaphore_mem>>, %arg8: memref<!tpu.dma_semaphore, #tpu.memory_space<semaphore_mem>>) attributes {dimension_semantics = [#tpu.dimension_semantics<core_parallel>, #tpu.dimension_semantics<subcore_parallel>], iteration_bounds = array<i64: 2, 16>, scalar_prefetch = 0 : i64, scratch_operands = 4 : i64, tpu.core_type = #tpu.core_type<sc_vector_subcore>, window_params = [{transform_indices = #map}, {transform_indices = #map1}, {transform_indices = #map}]} {
    %mul3A = arith.constant 2 : i32
    %mul3A_0 = arith.muli %arg1, %mul3A : i32
    %add3A = arith.addi %mul3A_0, %arg0 : i32
    %mul3A_1 = arith.constant 320 : i32
    %mul3A_2 = arith.muli %add3A, %mul3A_1 : i32
    %add3A_3 = arith.constant 0 : i32
    %add3A_4 = arith.addi %mul3A_2, %add3A_3 : i32
    %add3A_5 = arith.constant 10240 : i32
    %add3A_6 = arith.addi %add3A_5, %add3A_4 : i32
    %run_scoped3A = arith.constant 0 : i32
    "tpu.region"() ({
      %run_scoped3A_36 = tpu.sem_alloc : memref<!tpu.dma_semaphore, #tpu.memory_space<semaphore_mem>>
      %dma_start3A_37 = arith.constant 0 : i32
      %dma_start3A_38 = tpu.memref_slice %arg5[%run_scoped3A, %dma_start3A_37] : memref<2x80xi32, #tpu.memory_space<vmem>> -> memref<1x80xi32, #tpu.memory_space<vmem>>
      %dma_start3A_39 = tpu.memref_squeeze %dma_start3A_38 : memref<1x80xi32, #tpu.memory_space<vmem>> -> memref<80xi32, #tpu.memory_space<vmem>>
      %dma_start3A_40 = tpu.memref_slice %arg3[%add3A_6] : memref<51200xi32, #tpu.memory_space<hbm>> -> memref<80xi32, #tpu.memory_space<hbm>>
      %dma_start3A_41 = arith.constant 0 : i32
      %dma_start3A_42 = tpu.memref_slice %arg5[%run_scoped3A, %dma_start3A_41] : memref<2x80xi32, #tpu.memory_space<vmem>> -> memref<1x80xi32, #tpu.memory_space<vmem>>
      %dma_start3A_43 = tpu.memref_squeeze %dma_start3A_42 : memref<1x80xi32, #tpu.memory_space<vmem>> -> memref<80xi32, #tpu.memory_space<vmem>>
      %dma_start3A_44 = tpu.memref_slice %arg3[%add3A_6] : memref<51200xi32, #tpu.memory_space<hbm>> -> memref<80xi32, #tpu.memory_space<hbm>>
      tpu.enqueue_dma source(%dma_start3A_44 : memref<80xi32, #tpu.memory_space<hbm>>) target(%dma_start3A_43 : memref<80xi32, #tpu.memory_space<vmem>>) target_semaphore(%run_scoped3A_36 : memref<!tpu.dma_semaphore, #tpu.memory_space<semaphore_mem>>)
      %dma_wait3A = arith.constant 0 : i32
      %dma_wait3A_45 = tpu.memref_slice %arg5[%run_scoped3A, %dma_wait3A] : memref<2x80xi32, #tpu.memory_space<vmem>> -> memref<1x80xi32, #tpu.memory_space<vmem>>
      %dma_wait3A_46 = tpu.memref_squeeze %dma_wait3A_45 : memref<1x80xi32, #tpu.memory_space<vmem>> -> memref<80xi32, #tpu.memory_space<vmem>>
      %dma_wait3A_47 = tpu.memref_slice %arg3[%add3A_6] : memref<51200xi32, #tpu.memory_space<hbm>> -> memref<80xi32, #tpu.memory_space<hbm>>
      %dma_wait3A_48 = arith.constant 0 : i32
      %dma_wait3A_49 = tpu.memref_slice %arg5[%run_scoped3A, %dma_wait3A_48] : memref<2x80xi32, #tpu.memory_space<vmem>> -> memref<1x80xi32, #tpu.memory_space<vmem>>
      %dma_wait3A_50 = tpu.memref_squeeze %dma_wait3A_49 : memref<1x80xi32, #tpu.memory_space<vmem>> -> memref<80xi32, #tpu.memory_space<vmem>>
      %dma_wait3A_51 = tpu.memref_slice %arg3[%add3A_6] : memref<51200xi32, #tpu.memory_space<hbm>> -> memref<80xi32, #tpu.memory_space<hbm>>
      tpu.wait_dma2 semaphore(%run_scoped3A_36 : memref<!tpu.dma_semaphore, #tpu.memory_space<semaphore_mem>>) src(%dma_wait3A_51 : memref<80xi32, #tpu.memory_space<hbm>>) dst(%dma_wait3A_50 : memref<80xi32, #tpu.memory_space<vmem>>)
      tpu.yield
    }) : () -> ()
    %dma_start3A = arith.constant 0 : i32
    %dma_start3A_7 = arith.constant 0 : i32
    %dma_start3A_8 = arith.constant 0 : i32
    %dma_start3A_9 = arith.constant 0 : i32
    %dma_start3A_10 = tpu.memref_slice %arg6[%dma_start3A_7, %dma_start3A_8, %dma_start3A_9] : memref<2x80x256xi32, #tpu.memory_space<vmem>> -> memref<1x80x128xi32, #tpu.memory_space<vmem>>
    %dma_start3A_11 = tpu.memref_squeeze %dma_start3A_10 : memref<1x80x128xi32, #tpu.memory_space<vmem>> -> memref<80x128xi32, #tpu.memory_space<vmem>>
    %dma_start3A_12 = arith.constant 0 : i32
    %dma_start3A_13 = tpu.memref_slice %arg5[%dma_start3A, %dma_start3A_12] : memref<2x80xi32, #tpu.memory_space<vmem>> -> memref<1x80xi32, #tpu.memory_space<vmem>>
    %dma_start3A_14 = tpu.memref_squeeze %dma_start3A_13 : memref<1x80xi32, #tpu.memory_space<vmem>> -> memref<80xi32, #tpu.memory_space<vmem>>
    %dma_start3A_15 = arith.constant 0 : i32
    %dma_start3A_16 = arith.constant 0 : i32
    %dma_start3A_17 = tpu.memref_slice %arg2[%dma_start3A_15, %dma_start3A_16] : memref<100000x256xi32, #tpu.memory_space<hbm>> -> memref<100000x128xi32, #tpu.memory_space<hbm>>
    tpu.enqueue_indirect_dma source(%dma_start3A_17 : memref<100000x128xi32, #tpu.memory_space<hbm>>) target(%dma_start3A_11 : memref<80x128xi32, #tpu.memory_space<vmem>>) offsets(%dma_start3A_14 : memref<80xi32, #tpu.memory_space<vmem>>) semaphore(%arg7 : memref<!tpu.dma_semaphore, #tpu.memory_space<semaphore_mem>>)
    %dma_start3A_18 = arith.constant 0 : i32
    %dma_start3A_19 = arith.constant 0 : i32
    %dma_start3A_20 = arith.constant 0 : i32
    %dma_start3A_21 = arith.constant 128 : i32
    %dma_start3A_22 = tpu.memref_slice %arg6[%dma_start3A_19, %dma_start3A_20, %dma_start3A_21] : memref<2x80x256xi32, #tpu.memory_space<vmem>> -> memref<1x80x128xi32, #tpu.memory_space<vmem>>
    %dma_start3A_23 = tpu.memref_squeeze %dma_start3A_22 : memref<1x80x128xi32, #tpu.memory_space<vmem>> -> memref<80x128xi32, #tpu.memory_space<vmem>>
    %dma_start3A_24 = arith.constant 0 : i32
    %dma_start3A_25 = tpu.memref_slice %arg5[%dma_start3A_18, %dma_start3A_24] : memref<2x80xi32, #tpu.memory_space<vmem>> -> memref<1x80xi32, #tpu.memory_space<vmem>>
    %dma_start3A_26 = tpu.memref_squeeze %dma_start3A_25 : memref<1x80xi32, #tpu.memory_space<vmem>> -> memref<80xi32, #tpu.memory_space<vmem>>
    %dma_start3A_27 = arith.constant 0 : i32
    %dma_start3A_28 = arith.constant 128 : i32
    %dma_start3A_29 = tpu.memref_slice %arg2[%dma_start3A_27, %dma_start3A_28] : memref<100000x256xi32, #tpu.memory_space<hbm>> -> memref<100000x128xi32, #tpu.memory_space<hbm>>
    tpu.enqueue_indirect_dma source(%dma_start3A_29 : memref<100000x128xi32, #tpu.memory_space<hbm>>) target(%dma_start3A_23 : memref<80x128xi32, #tpu.memory_space<vmem>>) offsets(%dma_start3A_26 : memref<80xi32, #tpu.memory_space<vmem>>) semaphore(%arg7 : memref<!tpu.dma_semaphore, #tpu.memory_space<semaphore_mem>>)
    %scan3A = arith.constant 0 : i32
    %scan3A_30 = arith.constant 0 : i32
    %scan3A_31 = arith.constant 2 : i32
    %scan3A_32 = arith.addi %scan3A_30, %scan3A_31 : i32
    %scan3A_33 = arith.constant 1 : i32
    %scan3A_34 = scf.for %scan3A_36 = %scan3A_30 to %scan3A_32 step %scan3A_33 iter_args(%scan3A_37 = %scan3A) -> (i32)  : i32 {
      %mul3A_38 = arith.constant 2 : i32
      %mul3A_39 = arith.muli %mul3A_38, %scan3A_36 : i32
      %add3A_40 = arith.constant 1 : i32
      %add3A_41 = arith.addi %mul3A_39, %add3A_40 : i32
      %lt3A = arith.constant 4 : i32
      %lt3A_42 = arith.cmpi slt, %add3A_41, %lt3A : i32
      %convert_element_type3A = arith.extui %lt3A_42 : i1 to i32
      %cond3A = arith.constant 0 : i32
      %cond3A_43 = arith.cmpi ne, %convert_element_type3A, %cond3A : i32
      scf.if %cond3A_43 {
        %add3A_79 = arith.constant 1 : i32
        %add3A_80 = arith.addi %mul3A_39, %add3A_79 : i32
        %mul3A_81 = arith.constant 80 : i32
        %mul3A_82 = arith.muli %add3A_80, %mul3A_81 : i32
        %add3A_83 = arith.addi %mul3A_2, %mul3A_82 : i32
        %add3A_84 = arith.constant 10240 : i32
        %add3A_85 = arith.addi %add3A_84, %add3A_83 : i32
        %run_scoped3A_86 = arith.constant 1 : i32
        "tpu.region"() ({
          %run_scoped3A_111 = tpu.sem_alloc : memref<!tpu.dma_semaphore, #tpu.memory_space<semaphore_mem>>
          %dma_start3A_112 = arith.constant 0 : i32
          %dma_start3A_113 = tpu.memref_slice %arg5[%run_scoped3A_86, %dma_start3A_112] : memref<2x80xi32, #tpu.memory_space<vmem>> -> memref<1x80xi32, #tpu.memory_space<vmem>>
          %dma_start3A_114 = tpu.memref_squeeze %dma_start3A_113 : memref<1x80xi32, #tpu.memory_space<vmem>> -> memref<80xi32, #tpu.memory_space<vmem>>
          %dma_start3A_115 = tpu.memref_slice %arg3[%add3A_85] : memref<51200xi32, #tpu.memory_space<hbm>> -> memref<80xi32, #tpu.memory_space<hbm>>
          %dma_start3A_116 = arith.constant 0 : i32
          %dma_start3A_117 = tpu.memref_slice %arg5[%run_scoped3A_86, %dma_start3A_116] : memref<2x80xi32, #tpu.memory_space<vmem>> -> memref<1x80xi32, #tpu.memory_space<vmem>>
          %dma_start3A_118 = tpu.memref_squeeze %dma_start3A_117 : memref<1x80xi32, #tpu.memory_space<vmem>> -> memref<80xi32, #tpu.memory_space<vmem>>
          %dma_start3A_119 = tpu.memref_slice %arg3[%add3A_85] : memref<51200xi32, #tpu.memory_space<hbm>> -> memref<80xi32, #tpu.memory_space<hbm>>
          tpu.enqueue_dma source(%dma_start3A_119 : memref<80xi32, #tpu.memory_space<hbm>>) target(%dma_start3A_118 : memref<80xi32, #tpu.memory_space<vmem>>) target_semaphore(%run_scoped3A_111 : memref<!tpu.dma_semaphore, #tpu.memory_space<semaphore_mem>>)
          %dma_wait3A_120 = arith.constant 0 : i32
          %dma_wait3A_121 = tpu.memref_slice %arg5[%run_scoped3A_86, %dma_wait3A_120] : memref<2x80xi32, #tpu.memory_space<vmem>> -> memref<1x80xi32, #tpu.memory_space<vmem>>
          %dma_wait3A_122 = tpu.memref_squeeze %dma_wait3A_121 : memref<1x80xi32, #tpu.memory_space<vmem>> -> memref<80xi32, #tpu.memory_space<vmem>>
          %dma_wait3A_123 = tpu.memref_slice %arg3[%add3A_85] : memref<51200xi32, #tpu.memory_space<hbm>> -> memref<80xi32, #tpu.memory_space<hbm>>
          %dma_wait3A_124 = arith.constant 0 : i32
          %dma_wait3A_125 = tpu.memref_slice %arg5[%run_scoped3A_86, %dma_wait3A_124] : memref<2x80xi32, #tpu.memory_space<vmem>> -> memref<1x80xi32, #tpu.memory_space<vmem>>
          %dma_wait3A_126 = tpu.memref_squeeze %dma_wait3A_125 : memref<1x80xi32, #tpu.memory_space<vmem>> -> memref<80xi32, #tpu.memory_space<vmem>>
          %dma_wait3A_127 = tpu.memref_slice %arg3[%add3A_85] : memref<51200xi32, #tpu.memory_space<hbm>> -> memref<80xi32, #tpu.memory_space<hbm>>
          tpu.wait_dma2 semaphore(%run_scoped3A_111 : memref<!tpu.dma_semaphore, #tpu.memory_space<semaphore_mem>>) src(%dma_wait3A_127 : memref<80xi32, #tpu.memory_space<hbm>>) dst(%dma_wait3A_126 : memref<80xi32, #tpu.memory_space<vmem>>)
          tpu.yield
        }) : () -> ()
        %dma_start3A_87 = arith.constant 1 : i32
        %dma_start3A_88 = arith.constant 1 : i32
        %dma_start3A_89 = arith.constant 0 : i32
        %dma_start3A_90 = arith.constant 0 : i32
        %dma_start3A_91 = tpu.memref_slice %arg6[%dma_start3A_88, %dma_start3A_89, %dma_start3A_90] : memref<2x80x256xi32, #tpu.memory_space<vmem>> -> memref<1x80x128xi32, #tpu.memory_space<vmem>>
        %dma_start3A_92 = tpu.memref_squeeze %dma_start3A_91 : memref<1x80x128xi32, #tpu.memory_space<vmem>> -> memref<80x128xi32, #tpu.memory_space<vmem>>
        %dma_start3A_93 = arith.constant 0 : i32
        %dma_start3A_94 = tpu.memref_slice %arg5[%dma_start3A_87, %dma_start3A_93] : memref<2x80xi32, #tpu.memory_space<vmem>> -> memref<1x80xi32, #tpu.memory_space<vmem>>
        %dma_start3A_95 = tpu.memref_squeeze %dma_start3A_94 : memref<1x80xi32, #tpu.memory_space<vmem>> -> memref<80xi32, #tpu.memory_space<vmem>>
        %dma_start3A_96 = arith.constant 0 : i32
        %dma_start3A_97 = arith.constant 0 : i32
        %dma_start3A_98 = tpu.memref_slice %arg2[%dma_start3A_96, %dma_start3A_97] : memref<100000x256xi32, #tpu.memory_space<hbm>> -> memref<100000x128xi32, #tpu.memory_space<hbm>>
        tpu.enqueue_indirect_dma source(%dma_start3A_98 : memref<100000x128xi32, #tpu.memory_space<hbm>>) target(%dma_start3A_92 : memref<80x128xi32, #tpu.memory_space<vmem>>) offsets(%dma_start3A_95 : memref<80xi32, #tpu.memory_space<vmem>>) semaphore(%arg8 : memref<!tpu.dma_semaphore, #tpu.memory_space<semaphore_mem>>)
        %dma_start3A_99 = arith.constant 1 : i32
        %dma_start3A_100 = arith.constant 1 : i32
        %dma_start3A_101 = arith.constant 0 : i32
        %dma_start3A_102 = arith.constant 128 : i32
        %dma_start3A_103 = tpu.memref_slice %arg6[%dma_start3A_100, %dma_start3A_101, %dma_start3A_102] : memref<2x80x256xi32, #tpu.memory_space<vmem>> -> memref<1x80x128xi32, #tpu.memory_space<vmem>>
        %dma_start3A_104 = tpu.memref_squeeze %dma_start3A_103 : memref<1x80x128xi32, #tpu.memory_space<vmem>> -> memref<80x128xi32, #tpu.memory_space<vmem>>
        %dma_start3A_105 = arith.constant 0 : i32
        %dma_start3A_106 = tpu.memref_slice %arg5[%dma_start3A_99, %dma_start3A_105] : memref<2x80xi32, #tpu.memory_space<vmem>> -> memref<1x80xi32, #tpu.memory_space<vmem>>
        %dma_start3A_107 = tpu.memref_squeeze %dma_start3A_106 : memref<1x80xi32, #tpu.memory_space<vmem>> -> memref<80xi32, #tpu.memory_space<vmem>>
        %dma_start3A_108 = arith.constant 0 : i32
        %dma_start3A_109 = arith.constant 128 : i32
        %dma_start3A_110 = tpu.memref_slice %arg2[%dma_start3A_108, %dma_start3A_109] : memref<100000x256xi32, #tpu.memory_space<hbm>> -> memref<100000x128xi32, #tpu.memory_space<hbm>>
        tpu.enqueue_indirect_dma source(%dma_start3A_110 : memref<100000x128xi32, #tpu.memory_space<hbm>>) target(%dma_start3A_104 : memref<80x128xi32, #tpu.memory_space<vmem>>) offsets(%dma_start3A_107 : memref<80xi32, #tpu.memory_space<vmem>>) semaphore(%arg8 : memref<!tpu.dma_semaphore, #tpu.memory_space<semaphore_mem>>)
      } else {
      }
      %dma_wait3A = arith.constant 0 : i32
      %dma_wait3A_44 = arith.constant 0 : i32
      %dma_wait3A_45 = arith.constant 0 : i32
      %dma_wait3A_46 = arith.constant 0 : i32
      %dma_wait3A_47 = tpu.memref_slice %arg6[%dma_wait3A_44, %dma_wait3A_45, %dma_wait3A_46] : memref<2x80x256xi32, #tpu.memory_space<vmem>> -> memref<1x80x128xi32, #tpu.memory_space<vmem>>
      %dma_wait3A_48 = tpu.memref_squeeze %dma_wait3A_47 : memref<1x80x128xi32, #tpu.memory_space<vmem>> -> memref<80x128xi32, #tpu.memory_space<vmem>>
      %dma_wait3A_49 = arith.constant 0 : i32
      %dma_wait3A_50 = tpu.memref_slice %arg5[%dma_wait3A, %dma_wait3A_49] : memref<2x80xi32, #tpu.memory_space<vmem>> -> memref<1x80xi32, #tpu.memory_space<vmem>>
      %dma_wait3A_51 = tpu.memref_squeeze %dma_wait3A_50 : memref<1x80xi32, #tpu.memory_space<vmem>> -> memref<80xi32, #tpu.memory_space<vmem>>
      %dma_wait3A_52 = arith.constant 0 : i32
      %dma_wait3A_53 = arith.constant 0 : i32
      %dma_wait3A_54 = tpu.memref_slice %arg2[%dma_wait3A_52, %dma_wait3A_53] : memref<100000x256xi32, #tpu.memory_space<hbm>> -> memref<100000x128xi32, #tpu.memory_space<hbm>>
      tpu.wait_indirect_dma semaphore(%arg7 : memref<!tpu.dma_semaphore, #tpu.memory_space<semaphore_mem>>) src(%dma_wait3A_54 : memref<100000x128xi32, #tpu.memory_space<hbm>>) dst(%dma_wait3A_48 : memref<80x128xi32, #tpu.memory_space<vmem>>)
      %dma_wait3A_55 = arith.constant 0 : i32
      %dma_wait3A_56 = arith.constant 0 : i32
      %dma_wait3A_57 = arith.constant 0 : i32
      %dma_wait3A_58 = arith.constant 128 : i32
      %dma_wait3A_59 = tpu.memref_slice %arg6[%dma_wait3A_56, %dma_wait3A_57, %dma_wait3A_58] : memref<2x80x256xi32, #tpu.memory_space<vmem>> -> memref<1x80x128xi32, #tpu.memory_space<vmem>>
      %dma_wait3A_60 = tpu.memref_squeeze %dma_wait3A_59 : memref<1x80x128xi32, #tpu.memory_space<vmem>> -> memref<80x128xi32, #tpu.memory_space<vmem>>
      %dma_wait3A_61 = arith.constant 0 : i32
      %dma_wait3A_62 = tpu.memref_slice %arg5[%dma_wait3A_55, %dma_wait3A_61] : memref<2x80xi32, #tpu.memory_space<vmem>> -> memref<1x80xi32, #tpu.memory_space<vmem>>
      %dma_wait3A_63 = tpu.memref_squeeze %dma_wait3A_62 : memref<1x80xi32, #tpu.memory_space<vmem>> -> memref<80xi32, #tpu.memory_space<vmem>>
      %dma_wait3A_64 = arith.constant 0 : i32
      %dma_wait3A_65 = arith.constant 128 : i32
      %dma_wait3A_66 = tpu.memref_slice %arg2[%dma_wait3A_64, %dma_wait3A_65] : memref<100000x256xi32, #tpu.memory_space<hbm>> -> memref<100000x128xi32, #tpu.memory_space<hbm>>
      tpu.wait_indirect_dma semaphore(%arg7 : memref<!tpu.dma_semaphore, #tpu.memory_space<semaphore_mem>>) src(%dma_wait3A_66 : memref<100000x128xi32, #tpu.memory_space<hbm>>) dst(%dma_wait3A_60 : memref<80x128xi32, #tpu.memory_space<vmem>>)
      %mul3A_67 = arith.constant 80 : i32
      %mul3A_68 = arith.muli %mul3A_39, %mul3A_67 : i32
      %add3A_69 = arith.addi %mul3A_2, %mul3A_68 : i32
      %run_scoped3A_70 = arith.constant 0 : i32
      "tpu.region"() ({
        %run_scoped3A_79 = tpu.sem_alloc : memref<!tpu.dma_semaphore, #tpu.memory_space<semaphore_mem>>
        %dma_start3A_80 = arith.constant 0 : i32
        %dma_start3A_81 = arith.constant 0 : i32
        %dma_start3A_82 = tpu.memref_slice %arg6[%run_scoped3A_70, %dma_start3A_80, %dma_start3A_81] : memref<2x80x256xi32, #tpu.memory_space<vmem>> -> memref<1x80x256xi32, #tpu.memory_space<vmem>>
        %dma_start3A_83 = tpu.memref_squeeze %dma_start3A_82 : memref<1x80x256xi32, #tpu.memory_space<vmem>> -> memref<80x256xi32, #tpu.memory_space<vmem>>
        %dma_start3A_84 = arith.constant 0 : i32
        %dma_start3A_85 = tpu.memref_slice %arg4[%add3A_69, %dma_start3A_84] : memref<10240x256xi32, #tpu.memory_space<hbm>> -> memref<80x256xi32, #tpu.memory_space<hbm>>
        %dma_start3A_86 = arith.constant 0 : i32
        %dma_start3A_87 = tpu.memref_slice %arg4[%add3A_69, %dma_start3A_86] : memref<10240x256xi32, #tpu.memory_space<hbm>> -> memref<80x256xi32, #tpu.memory_space<hbm>>
        %dma_start3A_88 = arith.constant 0 : i32
        %dma_start3A_89 = arith.constant 0 : i32
        %dma_start3A_90 = tpu.memref_slice %arg6[%run_scoped3A_70, %dma_start3A_88, %dma_start3A_89] : memref<2x80x256xi32, #tpu.memory_space<vmem>> -> memref<1x80x256xi32, #tpu.memory_space<vmem>>
        %dma_start3A_91 = tpu.memref_squeeze %dma_start3A_90 : memref<1x80x256xi32, #tpu.memory_space<vmem>> -> memref<80x256xi32, #tpu.memory_space<vmem>>
        tpu.enqueue_dma source(%dma_start3A_91 : memref<80x256xi32, #tpu.memory_space<vmem>>) target(%dma_start3A_87 : memref<80x256xi32, #tpu.memory_space<hbm>>) target_semaphore(%run_scoped3A_79 : memref<!tpu.dma_semaphore, #tpu.memory_space<semaphore_mem>>)
        %dma_wait3A_92 = arith.constant 0 : i32
        %dma_wait3A_93 = arith.constant 0 : i32
        %dma_wait3A_94 = tpu.memref_slice %arg6[%run_scoped3A_70, %dma_wait3A_92, %dma_wait3A_93] : memref<2x80x256xi32, #tpu.memory_space<vmem>> -> memref<1x80x256xi32, #tpu.memory_space<vmem>>
        %dma_wait3A_95 = tpu.memref_squeeze %dma_wait3A_94 : memref<1x80x256xi32, #tpu.memory_space<vmem>> -> memref<80x256xi32, #tpu.memory_space<vmem>>
        %dma_wait3A_96 = arith.constant 0 : i32
        %dma_wait3A_97 = tpu.memref_slice %arg4[%add3A_69, %dma_wait3A_96] : memref<10240x256xi32, #tpu.memory_space<hbm>> -> memref<80x256xi32, #tpu.memory_space<hbm>>
        %dma_wait3A_98 = arith.constant 0 : i32
        %dma_wait3A_99 = tpu.memref_slice %arg4[%add3A_69, %dma_wait3A_98] : memref<10240x256xi32, #tpu.memory_space<hbm>> -> memref<80x256xi32, #tpu.memory_space<hbm>>
        %dma_wait3A_100 = arith.constant 0 : i32
        %dma_wait3A_101 = arith.constant 0 : i32
        %dma_wait3A_102 = tpu.memref_slice %arg6[%run_scoped3A_70, %dma_wait3A_100, %dma_wait3A_101] : memref<2x80x256xi32, #tpu.memory_space<vmem>> -> memref<1x80x256xi32, #tpu.memory_space<vmem>>
        %dma_wait3A_103 = tpu.memref_squeeze %dma_wait3A_102 : memref<1x80x256xi32, #tpu.memory_space<vmem>> -> memref<80x256xi32, #tpu.memory_space<vmem>>
        tpu.wait_dma2 semaphore(%run_scoped3A_79 : memref<!tpu.dma_semaphore, #tpu.memory_space<semaphore_mem>>) src(%dma_wait3A_103 : memref<80x256xi32, #tpu.memory_space<vmem>>) dst(%dma_wait3A_99 : memref<80x256xi32, #tpu.memory_space<hbm>>)
        tpu.yield
      }) : () -> ()
      %add3A_71 = arith.constant 1 : i32
      %add3A_72 = arith.addi %mul3A_39, %add3A_71 : i32
      %lt3A_73 = arith.constant 4 : i32
      %lt3A_74 = arith.cmpi slt, %add3A_72, %lt3A_73 : i32
      %convert_element_type3A_75 = arith.extui %lt3A_74 : i1 to i32
      %cond3A_76 = arith.constant 0 : i32
      %cond3A_77 = arith.cmpi ne, %convert_element_type3A_75, %cond3A_76 : i32
      scf.if %cond3A_77 {
        %add3A_79 = arith.constant 2 : i32
        %add3A_80 = arith.addi %mul3A_39, %add3A_79 : i32
        %lt3A_81 = arith.constant 4 : i32
        %lt3A_82 = arith.cmpi slt, %add3A_80, %lt3A_81 : i32
        %convert_element_type3A_83 = arith.extui %lt3A_82 : i1 to i32
        %cond3A_84 = arith.constant 0 : i32
        %cond3A_85 = arith.cmpi ne, %convert_element_type3A_83, %cond3A_84 : i32
        scf.if %cond3A_85 {
          %add3A_116 = arith.constant 2 : i32
          %add3A_117 = arith.addi %mul3A_39, %add3A_116 : i32
          %mul3A_118 = arith.constant 80 : i32
          %mul3A_119 = arith.muli %add3A_117, %mul3A_118 : i32
          %add3A_120 = arith.addi %mul3A_2, %mul3A_119 : i32
          %add3A_121 = arith.constant 10240 : i32
          %add3A_122 = arith.addi %add3A_121, %add3A_120 : i32
          %run_scoped3A_123 = arith.constant 0 : i32
          "tpu.region"() ({
            %run_scoped3A_148 = tpu.sem_alloc : memref<!tpu.dma_semaphore, #tpu.memory_space<semaphore_mem>>
            %dma_start3A_149 = arith.constant 0 : i32
            %dma_start3A_150 = tpu.memref_slice %arg5[%run_scoped3A_123, %dma_start3A_149] : memref<2x80xi32, #tpu.memory_space<vmem>> -> memref<1x80xi32, #tpu.memory_space<vmem>>
            %dma_start3A_151 = tpu.memref_squeeze %dma_start3A_150 : memref<1x80xi32, #tpu.memory_space<vmem>> -> memref<80xi32, #tpu.memory_space<vmem>>
            %dma_start3A_152 = tpu.memref_slice %arg3[%add3A_122] : memref<51200xi32, #tpu.memory_space<hbm>> -> memref<80xi32, #tpu.memory_space<hbm>>
            %dma_start3A_153 = arith.constant 0 : i32
            %dma_start3A_154 = tpu.memref_slice %arg5[%run_scoped3A_123, %dma_start3A_153] : memref<2x80xi32, #tpu.memory_space<vmem>> -> memref<1x80xi32, #tpu.memory_space<vmem>>
            %dma_start3A_155 = tpu.memref_squeeze %dma_start3A_154 : memref<1x80xi32, #tpu.memory_space<vmem>> -> memref<80xi32, #tpu.memory_space<vmem>>
            %dma_start3A_156 = tpu.memref_slice %arg3[%add3A_122] : memref<51200xi32, #tpu.memory_space<hbm>> -> memref<80xi32, #tpu.memory_space<hbm>>
            tpu.enqueue_dma source(%dma_start3A_156 : memref<80xi32, #tpu.memory_space<hbm>>) target(%dma_start3A_155 : memref<80xi32, #tpu.memory_space<vmem>>) target_semaphore(%run_scoped3A_148 : memref<!tpu.dma_semaphore, #tpu.memory_space<semaphore_mem>>)
            %dma_wait3A_157 = arith.constant 0 : i32
            %dma_wait3A_158 = tpu.memref_slice %arg5[%run_scoped3A_123, %dma_wait3A_157] : memref<2x80xi32, #tpu.memory_space<vmem>> -> memref<1x80xi32, #tpu.memory_space<vmem>>
            %dma_wait3A_159 = tpu.memref_squeeze %dma_wait3A_158 : memref<1x80xi32, #tpu.memory_space<vmem>> -> memref<80xi32, #tpu.memory_space<vmem>>
            %dma_wait3A_160 = tpu.memref_slice %arg3[%add3A_122] : memref<51200xi32, #tpu.memory_space<hbm>> -> memref<80xi32, #tpu.memory_space<hbm>>
            %dma_wait3A_161 = arith.constant 0 : i32
            %dma_wait3A_162 = tpu.memref_slice %arg5[%run_scoped3A_123, %dma_wait3A_161] : memref<2x80xi32, #tpu.memory_space<vmem>> -> memref<1x80xi32, #tpu.memory_space<vmem>>
            %dma_wait3A_163 = tpu.memref_squeeze %dma_wait3A_162 : memref<1x80xi32, #tpu.memory_space<vmem>> -> memref<80xi32, #tpu.memory_space<vmem>>
            %dma_wait3A_164 = tpu.memref_slice %arg3[%add3A_122] : memref<51200xi32, #tpu.memory_space<hbm>> -> memref<80xi32, #tpu.memory_space<hbm>>
            tpu.wait_dma2 semaphore(%run_scoped3A_148 : memref<!tpu.dma_semaphore, #tpu.memory_space<semaphore_mem>>) src(%dma_wait3A_164 : memref<80xi32, #tpu.memory_space<hbm>>) dst(%dma_wait3A_163 : memref<80xi32, #tpu.memory_space<vmem>>)
            tpu.yield
          }) : () -> ()
          %dma_start3A_124 = arith.constant 0 : i32
          %dma_start3A_125 = arith.constant 0 : i32
          %dma_start3A_126 = arith.constant 0 : i32
          %dma_start3A_127 = arith.constant 0 : i32
          %dma_start3A_128 = tpu.memref_slice %arg6[%dma_start3A_125, %dma_start3A_126, %dma_start3A_127] : memref<2x80x256xi32, #tpu.memory_space<vmem>> -> memref<1x80x128xi32, #tpu.memory_space<vmem>>
          %dma_start3A_129 = tpu.memref_squeeze %dma_start3A_128 : memref<1x80x128xi32, #tpu.memory_space<vmem>> -> memref<80x128xi32, #tpu.memory_space<vmem>>
          %dma_start3A_130 = arith.constant 0 : i32
          %dma_start3A_131 = tpu.memref_slice %arg5[%dma_start3A_124, %dma_start3A_130] : memref<2x80xi32, #tpu.memory_space<vmem>> -> memref<1x80xi32, #tpu.memory_space<vmem>>
          %dma_start3A_132 = tpu.memref_squeeze %dma_start3A_131 : memref<1x80xi32, #tpu.memory_space<vmem>> -> memref<80xi32, #tpu.memory_space<vmem>>
          %dma_start3A_133 = arith.constant 0 : i32
          %dma_start3A_134 = arith.constant 0 : i32
          %dma_start3A_135 = tpu.memref_slice %arg2[%dma_start3A_133, %dma_start3A_134] : memref<100000x256xi32, #tpu.memory_space<hbm>> -> memref<100000x128xi32, #tpu.memory_space<hbm>>
          tpu.enqueue_indirect_dma source(%dma_start3A_135 : memref<100000x128xi32, #tpu.memory_space<hbm>>) target(%dma_start3A_129 : memref<80x128xi32, #tpu.memory_space<vmem>>) offsets(%dma_start3A_132 : memref<80xi32, #tpu.memory_space<vmem>>) semaphore(%arg7 : memref<!tpu.dma_semaphore, #tpu.memory_space<semaphore_mem>>)
          %dma_start3A_136 = arith.constant 0 : i32
          %dma_start3A_137 = arith.constant 0 : i32
          %dma_start3A_138 = arith.constant 0 : i32
          %dma_start3A_139 = arith.constant 128 : i32
          %dma_start3A_140 = tpu.memref_slice %arg6[%dma_start3A_137, %dma_start3A_138, %dma_start3A_139] : memref<2x80x256xi32, #tpu.memory_space<vmem>> -> memref<1x80x128xi32, #tpu.memory_space<vmem>>
          %dma_start3A_141 = tpu.memref_squeeze %dma_start3A_140 : memref<1x80x128xi32, #tpu.memory_space<vmem>> -> memref<80x128xi32, #tpu.memory_space<vmem>>
          %dma_start3A_142 = arith.constant 0 : i32
          %dma_start3A_143 = tpu.memref_slice %arg5[%dma_start3A_136, %dma_start3A_142] : memref<2x80xi32, #tpu.memory_space<vmem>> -> memref<1x80xi32, #tpu.memory_space<vmem>>
          %dma_start3A_144 = tpu.memref_squeeze %dma_start3A_143 : memref<1x80xi32, #tpu.memory_space<vmem>> -> memref<80xi32, #tpu.memory_space<vmem>>
          %dma_start3A_145 = arith.constant 0 : i32
          %dma_start3A_146 = arith.constant 128 : i32
          %dma_start3A_147 = tpu.memref_slice %arg2[%dma_start3A_145, %dma_start3A_146] : memref<100000x256xi32, #tpu.memory_space<hbm>> -> memref<100000x128xi32, #tpu.memory_space<hbm>>
          tpu.enqueue_indirect_dma source(%dma_start3A_147 : memref<100000x128xi32, #tpu.memory_space<hbm>>) target(%dma_start3A_141 : memref<80x128xi32, #tpu.memory_space<vmem>>) offsets(%dma_start3A_144 : memref<80xi32, #tpu.memory_space<vmem>>) semaphore(%arg7 : memref<!tpu.dma_semaphore, #tpu.memory_space<semaphore_mem>>)
        } else {
        }
        %add3A_86 = arith.constant 1 : i32
        %add3A_87 = arith.addi %mul3A_39, %add3A_86 : i32
        %dma_wait3A_88 = arith.constant 1 : i32
        %dma_wait3A_89 = arith.constant 1 : i32
        %dma_wait3A_90 = arith.constant 0 : i32
        %dma_wait3A_91 = arith.constant 0 : i32
        %dma_wait3A_92 = tpu.memref_slice %arg6[%dma_wait3A_89, %dma_wait3A_90, %dma_wait3A_91] : memref<2x80x256xi32, #tpu.memory_space<vmem>> -> memref<1x80x128xi32, #tpu.memory_space<vmem>>
        %dma_wait3A_93 = tpu.memref_squeeze %dma_wait3A_92 : memref<1x80x128xi32, #tpu.memory_space<vmem>> -> memref<80x128xi32, #tpu.memory_space<vmem>>
        %dma_wait3A_94 = arith.constant 0 : i32
        %dma_wait3A_95 = tpu.memref_slice %arg5[%dma_wait3A_88, %dma_wait3A_94] : memref<2x80xi32, #tpu.memory_space<vmem>> -> memref<1x80xi32, #tpu.memory_space<vmem>>
        %dma_wait3A_96 = tpu.memref_squeeze %dma_wait3A_95 : memref<1x80xi32, #tpu.memory_space<vmem>> -> memref<80xi32, #tpu.memory_space<vmem>>
        %dma_wait3A_97 = arith.constant 0 : i32
        %dma_wait3A_98 = arith.constant 0 : i32
        %dma_wait3A_99 = tpu.memref_slice %arg2[%dma_wait3A_97, %dma_wait3A_98] : memref<100000x256xi32, #tpu.memory_space<hbm>> -> memref<100000x128xi32, #tpu.memory_space<hbm>>
        tpu.wait_indirect_dma semaphore(%arg8 : memref<!tpu.dma_semaphore, #tpu.memory_space<semaphore_mem>>) src(%dma_wait3A_99 : memref<100000x128xi32, #tpu.memory_space<hbm>>) dst(%dma_wait3A_93 : memref<80x128xi32, #tpu.memory_space<vmem>>)
        %dma_wait3A_100 = arith.constant 1 : i32
        %dma_wait3A_101 = arith.constant 1 : i32
        %dma_wait3A_102 = arith.constant 0 : i32
        %dma_wait3A_103 = arith.constant 128 : i32
        %dma_wait3A_104 = tpu.memref_slice %arg6[%dma_wait3A_101, %dma_wait3A_102, %dma_wait3A_103] : memref<2x80x256xi32, #tpu.memory_space<vmem>> -> memref<1x80x128xi32, #tpu.memory_space<vmem>>
        %dma_wait3A_105 = tpu.memref_squeeze %dma_wait3A_104 : memref<1x80x128xi32, #tpu.memory_space<vmem>> -> memref<80x128xi32, #tpu.memory_space<vmem>>
        %dma_wait3A_106 = arith.constant 0 : i32
        %dma_wait3A_107 = tpu.memref_slice %arg5[%dma_wait3A_100, %dma_wait3A_106] : memref<2x80xi32, #tpu.memory_space<vmem>> -> memref<1x80xi32, #tpu.memory_space<vmem>>
        %dma_wait3A_108 = tpu.memref_squeeze %dma_wait3A_107 : memref<1x80xi32, #tpu.memory_space<vmem>> -> memref<80xi32, #tpu.memory_space<vmem>>
        %dma_wait3A_109 = arith.constant 0 : i32
        %dma_wait3A_110 = arith.constant 128 : i32
        %dma_wait3A_111 = tpu.memref_slice %arg2[%dma_wait3A_109, %dma_wait3A_110] : memref<100000x256xi32, #tpu.memory_space<hbm>> -> memref<100000x128xi32, #tpu.memory_space<hbm>>
        tpu.wait_indirect_dma semaphore(%arg8 : memref<!tpu.dma_semaphore, #tpu.memory_space<semaphore_mem>>) src(%dma_wait3A_111 : memref<100000x128xi32, #tpu.memory_space<hbm>>) dst(%dma_wait3A_105 : memref<80x128xi32, #tpu.memory_space<vmem>>)
        %mul3A_112 = arith.constant 80 : i32
        %mul3A_113 = arith.muli %add3A_87, %mul3A_112 : i32
        %add3A_114 = arith.addi %mul3A_2, %mul3A_113 : i32
        %run_scoped3A_115 = arith.constant 1 : i32
        "tpu.region"() ({
          %run_scoped3A_116 = tpu.sem_alloc : memref<!tpu.dma_semaphore, #tpu.memory_space<semaphore_mem>>
          %dma_start3A_117 = arith.constant 0 : i32
          %dma_start3A_118 = arith.constant 0 : i32
          %dma_start3A_119 = tpu.memref_slice %arg6[%run_scoped3A_115, %dma_start3A_117, %dma_start3A_118] : memref<2x80x256xi32, #tpu.memory_space<vmem>> -> memref<1x80x256xi32, #tpu.memory_space<vmem>>
          %dma_start3A_120 = tpu.memref_squeeze %dma_start3A_119 : memref<1x80x256xi32, #tpu.memory_space<vmem>> -> memref<80x256xi32, #tpu.memory_space<vmem>>
          %dma_start3A_121 = arith.constant 0 : i32
          %dma_start3A_122 = tpu.memref_slice %arg4[%add3A_114, %dma_start3A_121] : memref<10240x256xi32, #tpu.memory_space<hbm>> -> memref<80x256xi32, #tpu.memory_space<hbm>>
          %dma_start3A_123 = arith.constant 0 : i32
          %dma_start3A_124 = tpu.memref_slice %arg4[%add3A_114, %dma_start3A_123] : memref<10240x256xi32, #tpu.memory_space<hbm>> -> memref<80x256xi32, #tpu.memory_space<hbm>>
          %dma_start3A_125 = arith.constant 0 : i32
          %dma_start3A_126 = arith.constant 0 : i32
          %dma_start3A_127 = tpu.memref_slice %arg6[%run_scoped3A_115, %dma_start3A_125, %dma_start3A_126] : memref<2x80x256xi32, #tpu.memory_space<vmem>> -> memref<1x80x256xi32, #tpu.memory_space<vmem>>
          %dma_start3A_128 = tpu.memref_squeeze %dma_start3A_127 : memref<1x80x256xi32, #tpu.memory_space<vmem>> -> memref<80x256xi32, #tpu.memory_space<vmem>>
          tpu.enqueue_dma source(%dma_start3A_128 : memref<80x256xi32, #tpu.memory_space<vmem>>) target(%dma_start3A_124 : memref<80x256xi32, #tpu.memory_space<hbm>>) target_semaphore(%run_scoped3A_116 : memref<!tpu.dma_semaphore, #tpu.memory_space<semaphore_mem>>)
          %dma_wait3A_129 = arith.constant 0 : i32
          %dma_wait3A_130 = arith.constant 0 : i32
          %dma_wait3A_131 = tpu.memref_slice %arg6[%run_scoped3A_115, %dma_wait3A_129, %dma_wait3A_130] : memref<2x80x256xi32, #tpu.memory_space<vmem>> -> memref<1x80x256xi32, #tpu.memory_space<vmem>>
          %dma_wait3A_132 = tpu.memref_squeeze %dma_wait3A_131 : memref<1x80x256xi32, #tpu.memory_space<vmem>> -> memref<80x256xi32, #tpu.memory_space<vmem>>
          %dma_wait3A_133 = arith.constant 0 : i32
          %dma_wait3A_134 = tpu.memref_slice %arg4[%add3A_114, %dma_wait3A_133] : memref<10240x256xi32, #tpu.memory_space<hbm>> -> memref<80x256xi32, #tpu.memory_space<hbm>>
          %dma_wait3A_135 = arith.constant 0 : i32
          %dma_wait3A_136 = tpu.memref_slice %arg4[%add3A_114, %dma_wait3A_135] : memref<10240x256xi32, #tpu.memory_space<hbm>> -> memref<80x256xi32, #tpu.memory_space<hbm>>
          %dma_wait3A_137 = arith.constant 0 : i32
          %dma_wait3A_138 = arith.constant 0 : i32
          %dma_wait3A_139 = tpu.memref_slice %arg6[%run_scoped3A_115, %dma_wait3A_137, %dma_wait3A_138] : memref<2x80x256xi32, #tpu.memory_space<vmem>> -> memref<1x80x256xi32, #tpu.memory_space<vmem>>
          %dma_wait3A_140 = tpu.memref_squeeze %dma_wait3A_139 : memref<1x80x256xi32, #tpu.memory_space<vmem>> -> memref<80x256xi32, #tpu.memory_space<vmem>>
          tpu.wait_dma2 semaphore(%run_scoped3A_116 : memref<!tpu.dma_semaphore, #tpu.memory_space<semaphore_mem>>) src(%dma_wait3A_140 : memref<80x256xi32, #tpu.memory_space<vmem>>) dst(%dma_wait3A_136 : memref<80x256xi32, #tpu.memory_space<hbm>>)
          tpu.yield
        }) : () -> ()
      } else {
      }
      %scan3A_78 = arith.constant 0 : i32
      scf.yield %scan3A_78 : i32
    }
    %scan3A_35 = arith.constant 2 : i32
    return
  }
}

#map = affine_map<(d0, d1) -> (0, 0)>
#map1 = affine_map<(d0, d1) -> (0)>
module attributes {stable_mosaic.version = 14 : i64} {
  func.func @gather(%arg0: i32, %arg1: i32, %arg2: memref<100000x256xi32, #tpu.memory_space<hbm>>, %arg3: memref<51200xi32, #tpu.memory_space<hbm>>, %arg4: memref<10240x256xi32, #tpu.memory_space<hbm>>, %arg5: memref<2x80xi32, #tpu.memory_space<vmem>>, %arg6: memref<2x80x256xi32, #tpu.memory_space<vmem>>, %arg7: memref<!tpu.dma_semaphore, #tpu.memory_space<semaphore_mem>>, %arg8: memref<!tpu.dma_semaphore, #tpu.memory_space<semaphore_mem>>) attributes {dimension_semantics = [#tpu.dimension_semantics<core_parallel>, #tpu.dimension_semantics<subcore_parallel>], iteration_bounds = array<i64: 2, 16>, scalar_prefetch = 0 : i64, scratch_operands = 4 : i64, tpu.core_type = #tpu.core_type<sc_vector_subcore>, window_params = [{transform_indices = #map}, {transform_indices = #map1}, {transform_indices = #map}]} {
    %mul3A = arith.constant 2 : i32
    %mul3A_0 = arith.muli %arg1, %mul3A : i32
    %add3A = arith.addi %mul3A_0, %arg0 : i32
    %mul3A_1 = arith.constant 320 : i32
    %mul3A_2 = arith.muli %add3A, %mul3A_1 : i32
    %add3A_3 = arith.constant 0 : i32
    %add3A_4 = arith.addi %mul3A_2, %add3A_3 : i32
    %add3A_5 = arith.constant 20480 : i32
    %add3A_6 = arith.addi %add3A_5, %add3A_4 : i32
    %run_scoped3A = arith.constant 0 : i32
    "tpu.region"() ({
      %run_scoped3A_36 = tpu.sem_alloc : memref<!tpu.dma_semaphore, #tpu.memory_space<semaphore_mem>>
      %dma_start3A_37 = arith.constant 0 : i32
      %dma_start3A_38 = tpu.memref_slice %arg5[%run_scoped3A, %dma_start3A_37] : memref<2x80xi32, #tpu.memory_space<vmem>> -> memref<1x80xi32, #tpu.memory_space<vmem>>
      %dma_start3A_39 = tpu.memref_squeeze %dma_start3A_38 : memref<1x80xi32, #tpu.memory_space<vmem>> -> memref<80xi32, #tpu.memory_space<vmem>>
      %dma_start3A_40 = tpu.memref_slice %arg3[%add3A_6] : memref<51200xi32, #tpu.memory_space<hbm>> -> memref<80xi32, #tpu.memory_space<hbm>>
      %dma_start3A_41 = arith.constant 0 : i32
      %dma_start3A_42 = tpu.memref_slice %arg5[%run_scoped3A, %dma_start3A_41] : memref<2x80xi32, #tpu.memory_space<vmem>> -> memref<1x80xi32, #tpu.memory_space<vmem>>
      %dma_start3A_43 = tpu.memref_squeeze %dma_start3A_42 : memref<1x80xi32, #tpu.memory_space<vmem>> -> memref<80xi32, #tpu.memory_space<vmem>>
      %dma_start3A_44 = tpu.memref_slice %arg3[%add3A_6] : memref<51200xi32, #tpu.memory_space<hbm>> -> memref<80xi32, #tpu.memory_space<hbm>>
      tpu.enqueue_dma source(%dma_start3A_44 : memref<80xi32, #tpu.memory_space<hbm>>) target(%dma_start3A_43 : memref<80xi32, #tpu.memory_space<vmem>>) target_semaphore(%run_scoped3A_36 : memref<!tpu.dma_semaphore, #tpu.memory_space<semaphore_mem>>)
      %dma_wait3A = arith.constant 0 : i32
      %dma_wait3A_45 = tpu.memref_slice %arg5[%run_scoped3A, %dma_wait3A] : memref<2x80xi32, #tpu.memory_space<vmem>> -> memref<1x80xi32, #tpu.memory_space<vmem>>
      %dma_wait3A_46 = tpu.memref_squeeze %dma_wait3A_45 : memref<1x80xi32, #tpu.memory_space<vmem>> -> memref<80xi32, #tpu.memory_space<vmem>>
      %dma_wait3A_47 = tpu.memref_slice %arg3[%add3A_6] : memref<51200xi32, #tpu.memory_space<hbm>> -> memref<80xi32, #tpu.memory_space<hbm>>
      %dma_wait3A_48 = arith.constant 0 : i32
      %dma_wait3A_49 = tpu.memref_slice %arg5[%run_scoped3A, %dma_wait3A_48] : memref<2x80xi32, #tpu.memory_space<vmem>> -> memref<1x80xi32, #tpu.memory_space<vmem>>
      %dma_wait3A_50 = tpu.memref_squeeze %dma_wait3A_49 : memref<1x80xi32, #tpu.memory_space<vmem>> -> memref<80xi32, #tpu.memory_space<vmem>>
      %dma_wait3A_51 = tpu.memref_slice %arg3[%add3A_6] : memref<51200xi32, #tpu.memory_space<hbm>> -> memref<80xi32, #tpu.memory_space<hbm>>
      tpu.wait_dma2 semaphore(%run_scoped3A_36 : memref<!tpu.dma_semaphore, #tpu.memory_space<semaphore_mem>>) src(%dma_wait3A_51 : memref<80xi32, #tpu.memory_space<hbm>>) dst(%dma_wait3A_50 : memref<80xi32, #tpu.memory_space<vmem>>)
      tpu.yield
    }) : () -> ()
    %dma_start3A = arith.constant 0 : i32
    %dma_start3A_7 = arith.constant 0 : i32
    %dma_start3A_8 = arith.constant 0 : i32
    %dma_start3A_9 = arith.constant 0 : i32
    %dma_start3A_10 = tpu.memref_slice %arg6[%dma_start3A_7, %dma_start3A_8, %dma_start3A_9] : memref<2x80x256xi32, #tpu.memory_space<vmem>> -> memref<1x80x128xi32, #tpu.memory_space<vmem>>
    %dma_start3A_11 = tpu.memref_squeeze %dma_start3A_10 : memref<1x80x128xi32, #tpu.memory_space<vmem>> -> memref<80x128xi32, #tpu.memory_space<vmem>>
    %dma_start3A_12 = arith.constant 0 : i32
    %dma_start3A_13 = tpu.memref_slice %arg5[%dma_start3A, %dma_start3A_12] : memref<2x80xi32, #tpu.memory_space<vmem>> -> memref<1x80xi32, #tpu.memory_space<vmem>>
    %dma_start3A_14 = tpu.memref_squeeze %dma_start3A_13 : memref<1x80xi32, #tpu.memory_space<vmem>> -> memref<80xi32, #tpu.memory_space<vmem>>
    %dma_start3A_15 = arith.constant 0 : i32
    %dma_start3A_16 = arith.constant 0 : i32
    %dma_start3A_17 = tpu.memref_slice %arg2[%dma_start3A_15, %dma_start3A_16] : memref<100000x256xi32, #tpu.memory_space<hbm>> -> memref<100000x128xi32, #tpu.memory_space<hbm>>
    tpu.enqueue_indirect_dma source(%dma_start3A_17 : memref<100000x128xi32, #tpu.memory_space<hbm>>) target(%dma_start3A_11 : memref<80x128xi32, #tpu.memory_space<vmem>>) offsets(%dma_start3A_14 : memref<80xi32, #tpu.memory_space<vmem>>) semaphore(%arg7 : memref<!tpu.dma_semaphore, #tpu.memory_space<semaphore_mem>>)
    %dma_start3A_18 = arith.constant 0 : i32
    %dma_start3A_19 = arith.constant 0 : i32
    %dma_start3A_20 = arith.constant 0 : i32
    %dma_start3A_21 = arith.constant 128 : i32
    %dma_start3A_22 = tpu.memref_slice %arg6[%dma_start3A_19, %dma_start3A_20, %dma_start3A_21] : memref<2x80x256xi32, #tpu.memory_space<vmem>> -> memref<1x80x128xi32, #tpu.memory_space<vmem>>
    %dma_start3A_23 = tpu.memref_squeeze %dma_start3A_22 : memref<1x80x128xi32, #tpu.memory_space<vmem>> -> memref<80x128xi32, #tpu.memory_space<vmem>>
    %dma_start3A_24 = arith.constant 0 : i32
    %dma_start3A_25 = tpu.memref_slice %arg5[%dma_start3A_18, %dma_start3A_24] : memref<2x80xi32, #tpu.memory_space<vmem>> -> memref<1x80xi32, #tpu.memory_space<vmem>>
    %dma_start3A_26 = tpu.memref_squeeze %dma_start3A_25 : memref<1x80xi32, #tpu.memory_space<vmem>> -> memref<80xi32, #tpu.memory_space<vmem>>
    %dma_start3A_27 = arith.constant 0 : i32
    %dma_start3A_28 = arith.constant 128 : i32
    %dma_start3A_29 = tpu.memref_slice %arg2[%dma_start3A_27, %dma_start3A_28] : memref<100000x256xi32, #tpu.memory_space<hbm>> -> memref<100000x128xi32, #tpu.memory_space<hbm>>
    tpu.enqueue_indirect_dma source(%dma_start3A_29 : memref<100000x128xi32, #tpu.memory_space<hbm>>) target(%dma_start3A_23 : memref<80x128xi32, #tpu.memory_space<vmem>>) offsets(%dma_start3A_26 : memref<80xi32, #tpu.memory_space<vmem>>) semaphore(%arg7 : memref<!tpu.dma_semaphore, #tpu.memory_space<semaphore_mem>>)
    %scan3A = arith.constant 0 : i32
    %scan3A_30 = arith.constant 0 : i32
    %scan3A_31 = arith.constant 2 : i32
    %scan3A_32 = arith.addi %scan3A_30, %scan3A_31 : i32
    %scan3A_33 = arith.constant 1 : i32
    %scan3A_34 = scf.for %scan3A_36 = %scan3A_30 to %scan3A_32 step %scan3A_33 iter_args(%scan3A_37 = %scan3A) -> (i32)  : i32 {
      %mul3A_38 = arith.constant 2 : i32
      %mul3A_39 = arith.muli %mul3A_38, %scan3A_36 : i32
      %add3A_40 = arith.constant 1 : i32
      %add3A_41 = arith.addi %mul3A_39, %add3A_40 : i32
      %lt3A = arith.constant 4 : i32
      %lt3A_42 = arith.cmpi slt, %add3A_41, %lt3A : i32
      %convert_element_type3A = arith.extui %lt3A_42 : i1 to i32
      %cond3A = arith.constant 0 : i32
      %cond3A_43 = arith.cmpi ne, %convert_element_type3A, %cond3A : i32
      scf.if %cond3A_43 {
        %add3A_79 = arith.constant 1 : i32
        %add3A_80 = arith.addi %mul3A_39, %add3A_79 : i32
        %mul3A_81 = arith.constant 80 : i32
        %mul3A_82 = arith.muli %add3A_80, %mul3A_81 : i32
        %add3A_83 = arith.addi %mul3A_2, %mul3A_82 : i32
        %add3A_84 = arith.constant 20480 : i32
        %add3A_85 = arith.addi %add3A_84, %add3A_83 : i32
        %run_scoped3A_86 = arith.constant 1 : i32
        "tpu.region"() ({
          %run_scoped3A_111 = tpu.sem_alloc : memref<!tpu.dma_semaphore, #tpu.memory_space<semaphore_mem>>
          %dma_start3A_112 = arith.constant 0 : i32
          %dma_start3A_113 = tpu.memref_slice %arg5[%run_scoped3A_86, %dma_start3A_112] : memref<2x80xi32, #tpu.memory_space<vmem>> -> memref<1x80xi32, #tpu.memory_space<vmem>>
          %dma_start3A_114 = tpu.memref_squeeze %dma_start3A_113 : memref<1x80xi32, #tpu.memory_space<vmem>> -> memref<80xi32, #tpu.memory_space<vmem>>
          %dma_start3A_115 = tpu.memref_slice %arg3[%add3A_85] : memref<51200xi32, #tpu.memory_space<hbm>> -> memref<80xi32, #tpu.memory_space<hbm>>
          %dma_start3A_116 = arith.constant 0 : i32
          %dma_start3A_117 = tpu.memref_slice %arg5[%run_scoped3A_86, %dma_start3A_116] : memref<2x80xi32, #tpu.memory_space<vmem>> -> memref<1x80xi32, #tpu.memory_space<vmem>>
          %dma_start3A_118 = tpu.memref_squeeze %dma_start3A_117 : memref<1x80xi32, #tpu.memory_space<vmem>> -> memref<80xi32, #tpu.memory_space<vmem>>
          %dma_start3A_119 = tpu.memref_slice %arg3[%add3A_85] : memref<51200xi32, #tpu.memory_space<hbm>> -> memref<80xi32, #tpu.memory_space<hbm>>
          tpu.enqueue_dma source(%dma_start3A_119 : memref<80xi32, #tpu.memory_space<hbm>>) target(%dma_start3A_118 : memref<80xi32, #tpu.memory_space<vmem>>) target_semaphore(%run_scoped3A_111 : memref<!tpu.dma_semaphore, #tpu.memory_space<semaphore_mem>>)
          %dma_wait3A_120 = arith.constant 0 : i32
          %dma_wait3A_121 = tpu.memref_slice %arg5[%run_scoped3A_86, %dma_wait3A_120] : memref<2x80xi32, #tpu.memory_space<vmem>> -> memref<1x80xi32, #tpu.memory_space<vmem>>
          %dma_wait3A_122 = tpu.memref_squeeze %dma_wait3A_121 : memref<1x80xi32, #tpu.memory_space<vmem>> -> memref<80xi32, #tpu.memory_space<vmem>>
          %dma_wait3A_123 = tpu.memref_slice %arg3[%add3A_85] : memref<51200xi32, #tpu.memory_space<hbm>> -> memref<80xi32, #tpu.memory_space<hbm>>
          %dma_wait3A_124 = arith.constant 0 : i32
          %dma_wait3A_125 = tpu.memref_slice %arg5[%run_scoped3A_86, %dma_wait3A_124] : memref<2x80xi32, #tpu.memory_space<vmem>> -> memref<1x80xi32, #tpu.memory_space<vmem>>
          %dma_wait3A_126 = tpu.memref_squeeze %dma_wait3A_125 : memref<1x80xi32, #tpu.memory_space<vmem>> -> memref<80xi32, #tpu.memory_space<vmem>>
          %dma_wait3A_127 = tpu.memref_slice %arg3[%add3A_85] : memref<51200xi32, #tpu.memory_space<hbm>> -> memref<80xi32, #tpu.memory_space<hbm>>
          tpu.wait_dma2 semaphore(%run_scoped3A_111 : memref<!tpu.dma_semaphore, #tpu.memory_space<semaphore_mem>>) src(%dma_wait3A_127 : memref<80xi32, #tpu.memory_space<hbm>>) dst(%dma_wait3A_126 : memref<80xi32, #tpu.memory_space<vmem>>)
          tpu.yield
        }) : () -> ()
        %dma_start3A_87 = arith.constant 1 : i32
        %dma_start3A_88 = arith.constant 1 : i32
        %dma_start3A_89 = arith.constant 0 : i32
        %dma_start3A_90 = arith.constant 0 : i32
        %dma_start3A_91 = tpu.memref_slice %arg6[%dma_start3A_88, %dma_start3A_89, %dma_start3A_90] : memref<2x80x256xi32, #tpu.memory_space<vmem>> -> memref<1x80x128xi32, #tpu.memory_space<vmem>>
        %dma_start3A_92 = tpu.memref_squeeze %dma_start3A_91 : memref<1x80x128xi32, #tpu.memory_space<vmem>> -> memref<80x128xi32, #tpu.memory_space<vmem>>
        %dma_start3A_93 = arith.constant 0 : i32
        %dma_start3A_94 = tpu.memref_slice %arg5[%dma_start3A_87, %dma_start3A_93] : memref<2x80xi32, #tpu.memory_space<vmem>> -> memref<1x80xi32, #tpu.memory_space<vmem>>
        %dma_start3A_95 = tpu.memref_squeeze %dma_start3A_94 : memref<1x80xi32, #tpu.memory_space<vmem>> -> memref<80xi32, #tpu.memory_space<vmem>>
        %dma_start3A_96 = arith.constant 0 : i32
        %dma_start3A_97 = arith.constant 0 : i32
        %dma_start3A_98 = tpu.memref_slice %arg2[%dma_start3A_96, %dma_start3A_97] : memref<100000x256xi32, #tpu.memory_space<hbm>> -> memref<100000x128xi32, #tpu.memory_space<hbm>>
        tpu.enqueue_indirect_dma source(%dma_start3A_98 : memref<100000x128xi32, #tpu.memory_space<hbm>>) target(%dma_start3A_92 : memref<80x128xi32, #tpu.memory_space<vmem>>) offsets(%dma_start3A_95 : memref<80xi32, #tpu.memory_space<vmem>>) semaphore(%arg8 : memref<!tpu.dma_semaphore, #tpu.memory_space<semaphore_mem>>)
        %dma_start3A_99 = arith.constant 1 : i32
        %dma_start3A_100 = arith.constant 1 : i32
        %dma_start3A_101 = arith.constant 0 : i32
        %dma_start3A_102 = arith.constant 128 : i32
        %dma_start3A_103 = tpu.memref_slice %arg6[%dma_start3A_100, %dma_start3A_101, %dma_start3A_102] : memref<2x80x256xi32, #tpu.memory_space<vmem>> -> memref<1x80x128xi32, #tpu.memory_space<vmem>>
        %dma_start3A_104 = tpu.memref_squeeze %dma_start3A_103 : memref<1x80x128xi32, #tpu.memory_space<vmem>> -> memref<80x128xi32, #tpu.memory_space<vmem>>
        %dma_start3A_105 = arith.constant 0 : i32
        %dma_start3A_106 = tpu.memref_slice %arg5[%dma_start3A_99, %dma_start3A_105] : memref<2x80xi32, #tpu.memory_space<vmem>> -> memref<1x80xi32, #tpu.memory_space<vmem>>
        %dma_start3A_107 = tpu.memref_squeeze %dma_start3A_106 : memref<1x80xi32, #tpu.memory_space<vmem>> -> memref<80xi32, #tpu.memory_space<vmem>>
        %dma_start3A_108 = arith.constant 0 : i32
        %dma_start3A_109 = arith.constant 128 : i32
        %dma_start3A_110 = tpu.memref_slice %arg2[%dma_start3A_108, %dma_start3A_109] : memref<100000x256xi32, #tpu.memory_space<hbm>> -> memref<100000x128xi32, #tpu.memory_space<hbm>>
        tpu.enqueue_indirect_dma source(%dma_start3A_110 : memref<100000x128xi32, #tpu.memory_space<hbm>>) target(%dma_start3A_104 : memref<80x128xi32, #tpu.memory_space<vmem>>) offsets(%dma_start3A_107 : memref<80xi32, #tpu.memory_space<vmem>>) semaphore(%arg8 : memref<!tpu.dma_semaphore, #tpu.memory_space<semaphore_mem>>)
      } else {
      }
      %dma_wait3A = arith.constant 0 : i32
      %dma_wait3A_44 = arith.constant 0 : i32
      %dma_wait3A_45 = arith.constant 0 : i32
      %dma_wait3A_46 = arith.constant 0 : i32
      %dma_wait3A_47 = tpu.memref_slice %arg6[%dma_wait3A_44, %dma_wait3A_45, %dma_wait3A_46] : memref<2x80x256xi32, #tpu.memory_space<vmem>> -> memref<1x80x128xi32, #tpu.memory_space<vmem>>
      %dma_wait3A_48 = tpu.memref_squeeze %dma_wait3A_47 : memref<1x80x128xi32, #tpu.memory_space<vmem>> -> memref<80x128xi32, #tpu.memory_space<vmem>>
      %dma_wait3A_49 = arith.constant 0 : i32
      %dma_wait3A_50 = tpu.memref_slice %arg5[%dma_wait3A, %dma_wait3A_49] : memref<2x80xi32, #tpu.memory_space<vmem>> -> memref<1x80xi32, #tpu.memory_space<vmem>>
      %dma_wait3A_51 = tpu.memref_squeeze %dma_wait3A_50 : memref<1x80xi32, #tpu.memory_space<vmem>> -> memref<80xi32, #tpu.memory_space<vmem>>
      %dma_wait3A_52 = arith.constant 0 : i32
      %dma_wait3A_53 = arith.constant 0 : i32
      %dma_wait3A_54 = tpu.memref_slice %arg2[%dma_wait3A_52, %dma_wait3A_53] : memref<100000x256xi32, #tpu.memory_space<hbm>> -> memref<100000x128xi32, #tpu.memory_space<hbm>>
      tpu.wait_indirect_dma semaphore(%arg7 : memref<!tpu.dma_semaphore, #tpu.memory_space<semaphore_mem>>) src(%dma_wait3A_54 : memref<100000x128xi32, #tpu.memory_space<hbm>>) dst(%dma_wait3A_48 : memref<80x128xi32, #tpu.memory_space<vmem>>)
      %dma_wait3A_55 = arith.constant 0 : i32
      %dma_wait3A_56 = arith.constant 0 : i32
      %dma_wait3A_57 = arith.constant 0 : i32
      %dma_wait3A_58 = arith.constant 128 : i32
      %dma_wait3A_59 = tpu.memref_slice %arg6[%dma_wait3A_56, %dma_wait3A_57, %dma_wait3A_58] : memref<2x80x256xi32, #tpu.memory_space<vmem>> -> memref<1x80x128xi32, #tpu.memory_space<vmem>>
      %dma_wait3A_60 = tpu.memref_squeeze %dma_wait3A_59 : memref<1x80x128xi32, #tpu.memory_space<vmem>> -> memref<80x128xi32, #tpu.memory_space<vmem>>
      %dma_wait3A_61 = arith.constant 0 : i32
      %dma_wait3A_62 = tpu.memref_slice %arg5[%dma_wait3A_55, %dma_wait3A_61] : memref<2x80xi32, #tpu.memory_space<vmem>> -> memref<1x80xi32, #tpu.memory_space<vmem>>
      %dma_wait3A_63 = tpu.memref_squeeze %dma_wait3A_62 : memref<1x80xi32, #tpu.memory_space<vmem>> -> memref<80xi32, #tpu.memory_space<vmem>>
      %dma_wait3A_64 = arith.constant 0 : i32
      %dma_wait3A_65 = arith.constant 128 : i32
      %dma_wait3A_66 = tpu.memref_slice %arg2[%dma_wait3A_64, %dma_wait3A_65] : memref<100000x256xi32, #tpu.memory_space<hbm>> -> memref<100000x128xi32, #tpu.memory_space<hbm>>
      tpu.wait_indirect_dma semaphore(%arg7 : memref<!tpu.dma_semaphore, #tpu.memory_space<semaphore_mem>>) src(%dma_wait3A_66 : memref<100000x128xi32, #tpu.memory_space<hbm>>) dst(%dma_wait3A_60 : memref<80x128xi32, #tpu.memory_space<vmem>>)
      %mul3A_67 = arith.constant 80 : i32
      %mul3A_68 = arith.muli %mul3A_39, %mul3A_67 : i32
      %add3A_69 = arith.addi %mul3A_2, %mul3A_68 : i32
      %run_scoped3A_70 = arith.constant 0 : i32
      "tpu.region"() ({
        %run_scoped3A_79 = tpu.sem_alloc : memref<!tpu.dma_semaphore, #tpu.memory_space<semaphore_mem>>
        %dma_start3A_80 = arith.constant 0 : i32
        %dma_start3A_81 = arith.constant 0 : i32
        %dma_start3A_82 = tpu.memref_slice %arg6[%run_scoped3A_70, %dma_start3A_80, %dma_start3A_81] : memref<2x80x256xi32, #tpu.memory_space<vmem>> -> memref<1x80x256xi32, #tpu.memory_space<vmem>>
        %dma_start3A_83 = tpu.memref_squeeze %dma_start3A_82 : memref<1x80x256xi32, #tpu.memory_space<vmem>> -> memref<80x256xi32, #tpu.memory_space<vmem>>
        %dma_start3A_84 = arith.constant 0 : i32
        %dma_start3A_85 = tpu.memref_slice %arg4[%add3A_69, %dma_start3A_84] : memref<10240x256xi32, #tpu.memory_space<hbm>> -> memref<80x256xi32, #tpu.memory_space<hbm>>
        %dma_start3A_86 = arith.constant 0 : i32
        %dma_start3A_87 = tpu.memref_slice %arg4[%add3A_69, %dma_start3A_86] : memref<10240x256xi32, #tpu.memory_space<hbm>> -> memref<80x256xi32, #tpu.memory_space<hbm>>
        %dma_start3A_88 = arith.constant 0 : i32
        %dma_start3A_89 = arith.constant 0 : i32
        %dma_start3A_90 = tpu.memref_slice %arg6[%run_scoped3A_70, %dma_start3A_88, %dma_start3A_89] : memref<2x80x256xi32, #tpu.memory_space<vmem>> -> memref<1x80x256xi32, #tpu.memory_space<vmem>>
        %dma_start3A_91 = tpu.memref_squeeze %dma_start3A_90 : memref<1x80x256xi32, #tpu.memory_space<vmem>> -> memref<80x256xi32, #tpu.memory_space<vmem>>
        tpu.enqueue_dma source(%dma_start3A_91 : memref<80x256xi32, #tpu.memory_space<vmem>>) target(%dma_start3A_87 : memref<80x256xi32, #tpu.memory_space<hbm>>) target_semaphore(%run_scoped3A_79 : memref<!tpu.dma_semaphore, #tpu.memory_space<semaphore_mem>>)
        %dma_wait3A_92 = arith.constant 0 : i32
        %dma_wait3A_93 = arith.constant 0 : i32
        %dma_wait3A_94 = tpu.memref_slice %arg6[%run_scoped3A_70, %dma_wait3A_92, %dma_wait3A_93] : memref<2x80x256xi32, #tpu.memory_space<vmem>> -> memref<1x80x256xi32, #tpu.memory_space<vmem>>
        %dma_wait3A_95 = tpu.memref_squeeze %dma_wait3A_94 : memref<1x80x256xi32, #tpu.memory_space<vmem>> -> memref<80x256xi32, #tpu.memory_space<vmem>>
        %dma_wait3A_96 = arith.constant 0 : i32
        %dma_wait3A_97 = tpu.memref_slice %arg4[%add3A_69, %dma_wait3A_96] : memref<10240x256xi32, #tpu.memory_space<hbm>> -> memref<80x256xi32, #tpu.memory_space<hbm>>
        %dma_wait3A_98 = arith.constant 0 : i32
        %dma_wait3A_99 = tpu.memref_slice %arg4[%add3A_69, %dma_wait3A_98] : memref<10240x256xi32, #tpu.memory_space<hbm>> -> memref<80x256xi32, #tpu.memory_space<hbm>>
        %dma_wait3A_100 = arith.constant 0 : i32
        %dma_wait3A_101 = arith.constant 0 : i32
        %dma_wait3A_102 = tpu.memref_slice %arg6[%run_scoped3A_70, %dma_wait3A_100, %dma_wait3A_101] : memref<2x80x256xi32, #tpu.memory_space<vmem>> -> memref<1x80x256xi32, #tpu.memory_space<vmem>>
        %dma_wait3A_103 = tpu.memref_squeeze %dma_wait3A_102 : memref<1x80x256xi32, #tpu.memory_space<vmem>> -> memref<80x256xi32, #tpu.memory_space<vmem>>
        tpu.wait_dma2 semaphore(%run_scoped3A_79 : memref<!tpu.dma_semaphore, #tpu.memory_space<semaphore_mem>>) src(%dma_wait3A_103 : memref<80x256xi32, #tpu.memory_space<vmem>>) dst(%dma_wait3A_99 : memref<80x256xi32, #tpu.memory_space<hbm>>)
        tpu.yield
      }) : () -> ()
      %add3A_71 = arith.constant 1 : i32
      %add3A_72 = arith.addi %mul3A_39, %add3A_71 : i32
      %lt3A_73 = arith.constant 4 : i32
      %lt3A_74 = arith.cmpi slt, %add3A_72, %lt3A_73 : i32
      %convert_element_type3A_75 = arith.extui %lt3A_74 : i1 to i32
      %cond3A_76 = arith.constant 0 : i32
      %cond3A_77 = arith.cmpi ne, %convert_element_type3A_75, %cond3A_76 : i32
      scf.if %cond3A_77 {
        %add3A_79 = arith.constant 2 : i32
        %add3A_80 = arith.addi %mul3A_39, %add3A_79 : i32
        %lt3A_81 = arith.constant 4 : i32
        %lt3A_82 = arith.cmpi slt, %add3A_80, %lt3A_81 : i32
        %convert_element_type3A_83 = arith.extui %lt3A_82 : i1 to i32
        %cond3A_84 = arith.constant 0 : i32
        %cond3A_85 = arith.cmpi ne, %convert_element_type3A_83, %cond3A_84 : i32
        scf.if %cond3A_85 {
          %add3A_116 = arith.constant 2 : i32
          %add3A_117 = arith.addi %mul3A_39, %add3A_116 : i32
          %mul3A_118 = arith.constant 80 : i32
          %mul3A_119 = arith.muli %add3A_117, %mul3A_118 : i32
          %add3A_120 = arith.addi %mul3A_2, %mul3A_119 : i32
          %add3A_121 = arith.constant 20480 : i32
          %add3A_122 = arith.addi %add3A_121, %add3A_120 : i32
          %run_scoped3A_123 = arith.constant 0 : i32
          "tpu.region"() ({
            %run_scoped3A_148 = tpu.sem_alloc : memref<!tpu.dma_semaphore, #tpu.memory_space<semaphore_mem>>
            %dma_start3A_149 = arith.constant 0 : i32
            %dma_start3A_150 = tpu.memref_slice %arg5[%run_scoped3A_123, %dma_start3A_149] : memref<2x80xi32, #tpu.memory_space<vmem>> -> memref<1x80xi32, #tpu.memory_space<vmem>>
            %dma_start3A_151 = tpu.memref_squeeze %dma_start3A_150 : memref<1x80xi32, #tpu.memory_space<vmem>> -> memref<80xi32, #tpu.memory_space<vmem>>
            %dma_start3A_152 = tpu.memref_slice %arg3[%add3A_122] : memref<51200xi32, #tpu.memory_space<hbm>> -> memref<80xi32, #tpu.memory_space<hbm>>
            %dma_start3A_153 = arith.constant 0 : i32
            %dma_start3A_154 = tpu.memref_slice %arg5[%run_scoped3A_123, %dma_start3A_153] : memref<2x80xi32, #tpu.memory_space<vmem>> -> memref<1x80xi32, #tpu.memory_space<vmem>>
            %dma_start3A_155 = tpu.memref_squeeze %dma_start3A_154 : memref<1x80xi32, #tpu.memory_space<vmem>> -> memref<80xi32, #tpu.memory_space<vmem>>
            %dma_start3A_156 = tpu.memref_slice %arg3[%add3A_122] : memref<51200xi32, #tpu.memory_space<hbm>> -> memref<80xi32, #tpu.memory_space<hbm>>
            tpu.enqueue_dma source(%dma_start3A_156 : memref<80xi32, #tpu.memory_space<hbm>>) target(%dma_start3A_155 : memref<80xi32, #tpu.memory_space<vmem>>) target_semaphore(%run_scoped3A_148 : memref<!tpu.dma_semaphore, #tpu.memory_space<semaphore_mem>>)
            %dma_wait3A_157 = arith.constant 0 : i32
            %dma_wait3A_158 = tpu.memref_slice %arg5[%run_scoped3A_123, %dma_wait3A_157] : memref<2x80xi32, #tpu.memory_space<vmem>> -> memref<1x80xi32, #tpu.memory_space<vmem>>
            %dma_wait3A_159 = tpu.memref_squeeze %dma_wait3A_158 : memref<1x80xi32, #tpu.memory_space<vmem>> -> memref<80xi32, #tpu.memory_space<vmem>>
            %dma_wait3A_160 = tpu.memref_slice %arg3[%add3A_122] : memref<51200xi32, #tpu.memory_space<hbm>> -> memref<80xi32, #tpu.memory_space<hbm>>
            %dma_wait3A_161 = arith.constant 0 : i32
            %dma_wait3A_162 = tpu.memref_slice %arg5[%run_scoped3A_123, %dma_wait3A_161] : memref<2x80xi32, #tpu.memory_space<vmem>> -> memref<1x80xi32, #tpu.memory_space<vmem>>
            %dma_wait3A_163 = tpu.memref_squeeze %dma_wait3A_162 : memref<1x80xi32, #tpu.memory_space<vmem>> -> memref<80xi32, #tpu.memory_space<vmem>>
            %dma_wait3A_164 = tpu.memref_slice %arg3[%add3A_122] : memref<51200xi32, #tpu.memory_space<hbm>> -> memref<80xi32, #tpu.memory_space<hbm>>
            tpu.wait_dma2 semaphore(%run_scoped3A_148 : memref<!tpu.dma_semaphore, #tpu.memory_space<semaphore_mem>>) src(%dma_wait3A_164 : memref<80xi32, #tpu.memory_space<hbm>>) dst(%dma_wait3A_163 : memref<80xi32, #tpu.memory_space<vmem>>)
            tpu.yield
          }) : () -> ()
          %dma_start3A_124 = arith.constant 0 : i32
          %dma_start3A_125 = arith.constant 0 : i32
          %dma_start3A_126 = arith.constant 0 : i32
          %dma_start3A_127 = arith.constant 0 : i32
          %dma_start3A_128 = tpu.memref_slice %arg6[%dma_start3A_125, %dma_start3A_126, %dma_start3A_127] : memref<2x80x256xi32, #tpu.memory_space<vmem>> -> memref<1x80x128xi32, #tpu.memory_space<vmem>>
          %dma_start3A_129 = tpu.memref_squeeze %dma_start3A_128 : memref<1x80x128xi32, #tpu.memory_space<vmem>> -> memref<80x128xi32, #tpu.memory_space<vmem>>
          %dma_start3A_130 = arith.constant 0 : i32
          %dma_start3A_131 = tpu.memref_slice %arg5[%dma_start3A_124, %dma_start3A_130] : memref<2x80xi32, #tpu.memory_space<vmem>> -> memref<1x80xi32, #tpu.memory_space<vmem>>
          %dma_start3A_132 = tpu.memref_squeeze %dma_start3A_131 : memref<1x80xi32, #tpu.memory_space<vmem>> -> memref<80xi32, #tpu.memory_space<vmem>>
          %dma_start3A_133 = arith.constant 0 : i32
          %dma_start3A_134 = arith.constant 0 : i32
          %dma_start3A_135 = tpu.memref_slice %arg2[%dma_start3A_133, %dma_start3A_134] : memref<100000x256xi32, #tpu.memory_space<hbm>> -> memref<100000x128xi32, #tpu.memory_space<hbm>>
          tpu.enqueue_indirect_dma source(%dma_start3A_135 : memref<100000x128xi32, #tpu.memory_space<hbm>>) target(%dma_start3A_129 : memref<80x128xi32, #tpu.memory_space<vmem>>) offsets(%dma_start3A_132 : memref<80xi32, #tpu.memory_space<vmem>>) semaphore(%arg7 : memref<!tpu.dma_semaphore, #tpu.memory_space<semaphore_mem>>)
          %dma_start3A_136 = arith.constant 0 : i32
          %dma_start3A_137 = arith.constant 0 : i32
          %dma_start3A_138 = arith.constant 0 : i32
          %dma_start3A_139 = arith.constant 128 : i32
          %dma_start3A_140 = tpu.memref_slice %arg6[%dma_start3A_137, %dma_start3A_138, %dma_start3A_139] : memref<2x80x256xi32, #tpu.memory_space<vmem>> -> memref<1x80x128xi32, #tpu.memory_space<vmem>>
          %dma_start3A_141 = tpu.memref_squeeze %dma_start3A_140 : memref<1x80x128xi32, #tpu.memory_space<vmem>> -> memref<80x128xi32, #tpu.memory_space<vmem>>
          %dma_start3A_142 = arith.constant 0 : i32
          %dma_start3A_143 = tpu.memref_slice %arg5[%dma_start3A_136, %dma_start3A_142] : memref<2x80xi32, #tpu.memory_space<vmem>> -> memref<1x80xi32, #tpu.memory_space<vmem>>
          %dma_start3A_144 = tpu.memref_squeeze %dma_start3A_143 : memref<1x80xi32, #tpu.memory_space<vmem>> -> memref<80xi32, #tpu.memory_space<vmem>>
          %dma_start3A_145 = arith.constant 0 : i32
          %dma_start3A_146 = arith.constant 128 : i32
          %dma_start3A_147 = tpu.memref_slice %arg2[%dma_start3A_145, %dma_start3A_146] : memref<100000x256xi32, #tpu.memory_space<hbm>> -> memref<100000x128xi32, #tpu.memory_space<hbm>>
          tpu.enqueue_indirect_dma source(%dma_start3A_147 : memref<100000x128xi32, #tpu.memory_space<hbm>>) target(%dma_start3A_141 : memref<80x128xi32, #tpu.memory_space<vmem>>) offsets(%dma_start3A_144 : memref<80xi32, #tpu.memory_space<vmem>>) semaphore(%arg7 : memref<!tpu.dma_semaphore, #tpu.memory_space<semaphore_mem>>)
        } else {
        }
        %add3A_86 = arith.constant 1 : i32
        %add3A_87 = arith.addi %mul3A_39, %add3A_86 : i32
        %dma_wait3A_88 = arith.constant 1 : i32
        %dma_wait3A_89 = arith.constant 1 : i32
        %dma_wait3A_90 = arith.constant 0 : i32
        %dma_wait3A_91 = arith.constant 0 : i32
        %dma_wait3A_92 = tpu.memref_slice %arg6[%dma_wait3A_89, %dma_wait3A_90, %dma_wait3A_91] : memref<2x80x256xi32, #tpu.memory_space<vmem>> -> memref<1x80x128xi32, #tpu.memory_space<vmem>>
        %dma_wait3A_93 = tpu.memref_squeeze %dma_wait3A_92 : memref<1x80x128xi32, #tpu.memory_space<vmem>> -> memref<80x128xi32, #tpu.memory_space<vmem>>
        %dma_wait3A_94 = arith.constant 0 : i32
        %dma_wait3A_95 = tpu.memref_slice %arg5[%dma_wait3A_88, %dma_wait3A_94] : memref<2x80xi32, #tpu.memory_space<vmem>> -> memref<1x80xi32, #tpu.memory_space<vmem>>
        %dma_wait3A_96 = tpu.memref_squeeze %dma_wait3A_95 : memref<1x80xi32, #tpu.memory_space<vmem>> -> memref<80xi32, #tpu.memory_space<vmem>>
        %dma_wait3A_97 = arith.constant 0 : i32
        %dma_wait3A_98 = arith.constant 0 : i32
        %dma_wait3A_99 = tpu.memref_slice %arg2[%dma_wait3A_97, %dma_wait3A_98] : memref<100000x256xi32, #tpu.memory_space<hbm>> -> memref<100000x128xi32, #tpu.memory_space<hbm>>
        tpu.wait_indirect_dma semaphore(%arg8 : memref<!tpu.dma_semaphore, #tpu.memory_space<semaphore_mem>>) src(%dma_wait3A_99 : memref<100000x128xi32, #tpu.memory_space<hbm>>) dst(%dma_wait3A_93 : memref<80x128xi32, #tpu.memory_space<vmem>>)
        %dma_wait3A_100 = arith.constant 1 : i32
        %dma_wait3A_101 = arith.constant 1 : i32
        %dma_wait3A_102 = arith.constant 0 : i32
        %dma_wait3A_103 = arith.constant 128 : i32
        %dma_wait3A_104 = tpu.memref_slice %arg6[%dma_wait3A_101, %dma_wait3A_102, %dma_wait3A_103] : memref<2x80x256xi32, #tpu.memory_space<vmem>> -> memref<1x80x128xi32, #tpu.memory_space<vmem>>
        %dma_wait3A_105 = tpu.memref_squeeze %dma_wait3A_104 : memref<1x80x128xi32, #tpu.memory_space<vmem>> -> memref<80x128xi32, #tpu.memory_space<vmem>>
        %dma_wait3A_106 = arith.constant 0 : i32
        %dma_wait3A_107 = tpu.memref_slice %arg5[%dma_wait3A_100, %dma_wait3A_106] : memref<2x80xi32, #tpu.memory_space<vmem>> -> memref<1x80xi32, #tpu.memory_space<vmem>>
        %dma_wait3A_108 = tpu.memref_squeeze %dma_wait3A_107 : memref<1x80xi32, #tpu.memory_space<vmem>> -> memref<80xi32, #tpu.memory_space<vmem>>
        %dma_wait3A_109 = arith.constant 0 : i32
        %dma_wait3A_110 = arith.constant 128 : i32
        %dma_wait3A_111 = tpu.memref_slice %arg2[%dma_wait3A_109, %dma_wait3A_110] : memref<100000x256xi32, #tpu.memory_space<hbm>> -> memref<100000x128xi32, #tpu.memory_space<hbm>>
        tpu.wait_indirect_dma semaphore(%arg8 : memref<!tpu.dma_semaphore, #tpu.memory_space<semaphore_mem>>) src(%dma_wait3A_111 : memref<100000x128xi32, #tpu.memory_space<hbm>>) dst(%dma_wait3A_105 : memref<80x128xi32, #tpu.memory_space<vmem>>)
        %mul3A_112 = arith.constant 80 : i32
        %mul3A_113 = arith.muli %add3A_87, %mul3A_112 : i32
        %add3A_114 = arith.addi %mul3A_2, %mul3A_113 : i32
        %run_scoped3A_115 = arith.constant 1 : i32
        "tpu.region"() ({
          %run_scoped3A_116 = tpu.sem_alloc : memref<!tpu.dma_semaphore, #tpu.memory_space<semaphore_mem>>
          %dma_start3A_117 = arith.constant 0 : i32
          %dma_start3A_118 = arith.constant 0 : i32
          %dma_start3A_119 = tpu.memref_slice %arg6[%run_scoped3A_115, %dma_start3A_117, %dma_start3A_118] : memref<2x80x256xi32, #tpu.memory_space<vmem>> -> memref<1x80x256xi32, #tpu.memory_space<vmem>>
          %dma_start3A_120 = tpu.memref_squeeze %dma_start3A_119 : memref<1x80x256xi32, #tpu.memory_space<vmem>> -> memref<80x256xi32, #tpu.memory_space<vmem>>
          %dma_start3A_121 = arith.constant 0 : i32
          %dma_start3A_122 = tpu.memref_slice %arg4[%add3A_114, %dma_start3A_121] : memref<10240x256xi32, #tpu.memory_space<hbm>> -> memref<80x256xi32, #tpu.memory_space<hbm>>
          %dma_start3A_123 = arith.constant 0 : i32
          %dma_start3A_124 = tpu.memref_slice %arg4[%add3A_114, %dma_start3A_123] : memref<10240x256xi32, #tpu.memory_space<hbm>> -> memref<80x256xi32, #tpu.memory_space<hbm>>
          %dma_start3A_125 = arith.constant 0 : i32
          %dma_start3A_126 = arith.constant 0 : i32
          %dma_start3A_127 = tpu.memref_slice %arg6[%run_scoped3A_115, %dma_start3A_125, %dma_start3A_126] : memref<2x80x256xi32, #tpu.memory_space<vmem>> -> memref<1x80x256xi32, #tpu.memory_space<vmem>>
          %dma_start3A_128 = tpu.memref_squeeze %dma_start3A_127 : memref<1x80x256xi32, #tpu.memory_space<vmem>> -> memref<80x256xi32, #tpu.memory_space<vmem>>
          tpu.enqueue_dma source(%dma_start3A_128 : memref<80x256xi32, #tpu.memory_space<vmem>>) target(%dma_start3A_124 : memref<80x256xi32, #tpu.memory_space<hbm>>) target_semaphore(%run_scoped3A_116 : memref<!tpu.dma_semaphore, #tpu.memory_space<semaphore_mem>>)
          %dma_wait3A_129 = arith.constant 0 : i32
          %dma_wait3A_130 = arith.constant 0 : i32
          %dma_wait3A_131 = tpu.memref_slice %arg6[%run_scoped3A_115, %dma_wait3A_129, %dma_wait3A_130] : memref<2x80x256xi32, #tpu.memory_space<vmem>> -> memref<1x80x256xi32, #tpu.memory_space<vmem>>
          %dma_wait3A_132 = tpu.memref_squeeze %dma_wait3A_131 : memref<1x80x256xi32, #tpu.memory_space<vmem>> -> memref<80x256xi32, #tpu.memory_space<vmem>>
          %dma_wait3A_133 = arith.constant 0 : i32
          %dma_wait3A_134 = tpu.memref_slice %arg4[%add3A_114, %dma_wait3A_133] : memref<10240x256xi32, #tpu.memory_space<hbm>> -> memref<80x256xi32, #tpu.memory_space<hbm>>
          %dma_wait3A_135 = arith.constant 0 : i32
          %dma_wait3A_136 = tpu.memref_slice %arg4[%add3A_114, %dma_wait3A_135] : memref<10240x256xi32, #tpu.memory_space<hbm>> -> memref<80x256xi32, #tpu.memory_space<hbm>>
          %dma_wait3A_137 = arith.constant 0 : i32
          %dma_wait3A_138 = arith.constant 0 : i32
          %dma_wait3A_139 = tpu.memref_slice %arg6[%run_scoped3A_115, %dma_wait3A_137, %dma_wait3A_138] : memref<2x80x256xi32, #tpu.memory_space<vmem>> -> memref<1x80x256xi32, #tpu.memory_space<vmem>>
          %dma_wait3A_140 = tpu.memref_squeeze %dma_wait3A_139 : memref<1x80x256xi32, #tpu.memory_space<vmem>> -> memref<80x256xi32, #tpu.memory_space<vmem>>
          tpu.wait_dma2 semaphore(%run_scoped3A_116 : memref<!tpu.dma_semaphore, #tpu.memory_space<semaphore_mem>>) src(%dma_wait3A_140 : memref<80x256xi32, #tpu.memory_space<vmem>>) dst(%dma_wait3A_136 : memref<80x256xi32, #tpu.memory_space<hbm>>)
          tpu.yield
        }) : () -> ()
      } else {
      }
      %scan3A_78 = arith.constant 0 : i32
      scf.yield %scan3A_78 : i32
    }
    %scan3A_35 = arith.constant 2 : i32
    return
  }
}

#map = affine_map<(d0, d1) -> (0, 0)>
#map1 = affine_map<(d0, d1) -> (0)>
module attributes {stable_mosaic.version = 14 : i64} {
  func.func @gather(%arg0: i32, %arg1: i32, %arg2: memref<100000x256xi32, #tpu.memory_space<hbm>>, %arg3: memref<51200xi32, #tpu.memory_space<hbm>>, %arg4: memref<10240x256xi32, #tpu.memory_space<hbm>>, %arg5: memref<2x80xi32, #tpu.memory_space<vmem>>, %arg6: memref<2x80x256xi32, #tpu.memory_space<vmem>>, %arg7: memref<!tpu.dma_semaphore, #tpu.memory_space<semaphore_mem>>, %arg8: memref<!tpu.dma_semaphore, #tpu.memory_space<semaphore_mem>>) attributes {dimension_semantics = [#tpu.dimension_semantics<core_parallel>, #tpu.dimension_semantics<subcore_parallel>], iteration_bounds = array<i64: 2, 16>, scalar_prefetch = 0 : i64, scratch_operands = 4 : i64, tpu.core_type = #tpu.core_type<sc_vector_subcore>, window_params = [{transform_indices = #map}, {transform_indices = #map1}, {transform_indices = #map}]} {
    %mul3A = arith.constant 2 : i32
    %mul3A_0 = arith.muli %arg1, %mul3A : i32
    %add3A = arith.addi %mul3A_0, %arg0 : i32
    %mul3A_1 = arith.constant 320 : i32
    %mul3A_2 = arith.muli %add3A, %mul3A_1 : i32
    %add3A_3 = arith.constant 0 : i32
    %add3A_4 = arith.addi %mul3A_2, %add3A_3 : i32
    %add3A_5 = arith.constant 40960 : i32
    %add3A_6 = arith.addi %add3A_5, %add3A_4 : i32
    %run_scoped3A = arith.constant 0 : i32
    "tpu.region"() ({
      %run_scoped3A_36 = tpu.sem_alloc : memref<!tpu.dma_semaphore, #tpu.memory_space<semaphore_mem>>
      %dma_start3A_37 = arith.constant 0 : i32
      %dma_start3A_38 = tpu.memref_slice %arg5[%run_scoped3A, %dma_start3A_37] : memref<2x80xi32, #tpu.memory_space<vmem>> -> memref<1x80xi32, #tpu.memory_space<vmem>>
      %dma_start3A_39 = tpu.memref_squeeze %dma_start3A_38 : memref<1x80xi32, #tpu.memory_space<vmem>> -> memref<80xi32, #tpu.memory_space<vmem>>
      %dma_start3A_40 = tpu.memref_slice %arg3[%add3A_6] : memref<51200xi32, #tpu.memory_space<hbm>> -> memref<80xi32, #tpu.memory_space<hbm>>
      %dma_start3A_41 = arith.constant 0 : i32
      %dma_start3A_42 = tpu.memref_slice %arg5[%run_scoped3A, %dma_start3A_41] : memref<2x80xi32, #tpu.memory_space<vmem>> -> memref<1x80xi32, #tpu.memory_space<vmem>>
      %dma_start3A_43 = tpu.memref_squeeze %dma_start3A_42 : memref<1x80xi32, #tpu.memory_space<vmem>> -> memref<80xi32, #tpu.memory_space<vmem>>
      %dma_start3A_44 = tpu.memref_slice %arg3[%add3A_6] : memref<51200xi32, #tpu.memory_space<hbm>> -> memref<80xi32, #tpu.memory_space<hbm>>
      tpu.enqueue_dma source(%dma_start3A_44 : memref<80xi32, #tpu.memory_space<hbm>>) target(%dma_start3A_43 : memref<80xi32, #tpu.memory_space<vmem>>) target_semaphore(%run_scoped3A_36 : memref<!tpu.dma_semaphore, #tpu.memory_space<semaphore_mem>>)
      %dma_wait3A = arith.constant 0 : i32
      %dma_wait3A_45 = tpu.memref_slice %arg5[%run_scoped3A, %dma_wait3A] : memref<2x80xi32, #tpu.memory_space<vmem>> -> memref<1x80xi32, #tpu.memory_space<vmem>>
      %dma_wait3A_46 = tpu.memref_squeeze %dma_wait3A_45 : memref<1x80xi32, #tpu.memory_space<vmem>> -> memref<80xi32, #tpu.memory_space<vmem>>
      %dma_wait3A_47 = tpu.memref_slice %arg3[%add3A_6] : memref<51200xi32, #tpu.memory_space<hbm>> -> memref<80xi32, #tpu.memory_space<hbm>>
      %dma_wait3A_48 = arith.constant 0 : i32
      %dma_wait3A_49 = tpu.memref_slice %arg5[%run_scoped3A, %dma_wait3A_48] : memref<2x80xi32, #tpu.memory_space<vmem>> -> memref<1x80xi32, #tpu.memory_space<vmem>>
      %dma_wait3A_50 = tpu.memref_squeeze %dma_wait3A_49 : memref<1x80xi32, #tpu.memory_space<vmem>> -> memref<80xi32, #tpu.memory_space<vmem>>
      %dma_wait3A_51 = tpu.memref_slice %arg3[%add3A_6] : memref<51200xi32, #tpu.memory_space<hbm>> -> memref<80xi32, #tpu.memory_space<hbm>>
      tpu.wait_dma2 semaphore(%run_scoped3A_36 : memref<!tpu.dma_semaphore, #tpu.memory_space<semaphore_mem>>) src(%dma_wait3A_51 : memref<80xi32, #tpu.memory_space<hbm>>) dst(%dma_wait3A_50 : memref<80xi32, #tpu.memory_space<vmem>>)
      tpu.yield
    }) : () -> ()
    %dma_start3A = arith.constant 0 : i32
    %dma_start3A_7 = arith.constant 0 : i32
    %dma_start3A_8 = arith.constant 0 : i32
    %dma_start3A_9 = arith.constant 0 : i32
    %dma_start3A_10 = tpu.memref_slice %arg6[%dma_start3A_7, %dma_start3A_8, %dma_start3A_9] : memref<2x80x256xi32, #tpu.memory_space<vmem>> -> memref<1x80x128xi32, #tpu.memory_space<vmem>>
    %dma_start3A_11 = tpu.memref_squeeze %dma_start3A_10 : memref<1x80x128xi32, #tpu.memory_space<vmem>> -> memref<80x128xi32, #tpu.memory_space<vmem>>
    %dma_start3A_12 = arith.constant 0 : i32
    %dma_start3A_13 = tpu.memref_slice %arg5[%dma_start3A, %dma_start3A_12] : memref<2x80xi32, #tpu.memory_space<vmem>> -> memref<1x80xi32, #tpu.memory_space<vmem>>
    %dma_start3A_14 = tpu.memref_squeeze %dma_start3A_13 : memref<1x80xi32, #tpu.memory_space<vmem>> -> memref<80xi32, #tpu.memory_space<vmem>>
    %dma_start3A_15 = arith.constant 0 : i32
    %dma_start3A_16 = arith.constant 0 : i32
    %dma_start3A_17 = tpu.memref_slice %arg2[%dma_start3A_15, %dma_start3A_16] : memref<100000x256xi32, #tpu.memory_space<hbm>> -> memref<100000x128xi32, #tpu.memory_space<hbm>>
    tpu.enqueue_indirect_dma source(%dma_start3A_17 : memref<100000x128xi32, #tpu.memory_space<hbm>>) target(%dma_start3A_11 : memref<80x128xi32, #tpu.memory_space<vmem>>) offsets(%dma_start3A_14 : memref<80xi32, #tpu.memory_space<vmem>>) semaphore(%arg7 : memref<!tpu.dma_semaphore, #tpu.memory_space<semaphore_mem>>)
    %dma_start3A_18 = arith.constant 0 : i32
    %dma_start3A_19 = arith.constant 0 : i32
    %dma_start3A_20 = arith.constant 0 : i32
    %dma_start3A_21 = arith.constant 128 : i32
    %dma_start3A_22 = tpu.memref_slice %arg6[%dma_start3A_19, %dma_start3A_20, %dma_start3A_21] : memref<2x80x256xi32, #tpu.memory_space<vmem>> -> memref<1x80x128xi32, #tpu.memory_space<vmem>>
    %dma_start3A_23 = tpu.memref_squeeze %dma_start3A_22 : memref<1x80x128xi32, #tpu.memory_space<vmem>> -> memref<80x128xi32, #tpu.memory_space<vmem>>
    %dma_start3A_24 = arith.constant 0 : i32
    %dma_start3A_25 = tpu.memref_slice %arg5[%dma_start3A_18, %dma_start3A_24] : memref<2x80xi32, #tpu.memory_space<vmem>> -> memref<1x80xi32, #tpu.memory_space<vmem>>
    %dma_start3A_26 = tpu.memref_squeeze %dma_start3A_25 : memref<1x80xi32, #tpu.memory_space<vmem>> -> memref<80xi32, #tpu.memory_space<vmem>>
    %dma_start3A_27 = arith.constant 0 : i32
    %dma_start3A_28 = arith.constant 128 : i32
    %dma_start3A_29 = tpu.memref_slice %arg2[%dma_start3A_27, %dma_start3A_28] : memref<100000x256xi32, #tpu.memory_space<hbm>> -> memref<100000x128xi32, #tpu.memory_space<hbm>>
    tpu.enqueue_indirect_dma source(%dma_start3A_29 : memref<100000x128xi32, #tpu.memory_space<hbm>>) target(%dma_start3A_23 : memref<80x128xi32, #tpu.memory_space<vmem>>) offsets(%dma_start3A_26 : memref<80xi32, #tpu.memory_space<vmem>>) semaphore(%arg7 : memref<!tpu.dma_semaphore, #tpu.memory_space<semaphore_mem>>)
    %scan3A = arith.constant 0 : i32
    %scan3A_30 = arith.constant 0 : i32
    %scan3A_31 = arith.constant 2 : i32
    %scan3A_32 = arith.addi %scan3A_30, %scan3A_31 : i32
    %scan3A_33 = arith.constant 1 : i32
    %scan3A_34 = scf.for %scan3A_36 = %scan3A_30 to %scan3A_32 step %scan3A_33 iter_args(%scan3A_37 = %scan3A) -> (i32)  : i32 {
      %mul3A_38 = arith.constant 2 : i32
      %mul3A_39 = arith.muli %mul3A_38, %scan3A_36 : i32
      %add3A_40 = arith.constant 1 : i32
      %add3A_41 = arith.addi %mul3A_39, %add3A_40 : i32
      %lt3A = arith.constant 4 : i32
      %lt3A_42 = arith.cmpi slt, %add3A_41, %lt3A : i32
      %convert_element_type3A = arith.extui %lt3A_42 : i1 to i32
      %cond3A = arith.constant 0 : i32
      %cond3A_43 = arith.cmpi ne, %convert_element_type3A, %cond3A : i32
      scf.if %cond3A_43 {
        %add3A_79 = arith.constant 1 : i32
        %add3A_80 = arith.addi %mul3A_39, %add3A_79 : i32
        %mul3A_81 = arith.constant 80 : i32
        %mul3A_82 = arith.muli %add3A_80, %mul3A_81 : i32
        %add3A_83 = arith.addi %mul3A_2, %mul3A_82 : i32
        %add3A_84 = arith.constant 40960 : i32
        %add3A_85 = arith.addi %add3A_84, %add3A_83 : i32
        %run_scoped3A_86 = arith.constant 1 : i32
        "tpu.region"() ({
          %run_scoped3A_111 = tpu.sem_alloc : memref<!tpu.dma_semaphore, #tpu.memory_space<semaphore_mem>>
          %dma_start3A_112 = arith.constant 0 : i32
          %dma_start3A_113 = tpu.memref_slice %arg5[%run_scoped3A_86, %dma_start3A_112] : memref<2x80xi32, #tpu.memory_space<vmem>> -> memref<1x80xi32, #tpu.memory_space<vmem>>
          %dma_start3A_114 = tpu.memref_squeeze %dma_start3A_113 : memref<1x80xi32, #tpu.memory_space<vmem>> -> memref<80xi32, #tpu.memory_space<vmem>>
          %dma_start3A_115 = tpu.memref_slice %arg3[%add3A_85] : memref<51200xi32, #tpu.memory_space<hbm>> -> memref<80xi32, #tpu.memory_space<hbm>>
          %dma_start3A_116 = arith.constant 0 : i32
          %dma_start3A_117 = tpu.memref_slice %arg5[%run_scoped3A_86, %dma_start3A_116] : memref<2x80xi32, #tpu.memory_space<vmem>> -> memref<1x80xi32, #tpu.memory_space<vmem>>
          %dma_start3A_118 = tpu.memref_squeeze %dma_start3A_117 : memref<1x80xi32, #tpu.memory_space<vmem>> -> memref<80xi32, #tpu.memory_space<vmem>>
          %dma_start3A_119 = tpu.memref_slice %arg3[%add3A_85] : memref<51200xi32, #tpu.memory_space<hbm>> -> memref<80xi32, #tpu.memory_space<hbm>>
          tpu.enqueue_dma source(%dma_start3A_119 : memref<80xi32, #tpu.memory_space<hbm>>) target(%dma_start3A_118 : memref<80xi32, #tpu.memory_space<vmem>>) target_semaphore(%run_scoped3A_111 : memref<!tpu.dma_semaphore, #tpu.memory_space<semaphore_mem>>)
          %dma_wait3A_120 = arith.constant 0 : i32
          %dma_wait3A_121 = tpu.memref_slice %arg5[%run_scoped3A_86, %dma_wait3A_120] : memref<2x80xi32, #tpu.memory_space<vmem>> -> memref<1x80xi32, #tpu.memory_space<vmem>>
          %dma_wait3A_122 = tpu.memref_squeeze %dma_wait3A_121 : memref<1x80xi32, #tpu.memory_space<vmem>> -> memref<80xi32, #tpu.memory_space<vmem>>
          %dma_wait3A_123 = tpu.memref_slice %arg3[%add3A_85] : memref<51200xi32, #tpu.memory_space<hbm>> -> memref<80xi32, #tpu.memory_space<hbm>>
          %dma_wait3A_124 = arith.constant 0 : i32
          %dma_wait3A_125 = tpu.memref_slice %arg5[%run_scoped3A_86, %dma_wait3A_124] : memref<2x80xi32, #tpu.memory_space<vmem>> -> memref<1x80xi32, #tpu.memory_space<vmem>>
          %dma_wait3A_126 = tpu.memref_squeeze %dma_wait3A_125 : memref<1x80xi32, #tpu.memory_space<vmem>> -> memref<80xi32, #tpu.memory_space<vmem>>
          %dma_wait3A_127 = tpu.memref_slice %arg3[%add3A_85] : memref<51200xi32, #tpu.memory_space<hbm>> -> memref<80xi32, #tpu.memory_space<hbm>>
          tpu.wait_dma2 semaphore(%run_scoped3A_111 : memref<!tpu.dma_semaphore, #tpu.memory_space<semaphore_mem>>) src(%dma_wait3A_127 : memref<80xi32, #tpu.memory_space<hbm>>) dst(%dma_wait3A_126 : memref<80xi32, #tpu.memory_space<vmem>>)
          tpu.yield
        }) : () -> ()
        %dma_start3A_87 = arith.constant 1 : i32
        %dma_start3A_88 = arith.constant 1 : i32
        %dma_start3A_89 = arith.constant 0 : i32
        %dma_start3A_90 = arith.constant 0 : i32
        %dma_start3A_91 = tpu.memref_slice %arg6[%dma_start3A_88, %dma_start3A_89, %dma_start3A_90] : memref<2x80x256xi32, #tpu.memory_space<vmem>> -> memref<1x80x128xi32, #tpu.memory_space<vmem>>
        %dma_start3A_92 = tpu.memref_squeeze %dma_start3A_91 : memref<1x80x128xi32, #tpu.memory_space<vmem>> -> memref<80x128xi32, #tpu.memory_space<vmem>>
        %dma_start3A_93 = arith.constant 0 : i32
        %dma_start3A_94 = tpu.memref_slice %arg5[%dma_start3A_87, %dma_start3A_93] : memref<2x80xi32, #tpu.memory_space<vmem>> -> memref<1x80xi32, #tpu.memory_space<vmem>>
        %dma_start3A_95 = tpu.memref_squeeze %dma_start3A_94 : memref<1x80xi32, #tpu.memory_space<vmem>> -> memref<80xi32, #tpu.memory_space<vmem>>
        %dma_start3A_96 = arith.constant 0 : i32
        %dma_start3A_97 = arith.constant 0 : i32
        %dma_start3A_98 = tpu.memref_slice %arg2[%dma_start3A_96, %dma_start3A_97] : memref<100000x256xi32, #tpu.memory_space<hbm>> -> memref<100000x128xi32, #tpu.memory_space<hbm>>
        tpu.enqueue_indirect_dma source(%dma_start3A_98 : memref<100000x128xi32, #tpu.memory_space<hbm>>) target(%dma_start3A_92 : memref<80x128xi32, #tpu.memory_space<vmem>>) offsets(%dma_start3A_95 : memref<80xi32, #tpu.memory_space<vmem>>) semaphore(%arg8 : memref<!tpu.dma_semaphore, #tpu.memory_space<semaphore_mem>>)
        %dma_start3A_99 = arith.constant 1 : i32
        %dma_start3A_100 = arith.constant 1 : i32
        %dma_start3A_101 = arith.constant 0 : i32
        %dma_start3A_102 = arith.constant 128 : i32
        %dma_start3A_103 = tpu.memref_slice %arg6[%dma_start3A_100, %dma_start3A_101, %dma_start3A_102] : memref<2x80x256xi32, #tpu.memory_space<vmem>> -> memref<1x80x128xi32, #tpu.memory_space<vmem>>
        %dma_start3A_104 = tpu.memref_squeeze %dma_start3A_103 : memref<1x80x128xi32, #tpu.memory_space<vmem>> -> memref<80x128xi32, #tpu.memory_space<vmem>>
        %dma_start3A_105 = arith.constant 0 : i32
        %dma_start3A_106 = tpu.memref_slice %arg5[%dma_start3A_99, %dma_start3A_105] : memref<2x80xi32, #tpu.memory_space<vmem>> -> memref<1x80xi32, #tpu.memory_space<vmem>>
        %dma_start3A_107 = tpu.memref_squeeze %dma_start3A_106 : memref<1x80xi32, #tpu.memory_space<vmem>> -> memref<80xi32, #tpu.memory_space<vmem>>
        %dma_start3A_108 = arith.constant 0 : i32
        %dma_start3A_109 = arith.constant 128 : i32
        %dma_start3A_110 = tpu.memref_slice %arg2[%dma_start3A_108, %dma_start3A_109] : memref<100000x256xi32, #tpu.memory_space<hbm>> -> memref<100000x128xi32, #tpu.memory_space<hbm>>
        tpu.enqueue_indirect_dma source(%dma_start3A_110 : memref<100000x128xi32, #tpu.memory_space<hbm>>) target(%dma_start3A_104 : memref<80x128xi32, #tpu.memory_space<vmem>>) offsets(%dma_start3A_107 : memref<80xi32, #tpu.memory_space<vmem>>) semaphore(%arg8 : memref<!tpu.dma_semaphore, #tpu.memory_space<semaphore_mem>>)
      } else {
      }
      %dma_wait3A = arith.constant 0 : i32
      %dma_wait3A_44 = arith.constant 0 : i32
      %dma_wait3A_45 = arith.constant 0 : i32
      %dma_wait3A_46 = arith.constant 0 : i32
      %dma_wait3A_47 = tpu.memref_slice %arg6[%dma_wait3A_44, %dma_wait3A_45, %dma_wait3A_46] : memref<2x80x256xi32, #tpu.memory_space<vmem>> -> memref<1x80x128xi32, #tpu.memory_space<vmem>>
      %dma_wait3A_48 = tpu.memref_squeeze %dma_wait3A_47 : memref<1x80x128xi32, #tpu.memory_space<vmem>> -> memref<80x128xi32, #tpu.memory_space<vmem>>
      %dma_wait3A_49 = arith.constant 0 : i32
      %dma_wait3A_50 = tpu.memref_slice %arg5[%dma_wait3A, %dma_wait3A_49] : memref<2x80xi32, #tpu.memory_space<vmem>> -> memref<1x80xi32, #tpu.memory_space<vmem>>
      %dma_wait3A_51 = tpu.memref_squeeze %dma_wait3A_50 : memref<1x80xi32, #tpu.memory_space<vmem>> -> memref<80xi32, #tpu.memory_space<vmem>>
      %dma_wait3A_52 = arith.constant 0 : i32
      %dma_wait3A_53 = arith.constant 0 : i32
      %dma_wait3A_54 = tpu.memref_slice %arg2[%dma_wait3A_52, %dma_wait3A_53] : memref<100000x256xi32, #tpu.memory_space<hbm>> -> memref<100000x128xi32, #tpu.memory_space<hbm>>
      tpu.wait_indirect_dma semaphore(%arg7 : memref<!tpu.dma_semaphore, #tpu.memory_space<semaphore_mem>>) src(%dma_wait3A_54 : memref<100000x128xi32, #tpu.memory_space<hbm>>) dst(%dma_wait3A_48 : memref<80x128xi32, #tpu.memory_space<vmem>>)
      %dma_wait3A_55 = arith.constant 0 : i32
      %dma_wait3A_56 = arith.constant 0 : i32
      %dma_wait3A_57 = arith.constant 0 : i32
      %dma_wait3A_58 = arith.constant 128 : i32
      %dma_wait3A_59 = tpu.memref_slice %arg6[%dma_wait3A_56, %dma_wait3A_57, %dma_wait3A_58] : memref<2x80x256xi32, #tpu.memory_space<vmem>> -> memref<1x80x128xi32, #tpu.memory_space<vmem>>
      %dma_wait3A_60 = tpu.memref_squeeze %dma_wait3A_59 : memref<1x80x128xi32, #tpu.memory_space<vmem>> -> memref<80x128xi32, #tpu.memory_space<vmem>>
      %dma_wait3A_61 = arith.constant 0 : i32
      %dma_wait3A_62 = tpu.memref_slice %arg5[%dma_wait3A_55, %dma_wait3A_61] : memref<2x80xi32, #tpu.memory_space<vmem>> -> memref<1x80xi32, #tpu.memory_space<vmem>>
      %dma_wait3A_63 = tpu.memref_squeeze %dma_wait3A_62 : memref<1x80xi32, #tpu.memory_space<vmem>> -> memref<80xi32, #tpu.memory_space<vmem>>
      %dma_wait3A_64 = arith.constant 0 : i32
      %dma_wait3A_65 = arith.constant 128 : i32
      %dma_wait3A_66 = tpu.memref_slice %arg2[%dma_wait3A_64, %dma_wait3A_65] : memref<100000x256xi32, #tpu.memory_space<hbm>> -> memref<100000x128xi32, #tpu.memory_space<hbm>>
      tpu.wait_indirect_dma semaphore(%arg7 : memref<!tpu.dma_semaphore, #tpu.memory_space<semaphore_mem>>) src(%dma_wait3A_66 : memref<100000x128xi32, #tpu.memory_space<hbm>>) dst(%dma_wait3A_60 : memref<80x128xi32, #tpu.memory_space<vmem>>)
      %mul3A_67 = arith.constant 80 : i32
      %mul3A_68 = arith.muli %mul3A_39, %mul3A_67 : i32
      %add3A_69 = arith.addi %mul3A_2, %mul3A_68 : i32
      %run_scoped3A_70 = arith.constant 0 : i32
      "tpu.region"() ({
        %run_scoped3A_79 = tpu.sem_alloc : memref<!tpu.dma_semaphore, #tpu.memory_space<semaphore_mem>>
        %dma_start3A_80 = arith.constant 0 : i32
        %dma_start3A_81 = arith.constant 0 : i32
        %dma_start3A_82 = tpu.memref_slice %arg6[%run_scoped3A_70, %dma_start3A_80, %dma_start3A_81] : memref<2x80x256xi32, #tpu.memory_space<vmem>> -> memref<1x80x256xi32, #tpu.memory_space<vmem>>
        %dma_start3A_83 = tpu.memref_squeeze %dma_start3A_82 : memref<1x80x256xi32, #tpu.memory_space<vmem>> -> memref<80x256xi32, #tpu.memory_space<vmem>>
        %dma_start3A_84 = arith.constant 0 : i32
        %dma_start3A_85 = tpu.memref_slice %arg4[%add3A_69, %dma_start3A_84] : memref<10240x256xi32, #tpu.memory_space<hbm>> -> memref<80x256xi32, #tpu.memory_space<hbm>>
        %dma_start3A_86 = arith.constant 0 : i32
        %dma_start3A_87 = tpu.memref_slice %arg4[%add3A_69, %dma_start3A_86] : memref<10240x256xi32, #tpu.memory_space<hbm>> -> memref<80x256xi32, #tpu.memory_space<hbm>>
        %dma_start3A_88 = arith.constant 0 : i32
        %dma_start3A_89 = arith.constant 0 : i32
        %dma_start3A_90 = tpu.memref_slice %arg6[%run_scoped3A_70, %dma_start3A_88, %dma_start3A_89] : memref<2x80x256xi32, #tpu.memory_space<vmem>> -> memref<1x80x256xi32, #tpu.memory_space<vmem>>
        %dma_start3A_91 = tpu.memref_squeeze %dma_start3A_90 : memref<1x80x256xi32, #tpu.memory_space<vmem>> -> memref<80x256xi32, #tpu.memory_space<vmem>>
        tpu.enqueue_dma source(%dma_start3A_91 : memref<80x256xi32, #tpu.memory_space<vmem>>) target(%dma_start3A_87 : memref<80x256xi32, #tpu.memory_space<hbm>>) target_semaphore(%run_scoped3A_79 : memref<!tpu.dma_semaphore, #tpu.memory_space<semaphore_mem>>)
        %dma_wait3A_92 = arith.constant 0 : i32
        %dma_wait3A_93 = arith.constant 0 : i32
        %dma_wait3A_94 = tpu.memref_slice %arg6[%run_scoped3A_70, %dma_wait3A_92, %dma_wait3A_93] : memref<2x80x256xi32, #tpu.memory_space<vmem>> -> memref<1x80x256xi32, #tpu.memory_space<vmem>>
        %dma_wait3A_95 = tpu.memref_squeeze %dma_wait3A_94 : memref<1x80x256xi32, #tpu.memory_space<vmem>> -> memref<80x256xi32, #tpu.memory_space<vmem>>
        %dma_wait3A_96 = arith.constant 0 : i32
        %dma_wait3A_97 = tpu.memref_slice %arg4[%add3A_69, %dma_wait3A_96] : memref<10240x256xi32, #tpu.memory_space<hbm>> -> memref<80x256xi32, #tpu.memory_space<hbm>>
        %dma_wait3A_98 = arith.constant 0 : i32
        %dma_wait3A_99 = tpu.memref_slice %arg4[%add3A_69, %dma_wait3A_98] : memref<10240x256xi32, #tpu.memory_space<hbm>> -> memref<80x256xi32, #tpu.memory_space<hbm>>
        %dma_wait3A_100 = arith.constant 0 : i32
        %dma_wait3A_101 = arith.constant 0 : i32
        %dma_wait3A_102 = tpu.memref_slice %arg6[%run_scoped3A_70, %dma_wait3A_100, %dma_wait3A_101] : memref<2x80x256xi32, #tpu.memory_space<vmem>> -> memref<1x80x256xi32, #tpu.memory_space<vmem>>
        %dma_wait3A_103 = tpu.memref_squeeze %dma_wait3A_102 : memref<1x80x256xi32, #tpu.memory_space<vmem>> -> memref<80x256xi32, #tpu.memory_space<vmem>>
        tpu.wait_dma2 semaphore(%run_scoped3A_79 : memref<!tpu.dma_semaphore, #tpu.memory_space<semaphore_mem>>) src(%dma_wait3A_103 : memref<80x256xi32, #tpu.memory_space<vmem>>) dst(%dma_wait3A_99 : memref<80x256xi32, #tpu.memory_space<hbm>>)
        tpu.yield
      }) : () -> ()
      %add3A_71 = arith.constant 1 : i32
      %add3A_72 = arith.addi %mul3A_39, %add3A_71 : i32
      %lt3A_73 = arith.constant 4 : i32
      %lt3A_74 = arith.cmpi slt, %add3A_72, %lt3A_73 : i32
      %convert_element_type3A_75 = arith.extui %lt3A_74 : i1 to i32
      %cond3A_76 = arith.constant 0 : i32
      %cond3A_77 = arith.cmpi ne, %convert_element_type3A_75, %cond3A_76 : i32
      scf.if %cond3A_77 {
        %add3A_79 = arith.constant 2 : i32
        %add3A_80 = arith.addi %mul3A_39, %add3A_79 : i32
        %lt3A_81 = arith.constant 4 : i32
        %lt3A_82 = arith.cmpi slt, %add3A_80, %lt3A_81 : i32
        %convert_element_type3A_83 = arith.extui %lt3A_82 : i1 to i32
        %cond3A_84 = arith.constant 0 : i32
        %cond3A_85 = arith.cmpi ne, %convert_element_type3A_83, %cond3A_84 : i32
        scf.if %cond3A_85 {
          %add3A_116 = arith.constant 2 : i32
          %add3A_117 = arith.addi %mul3A_39, %add3A_116 : i32
          %mul3A_118 = arith.constant 80 : i32
          %mul3A_119 = arith.muli %add3A_117, %mul3A_118 : i32
          %add3A_120 = arith.addi %mul3A_2, %mul3A_119 : i32
          %add3A_121 = arith.constant 40960 : i32
          %add3A_122 = arith.addi %add3A_121, %add3A_120 : i32
          %run_scoped3A_123 = arith.constant 0 : i32
          "tpu.region"() ({
            %run_scoped3A_148 = tpu.sem_alloc : memref<!tpu.dma_semaphore, #tpu.memory_space<semaphore_mem>>
            %dma_start3A_149 = arith.constant 0 : i32
            %dma_start3A_150 = tpu.memref_slice %arg5[%run_scoped3A_123, %dma_start3A_149] : memref<2x80xi32, #tpu.memory_space<vmem>> -> memref<1x80xi32, #tpu.memory_space<vmem>>
            %dma_start3A_151 = tpu.memref_squeeze %dma_start3A_150 : memref<1x80xi32, #tpu.memory_space<vmem>> -> memref<80xi32, #tpu.memory_space<vmem>>
            %dma_start3A_152 = tpu.memref_slice %arg3[%add3A_122] : memref<51200xi32, #tpu.memory_space<hbm>> -> memref<80xi32, #tpu.memory_space<hbm>>
            %dma_start3A_153 = arith.constant 0 : i32
            %dma_start3A_154 = tpu.memref_slice %arg5[%run_scoped3A_123, %dma_start3A_153] : memref<2x80xi32, #tpu.memory_space<vmem>> -> memref<1x80xi32, #tpu.memory_space<vmem>>
            %dma_start3A_155 = tpu.memref_squeeze %dma_start3A_154 : memref<1x80xi32, #tpu.memory_space<vmem>> -> memref<80xi32, #tpu.memory_space<vmem>>
            %dma_start3A_156 = tpu.memref_slice %arg3[%add3A_122] : memref<51200xi32, #tpu.memory_space<hbm>> -> memref<80xi32, #tpu.memory_space<hbm>>
            tpu.enqueue_dma source(%dma_start3A_156 : memref<80xi32, #tpu.memory_space<hbm>>) target(%dma_start3A_155 : memref<80xi32, #tpu.memory_space<vmem>>) target_semaphore(%run_scoped3A_148 : memref<!tpu.dma_semaphore, #tpu.memory_space<semaphore_mem>>)
            %dma_wait3A_157 = arith.constant 0 : i32
            %dma_wait3A_158 = tpu.memref_slice %arg5[%run_scoped3A_123, %dma_wait3A_157] : memref<2x80xi32, #tpu.memory_space<vmem>> -> memref<1x80xi32, #tpu.memory_space<vmem>>
            %dma_wait3A_159 = tpu.memref_squeeze %dma_wait3A_158 : memref<1x80xi32, #tpu.memory_space<vmem>> -> memref<80xi32, #tpu.memory_space<vmem>>
            %dma_wait3A_160 = tpu.memref_slice %arg3[%add3A_122] : memref<51200xi32, #tpu.memory_space<hbm>> -> memref<80xi32, #tpu.memory_space<hbm>>
            %dma_wait3A_161 = arith.constant 0 : i32
            %dma_wait3A_162 = tpu.memref_slice %arg5[%run_scoped3A_123, %dma_wait3A_161] : memref<2x80xi32, #tpu.memory_space<vmem>> -> memref<1x80xi32, #tpu.memory_space<vmem>>
            %dma_wait3A_163 = tpu.memref_squeeze %dma_wait3A_162 : memref<1x80xi32, #tpu.memory_space<vmem>> -> memref<80xi32, #tpu.memory_space<vmem>>
            %dma_wait3A_164 = tpu.memref_slice %arg3[%add3A_122] : memref<51200xi32, #tpu.memory_space<hbm>> -> memref<80xi32, #tpu.memory_space<hbm>>
            tpu.wait_dma2 semaphore(%run_scoped3A_148 : memref<!tpu.dma_semaphore, #tpu.memory_space<semaphore_mem>>) src(%dma_wait3A_164 : memref<80xi32, #tpu.memory_space<hbm>>) dst(%dma_wait3A_163 : memref<80xi32, #tpu.memory_space<vmem>>)
            tpu.yield
          }) : () -> ()
          %dma_start3A_124 = arith.constant 0 : i32
          %dma_start3A_125 = arith.constant 0 : i32
          %dma_start3A_126 = arith.constant 0 : i32
          %dma_start3A_127 = arith.constant 0 : i32
          %dma_start3A_128 = tpu.memref_slice %arg6[%dma_start3A_125, %dma_start3A_126, %dma_start3A_127] : memref<2x80x256xi32, #tpu.memory_space<vmem>> -> memref<1x80x128xi32, #tpu.memory_space<vmem>>
          %dma_start3A_129 = tpu.memref_squeeze %dma_start3A_128 : memref<1x80x128xi32, #tpu.memory_space<vmem>> -> memref<80x128xi32, #tpu.memory_space<vmem>>
          %dma_start3A_130 = arith.constant 0 : i32
          %dma_start3A_131 = tpu.memref_slice %arg5[%dma_start3A_124, %dma_start3A_130] : memref<2x80xi32, #tpu.memory_space<vmem>> -> memref<1x80xi32, #tpu.memory_space<vmem>>
          %dma_start3A_132 = tpu.memref_squeeze %dma_start3A_131 : memref<1x80xi32, #tpu.memory_space<vmem>> -> memref<80xi32, #tpu.memory_space<vmem>>
          %dma_start3A_133 = arith.constant 0 : i32
          %dma_start3A_134 = arith.constant 0 : i32
          %dma_start3A_135 = tpu.memref_slice %arg2[%dma_start3A_133, %dma_start3A_134] : memref<100000x256xi32, #tpu.memory_space<hbm>> -> memref<100000x128xi32, #tpu.memory_space<hbm>>
          tpu.enqueue_indirect_dma source(%dma_start3A_135 : memref<100000x128xi32, #tpu.memory_space<hbm>>) target(%dma_start3A_129 : memref<80x128xi32, #tpu.memory_space<vmem>>) offsets(%dma_start3A_132 : memref<80xi32, #tpu.memory_space<vmem>>) semaphore(%arg7 : memref<!tpu.dma_semaphore, #tpu.memory_space<semaphore_mem>>)
          %dma_start3A_136 = arith.constant 0 : i32
          %dma_start3A_137 = arith.constant 0 : i32
          %dma_start3A_138 = arith.constant 0 : i32
          %dma_start3A_139 = arith.constant 128 : i32
          %dma_start3A_140 = tpu.memref_slice %arg6[%dma_start3A_137, %dma_start3A_138, %dma_start3A_139] : memref<2x80x256xi32, #tpu.memory_space<vmem>> -> memref<1x80x128xi32, #tpu.memory_space<vmem>>
          %dma_start3A_141 = tpu.memref_squeeze %dma_start3A_140 : memref<1x80x128xi32, #tpu.memory_space<vmem>> -> memref<80x128xi32, #tpu.memory_space<vmem>>
          %dma_start3A_142 = arith.constant 0 : i32
          %dma_start3A_143 = tpu.memref_slice %arg5[%dma_start3A_136, %dma_start3A_142] : memref<2x80xi32, #tpu.memory_space<vmem>> -> memref<1x80xi32, #tpu.memory_space<vmem>>
          %dma_start3A_144 = tpu.memref_squeeze %dma_start3A_143 : memref<1x80xi32, #tpu.memory_space<vmem>> -> memref<80xi32, #tpu.memory_space<vmem>>
          %dma_start3A_145 = arith.constant 0 : i32
          %dma_start3A_146 = arith.constant 128 : i32
          %dma_start3A_147 = tpu.memref_slice %arg2[%dma_start3A_145, %dma_start3A_146] : memref<100000x256xi32, #tpu.memory_space<hbm>> -> memref<100000x128xi32, #tpu.memory_space<hbm>>
          tpu.enqueue_indirect_dma source(%dma_start3A_147 : memref<100000x128xi32, #tpu.memory_space<hbm>>) target(%dma_start3A_141 : memref<80x128xi32, #tpu.memory_space<vmem>>) offsets(%dma_start3A_144 : memref<80xi32, #tpu.memory_space<vmem>>) semaphore(%arg7 : memref<!tpu.dma_semaphore, #tpu.memory_space<semaphore_mem>>)
        } else {
        }
        %add3A_86 = arith.constant 1 : i32
        %add3A_87 = arith.addi %mul3A_39, %add3A_86 : i32
        %dma_wait3A_88 = arith.constant 1 : i32
        %dma_wait3A_89 = arith.constant 1 : i32
        %dma_wait3A_90 = arith.constant 0 : i32
        %dma_wait3A_91 = arith.constant 0 : i32
        %dma_wait3A_92 = tpu.memref_slice %arg6[%dma_wait3A_89, %dma_wait3A_90, %dma_wait3A_91] : memref<2x80x256xi32, #tpu.memory_space<vmem>> -> memref<1x80x128xi32, #tpu.memory_space<vmem>>
        %dma_wait3A_93 = tpu.memref_squeeze %dma_wait3A_92 : memref<1x80x128xi32, #tpu.memory_space<vmem>> -> memref<80x128xi32, #tpu.memory_space<vmem>>
        %dma_wait3A_94 = arith.constant 0 : i32
        %dma_wait3A_95 = tpu.memref_slice %arg5[%dma_wait3A_88, %dma_wait3A_94] : memref<2x80xi32, #tpu.memory_space<vmem>> -> memref<1x80xi32, #tpu.memory_space<vmem>>
        %dma_wait3A_96 = tpu.memref_squeeze %dma_wait3A_95 : memref<1x80xi32, #tpu.memory_space<vmem>> -> memref<80xi32, #tpu.memory_space<vmem>>
        %dma_wait3A_97 = arith.constant 0 : i32
        %dma_wait3A_98 = arith.constant 0 : i32
        %dma_wait3A_99 = tpu.memref_slice %arg2[%dma_wait3A_97, %dma_wait3A_98] : memref<100000x256xi32, #tpu.memory_space<hbm>> -> memref<100000x128xi32, #tpu.memory_space<hbm>>
        tpu.wait_indirect_dma semaphore(%arg8 : memref<!tpu.dma_semaphore, #tpu.memory_space<semaphore_mem>>) src(%dma_wait3A_99 : memref<100000x128xi32, #tpu.memory_space<hbm>>) dst(%dma_wait3A_93 : memref<80x128xi32, #tpu.memory_space<vmem>>)
        %dma_wait3A_100 = arith.constant 1 : i32
        %dma_wait3A_101 = arith.constant 1 : i32
        %dma_wait3A_102 = arith.constant 0 : i32
        %dma_wait3A_103 = arith.constant 128 : i32
        %dma_wait3A_104 = tpu.memref_slice %arg6[%dma_wait3A_101, %dma_wait3A_102, %dma_wait3A_103] : memref<2x80x256xi32, #tpu.memory_space<vmem>> -> memref<1x80x128xi32, #tpu.memory_space<vmem>>
        %dma_wait3A_105 = tpu.memref_squeeze %dma_wait3A_104 : memref<1x80x128xi32, #tpu.memory_space<vmem>> -> memref<80x128xi32, #tpu.memory_space<vmem>>
        %dma_wait3A_106 = arith.constant 0 : i32
        %dma_wait3A_107 = tpu.memref_slice %arg5[%dma_wait3A_100, %dma_wait3A_106] : memref<2x80xi32, #tpu.memory_space<vmem>> -> memref<1x80xi32, #tpu.memory_space<vmem>>
        %dma_wait3A_108 = tpu.memref_squeeze %dma_wait3A_107 : memref<1x80xi32, #tpu.memory_space<vmem>> -> memref<80xi32, #tpu.memory_space<vmem>>
        %dma_wait3A_109 = arith.constant 0 : i32
        %dma_wait3A_110 = arith.constant 128 : i32
        %dma_wait3A_111 = tpu.memref_slice %arg2[%dma_wait3A_109, %dma_wait3A_110] : memref<100000x256xi32, #tpu.memory_space<hbm>> -> memref<100000x128xi32, #tpu.memory_space<hbm>>
        tpu.wait_indirect_dma semaphore(%arg8 : memref<!tpu.dma_semaphore, #tpu.memory_space<semaphore_mem>>) src(%dma_wait3A_111 : memref<100000x128xi32, #tpu.memory_space<hbm>>) dst(%dma_wait3A_105 : memref<80x128xi32, #tpu.memory_space<vmem>>)
        %mul3A_112 = arith.constant 80 : i32
        %mul3A_113 = arith.muli %add3A_87, %mul3A_112 : i32
        %add3A_114 = arith.addi %mul3A_2, %mul3A_113 : i32
        %run_scoped3A_115 = arith.constant 1 : i32
        "tpu.region"() ({
          %run_scoped3A_116 = tpu.sem_alloc : memref<!tpu.dma_semaphore, #tpu.memory_space<semaphore_mem>>
          %dma_start3A_117 = arith.constant 0 : i32
          %dma_start3A_118 = arith.constant 0 : i32
          %dma_start3A_119 = tpu.memref_slice %arg6[%run_scoped3A_115, %dma_start3A_117, %dma_start3A_118] : memref<2x80x256xi32, #tpu.memory_space<vmem>> -> memref<1x80x256xi32, #tpu.memory_space<vmem>>
          %dma_start3A_120 = tpu.memref_squeeze %dma_start3A_119 : memref<1x80x256xi32, #tpu.memory_space<vmem>> -> memref<80x256xi32, #tpu.memory_space<vmem>>
          %dma_start3A_121 = arith.constant 0 : i32
          %dma_start3A_122 = tpu.memref_slice %arg4[%add3A_114, %dma_start3A_121] : memref<10240x256xi32, #tpu.memory_space<hbm>> -> memref<80x256xi32, #tpu.memory_space<hbm>>
          %dma_start3A_123 = arith.constant 0 : i32
          %dma_start3A_124 = tpu.memref_slice %arg4[%add3A_114, %dma_start3A_123] : memref<10240x256xi32, #tpu.memory_space<hbm>> -> memref<80x256xi32, #tpu.memory_space<hbm>>
          %dma_start3A_125 = arith.constant 0 : i32
          %dma_start3A_126 = arith.constant 0 : i32
          %dma_start3A_127 = tpu.memref_slice %arg6[%run_scoped3A_115, %dma_start3A_125, %dma_start3A_126] : memref<2x80x256xi32, #tpu.memory_space<vmem>> -> memref<1x80x256xi32, #tpu.memory_space<vmem>>
          %dma_start3A_128 = tpu.memref_squeeze %dma_start3A_127 : memref<1x80x256xi32, #tpu.memory_space<vmem>> -> memref<80x256xi32, #tpu.memory_space<vmem>>
          tpu.enqueue_dma source(%dma_start3A_128 : memref<80x256xi32, #tpu.memory_space<vmem>>) target(%dma_start3A_124 : memref<80x256xi32, #tpu.memory_space<hbm>>) target_semaphore(%run_scoped3A_116 : memref<!tpu.dma_semaphore, #tpu.memory_space<semaphore_mem>>)
          %dma_wait3A_129 = arith.constant 0 : i32
          %dma_wait3A_130 = arith.constant 0 : i32
          %dma_wait3A_131 = tpu.memref_slice %arg6[%run_scoped3A_115, %dma_wait3A_129, %dma_wait3A_130] : memref<2x80x256xi32, #tpu.memory_space<vmem>> -> memref<1x80x256xi32, #tpu.memory_space<vmem>>
          %dma_wait3A_132 = tpu.memref_squeeze %dma_wait3A_131 : memref<1x80x256xi32, #tpu.memory_space<vmem>> -> memref<80x256xi32, #tpu.memory_space<vmem>>
          %dma_wait3A_133 = arith.constant 0 : i32
          %dma_wait3A_134 = tpu.memref_slice %arg4[%add3A_114, %dma_wait3A_133] : memref<10240x256xi32, #tpu.memory_space<hbm>> -> memref<80x256xi32, #tpu.memory_space<hbm>>
          %dma_wait3A_135 = arith.constant 0 : i32
          %dma_wait3A_136 = tpu.memref_slice %arg4[%add3A_114, %dma_wait3A_135] : memref<10240x256xi32, #tpu.memory_space<hbm>> -> memref<80x256xi32, #tpu.memory_space<hbm>>
          %dma_wait3A_137 = arith.constant 0 : i32
          %dma_wait3A_138 = arith.constant 0 : i32
          %dma_wait3A_139 = tpu.memref_slice %arg6[%run_scoped3A_115, %dma_wait3A_137, %dma_wait3A_138] : memref<2x80x256xi32, #tpu.memory_space<vmem>> -> memref<1x80x256xi32, #tpu.memory_space<vmem>>
          %dma_wait3A_140 = tpu.memref_squeeze %dma_wait3A_139 : memref<1x80x256xi32, #tpu.memory_space<vmem>> -> memref<80x256xi32, #tpu.memory_space<vmem>>
          tpu.wait_dma2 semaphore(%run_scoped3A_116 : memref<!tpu.dma_semaphore, #tpu.memory_space<semaphore_mem>>) src(%dma_wait3A_140 : memref<80x256xi32, #tpu.memory_space<vmem>>) dst(%dma_wait3A_136 : memref<80x256xi32, #tpu.memory_space<hbm>>)
          tpu.yield
        }) : () -> ()
      } else {
      }
      %scan3A_78 = arith.constant 0 : i32
      scf.yield %scan3A_78 : i32
    }
    %scan3A_35 = arith.constant 2 : i32
    return
  }
}

module attributes {stable_mosaic.version = 14 : i64} {
  func.func @_repack_body(%arg0: i32, %arg1: memref<300x2048xf32, #tpu.memory_space<vmem>>, %arg2: memref<2048x256xi32, #tpu.memory_space<vmem>>) attributes {dimension_semantics = [#tpu.dimension_semantics<arbitrary>], iteration_bounds = array<i64: 49>, scalar_prefetch = 0 : i64, scratch_operands = 0 : i64, tpu.core_type = #tpu.core_type<tc>, window_params = [{transform_indices = @transform_0, window_bounds = array<i64: 300, 2048>}, {transform_indices = @transform_1, window_bounds = array<i64: 2048, 256>}]} {
    %get3A = arith.constant 0 : index
    %get3A_0 = arith.constant 0 : index
    %get3A_1 = vector.load %arg1[%get3A, %get3A_0] : memref<300x2048xf32, #tpu.memory_space<vmem>>, vector<300x2048xf32>
    %transpose3A = tpu.transpose %get3A_1, [1, 0] : vector<300x2048xf32> -> vector<2048x300xf32>
    %bitcast_convert_type3A = tpu.bitcast %transpose3A : vector<2048x300xf32> -> vector<2048x300xi32>
    %add3A = arith.constant 32767 : i32
    %add3A_2 = vector.broadcast %add3A : i32 to vector<2048x300xi32>
    %add3A_3 = arith.addi %bitcast_convert_type3A, %add3A_2 : vector<2048x300xi32>
    %shift_right_logical3A = arith.constant 16 : i32
    %shift_right_logical3A_4 = vector.broadcast %shift_right_logical3A : i32 to vector<2048x300xi32>
    %shift_right_logical3A_5 = arith.shrui %bitcast_convert_type3A, %shift_right_logical3A_4 : vector<2048x300xi32>
    %and3A = arith.constant 1 : i32
    %and3A_6 = vector.broadcast %and3A : i32 to vector<2048x300xi32>
    %and3A_7 = arith.andi %shift_right_logical3A_5, %and3A_6 : vector<2048x300xi32>
    %add3A_8 = arith.addi %add3A_3, %and3A_7 : vector<2048x300xi32>
    %shift_right_logical3A_9 = arith.constant 16 : i32
    %shift_right_logical3A_10 = vector.broadcast %shift_right_logical3A_9 : i32 to vector<2048x300xi32>
    %shift_right_logical3A_11 = arith.shrui %add3A_8, %shift_right_logical3A_10 : vector<2048x300xi32>
    %slice3A = vector.extract_strided_slice %shift_right_logical3A_11 {offsets = [0, 0], sizes = [2048, 256], strides = [1, 1]} : vector<2048x300xi32> to vector<2048x256xi32>
    %slice3A_12 = vector.extract_strided_slice %shift_right_logical3A_11 {offsets = [0, 256], sizes = [2048, 44], strides = [1, 1]} : vector<2048x300xi32> to vector<2048x44xi32>
    %broadcast_in_dim3A = arith.constant 0 : i32
    %broadcast_in_dim3A_13 = vector.broadcast %broadcast_in_dim3A : i32 to vector<2048x212xi32>
    %concatenate3A = tpu.concatenate %slice3A_12, %broadcast_in_dim3A_13 in 1 : vector<2048x44xi32>, vector<2048x212xi32> -> vector<2048x256xi32>
    %shift_left3A = arith.constant 16 : i32
    %shift_left3A_14 = vector.broadcast %shift_left3A : i32 to vector<2048x256xi32>
    %shift_left3A_15 = arith.shli %concatenate3A, %shift_left3A_14 : vector<2048x256xi32>
    %or3A = arith.ori %slice3A, %shift_left3A_15 : vector<2048x256xi32>
    %bitcast_convert_type3A_16 = tpu.bitcast %or3A : vector<2048x256xi32> -> vector<2048x256xi32>
    %swap3A = arith.constant 0 : index
    %swap3A_17 = arith.constant 0 : index
    %swap3A_18 = vector.load %arg2[%swap3A, %swap3A_17] : memref<2048x256xi32, #tpu.memory_space<vmem>>, vector<2048x256xi32>
    tpu.vector_store %arg2[%swap3A, %swap3A_17], %bitcast_convert_type3A_16 {strides = array<i32>} : memref<2048x256xi32, #tpu.memory_space<vmem>>, vector<2048x256xi32>,
    return
  }
  func.func @transform_0(%arg0: i32) -> (i32, i32) {
    %c0_i32 = arith.constant 0 : i32
    %c0_i32_0 = arith.constant 0 : i32
    return %c0_i32, %arg0 : i32, i32
  }
  func.func @transform_1(%arg0: i32) -> (i32, i32) {
    %c0_i32 = arith.constant 0 : i32
    %c0_i32_0 = arith.constant 0 : i32
    return %arg0, %c0_i32 : i32, i32
  }
}

module attributes {stable_mosaic.version = 14 : i64} {
  func.func @_mm_body_first(%arg0: i32, %arg1: memref<1024x256xi32, #tpu.memory_space<vmem>>, %arg2: memref<512x768xf32, #tpu.memory_space<vmem>>, %arg3: memref<1x768xf32, #tpu.memory_space<vmem>>, %arg4: memref<1x1024x768xf32, #tpu.memory_space<vmem>>) attributes {dimension_semantics = [#tpu.dimension_semantics<arbitrary>], iteration_bounds = array<i64: 10>, scalar_prefetch = 0 : i64, scratch_operands = 0 : i64, tpu.core_type = #tpu.core_type<tc>, window_params = [{transform_indices = @transform_0, window_bounds = array<i64: 1024, 256>}, {pipeline_mode = #tpu.pipeline_mode<synchronous>, transform_indices = @transform_1, window_bounds = array<i64: 512, 768>}, {pipeline_mode = #tpu.pipeline_mode<synchronous>, transform_indices = @transform_2, window_bounds = array<i64: 1, 768>}, {transform_indices = @transform_3, window_bounds = array<i64: 1, 1024, 768>}]} {
    %get3A = arith.constant 0 : index
    %get3A_0 = arith.constant 0 : index
    %get3A_1 = vector.load %arg1[%get3A, %get3A_0] : memref<1024x256xi32, #tpu.memory_space<vmem>>, vector<1024x256xi32>
    %bitcast_convert_type3A = tpu.bitcast %get3A_1 : vector<1024x256xi32> -> vector<1024x256xi32>
    %shift_left3A = arith.constant 16 : i32
    %shift_left3A_2 = vector.broadcast %shift_left3A : i32 to vector<1024x256xi32>
    %shift_left3A_3 = arith.shli %bitcast_convert_type3A, %shift_left3A_2 : vector<1024x256xi32>
    %bitcast_convert_type3A_4 = tpu.bitcast %shift_left3A_3 : vector<1024x256xi32> -> vector<1024x256xf32>
    %and3A = arith.constant -65536 : i32
    %and3A_5 = vector.broadcast %and3A : i32 to vector<1024x256xi32>
    %and3A_6 = arith.andi %bitcast_convert_type3A, %and3A_5 : vector<1024x256xi32>
    %bitcast_convert_type3A_7 = tpu.bitcast %and3A_6 : vector<1024x256xi32> -> vector<1024x256xf32>
    %get3A_8 = arith.constant 0 : index
    %get3A_9 = arith.constant 0 : index
    %get3A_10 = vector.load %arg2[%get3A_8, %get3A_9] : memref<512x768xf32, #tpu.memory_space<vmem>>, vector<512x768xf32>
    %convert_element_type3A = arith.truncf %get3A_10 : vector<512x768xf32> to vector<512x768xbf16>
    %convert_element_type3A_11 = arith.truncf %bitcast_convert_type3A_4 : vector<1024x256xf32> to vector<1024x256xbf16>
    %slice3A = vector.extract_strided_slice %convert_element_type3A {offsets = [0, 0], sizes = [256, 768], strides = [1, 1]} : vector<512x768xbf16> to vector<256x768xbf16>
    %dot_general3A = arith.constant dense<0.000000e+00> : vector<1024x768xf32>
    %dot_general3A_12 = tpu.matmul %convert_element_type3A_11, %slice3A, %dot_general3A {dimension_numbers = #tpu.dot_dimension_numbers<[1], [0], [0], [1], [0, 0, 1, 1], [], []>, transpose_lhs_hint = false} : vector<1024x256xbf16>, vector<256x768xbf16>, vector<1024x768xf32> -> vector<1024x768xf32>
    %convert_element_type3A_13 = arith.truncf %bitcast_convert_type3A_7 : vector<1024x256xf32> to vector<1024x256xbf16>
    %slice3A_14 = vector.extract_strided_slice %convert_element_type3A {offsets = [256, 0], sizes = [256, 768], strides = [1, 1]} : vector<512x768xbf16> to vector<256x768xbf16>
    %dot_general3A_15 = arith.constant dense<0.000000e+00> : vector<1024x768xf32>
    %dot_general3A_16 = tpu.matmul %convert_element_type3A_13, %slice3A_14, %dot_general3A_15 {dimension_numbers = #tpu.dot_dimension_numbers<[1], [0], [0], [1], [0, 0, 1, 1], [], []>, transpose_lhs_hint = false} : vector<1024x256xbf16>, vector<256x768xbf16>, vector<1024x768xf32> -> vector<1024x768xf32>
    %add3A = arith.addf %dot_general3A_12, %dot_general3A_16 : vector<1024x768xf32>
    %get3A_17 = arith.constant 0 : index
    %get3A_18 = arith.constant 0 : index
    %get3A_19 = vector.load %arg3[%get3A_17, %get3A_18] : memref<1x768xf32, #tpu.memory_space<vmem>>, vector<1x768xf32>
    %add3A_20 = vector.broadcast %get3A_19 : vector<1x768xf32> to vector<1024x768xf32>
    %add3A_21 = arith.addf %add3A, %add3A_20 : vector<1024x768xf32>
    %reshape3A = vector.shape_cast %add3A_21 : vector<1024x768xf32> to vector<1x1024x768xf32>
    %swap3A = arith.constant 0 : index
    %swap3A_22 = arith.constant 0 : index
    %swap3A_23 = arith.constant 0 : index
    %swap3A_24 = vector.load %arg4[%swap3A, %swap3A_22, %swap3A_23] : memref<1x1024x768xf32, #tpu.memory_space<vmem>>, vector<1x1024x768xf32>
    tpu.vector_store %arg4[%swap3A, %swap3A_22, %swap3A_23], %reshape3A {strides = array<i32>} : memref<1x1024x768xf32, #tpu.memory_space<vmem>>, vector<1x1024x768xf32>,
    return
  }
  func.func @transform_0(%arg0: i32) -> (i32, i32) {
    %c0_i32 = arith.constant 0 : i32
    %c0_i32_0 = arith.constant 0 : i32
    return %arg0, %c0_i32 : i32, i32
  }
  func.func @transform_1(%arg0: i32) -> (i32, i32) {
    %c0_i32 = arith.constant 0 : i32
    %c0_i32_0 = arith.constant 0 : i32
    %c0_i32_1 = arith.constant 0 : i32
    return %c0_i32, %c0_i32_0 : i32, i32
  }
  func.func @transform_2(%arg0: i32) -> (i32, i32) {
    %c0_i32 = arith.constant 0 : i32
    %c0_i32_0 = arith.constant 0 : i32
    %c0_i32_1 = arith.constant 0 : i32
    return %c0_i32, %c0_i32_0 : i32, i32
  }
  func.func @transform_3(%arg0: i32) -> (i32, i32, i32) {
    %add3A = arith.constant 0 : i32
    %add3A_0 = arith.addi %arg0, %add3A : i32
    %c0_i32 = arith.constant 0 : i32
    %c0_i32_1 = arith.constant 0 : i32
    %c0_i32_2 = arith.constant 0 : i32
    return %add3A_0, %c0_i32, %c0_i32_1 : i32, i32, i32
  }
}

module attributes {stable_mosaic.version = 14 : i64} {
  func.func @_mm_body_chained(%arg0: i32, %arg1: memref<1024x256xi32, #tpu.memory_space<vmem>>, %arg2: memref<512x768xf32, #tpu.memory_space<vmem>>, %arg3: memref<1x768xf32, #tpu.memory_space<vmem>>, %arg4: memref<50x1024x768xf32, #tpu.memory_space<any>>, %arg5: memref<1x1024x768xf32, #tpu.memory_space<vmem>>) attributes {dimension_semantics = [#tpu.dimension_semantics<arbitrary>], iteration_bounds = array<i64: 10>, scalar_prefetch = 0 : i64, scratch_operands = 0 : i64, tpu.core_type = #tpu.core_type<tc>, window_params = [{transform_indices = @transform_0, window_bounds = array<i64: 1024, 256>}, {pipeline_mode = #tpu.pipeline_mode<synchronous>, transform_indices = @transform_1, window_bounds = array<i64: 512, 768>}, {pipeline_mode = #tpu.pipeline_mode<synchronous>, transform_indices = @transform_2, window_bounds = array<i64: 1, 768>}, {}, {transform_indices = @transform_4, window_bounds = array<i64: 1, 1024, 768>}]} {
    %get3A = arith.constant 0 : index
    %get3A_0 = arith.constant 0 : index
    %get3A_1 = vector.load %arg1[%get3A, %get3A_0] : memref<1024x256xi32, #tpu.memory_space<vmem>>, vector<1024x256xi32>
    %bitcast_convert_type3A = tpu.bitcast %get3A_1 : vector<1024x256xi32> -> vector<1024x256xi32>
    %shift_left3A = arith.constant 16 : i32
    %shift_left3A_2 = vector.broadcast %shift_left3A : i32 to vector<1024x256xi32>
    %shift_left3A_3 = arith.shli %bitcast_convert_type3A, %shift_left3A_2 : vector<1024x256xi32>
    %bitcast_convert_type3A_4 = tpu.bitcast %shift_left3A_3 : vector<1024x256xi32> -> vector<1024x256xf32>
    %and3A = arith.constant -65536 : i32
    %and3A_5 = vector.broadcast %and3A : i32 to vector<1024x256xi32>
    %and3A_6 = arith.andi %bitcast_convert_type3A, %and3A_5 : vector<1024x256xi32>
    %bitcast_convert_type3A_7 = tpu.bitcast %and3A_6 : vector<1024x256xi32> -> vector<1024x256xf32>
    %get3A_8 = arith.constant 0 : index
    %get3A_9 = arith.constant 0 : index
    %get3A_10 = vector.load %arg2[%get3A_8, %get3A_9] : memref<512x768xf32, #tpu.memory_space<vmem>>, vector<512x768xf32>
    %convert_element_type3A = arith.truncf %get3A_10 : vector<512x768xf32> to vector<512x768xbf16>
    %convert_element_type3A_11 = arith.truncf %bitcast_convert_type3A_4 : vector<1024x256xf32> to vector<1024x256xbf16>
    %slice3A = vector.extract_strided_slice %convert_element_type3A {offsets = [0, 0], sizes = [256, 768], strides = [1, 1]} : vector<512x768xbf16> to vector<256x768xbf16>
    %dot_general3A = arith.constant dense<0.000000e+00> : vector<1024x768xf32>
    %dot_general3A_12 = tpu.matmul %convert_element_type3A_11, %slice3A, %dot_general3A {dimension_numbers = #tpu.dot_dimension_numbers<[1], [0], [0], [1], [0, 0, 1, 1], [], []>, transpose_lhs_hint = false} : vector<1024x256xbf16>, vector<256x768xbf16>, vector<1024x768xf32> -> vector<1024x768xf32>
    %convert_element_type3A_13 = arith.truncf %bitcast_convert_type3A_7 : vector<1024x256xf32> to vector<1024x256xbf16>
    %slice3A_14 = vector.extract_strided_slice %convert_element_type3A {offsets = [256, 0], sizes = [256, 768], strides = [1, 1]} : vector<512x768xbf16> to vector<256x768xbf16>
    %dot_general3A_15 = arith.constant dense<0.000000e+00> : vector<1024x768xf32>
    %dot_general3A_16 = tpu.matmul %convert_element_type3A_13, %slice3A_14, %dot_general3A_15 {dimension_numbers = #tpu.dot_dimension_numbers<[1], [0], [0], [1], [0, 0, 1, 1], [], []>, transpose_lhs_hint = false} : vector<1024x256xbf16>, vector<256x768xbf16>, vector<1024x768xf32> -> vector<1024x768xf32>
    %add3A = arith.addf %dot_general3A_12, %dot_general3A_16 : vector<1024x768xf32>
    %get3A_17 = arith.constant 0 : index
    %get3A_18 = arith.constant 0 : index
    %get3A_19 = vector.load %arg3[%get3A_17, %get3A_18] : memref<1x768xf32, #tpu.memory_space<vmem>>, vector<1x768xf32>
    %add3A_20 = vector.broadcast %get3A_19 : vector<1x768xf32> to vector<1024x768xf32>
    %add3A_21 = arith.addf %add3A, %add3A_20 : vector<1024x768xf32>
    %reshape3A = vector.shape_cast %add3A_21 : vector<1024x768xf32> to vector<1x1024x768xf32>
    %swap3A = arith.constant 0 : index
    %swap3A_22 = arith.constant 0 : index
    %swap3A_23 = arith.constant 0 : index
    %swap3A_24 = vector.load %arg5[%swap3A, %swap3A_22, %swap3A_23] : memref<1x1024x768xf32, #tpu.memory_space<vmem>>, vector<1x1024x768xf32>
    tpu.vector_store %arg5[%swap3A, %swap3A_22, %swap3A_23], %reshape3A {strides = array<i32>} : memref<1x1024x768xf32, #tpu.memory_space<vmem>>, vector<1x1024x768xf32>,
    return
  }
  func.func @transform_0(%arg0: i32) -> (i32, i32) {
    %c0_i32 = arith.constant 0 : i32
    %c0_i32_0 = arith.constant 0 : i32
    return %arg0, %c0_i32 : i32, i32
  }
  func.func @transform_1(%arg0: i32) -> (i32, i32) {
    %c0_i32 = arith.constant 0 : i32
    %c0_i32_0 = arith.constant 0 : i32
    %c0_i32_1 = arith.constant 0 : i32
    return %c0_i32, %c0_i32_0 : i32, i32
  }
  func.func @transform_2(%arg0: i32) -> (i32, i32) {
    %c0_i32 = arith.constant 0 : i32
    %c0_i32_0 = arith.constant 0 : i32
    %c0_i32_1 = arith.constant 0 : i32
    return %c0_i32, %c0_i32_0 : i32, i32
  }
  func.func @transform_4(%arg0: i32) -> (i32, i32, i32) {
    %add3A = arith.constant 10 : i32
    %add3A_0 = arith.addi %arg0, %add3A : i32
    %c0_i32 = arith.constant 0 : i32
    %c0_i32_1 = arith.constant 0 : i32
    %c0_i32_2 = arith.constant 0 : i32
    return %add3A_0, %c0_i32, %c0_i32_1 : i32, i32, i32
  }
}

module attributes {stable_mosaic.version = 14 : i64} {
  func.func @_mm_body_chained(%arg0: i32, %arg1: memref<1024x256xi32, #tpu.memory_space<vmem>>, %arg2: memref<512x768xf32, #tpu.memory_space<vmem>>, %arg3: memref<1x768xf32, #tpu.memory_space<vmem>>, %arg4: memref<50x1024x768xf32, #tpu.memory_space<any>>, %arg5: memref<1x1024x768xf32, #tpu.memory_space<vmem>>) attributes {dimension_semantics = [#tpu.dimension_semantics<arbitrary>], iteration_bounds = array<i64: 10>, scalar_prefetch = 0 : i64, scratch_operands = 0 : i64, tpu.core_type = #tpu.core_type<tc>, window_params = [{transform_indices = @transform_0, window_bounds = array<i64: 1024, 256>}, {pipeline_mode = #tpu.pipeline_mode<synchronous>, transform_indices = @transform_1, window_bounds = array<i64: 512, 768>}, {pipeline_mode = #tpu.pipeline_mode<synchronous>, transform_indices = @transform_2, window_bounds = array<i64: 1, 768>}, {}, {transform_indices = @transform_4, window_bounds = array<i64: 1, 1024, 768>}]} {
    %get3A = arith.constant 0 : index
    %get3A_0 = arith.constant 0 : index
    %get3A_1 = vector.load %arg1[%get3A, %get3A_0] : memref<1024x256xi32, #tpu.memory_space<vmem>>, vector<1024x256xi32>
    %bitcast_convert_type3A = tpu.bitcast %get3A_1 : vector<1024x256xi32> -> vector<1024x256xi32>
    %shift_left3A = arith.constant 16 : i32
    %shift_left3A_2 = vector.broadcast %shift_left3A : i32 to vector<1024x256xi32>
    %shift_left3A_3 = arith.shli %bitcast_convert_type3A, %shift_left3A_2 : vector<1024x256xi32>
    %bitcast_convert_type3A_4 = tpu.bitcast %shift_left3A_3 : vector<1024x256xi32> -> vector<1024x256xf32>
    %and3A = arith.constant -65536 : i32
    %and3A_5 = vector.broadcast %and3A : i32 to vector<1024x256xi32>
    %and3A_6 = arith.andi %bitcast_convert_type3A, %and3A_5 : vector<1024x256xi32>
    %bitcast_convert_type3A_7 = tpu.bitcast %and3A_6 : vector<1024x256xi32> -> vector<1024x256xf32>
    %get3A_8 = arith.constant 0 : index
    %get3A_9 = arith.constant 0 : index
    %get3A_10 = vector.load %arg2[%get3A_8, %get3A_9] : memref<512x768xf32, #tpu.memory_space<vmem>>, vector<512x768xf32>
    %convert_element_type3A = arith.truncf %get3A_10 : vector<512x768xf32> to vector<512x768xbf16>
    %convert_element_type3A_11 = arith.truncf %bitcast_convert_type3A_4 : vector<1024x256xf32> to vector<1024x256xbf16>
    %slice3A = vector.extract_strided_slice %convert_element_type3A {offsets = [0, 0], sizes = [256, 768], strides = [1, 1]} : vector<512x768xbf16> to vector<256x768xbf16>
    %dot_general3A = arith.constant dense<0.000000e+00> : vector<1024x768xf32>
    %dot_general3A_12 = tpu.matmul %convert_element_type3A_11, %slice3A, %dot_general3A {dimension_numbers = #tpu.dot_dimension_numbers<[1], [0], [0], [1], [0, 0, 1, 1], [], []>, transpose_lhs_hint = false} : vector<1024x256xbf16>, vector<256x768xbf16>, vector<1024x768xf32> -> vector<1024x768xf32>
    %convert_element_type3A_13 = arith.truncf %bitcast_convert_type3A_7 : vector<1024x256xf32> to vector<1024x256xbf16>
    %slice3A_14 = vector.extract_strided_slice %convert_element_type3A {offsets = [256, 0], sizes = [256, 768], strides = [1, 1]} : vector<512x768xbf16> to vector<256x768xbf16>
    %dot_general3A_15 = arith.constant dense<0.000000e+00> : vector<1024x768xf32>
    %dot_general3A_16 = tpu.matmul %convert_element_type3A_13, %slice3A_14, %dot_general3A_15 {dimension_numbers = #tpu.dot_dimension_numbers<[1], [0], [0], [1], [0, 0, 1, 1], [], []>, transpose_lhs_hint = false} : vector<1024x256xbf16>, vector<256x768xbf16>, vector<1024x768xf32> -> vector<1024x768xf32>
    %add3A = arith.addf %dot_general3A_12, %dot_general3A_16 : vector<1024x768xf32>
    %get3A_17 = arith.constant 0 : index
    %get3A_18 = arith.constant 0 : index
    %get3A_19 = vector.load %arg3[%get3A_17, %get3A_18] : memref<1x768xf32, #tpu.memory_space<vmem>>, vector<1x768xf32>
    %add3A_20 = vector.broadcast %get3A_19 : vector<1x768xf32> to vector<1024x768xf32>
    %add3A_21 = arith.addf %add3A, %add3A_20 : vector<1024x768xf32>
    %reshape3A = vector.shape_cast %add3A_21 : vector<1024x768xf32> to vector<1x1024x768xf32>
    %swap3A = arith.constant 0 : index
    %swap3A_22 = arith.constant 0 : index
    %swap3A_23 = arith.constant 0 : index
    %swap3A_24 = vector.load %arg5[%swap3A, %swap3A_22, %swap3A_23] : memref<1x1024x768xf32, #tpu.memory_space<vmem>>, vector<1x1024x768xf32>
    tpu.vector_store %arg5[%swap3A, %swap3A_22, %swap3A_23], %reshape3A {strides = array<i32>} : memref<1x1024x768xf32, #tpu.memory_space<vmem>>, vector<1x1024x768xf32>,
    return
  }
  func.func @transform_0(%arg0: i32) -> (i32, i32) {
    %c0_i32 = arith.constant 0 : i32
    %c0_i32_0 = arith.constant 0 : i32
    return %arg0, %c0_i32 : i32, i32
  }
  func.func @transform_1(%arg0: i32) -> (i32, i32) {
    %c0_i32 = arith.constant 0 : i32
    %c0_i32_0 = arith.constant 0 : i32
    %c0_i32_1 = arith.constant 0 : i32
    return %c0_i32, %c0_i32_0 : i32, i32
  }
  func.func @transform_2(%arg0: i32) -> (i32, i32) {
    %c0_i32 = arith.constant 0 : i32
    %c0_i32_0 = arith.constant 0 : i32
    %c0_i32_1 = arith.constant 0 : i32
    return %c0_i32, %c0_i32_0 : i32, i32
  }
  func.func @transform_4(%arg0: i32) -> (i32, i32, i32) {
    %add3A = arith.constant 20 : i32
    %add3A_0 = arith.addi %arg0, %add3A : i32
    %c0_i32 = arith.constant 0 : i32
    %c0_i32_1 = arith.constant 0 : i32
    %c0_i32_2 = arith.constant 0 : i32
    return %add3A_0, %c0_i32, %c0_i32_1 : i32, i32, i32
  }
}

module attributes {stable_mosaic.version = 14 : i64} {
  func.func @_mm_body_chained(%arg0: i32, %arg1: memref<1024x256xi32, #tpu.memory_space<vmem>>, %arg2: memref<512x768xf32, #tpu.memory_space<vmem>>, %arg3: memref<1x768xf32, #tpu.memory_space<vmem>>, %arg4: memref<50x1024x768xf32, #tpu.memory_space<any>>, %arg5: memref<1x1024x768xf32, #tpu.memory_space<vmem>>) attributes {dimension_semantics = [#tpu.dimension_semantics<arbitrary>], iteration_bounds = array<i64: 10>, scalar_prefetch = 0 : i64, scratch_operands = 0 : i64, tpu.core_type = #tpu.core_type<tc>, window_params = [{transform_indices = @transform_0, window_bounds = array<i64: 1024, 256>}, {pipeline_mode = #tpu.pipeline_mode<synchronous>, transform_indices = @transform_1, window_bounds = array<i64: 512, 768>}, {pipeline_mode = #tpu.pipeline_mode<synchronous>, transform_indices = @transform_2, window_bounds = array<i64: 1, 768>}, {}, {transform_indices = @transform_4, window_bounds = array<i64: 1, 1024, 768>}]} {
    %get3A = arith.constant 0 : index
    %get3A_0 = arith.constant 0 : index
    %get3A_1 = vector.load %arg1[%get3A, %get3A_0] : memref<1024x256xi32, #tpu.memory_space<vmem>>, vector<1024x256xi32>
    %bitcast_convert_type3A = tpu.bitcast %get3A_1 : vector<1024x256xi32> -> vector<1024x256xi32>
    %shift_left3A = arith.constant 16 : i32
    %shift_left3A_2 = vector.broadcast %shift_left3A : i32 to vector<1024x256xi32>
    %shift_left3A_3 = arith.shli %bitcast_convert_type3A, %shift_left3A_2 : vector<1024x256xi32>
    %bitcast_convert_type3A_4 = tpu.bitcast %shift_left3A_3 : vector<1024x256xi32> -> vector<1024x256xf32>
    %and3A = arith.constant -65536 : i32
    %and3A_5 = vector.broadcast %and3A : i32 to vector<1024x256xi32>
    %and3A_6 = arith.andi %bitcast_convert_type3A, %and3A_5 : vector<1024x256xi32>
    %bitcast_convert_type3A_7 = tpu.bitcast %and3A_6 : vector<1024x256xi32> -> vector<1024x256xf32>
    %get3A_8 = arith.constant 0 : index
    %get3A_9 = arith.constant 0 : index
    %get3A_10 = vector.load %arg2[%get3A_8, %get3A_9] : memref<512x768xf32, #tpu.memory_space<vmem>>, vector<512x768xf32>
    %convert_element_type3A = arith.truncf %get3A_10 : vector<512x768xf32> to vector<512x768xbf16>
    %convert_element_type3A_11 = arith.truncf %bitcast_convert_type3A_4 : vector<1024x256xf32> to vector<1024x256xbf16>
    %slice3A = vector.extract_strided_slice %convert_element_type3A {offsets = [0, 0], sizes = [256, 768], strides = [1, 1]} : vector<512x768xbf16> to vector<256x768xbf16>
    %dot_general3A = arith.constant dense<0.000000e+00> : vector<1024x768xf32>
    %dot_general3A_12 = tpu.matmul %convert_element_type3A_11, %slice3A, %dot_general3A {dimension_numbers = #tpu.dot_dimension_numbers<[1], [0], [0], [1], [0, 0, 1, 1], [], []>, transpose_lhs_hint = false} : vector<1024x256xbf16>, vector<256x768xbf16>, vector<1024x768xf32> -> vector<1024x768xf32>
    %convert_element_type3A_13 = arith.truncf %bitcast_convert_type3A_7 : vector<1024x256xf32> to vector<1024x256xbf16>
    %slice3A_14 = vector.extract_strided_slice %convert_element_type3A {offsets = [256, 0], sizes = [256, 768], strides = [1, 1]} : vector<512x768xbf16> to vector<256x768xbf16>
    %dot_general3A_15 = arith.constant dense<0.000000e+00> : vector<1024x768xf32>
    %dot_general3A_16 = tpu.matmul %convert_element_type3A_13, %slice3A_14, %dot_general3A_15 {dimension_numbers = #tpu.dot_dimension_numbers<[1], [0], [0], [1], [0, 0, 1, 1], [], []>, transpose_lhs_hint = false} : vector<1024x256xbf16>, vector<256x768xbf16>, vector<1024x768xf32> -> vector<1024x768xf32>
    %add3A = arith.addf %dot_general3A_12, %dot_general3A_16 : vector<1024x768xf32>
    %get3A_17 = arith.constant 0 : index
    %get3A_18 = arith.constant 0 : index
    %get3A_19 = vector.load %arg3[%get3A_17, %get3A_18] : memref<1x768xf32, #tpu.memory_space<vmem>>, vector<1x768xf32>
    %add3A_20 = vector.broadcast %get3A_19 : vector<1x768xf32> to vector<1024x768xf32>
    %add3A_21 = arith.addf %add3A, %add3A_20 : vector<1024x768xf32>
    %reshape3A = vector.shape_cast %add3A_21 : vector<1024x768xf32> to vector<1x1024x768xf32>
    %swap3A = arith.constant 0 : index
    %swap3A_22 = arith.constant 0 : index
    %swap3A_23 = arith.constant 0 : index
    %swap3A_24 = vector.load %arg5[%swap3A, %swap3A_22, %swap3A_23] : memref<1x1024x768xf32, #tpu.memory_space<vmem>>, vector<1x1024x768xf32>
    tpu.vector_store %arg5[%swap3A, %swap3A_22, %swap3A_23], %reshape3A {strides = array<i32>} : memref<1x1024x768xf32, #tpu.memory_space<vmem>>, vector<1x1024x768xf32>,
    return
  }
  func.func @transform_0(%arg0: i32) -> (i32, i32) {
    %c0_i32 = arith.constant 0 : i32
    %c0_i32_0 = arith.constant 0 : i32
    return %arg0, %c0_i32 : i32, i32
  }
  func.func @transform_1(%arg0: i32) -> (i32, i32) {
    %c0_i32 = arith.constant 0 : i32
    %c0_i32_0 = arith.constant 0 : i32
    %c0_i32_1 = arith.constant 0 : i32
    return %c0_i32, %c0_i32_0 : i32, i32
  }
  func.func @transform_2(%arg0: i32) -> (i32, i32) {
    %c0_i32 = arith.constant 0 : i32
    %c0_i32_0 = arith.constant 0 : i32
    %c0_i32_1 = arith.constant 0 : i32
    return %c0_i32, %c0_i32_0 : i32, i32
  }
  func.func @transform_4(%arg0: i32) -> (i32, i32, i32) {
    %add3A = arith.constant 30 : i32
    %add3A_0 = arith.addi %arg0, %add3A : i32
    %c0_i32 = arith.constant 0 : i32
    %c0_i32_1 = arith.constant 0 : i32
    %c0_i32_2 = arith.constant 0 : i32
    return %add3A_0, %c0_i32, %c0_i32_1 : i32, i32, i32
  }
}

module attributes {stable_mosaic.version = 14 : i64} {
  func.func @_mm_body_chained(%arg0: i32, %arg1: memref<1024x256xi32, #tpu.memory_space<vmem>>, %arg2: memref<512x768xf32, #tpu.memory_space<vmem>>, %arg3: memref<1x768xf32, #tpu.memory_space<vmem>>, %arg4: memref<50x1024x768xf32, #tpu.memory_space<any>>, %arg5: memref<1x1024x768xf32, #tpu.memory_space<vmem>>) attributes {dimension_semantics = [#tpu.dimension_semantics<arbitrary>], iteration_bounds = array<i64: 10>, scalar_prefetch = 0 : i64, scratch_operands = 0 : i64, tpu.core_type = #tpu.core_type<tc>, window_params = [{transform_indices = @transform_0, window_bounds = array<i64: 1024, 256>}, {pipeline_mode = #tpu.pipeline_mode<synchronous>, transform_indices = @transform_1, window_bounds = array<i64: 512, 768>}, {pipeline_mode = #tpu.pipeline_mode<synchronous>, transform_indices = @transform_2, window_bounds = array<i64: 1, 768>}, {}, {transform_indices = @transform_4, window_bounds = array<i64: 1, 1024, 768>}]} {
    %get3A = arith.constant 0 : index
    %get3A_0 = arith.constant 0 : index
    %get3A_1 = vector.load %arg1[%get3A, %get3A_0] : memref<1024x256xi32, #tpu.memory_space<vmem>>, vector<1024x256xi32>
    %bitcast_convert_type3A = tpu.bitcast %get3A_1 : vector<1024x256xi32> -> vector<1024x256xi32>
    %shift_left3A = arith.constant 16 : i32
    %shift_left3A_2 = vector.broadcast %shift_left3A : i32 to vector<1024x256xi32>
    %shift_left3A_3 = arith.shli %bitcast_convert_type3A, %shift_left3A_2 : vector<1024x256xi32>
    %bitcast_convert_type3A_4 = tpu.bitcast %shift_left3A_3 : vector<1024x256xi32> -> vector<1024x256xf32>
    %and3A = arith.constant -65536 : i32
    %and3A_5 = vector.broadcast %and3A : i32 to vector<1024x256xi32>
    %and3A_6 = arith.andi %bitcast_convert_type3A, %and3A_5 : vector<1024x256xi32>
    %bitcast_convert_type3A_7 = tpu.bitcast %and3A_6 : vector<1024x256xi32> -> vector<1024x256xf32>
    %get3A_8 = arith.constant 0 : index
    %get3A_9 = arith.constant 0 : index
    %get3A_10 = vector.load %arg2[%get3A_8, %get3A_9] : memref<512x768xf32, #tpu.memory_space<vmem>>, vector<512x768xf32>
    %convert_element_type3A = arith.truncf %get3A_10 : vector<512x768xf32> to vector<512x768xbf16>
    %convert_element_type3A_11 = arith.truncf %bitcast_convert_type3A_4 : vector<1024x256xf32> to vector<1024x256xbf16>
    %slice3A = vector.extract_strided_slice %convert_element_type3A {offsets = [0, 0], sizes = [256, 768], strides = [1, 1]} : vector<512x768xbf16> to vector<256x768xbf16>
    %dot_general3A = arith.constant dense<0.000000e+00> : vector<1024x768xf32>
    %dot_general3A_12 = tpu.matmul %convert_element_type3A_11, %slice3A, %dot_general3A {dimension_numbers = #tpu.dot_dimension_numbers<[1], [0], [0], [1], [0, 0, 1, 1], [], []>, transpose_lhs_hint = false} : vector<1024x256xbf16>, vector<256x768xbf16>, vector<1024x768xf32> -> vector<1024x768xf32>
    %convert_element_type3A_13 = arith.truncf %bitcast_convert_type3A_7 : vector<1024x256xf32> to vector<1024x256xbf16>
    %slice3A_14 = vector.extract_strided_slice %convert_element_type3A {offsets = [256, 0], sizes = [256, 768], strides = [1, 1]} : vector<512x768xbf16> to vector<256x768xbf16>
    %dot_general3A_15 = arith.constant dense<0.000000e+00> : vector<1024x768xf32>
    %dot_general3A_16 = tpu.matmul %convert_element_type3A_13, %slice3A_14, %dot_general3A_15 {dimension_numbers = #tpu.dot_dimension_numbers<[1], [0], [0], [1], [0, 0, 1, 1], [], []>, transpose_lhs_hint = false} : vector<1024x256xbf16>, vector<256x768xbf16>, vector<1024x768xf32> -> vector<1024x768xf32>
    %add3A = arith.addf %dot_general3A_12, %dot_general3A_16 : vector<1024x768xf32>
    %get3A_17 = arith.constant 0 : index
    %get3A_18 = arith.constant 0 : index
    %get3A_19 = vector.load %arg3[%get3A_17, %get3A_18] : memref<1x768xf32, #tpu.memory_space<vmem>>, vector<1x768xf32>
    %add3A_20 = vector.broadcast %get3A_19 : vector<1x768xf32> to vector<1024x768xf32>
    %add3A_21 = arith.addf %add3A, %add3A_20 : vector<1024x768xf32>
    %reshape3A = vector.shape_cast %add3A_21 : vector<1024x768xf32> to vector<1x1024x768xf32>
    %swap3A = arith.constant 0 : index
    %swap3A_22 = arith.constant 0 : index
    %swap3A_23 = arith.constant 0 : index
    %swap3A_24 = vector.load %arg5[%swap3A, %swap3A_22, %swap3A_23] : memref<1x1024x768xf32, #tpu.memory_space<vmem>>, vector<1x1024x768xf32>
    tpu.vector_store %arg5[%swap3A, %swap3A_22, %swap3A_23], %reshape3A {strides = array<i32>} : memref<1x1024x768xf32, #tpu.memory_space<vmem>>, vector<1x1024x768xf32>,
    return
  }
  func.func @transform_0(%arg0: i32) -> (i32, i32) {
    %c0_i32 = arith.constant 0 : i32
    %c0_i32_0 = arith.constant 0 : i32
    return %arg0, %c0_i32 : i32, i32
  }
  func.func @transform_1(%arg0: i32) -> (i32, i32) {
    %c0_i32 = arith.constant 0 : i32
    %c0_i32_0 = arith.constant 0 : i32
    %c0_i32_1 = arith.constant 0 : i32
    return %c0_i32, %c0_i32_0 : i32, i32
  }
  func.func @transform_2(%arg0: i32) -> (i32, i32) {
    %c0_i32 = arith.constant 0 : i32
    %c0_i32_0 = arith.constant 0 : i32
    %c0_i32_1 = arith.constant 0 : i32
    return %c0_i32, %c0_i32_0 : i32, i32
  }
  func.func @transform_4(%arg0: i32) -> (i32, i32, i32) {
    %add3A = arith.constant 40 : i32
    %add3A_0 = arith.addi %arg0, %add3A : i32
    %c0_i32 = arith.constant 0 : i32
    %c0_i32_1 = arith.constant 0 : i32
    %c0_i32_2 = arith.constant 0 : i32
    return %add3A_0, %c0_i32, %c0_i32_1 : i32, i32, i32
  }
}

</mosaic_0001>

<sc_bundles>
// kernel: kernel.13.cloned.1.call-start
scs
__scs_entry_jumppad:
0x0: {  	(pc) =	sbr.rel $0x88, $3  }
0x1: {  	(tag) =	ssettag $0x0;
	lr =	simm.s32 $0x1  }
0x2: {  	[smem:$0x3F9D] =	sst lr;
	_ =	strace $0xD0000000  }
0x3: {  	_ = 	snop  }
0x4: {  	_ = 	snop  }
0x5: {  	_ = 	snop  }
0x6: {  	_ = 	snop  }
0x7: {  	_ = 	snop  }
__scs_overlays_trampoline_lowered:
0x8: {  	[smem:$0x3FAC] =	sst s0  }
0x9: {  	[smem:$0x3FAD] =	sst s1  }
0xa: {  	[smem:$0x3FAE] =	sst s2  }
0xb: {  	[smem:$0x3FAF] =	sst s3  }
0xc: {  	[smem:$0x3FB0] =	sst s4  }
0xd: {  	[smem:$0x3FB1] =	sst s5  }
0xe: {  	[smem:$0x3FB2] =	sst s6  }
0xf: {  	[smem:$0x3FB3] =	sst s7  }
0x10: {  	[smem:$0x3FB4] =	sst s8  }
0x11: {  	[smem:$0x3FB5] =	sst s9;
	s0 =	simm.s32 @!p0 $0x0  }
0x12: {  	s1 =	sld [smem:$0x3F9B];
	s0 =	simm.s32 @p0 $0x1  }
0x13: {  	[smem:$0x3FB6] =	sst s0;
	s0 =	simm.s32 @!p1 $0x0  }
0x14: {  	s2 =	sld [smem:$0x3F9A];
	s0 =	simm.s32 @p1 $0x1  }
0x15: {  	[smem:$0x3FB7] =	sst s0;
	s0 =	simm.s32 @!p2 $0x0  }
0x16: {  	s3 =	sld [smem:$0x3FDB];
	s0 =	simm.s32 @p2 $0x1  }
0x17: {  	s4 =	simm.s32 $0x1BF5;
	[smem:$0x3FB9] =	sst s0  }
0x18: {  	s0 =	sld [smem:$0x3F9C];
	_ =	swait.ge [sflag:s4], $0x0  }
0x19: {  	s7 =	sld [smem:$0x3F9D]  }
0x1a: {  	s8 =	sadd.s32 $0xFFFFE003, lr  }
0x1b: {  	s9 =	sadd.s32 $0xFFFFFEF7, lr;
	s5 =	simm.s32 $0xFFFFFFFF;
	p2 =	slt.u32 s8, $0xFFFFF086  }
0x1c: {  	p1 =	slt.u32 s9, $0xF7A;
	s5 =	simm.s32 @!p2 $0x0  }
0x1d: {  	s5 =	simm.s32 @p1 $0x1;
	p0 =	seq.s32 s7, s2  }
0x1e: {  	s7 =	smul.u32 @!p0 $0xF7A, s2;
	p2 =	seq.s32 @!p0 s5, $0x0  }
0x1f: {  	s9 =	smul.u32 $0xF7A, s1;
	s8 =	simm.s32 @!p0 $0x1BF5;
	p2 =	por !p2, p0  }
0x20: {  	[sflag:s8] =	ssyncset.s32 @!p0 $0xFFFFF086;
	s6 =	sadd.s32 @!p0 s3, s7;
	s7 =	simm.s32 @!p0 $0x108  }
0x21: {  	s3 =	sadd.s32 s3, s9;
	s6 =	sadd.s32 @!p0 $0x88, s6;
	s7 =	simm.s32 @p2 $0x1082  }
0x22: {  	[simem:s7], [sflag:s8] =	dma.local @!p0 [hbm:s6], $0xF7A  }
0x23: {  	s9 =	sor.u32 $0xD0000000, s2;
	s6 =	simm.s32 $0x108;
	_ =	swait.ge @!p0 [sflag:s8], $0x0  }
0x24: {  	s3 =	sadd.s32 $0x88, s3;
	s6 =	simm.s32 @!p1 $0x1082;
	[sflag:s4] =	ssyncset.s32 $0xFFFFF086  }
0x25: {  	[simem:s6], [sflag:s4] =	dma.local [hbm:s3], $0xF7A  }
0x26: {  	[smem:$0x3F9D] =	sst s1;
	(tag) =	ssettag s2;
	_ =	strace s9  }
0x27: {  	s1 =	sld [smem:$0x3FAD]  }
0x28: {  	s2 =	sld [smem:$0x3FAE]  }
0x29: {  	s4 =	sld [smem:$0x3FB0]  }
0x2a: {  	p0 =	seq.s32 s5, $0x0;
	s5 =	sld [smem:$0x3FB1]  }
0x2b: {  	s6 =	sld [smem:$0x3FB2]  }
0x2c: {  	s7 =	sld [smem:$0x3FB3]  }
0x2d: {  	s3 =	simm.s32 $0x108;
	s8 =	sld [smem:$0x3FB4]  }
0x2e: {  	s3 =	simm.s32 @!p0 $0x1082;
	s9 =	sld [smem:$0x3FB5]  }
0x2f: {  	lr =	sadd.s32 s0, s3;
	s0 =	sld [smem:$0x3FAC]  }
0x30: {  	s3 =	sld [smem:$0x3FAF]  }
0x31: {  	[smem:$0x3FB8] =	sst s10  }
0x32: {  	s10 =	sld [smem:$0x3FB6];
	_ =	sdelay $0x3  }
0x33: {  	p0 =	seq.s32 s10, $0x1;
	s10 =	sld [smem:$0x3FB8];
	_ =	sdelay $0x3  }
0x34: {  	[smem:$0x3FB8] =	sst s10  }
0x35: {  	s10 =	sld [smem:$0x3FB7];
	_ =	sdelay $0x3  }
0x36: {  	p1 =	seq.s32 s10, $0x1;
	s10 =	sld [smem:$0x3FB8];
	_ =	sdelay $0x3  }
0x37: {  	[smem:$0x3FB8] =	sst s10  }
0x38: {  	s10 =	sld [smem:$0x3FB9]  }
0x39: {  	_ = 	snop;
	(pc) =	sbr.ind lr, $3  }
0x3a: {  	_ = 	snop  }
0x3b: {  	_ = 	snop  }
0x3c: {  	p2 =	seq.s32 s10, $0x1;
	s10 =	sld [smem:$0x3FB8]  }
0x3d: {  	_ =	shalt  }
0x3e: {  	_ =	shalt  }
0x3f: {  	_ =	shalt  }
0x40: {  	_ =	shalt  }
0x41: {  	_ =	shalt  }
0x42: {  	_ =	shalt  }
0x43: {  	_ =	shalt  }
0x44: {  	_ =	shalt  }
0x45: {  	_ =	shalt  }
0x46: {  	_ =	shalt  }
0x47: {  	_ =	shalt  }
0x48: {  	_ =	shalt  }
0x49: {  	_ =	shalt  }
0x4a: {  	_ =	shalt  }
0x4b: {  	_ =	shalt  }
0x4c: {  	_ =	shalt  }
0x4d: {  	_ =	shalt  }
0x4e: {  	_ =	shalt  }
0x4f: {  	_ =	shalt  }
0x50: {  	_ =	shalt  }
0x51: {  	_ =	shalt  }
0x52: {  	_ =	shalt  }
0x53: {  	_ =	shalt  }
0x54: {  	_ =	shalt  }
0x55: {  	_ =	shalt  }
0x56: {  	_ =	shalt  }
0x57: {  	_ =	shalt  }
0x58: {  	_ =	shalt  }
0x59: {  	_ =	shalt  }
0x5a: {  	_ =	shalt  }
0x5b: {  	_ =	shalt  }
0x5c: {  	_ =	shalt  }
0x5d: {  	_ =	shalt  }
0x5e: {  	_ =	shalt  }
0x5f: {  	_ =	shalt  }
0x60: {  	_ =	shalt  }
0x61: {  	_ =	shalt  }
0x62: {  	_ =	shalt  }
0x63: {  	_ =	shalt  }
0x64: {  	_ =	shalt  }
0x65: {  	_ =	shalt  }
0x66: {  	_ =	shalt  }
0x67: {  	_ =	shalt  }
0x68: {  	_ =	shalt  }
0x69: {  	_ =	shalt  }
0x6a: {  	_ =	shalt  }
0x6b: {  	_ =	shalt  }
0x6c: {  	_ =	shalt  }
0x6d: {  	_ =	shalt  }
0x6e: {  	_ =	shalt  }
0x6f: {  	_ =	shalt  }
0x70: {  	_ =	shalt  }
0x71: {  	_ =	shalt  }
0x72: {  	_ =	shalt  }
0x73: {  	_ =	shalt  }
0x74: {  	_ =	shalt  }
0x75: {  	_ =	shalt  }
0x76: {  	_ =	shalt  }
0x77: {  	_ =	shalt  }
0x78: {  	_ =	shalt  }
0x79: {  	_ =	shalt  }
0x7a: {  	_ =	shalt  }
0x7b: {  	_ =	shalt  }
0x7c: {  	_ =	shalt  }
0x7d: {  	_ =	shalt  }
0x7e: {  	_ =	shalt  }
0x7f: {  	_ =	shalt  }
0x80: {  	_ =	shalt  }
0x81: {  	_ =	shalt  }
0x82: {  	_ =	shalt  }
0x83: {  	_ =	shalt  }
0x84: {  	_ =	shalt  }
0x85: {  	_ =	shalt  }
0x86: {  	_ =	shalt  }
0x87: {  	_ =	shalt  }
.Lfunc_end0:
.L_simem_size_0:
called_computation_lowered:
.L_overlay_start_0:
0x88: {  	s2 =	sld [smem:$0x3FD9]  }
0x89: {  	s3 =	sld [smem:$0x3FFE];
	_ =	sdelay $0x1  }
0x8a: {  	s1 =	srdreg.scid  }
0x8b: {  	s0 =	sand.u32 $0x1, s1  }
0x8c: {  	s17 =	sshll.u32 s0, $0xA;
	s2 =	sadd.s32 s3, s2  }
0x8d: {  	s2 =	sadd.s32 s2, s17  }
0x8e: {  	[smem:$0x3FC4] =	sst s2  }
0x8f: {  	_ = 	snop  }
0x90: {  	s2 =	sld [smem:$0x3FD0];
	(tm) =	ssettm $0x1  }
0x91: {  	s18 =	sld [smem:$0x3FFB];
	_ =	sdelay $0x3  }
0x92: {  	_ =	strace s18  }
0x93: {  	s3 =	sld [smem:$0x3FFC];
	_ =	sdelay $0x3  }
0x94: {  	_ =	strace s3  }
0x95: {  	s3 =	sld [smem:$0x3FFD];
	_ =	sdelay $0x3  }
0x96: {  	_ =	strace s3  }
0x97: {  	_ =	strace $0x8FFFFFFF  }
0x98: {  	s19 =	sld [smem:$0x3FDB];
	_ =	sdelay $0x1  }
0x99: {  	s4 =	simm.s32 $_scs_section_size  }
0x9a: {  	s5 =	simm.s32 $_size__tile_overlayer_lowered;
	s6 =	simm.s32 $_tile_overlayer_lowered  }
0x9b: {  	s22 =	simm.s32 $0x1BFF;
	s21 =	sshll.u32 s6, $0x1;
	s3 =	sadd.s32 s4, s19  }
0x9c: {  	s7 =	simm.s32 $0x0;
	s20 =	sshll.u32 s5, $0x1;
	s5 =	sadd.s32 s21, s3  }
0x9d: {  	[timem:s7], [sflag:s22] =	dma.local [hbm:s5], s20  }
0x9e: {  	_ =	swait.ge [sflag:s22], s20  }
0x9f: {  	s4 =	ssub.s32 $0x0, s20;
	[sflag:s22] =	ssyncset.done $0x0  }
0xa0: {  	[sflag:s22] =	ssyncadd.s32 s4;
	_ =	sdelay $0x1  }
0xa1: {  	s23 =	simm.s32 $0x1B8B  }
0xa2: {  	_ =	swait.ge [sflag:s23], $0x1  }
0xa3: {  	[sflag:s23] =	ssyncset.done $0x0  }
0xa4: {  	s25 =	simm.s32 $0x1B8E;
	s24 =	sld [smem:$0x3FFE];
	[sflag:s23] =	ssyncadd.s32 $0xFFFFFFFF  }
0xa5: {  	s26 =	simm.s32 $execute0_lowered;
	[smem:$0x3FD2] =	sst s25  }
0xa6: {  	s5 =	sshll.u32 s26, $0x1;
	_ =	strace $0x80000046;
	[dreg:$0x1] =	wrdreg $0xFFFFFFFF  }
0xa7: {  	s28 =	simm.s32 $_size_execute0_lowered;
	s3 =	sadd.s32 s3, s5;
	[dreg:$0x0] =	wrdreg $0x0  }
0xa8: {  	s5 =	sshll.u32 s28, $0x1;
	[dreg:$0x2] =	wrdreg s3  }
0xa9: {  	[dreg:$0x3] =	wrdreg s5  }
0xaa: {  	[dreg:$0x4] =	wrdreg $0xC0  }
0xab: {  	_ =	task [dreg:s7], $0x5FFFF  }
0xac: {  	[dreg:$0x1] =	wrdreg $0xFFFFFFFF  }
0xad: {  	[dreg:$0x0] =	wrdreg $0x60  }
0xae: {  	[dreg:$0x2] =	wrdreg s24  }
0xaf: {  	[dreg:$0x3] =	wrdreg s2  }
0xb0: {  	[dreg:$0x4] =	wrdreg $0x9  }
0xb1: {  	_ =	task.clear_ibuf [dreg:s7], $0x5FFFF;
	_ =	strace $0x90000046  }
0xb2: {  	s29 =	simm.s32 $0x9;
	_ =	strace $0x80000048  }
0xb3: {  	_ =	swait.ge [sflag:s29], $0x1  }
0xb4: {  	[sflag:s29] =	ssyncadd.s32 $0xFFFFFFFF  }
0xb5: {  	_ =	strace $0x90000048  }
0xb6: {  	_ =	sfence  }
0xb7: {  	s30 =	sld [smem:$0x0];
	_ =	sdelay $0x2  }
0xb8: {  	s31 =	sshll.u32 s1, $0xD;
	s1 =	sshrl.u32 s1, $0x2  }
0xb9: {  	s3 =	sand.u32 $0x4000, s31;
	s1 =	sadd.s32 s1, s30  }
0xba: {  	s0 =	sor.u32 s3, s0;
	s1 =	sshll.u32 s1, $0x11  }
0xbb: {  	s0 =	sor.u32 s1, s0  }
0xbc: {  	s0 =	sadd.s32 $0x8F2B, s0  }
0xbd: {  	[sflag:s0] =	ssyncadd.remote.s32 $0x1  }
0xbe: {  	_ =	sfence.sel $0xFFFF  }
0xbf: {  	[dreg:$0x0] =	wrdreg $0xFFFFFFFF;
	(pc) =	sbr.abs _section_cstart, $3  }
0xc0: {  	[dreg:$0x1] =	wrdreg $0xFFFFFFFF  }
0xc1: {  	_ =	task.clear_ibuf [dreg:s7], $0x2FFFF;
	_ =	strace $0x9FFFFFFF  }
0xc2: {  	(tm) =	ssettm $0x7FFFFFFF  }
0xc3: {  	_ =	shalt  }
tec
execute0_lowered:
.L_overlay_start_1:
0x0: {  	(tag) =	ssettag $0x1  }
0x1: {  	s0 =	rddreg [dreg:$0x0]  }
0x2: {  	s1 =	srdreg.scid;
	s3 =	stileid.u32  }
0x3: {  	s2 =	rddreg [dreg:$0x1];
	s12 =	simm.s32 $0x3;
	s13 =	simm.s32 $0x100  }
0x4: {  	s14 =	simm.s32 $0x5100;
	s20 =	simm.s32 $0x8100;
	s21 =	simm.s32 $0x8900  }
0x5: {  	s22 =	simm.s32 $0x9100;
	s23 =	simm.s32 $0x9900;
	s28 =	simm.s32 $0x6D00  }
0x6: {  	s29 =	simm.s32 $0x7500;
	s30 =	simm.s32 $0x7D00;
	s31 =	simm.s32 $0x8500  }
0x7: {  	s10 =	simm.s32 $0x9D00;
	s11 =	simm.s32 $0x1;
	s15 =	simm.s32 $0x2  }
0x8: {  	s17 =	simm.s32 $0x0;
	s19 =	simm.s32 $0x80;
	s1 =	sand.u32 $0x1, s1  }
0x9: {  	s4 =	sshll.u32 s3, $0x1;
	s3 =	simm.s32 $0x0;
	s5 =	sadd.s32 $0x3C00, s0  }
0xa: {  	s6 =	sadd.s32 $0x2200, s0;
	s8 =	sadd.s32 $0x3C80, s0;
	s4 =	sor.u32 s1, s4  }
0xb: {  	[smem:$0x7FF] =	sst s3;
	s1 =	ssub.s32 $0x2, s1;
	s4 =	smul.u32 $0x140, s4  }
0xc: {  	s0 =	simm.s32 $0x9500;
	_ =	strace $0x80000047;
	s7 =	sshrl.u32 s1, $0x1  }
.Ltmp0:
0xd: {  	s1 =	ssub.s32 s1, s7;
	s24 =	sshrl.u32 s4, $0x3;
	(pc) =	sbr.rel .LBB2_1-.Ltmp0, $4  }
0xe: {  	s9 =	sadd.s32 $0x50, s4;
	s26 =	smax.u32 s1, $0x1;
	s1 =	simm.s32 $0x8D00  }
0xf: {  	v2 =	vlaneseq.u32;
	s7 =	sadd.s32 s6, s24;
	[dreg:$0x5] =	wrdreg s26;
	s24 =	simm.s32 $0x5500  }
0x10: {  	vm0 =	vmmov $0xff;
	v1 =	vshrl.u32 v2, $0x3;
	s26 =	simm.s32 $0x6500;
	[dreg:$0x3] =	wrdreg s7;
	s25 =	sadd.s32 $0x14, s7  }
0x11: {  	v0 =	vand.u32 $0x7, v2;
	v2 =	vor.u32 $0x8, v2;
	v1 =	vmul.u32 $0x8, v1;
	s7 =	simm.s32 $0x4;
	[dreg:$0x4] =	wrdreg s25;
	s25 =	simm.s32 $0x5D00  }
.LBB2_5:
0x12: {  	s17 =	rddreg [dreg:$0x6]  }
0x13: {  	s16 =	rddreg [dreg:$0x5];
	s17 =	sadd.s32 $0x1, s17  }
0x14: {  	p0 =	sne.s32 s17, s16  }
.Ltmp1:
0x15: {  	_ = 	snop;
	(pc) =	sbr.rel @!p0 .LBB2_6-.Ltmp1, $1  }
0x16: {  	_ =	sdelay $0x3  }
.LBB2_1:
0x17: {  	[dreg:$0x6] =	wrdreg s17  }
0x18: {  	s16 =	rddreg [dreg:$0x3]  }
0x19: {  	[tilespmem:s3], [sflag:$0x3] =	stream.linear.gather [hbm4b:s16+s3], $0x50, $0x38;
	[tilespmem:$0xA100] =	vst v63  }
0x1a: {  	_ =	swait.ge [sflag:s12], $0x50  }
0x1b: {  	[sflag:s12] =	ssyncset.done $0x0  }
0x1c: {  	[sflag:s12] =	ssyncadd.s32 $0xFFFFFFB0  }
0x1d: {  	v3 =	vld [tilespmem:$0x0];
	_ =	sdelay $0x4  }
0x1e: {  	v4 =	vshll.u32 v3, $0x1  }
0x1f: {  	v3 =	vand.u32 $0x7, v3;
	v4 =	vand.u32 $0xFFFFFFF0, v4  }
0x20: {  	v3 =	vor.u32 v3, v4  }
0x21: {  	v4 =	vperm.xlane v3, v0;
	_ =	sdelay $0x1  }
0x22: {  	v3 =	vperm.xlane v3, v2;
	v4 =	vadd.s32 v1, v4;
	_ =	sdelay $0x1  }
0x23: {  	v3 =	vadd.s32 v1, v3;
	_ =	sdelay $0x2  }
0x24: {  	[tilespmem:s13], [sflag:$0x1] =	stream.indirect_vreg.gather [hbm4b:s5+s3], $0x80, v4, vm0, $0xb8;
	[tilespmem:$0xA100] =	vst v63  }
0x25: {  	s18 =	simm.s32 $0x900  }
0x26: {  	[tilespmem:s18], [sflag:$0x1] =	stream.indirect_vreg.gather [hbm4b:s5+s3], $0x80, v3, vm0, $0xb8;
	[tilespmem:$0xA100] =	vst v63  }
0x27: {  	v3 =	vld [tilespmem:$0x10];
	_ =	sdelay $0x4  }
0x28: {  	v55 =	vshll.u32 v3, $0x1  }
0x29: {  	v3 =	vand.u32 $0x7, v3;
	v4 =	vand.u32 $0xFFFFFFF0, v55  }
0x2a: {  	v3 =	vor.u32 v3, v4  }
0x2b: {  	v4 =	vperm.xlane v3, v0;
	_ =	sdelay $0x1  }
0x2c: {  	v3 =	vperm.xlane v3, v2;
	v4 =	vadd.s32 v1, v4;
	_ =	sdelay $0x1  }
0x2d: {  	v3 =	vadd.s32 v1, v3;
	_ =	sdelay $0x1  }
0x2e: {  	s17 =	simm.s32 $0x1100  }
0x2f: {  	[tilespmem:s17], [sflag:$0x1] =	stream.indirect_vreg.gather [hbm4b:s5+s3], $0x80, v4, vm0, $0xb8;
	[tilespmem:$0xA100] =	vst v63  }
0x30: {  	s18 =	simm.s32 $0x1900  }
0x31: {  	[tilespmem:s18], [sflag:$0x1] =	stream.indirect_vreg.gather [hbm4b:s5+s3], $0x80, v3, vm0, $0xb8;
	[tilespmem:$0xA100] =	vst v63  }
0x32: {  	v3 =	vld [tilespmem:$0x20];
	_ =	sdelay $0x4  }
0x33: {  	v56 =	vshll.u32 v3, $0x1  }
0x34: {  	v3 =	vand.u32 $0x7, v3;
	v4 =	vand.u32 $0xFFFFFFF0, v56  }
0x35: {  	v3 =	vor.u32 v3, v4  }
0x36: {  	v4 =	vperm.xlane v3, v0;
	_ =	sdelay $0x1  }
0x37: {  	v3 =	vperm.xlane v3, v2;
	v4 =	vadd.s32 v1, v4;
	_ =	sdelay $0x1  }
0x38: {  	v3 =	vadd.s32 v1, v3;
	_ =	sdelay $0x1  }
0x39: {  	s17 =	simm.s32 $0x2100  }
0x3a: {  	[tilespmem:s17], [sflag:$0x1] =	stream.indirect_vreg.gather [hbm4b:s5+s3], $0x80, v4, vm0, $0xb8;
	[tilespmem:$0xA100] =	vst v63  }
0x3b: {  	s18 =	simm.s32 $0x2900  }
0x3c: {  	[tilespmem:s18], [sflag:$0x1] =	stream.indirect_vreg.gather [hbm4b:s5+s3], $0x80, v3, vm0, $0xb8;
	[tilespmem:$0xA100] =	vst v63  }
0x3d: {  	v3 =	vld [tilespmem:$0x30];
	_ =	sdelay $0x4  }
0x3e: {  	v57 =	vshll.u32 v3, $0x1  }
0x3f: {  	v3 =	vand.u32 $0x7, v3;
	v4 =	vand.u32 $0xFFFFFFF0, v57  }
0x40: {  	v3 =	vor.u32 v3, v4  }
0x41: {  	v4 =	vperm.xlane v3, v0;
	_ =	sdelay $0x1  }
0x42: {  	v3 =	vperm.xlane v3, v2;
	v4 =	vadd.s32 v1, v4;
	_ =	sdelay $0x1  }
0x43: {  	v3 =	vadd.s32 v1, v3;
	_ =	sdelay $0x1  }
0x44: {  	s17 =	simm.s32 $0x3100  }
0x45: {  	[tilespmem:s17], [sflag:$0x1] =	stream.indirect_vreg.gather [hbm4b:s5+s3], $0x80, v4, vm0, $0xb8;
	[tilespmem:$0xA100] =	vst v63  }
0x46: {  	s18 =	simm.s32 $0x3900  }
0x47: {  	[tilespmem:s18], [sflag:$0x1] =	stream.indirect_vreg.gather [hbm4b:s5+s3], $0x80, v3, vm0, $0xb8;
	[tilespmem:$0xA100] =	vst v63  }
0x48: {  	v3 =	vld [tilespmem:$0x40];
	_ =	sdelay $0x4  }
0x49: {  	v58 =	vshll.u32 v3, $0x1  }
0x4a: {  	v3 =	vand.u32 $0x7, v3;
	v4 =	vand.u32 $0xFFFFFFF0, v58  }
0x4b: {  	v3 =	vor.u32 v3, v4  }
0x4c: {  	v4 =	vperm.xlane v3, v0;
	_ =	sdelay $0x1  }
0x4d: {  	v3 =	vperm.xlane v3, v2;
	v4 =	vadd.s32 v1, v4;
	_ =	sdelay $0x1  }
0x4e: {  	v3 =	vadd.s32 v1, v3;
	_ =	sdelay $0x1  }
0x4f: {  	s17 =	simm.s32 $0x4100  }
0x50: {  	[tilespmem:s17], [sflag:$0x1] =	stream.indirect_vreg.gather [hbm4b:s5+s3], $0x80, v4, vm0, $0xb8;
	[tilespmem:$0xA100] =	vst v63  }
0x51: {  	s18 =	simm.s32 $0x4900  }
0x52: {  	[tilespmem:s18], [sflag:$0x1] =	stream.indirect_vreg.gather [hbm4b:s5+s3], $0x80, v3, vm0, $0xb8;
	[tilespmem:$0xA100] =	vst v63  }
0x53: {  	v3 =	vld [tilespmem:$0x0];
	_ =	sdelay $0x4  }
0x54: {  	v59 =	vshll.u32 v3, $0x1  }
0x55: {  	v3 =	vand.u32 $0x7, v3;
	v4 =	vand.u32 $0xFFFFFFF0, v59  }
0x56: {  	v3 =	vor.u32 v3, v4  }
0x57: {  	v4 =	vperm.xlane v3, v0;
	_ =	sdelay $0x1  }
0x58: {  	v3 =	vperm.xlane v3, v2;
	v4 =	vadd.s32 v1, v4;
	_ =	sdelay $0x1  }
0x59: {  	v3 =	vadd.s32 v1, v3;
	_ =	sdelay $0x1  }
0x5a: {  	s17 =	simm.s32 $0x500  }
0x5b: {  	[tilespmem:s17], [sflag:$0x1] =	stream.indirect_vreg.gather [hbm4b:s8+s3], $0x80, v4, vm0, $0xb8;
	[tilespmem:$0xA100] =	vst v63  }
0x5c: {  	s18 =	simm.s32 $0xD00  }
0x5d: {  	[tilespmem:s18], [sflag:$0x1] =	stream.indirect_vreg.gather [hbm4b:s8+s3], $0x80, v3, vm0, $0xb8;
	[tilespmem:$0xA100] =	vst v63  }
0x5e: {  	v3 =	vld [tilespmem:$0x10];
	_ =	sdelay $0x4  }
0x5f: {  	v60 =	vshll.u32 v3, $0x1  }
0x60: {  	v3 =	vand.u32 $0x7, v3;
	v4 =	vand.u32 $0xFFFFFFF0, v60  }
0x61: {  	v3 =	vor.u32 v3, v4  }
0x62: {  	v4 =	vperm.xlane v3, v0;
	_ =	sdelay $0x1  }
0x63: {  	v3 =	vperm.xlane v3, v2;
	v4 =	vadd.s32 v1, v4;
	_ =	sdelay $0x1  }
0x64: {  	v3 =	vadd.s32 v1, v3;
	_ =	sdelay $0x1  }
0x65: {  	s17 =	simm.s32 $0x1500  }
0x66: {  	[tilespmem:s17], [sflag:$0x1] =	stream.indirect_vreg.gather [hbm4b:s8+s3], $0x80, v4, vm0, $0xb8;
	[tilespmem:$0xA100] =	vst v63  }
0x67: {  	s18 =	simm.s32 $0x1D00  }
0x68: {  	[tilespmem:s18], [sflag:$0x1] =	stream.indirect_vreg.gather [hbm4b:s8+s3], $0x80, v3, vm0, $0xb8;
	[tilespmem:$0xA100] =	vst v63  }
0x69: {  	v3 =	vld [tilespmem:$0x20];
	_ =	sdelay $0x4  }
0x6a: {  	v61 =	vshll.u32 v3, $0x1  }
0x6b: {  	v3 =	vand.u32 $0x7, v3;
	v4 =	vand.u32 $0xFFFFFFF0, v61  }
0x6c: {  	v3 =	vor.u32 v3, v4  }
0x6d: {  	v4 =	vperm.xlane v3, v0;
	_ =	sdelay $0x1  }
0x6e: {  	v3 =	vperm.xlane v3, v2;
	v4 =	vadd.s32 v1, v4;
	_ =	sdelay $0x1  }
0x6f: {  	v3 =	vadd.s32 v1, v3;
	_ =	sdelay $0x1  }
0x70: {  	s17 =	simm.s32 $0x2500  }
0x71: {  	[tilespmem:s17], [sflag:$0x1] =	stream.indirect_vreg.gather [hbm4b:s8+s3], $0x80, v4, vm0, $0xb8;
	[tilespmem:$0xA100] =	vst v63  }
0x72: {  	s18 =	simm.s32 $0x2D00  }
0x73: {  	[tilespmem:s18], [sflag:$0x1] =	stream.indirect_vreg.gather [hbm4b:s8+s3], $0x80, v3, vm0, $0xb8;
	[tilespmem:$0xA100] =	vst v63  }
0x74: {  	v3 =	vld [tilespmem:$0x30];
	_ =	sdelay $0x4  }
0x75: {  	v62 =	vshll.u32 v3, $0x1  }
0x76: {  	v3 =	vand.u32 $0x7, v3;
	v4 =	vand.u32 $0xFFFFFFF0, v62  }
0x77: {  	v3 =	vor.u32 v3, v4  }
0x78: {  	v4 =	vperm.xlane v3, v0;
	_ =	sdelay $0x1  }
0x79: {  	v3 =	vperm.xlane v3, v2;
	v4 =	vadd.s32 v1, v4;
	_ =	sdelay $0x1  }
0x7a: {  	v3 =	vadd.s32 v1, v3;
	_ =	sdelay $0x1  }
0x7b: {  	s17 =	simm.s32 $0x3500  }
0x7c: {  	[tilespmem:s17], [sflag:$0x1] =	stream.indirect_vreg.gather [hbm4b:s8+s3], $0x80, v4, vm0, $0xb8;
	[tilespmem:$0xA100] =	vst v63  }
0x7d: {  	s18 =	simm.s32 $0x3D00  }
0x7e: {  	[tilespmem:s18], [sflag:$0x1] =	stream.indirect_vreg.gather [hbm4b:s8+s3], $0x80, v3, vm0, $0xb8;
	[tilespmem:$0xA100] =	vst v63  }
0x7f: {  	v3 =	vld [tilespmem:$0x40];
	_ =	sdelay $0x4  }
0x80: {  	v63 =	vshll.u32 v3, $0x1  }
0x81: {  	v3 =	vand.u32 $0x7, v3;
	v4 =	vand.u32 $0xFFFFFFF0, v63  }
0x82: {  	v3 =	vor.u32 v3, v4  }
0x83: {  	v4 =	vperm.xlane v3, v0;
	_ =	sdelay $0x1  }
0x84: {  	v3 =	vperm.xlane v3, v2;
	v4 =	vadd.s32 v1, v4;
	_ =	sdelay $0x1  }
0x85: {  	v3 =	vadd.s32 v1, v3  }
.Ltmp2:
0x86: {  	_ = 	snop;
	(pc) =	sbr.rel .LBB2_2-.Ltmp2, $4  }
0x87: {  	s17 =	simm.s32 $0x4500  }
0x88: {  	[tilespmem:s17], [sflag:$0x1] =	stream.indirect_vreg.gather [hbm4b:s8+s3], $0x80, v4, vm0, $0xb8;
	[tilespmem:$0xA100] =	vst v63  }
0x89: {  	p1 =	por $0x1, $0x1;
	s18 =	simm.s32 $0x4D00;
	s17 =	simm.s32 $0x0  }
0x8a: {  	[tilespmem:s18], [sflag:$0x1] =	stream.indirect_vreg.gather [hbm4b:s8+s3], $0x80, v3, vm0, $0xb8;
	[tilespmem:$0xA100] =	vst v63  }
.LBB2_4:
0x8b: {  	_ =	swait.ge [sflag:s15], $0x2800  }
0x8c: {  	[sflag:s15] =	ssyncset.done $0x0  }
0x8d: {  	[sflag:s15] =	ssyncadd.s32 $0xFFFFD800  }
0x8e: {  	_ =	swait.ge [sflag:s15], $0x2800  }
0x8f: {  	s16 =	sshll.u32 s16, $0x5;
	[sflag:s15] =	ssyncset.done $0x0  }
.Ltmp3:
0x90: {  	s16 =	sadd.s32 s2, s16;
	[sflag:s15] =	ssyncadd.s32 $0xFFFFD800;
	(pc) =	sbr.rel @!p0 .LBB2_5-.Ltmp3, $4  }
0x91: {  	[hbm4b:s16+s3] =	stream.linear.scatter [tilespmem:s14], [sflag:$0x3], $0x5000, $0x38;
	[tilespmem:$0xA100] =	vst v63  }
0x92: {  	_ =	swait.ge [sflag:s12], $0x5000  }
0x93: {  	[sflag:s12] =	ssyncset.done $0x0  }
0x94: {  	s17 =	simm.s32 $0xA0;
	p1 =	por $0x0, $0x0;
	[sflag:s12] =	ssyncadd.s32 $0xFFFFB000  }
.LBB2_2:
0x95: {  	s16 =	sadd.s32 s17, s9  }
0x96: {  	s18 =	sshrl.u32 s16, $0x3  }
0x97: {  	s18 =	sadd.s32 s6, s18  }
0x98: {  	[tilespmem:s19], [sflag:$0x4] =	stream.linear.gather [hbm4b:s18+s3], $0x50, $0x38;
	[tilespmem:$0xA100] =	vst v63  }
0x99: {  	_ =	swait.ge [sflag:s7], $0x50  }
0x9a: {  	[sflag:s7] =	ssyncset.done $0x0  }
0x9b: {  	[sflag:s7] =	ssyncadd.s32 $0xFFFFFFB0  }
0x9c: {  	v3 =	vld [tilespmem:$0x80];
	_ =	sdelay $0x4  }
0x9d: {  	v4 =	vshll.u32 v3, $0x1  }
0x9e: {  	v3 =	vand.u32 $0x7, v3;
	v4 =	vand.u32 $0xFFFFFFF0, v4  }
0x9f: {  	v3 =	vor.u32 v3, v4  }
0xa0: {  	v4 =	vperm.xlane v3, v0;
	_ =	sdelay $0x1  }
0xa1: {  	v3 =	vperm.xlane v3, v2;
	v4 =	vadd.s32 v1, v4;
	_ =	sdelay $0x1  }
0xa2: {  	v3 =	vadd.s32 v1, v3;
	_ =	sdelay $0x2  }
0xa3: {  	[tilespmem:s14], [sflag:$0x2] =	stream.indirect_vreg.gather [hbm4b:s5+s3], $0x80, v4, vm0, $0xb8;
	[tilespmem:$0xA100] =	vst v63  }
0xa4: {  	s18 =	simm.s32 $0x5900  }
0xa5: {  	[tilespmem:s18], [sflag:$0x2] =	stream.indirect_vreg.gather [hbm4b:s5+s3], $0x80, v3, vm0, $0xb8;
	[tilespmem:$0xA100] =	vst v63  }
0xa6: {  	v3 =	vld [tilespmem:$0x90];
	_ =	sdelay $0x4  }
0xa7: {  	v55 =	vshll.u32 v3, $0x1  }
0xa8: {  	v3 =	vand.u32 $0x7, v3;
	v4 =	vand.u32 $0xFFFFFFF0, v55  }
0xa9: {  	v3 =	vor.u32 v3, v4  }
0xaa: {  	v4 =	vperm.xlane v3, v0;
	_ =	sdelay $0x1  }
0xab: {  	v3 =	vperm.xlane v3, v2;
	v4 =	vadd.s32 v1, v4;
	_ =	sdelay $0x1  }
0xac: {  	v3 =	vadd.s32 v1, v3;
	_ =	sdelay $0x1  }
0xad: {  	s18 =	simm.s32 $0x6100  }
0xae: {  	[tilespmem:s18], [sflag:$0x2] =	stream.indirect_vreg.gather [hbm4b:s5+s3], $0x80, v4, vm0, $0xb8;
	[tilespmem:$0xA100] =	vst v63  }
0xaf: {  	s18 =	simm.s32 $0x6900  }
0xb0: {  	[tilespmem:s18], [sflag:$0x2] =	stream.indirect_vreg.gather [hbm4b:s5+s3], $0x80, v3, vm0, $0xb8;
	[tilespmem:$0xA100] =	vst v63  }
0xb1: {  	v3 =	vld [tilespmem:$0xA0];
	_ =	sdelay $0x4  }
0xb2: {  	v56 =	vshll.u32 v3, $0x1  }
0xb3: {  	v3 =	vand.u32 $0x7, v3;
	v4 =	vand.u32 $0xFFFFFFF0, v56  }
0xb4: {  	v3 =	vor.u32 v3, v4  }
0xb5: {  	v4 =	vperm.xlane v3, v0;
	_ =	sdelay $0x1  }
0xb6: {  	v3 =	vperm.xlane v3, v2;
	v4 =	vadd.s32 v1, v4;
	_ =	sdelay $0x1  }
0xb7: {  	v3 =	vadd.s32 v1, v3;
	_ =	sdelay $0x1  }
0xb8: {  	s18 =	simm.s32 $0x7100  }
0xb9: {  	[tilespmem:s18], [sflag:$0x2] =	stream.indirect_vreg.gather [hbm4b:s5+s3], $0x80, v4, vm0, $0xb8;
	[tilespmem:$0xA100] =	vst v63  }
0xba: {  	s18 =	simm.s32 $0x7900  }
0xbb: {  	[tilespmem:s18], [sflag:$0x2] =	stream.indirect_vreg.gather [hbm4b:s5+s3], $0x80, v3, vm0, $0xb8;
	[tilespmem:$0xA100] =	vst v63  }
0xbc: {  	v3 =	vld [tilespmem:$0xB0];
	_ =	sdelay $0x4  }
0xbd: {  	v57 =	vshll.u32 v3, $0x1  }
0xbe: {  	v3 =	vand.u32 $0x7, v3;
	v4 =	vand.u32 $0xFFFFFFF0, v57  }
0xbf: {  	v3 =	vor.u32 v3, v4  }
0xc0: {  	v4 =	vperm.xlane v3, v0;
	_ =	sdelay $0x1  }
0xc1: {  	v3 =	vperm.xlane v3, v2;
	v4 =	vadd.s32 v1, v4;
	_ =	sdelay $0x1  }
0xc2: {  	v3 =	vadd.s32 v1, v3;
	_ =	sdelay $0x2  }
0xc3: {  	[tilespmem:s20], [sflag:$0x2] =	stream.indirect_vreg.gather [hbm4b:s5+s3], $0x80, v4, vm0, $0xb8;
	[tilespmem:$0xA100] =	vst v63  }
0xc4: {  	_ = 	snop  }
0xc5: {  	[tilespmem:s21], [sflag:$0x2] =	stream.indirect_vreg.gather [hbm4b:s5+s3], $0x80, v3, vm0, $0xb8;
	[tilespmem:$0xA100] =	vst v63  }
0xc6: {  	v3 =	vld [tilespmem:$0xC0];
	_ =	sdelay $0x4  }
0xc7: {  	v58 =	vshll.u32 v3, $0x1  }
0xc8: {  	v3 =	vand.u32 $0x7, v3;
	v4 =	vand.u32 $0xFFFFFFF0, v58  }
0xc9: {  	v3 =	vor.u32 v3, v4  }
0xca: {  	v4 =	vperm.xlane v3, v0;
	_ =	sdelay $0x1  }
0xcb: {  	v3 =	vperm.xlane v3, v2;
	v4 =	vadd.s32 v1, v4;
	_ =	sdelay $0x1  }
0xcc: {  	v3 =	vadd.s32 v1, v3;
	_ =	sdelay $0x2  }
0xcd: {  	[tilespmem:s22], [sflag:$0x2] =	stream.indirect_vreg.gather [hbm4b:s5+s3], $0x80, v4, vm0, $0xb8;
	[tilespmem:$0xA100] =	vst v63  }
0xce: {  	_ = 	snop  }
0xcf: {  	[tilespmem:s23], [sflag:$0x2] =	stream.indirect_vreg.gather [hbm4b:s5+s3], $0x80, v3, vm0, $0xb8;
	[tilespmem:$0xA100] =	vst v63  }
0xd0: {  	v3 =	vld [tilespmem:$0x80];
	_ =	sdelay $0x4  }
0xd1: {  	v59 =	vshll.u32 v3, $0x1  }
0xd2: {  	v3 =	vand.u32 $0x7, v3;
	v4 =	vand.u32 $0xFFFFFFF0, v59  }
0xd3: {  	v3 =	vor.u32 v3, v4  }
0xd4: {  	v4 =	vperm.xlane v3, v0;
	_ =	sdelay $0x1  }
0xd5: {  	v3 =	vperm.xlane v3, v2;
	v4 =	vadd.s32 v1, v4;
	_ =	sdelay $0x1  }
0xd6: {  	v3 =	vadd.s32 v1, v3;
	_ =	sdelay $0x2  }
0xd7: {  	[tilespmem:s24], [sflag:$0x2] =	stream.indirect_vreg.gather [hbm4b:s8+s3], $0x80, v4, vm0, $0xb8;
	[tilespmem:$0xA100] =	vst v63  }
0xd8: {  	_ = 	snop  }
0xd9: {  	[tilespmem:s25], [sflag:$0x2] =	stream.indirect_vreg.gather [hbm4b:s8+s3], $0x80, v3, vm0, $0xb8;
	[tilespmem:$0xA100] =	vst v63  }
0xda: {  	v3 =	vld [tilespmem:$0x90];
	_ =	sdelay $0x4  }
0xdb: {  	v60 =	vshll.u32 v3, $0x1  }
0xdc: {  	v3 =	vand.u32 $0x7, v3;
	v4 =	vand.u32 $0xFFFFFFF0, v60  }
0xdd: {  	v3 =	vor.u32 v3, v4  }
0xde: {  	v4 =	vperm.xlane v3, v0;
	_ =	sdelay $0x1  }
0xdf: {  	v3 =	vperm.xlane v3, v2;
	v4 =	vadd.s32 v1, v4;
	_ =	sdelay $0x1  }
0xe0: {  	v3 =	vadd.s32 v1, v3;
	_ =	sdelay $0x2  }
0xe1: {  	[tilespmem:s26], [sflag:$0x2] =	stream.indirect_vreg.gather [hbm4b:s8+s3], $0x80, v4, vm0, $0xb8;
	[tilespmem:$0xA100] =	vst v63  }
0xe2: {  	_ = 	snop  }
0xe3: {  	[tilespmem:s28], [sflag:$0x2] =	stream.indirect_vreg.gather [hbm4b:s8+s3], $0x80, v3, vm0, $0xb8;
	[tilespmem:$0xA100] =	vst v63  }
0xe4: {  	v3 =	vld [tilespmem:$0xA0];
	_ =	sdelay $0x4  }
0xe5: {  	v61 =	vshll.u32 v3, $0x1  }
0xe6: {  	v3 =	vand.u32 $0x7, v3;
	v4 =	vand.u32 $0xFFFFFFF0, v61  }
0xe7: {  	v3 =	vor.u32 v3, v4  }
0xe8: {  	v4 =	vperm.xlane v3, v0;
	_ =	sdelay $0x1  }
0xe9: {  	v3 =	vperm.xlane v3, v2;
	v4 =	vadd.s32 v1, v4;
	_ =	sdelay $0x1  }
0xea: {  	v3 =	vadd.s32 v1, v3;
	_ =	sdelay $0x2  }
0xeb: {  	[tilespmem:s29], [sflag:$0x2] =	stream.indirect_vreg.gather [hbm4b:s8+s3], $0x80, v4, vm0, $0xb8;
	[tilespmem:$0xA100] =	vst v63  }
0xec: {  	_ = 	snop  }
0xed: {  	[tilespmem:s30], [sflag:$0x2] =	stream.indirect_vreg.gather [hbm4b:s8+s3], $0x80, v3, vm0, $0xb8;
	[tilespmem:$0xA100] =	vst v63  }
0xee: {  	v3 =	vld [tilespmem:$0xB0];
	_ =	sdelay $0x4  }
0xef: {  	v62 =	vshll.u32 v3, $0x1  }
0xf0: {  	v3 =	vand.u32 $0x7, v3;
	v4 =	vand.u32 $0xFFFFFFF0, v62  }
0xf1: {  	v3 =	vor.u32 v3, v4  }
0xf2: {  	v4 =	vperm.xlane v3, v0;
	_ =	sdelay $0x1  }
0xf3: {  	v3 =	vperm.xlane v3, v2;
	v4 =	vadd.s32 v1, v4;
	_ =	sdelay $0x1  }
0xf4: {  	v3 =	vadd.s32 v1, v3;
	_ =	sdelay $0x2  }
0xf5: {  	[tilespmem:s31], [sflag:$0x2] =	stream.indirect_vreg.gather [hbm4b:s8+s3], $0x80, v4, vm0, $0xb8;
	[tilespmem:$0xA100] =	vst v63  }
0xf6: {  	_ = 	snop  }
0xf7: {  	[tilespmem:s1], [sflag:$0x2] =	stream.indirect_vreg.gather [hbm4b:s8+s3], $0x80, v3, vm0, $0xb8;
	[tilespmem:$0xA100] =	vst v63  }
0xf8: {  	v3 =	vld [tilespmem:$0xC0];
	_ =	sdelay $0x4  }
0xf9: {  	v63 =	vshll.u32 v3, $0x1  }
0xfa: {  	v3 =	vand.u32 $0x7, v3;
	v4 =	vand.u32 $0xFFFFFFF0, v63  }
0xfb: {  	v3 =	vor.u32 v3, v4  }
0xfc: {  	v4 =	vperm.xlane v3, v0;
	_ =	sdelay $0x1  }
0xfd: {  	v3 =	vperm.xlane v3, v2;
	v4 =	vadd.s32 v1, v4;
	_ =	sdelay $0x1  }
0xfe: {  	v3 =	vadd.s32 v1, v3;
	_ =	sdelay $0x2  }
0xff: {  	[tilespmem:s0], [sflag:$0x2] =	stream.indirect_vreg.gather [hbm4b:s8+s3], $0x80, v4, vm0, $0xb8;
	[tilespmem:$0xA100] =	vst v63  }
0x100: {  	_ = 	snop  }
0x101: {  	[tilespmem:s10], [sflag:$0x2] =	stream.indirect_vreg.gather [hbm4b:s8+s3], $0x80, v3, vm0, $0xb8;
	[tilespmem:$0xA100] =	vst v63  }
0x102: {  	_ =	swait.ge [sflag:s11], $0x2800  }
0x103: {  	[sflag:s11] =	ssyncset.done $0x0  }
0x104: {  	[sflag:s11] =	ssyncadd.s32 $0xFFFFD800  }
0x105: {  	s18 =	sadd.s32 s4, s17;
	_ =	swait.ge [sflag:s11], $0x2800  }
0x106: {  	s17 =	sshll.u32 s18, $0x5;
	[sflag:s11] =	ssyncset.done $0x0  }
.Ltmp4:
0x107: {  	s17 =	sadd.s32 s2, s17;
	[sflag:s11] =	ssyncadd.s32 $0xFFFFD800;
	(pc) =	sbr.rel @!p1 .LBB2_4-.Ltmp4, $4  }
0x108: {  	[hbm4b:s17+s3] =	stream.linear.scatter [tilespmem:s13], [sflag:$0x4], $0x5000, $0x38;
	[tilespmem:$0xA100] =	vst v63  }
0x109: {  	_ =	swait.ge [sflag:s7], $0x5000  }
0x10a: {  	[sflag:s7] =	ssyncset.done $0x0  }
0x10b: {  	p0 =	por p1, p1;
	[sflag:s7] =	ssyncadd.s32 $0xFFFFB000  }
0x10c: {  	s17 =	rddreg [dreg:$0x4]  }
0x10d: {  	[tilespmem:s3], [sflag:$0x4] =	stream.linear.gather [hbm4b:s17+s3], $0x50, $0x38;
	[tilespmem:$0xA100] =	vst v63  }
0x10e: {  	_ =	swait.ge [sflag:s7], $0x50  }
0x10f: {  	[sflag:s7] =	ssyncset.done $0x0  }
0x110: {  	[sflag:s7] =	ssyncadd.s32 $0xFFFFFFB0  }
0x111: {  	v3 =	vld [tilespmem:$0x0];
	_ =	sdelay $0x4  }
0x112: {  	v4 =	vshll.u32 v3, $0x1  }
0x113: {  	v3 =	vand.u32 $0x7, v3;
	v4 =	vand.u32 $0xFFFFFFF0, v4  }
0x114: {  	v3 =	vor.u32 v3, v4  }
0x115: {  	v4 =	vperm.xlane v3, v0;
	_ =	sdelay $0x1  }
0x116: {  	v3 =	vperm.xlane v3, v2;
	v4 =	vadd.s32 v1, v4;
	_ =	sdelay $0x1  }
0x117: {  	v3 =	vadd.s32 v1, v3;
	_ =	sdelay $0x2  }
0x118: {  	[tilespmem:s13], [sflag:$0x1] =	stream.indirect_vreg.gather [hbm4b:s5+s3], $0x80, v4, vm0, $0xb8;
	[tilespmem:$0xA100] =	vst v63  }
0x119: {  	s18 =	simm.s32 $0x900  }
0x11a: {  	[tilespmem:s18], [sflag:$0x1] =	stream.indirect_vreg.gather [hbm4b:s5+s3], $0x80, v3, vm0, $0xb8;
	[tilespmem:$0xA100] =	vst v63  }
0x11b: {  	v3 =	vld [tilespmem:$0x10];
	_ =	sdelay $0x4  }
0x11c: {  	v55 =	vshll.u32 v3, $0x1  }
0x11d: {  	v3 =	vand.u32 $0x7, v3;
	v4 =	vand.u32 $0xFFFFFFF0, v55  }
0x11e: {  	v3 =	vor.u32 v3, v4  }
0x11f: {  	v4 =	vperm.xlane v3, v0;
	_ =	sdelay $0x1  }
0x120: {  	v3 =	vperm.xlane v3, v2;
	v4 =	vadd.s32 v1, v4;
	_ =	sdelay $0x1  }
0x121: {  	v3 =	vadd.s32 v1, v3;
	_ =	sdelay $0x1  }
0x122: {  	s18 =	simm.s32 $0x1100  }
0x123: {  	[tilespmem:s18], [sflag:$0x1] =	stream.indirect_vreg.gather [hbm4b:s5+s3], $0x80, v4, vm0, $0xb8;
	[tilespmem:$0xA100] =	vst v63  }
0x124: {  	s18 =	simm.s32 $0x1900  }
0x125: {  	[tilespmem:s18], [sflag:$0x1] =	stream.indirect_vreg.gather [hbm4b:s5+s3], $0x80, v3, vm0, $0xb8;
	[tilespmem:$0xA100] =	vst v63  }
0x126: {  	v3 =	vld [tilespmem:$0x20];
	_ =	sdelay $0x4  }
0x127: {  	v56 =	vshll.u32 v3, $0x1  }
0x128: {  	v3 =	vand.u32 $0x7, v3;
	v4 =	vand.u32 $0xFFFFFFF0, v56  }
0x129: {  	v3 =	vor.u32 v3, v4  }
0x12a: {  	v4 =	vperm.xlane v3, v0;
	_ =	sdelay $0x1  }
0x12b: {  	v3 =	vperm.xlane v3, v2;
	v4 =	vadd.s32 v1, v4;
	_ =	sdelay $0x1  }
0x12c: {  	v3 =	vadd.s32 v1, v3;
	_ =	sdelay $0x1  }
0x12d: {  	s18 =	simm.s32 $0x2100  }
0x12e: {  	[tilespmem:s18], [sflag:$0x1] =	stream.indirect_vreg.gather [hbm4b:s5+s3], $0x80, v4, vm0, $0xb8;
	[tilespmem:$0xA100] =	vst v63  }
0x12f: {  	s18 =	simm.s32 $0x2900  }
0x130: {  	[tilespmem:s18], [sflag:$0x1] =	stream.indirect_vreg.gather [hbm4b:s5+s3], $0x80, v3, vm0, $0xb8;
	[tilespmem:$0xA100] =	vst v63  }
0x131: {  	v3 =	vld [tilespmem:$0x30];
	_ =	sdelay $0x4  }
0x132: {  	v57 =	vshll.u32 v3, $0x1  }
0x133: {  	v3 =	vand.u32 $0x7, v3;
	v4 =	vand.u32 $0xFFFFFFF0, v57  }
0x134: {  	v3 =	vor.u32 v3, v4  }
0x135: {  	v4 =	vperm.xlane v3, v0;
	_ =	sdelay $0x1  }
0x136: {  	v3 =	vperm.xlane v3, v2;
	v4 =	vadd.s32 v1, v4;
	_ =	sdelay $0x1  }
0x137: {  	v3 =	vadd.s32 v1, v3;
	_ =	sdelay $0x1  }
0x138: {  	s18 =	simm.s32 $0x3100  }
0x139: {  	[tilespmem:s18], [sflag:$0x1] =	stream.indirect_vreg.gather [hbm4b:s5+s3], $0x80, v4, vm0, $0xb8;
	[tilespmem:$0xA100] =	vst v63  }
0x13a: {  	s18 =	simm.s32 $0x3900  }
0x13b: {  	[tilespmem:s18], [sflag:$0x1] =	stream.indirect_vreg.gather [hbm4b:s5+s3], $0x80, v3, vm0, $0xb8;
	[tilespmem:$0xA100] =	vst v63  }
0x13c: {  	v3 =	vld [tilespmem:$0x40];
	_ =	sdelay $0x4  }
0x13d: {  	v58 =	vshll.u32 v3, $0x1  }
0x13e: {  	v3 =	vand.u32 $0x7, v3;
	v4 =	vand.u32 $0xFFFFFFF0, v58  }
0x13f: {  	v3 =	vor.u32 v3, v4  }
0x140: {  	v4 =	vperm.xlane v3, v0;
	_ =	sdelay $0x1  }
0x141: {  	v3 =	vperm.xlane v3, v2;
	v4 =	vadd.s32 v1, v4;
	_ =	sdelay $0x1  }
0x142: {  	v3 =	vadd.s32 v1, v3;
	_ =	sdelay $0x1  }
0x143: {  	s18 =	simm.s32 $0x4100  }
0x144: {  	[tilespmem:s18], [sflag:$0x1] =	stream.indirect_vreg.gather [hbm4b:s5+s3], $0x80, v4, vm0, $0xb8;
	[tilespmem:$0xA100] =	vst v63  }
0x145: {  	s18 =	simm.s32 $0x4900  }
0x146: {  	[tilespmem:s18], [sflag:$0x1] =	stream.indirect_vreg.gather [hbm4b:s5+s3], $0x80, v3, vm0, $0xb8;
	[tilespmem:$0xA100] =	vst v63  }
0x147: {  	v3 =	vld [tilespmem:$0x0];
	_ =	sdelay $0x4  }
0x148: {  	v59 =	vshll.u32 v3, $0x1  }
0x149: {  	v3 =	vand.u32 $0x7, v3;
	v4 =	vand.u32 $0xFFFFFFF0, v59  }
0x14a: {  	v3 =	vor.u32 v3, v4  }
0x14b: {  	v4 =	vperm.xlane v3, v0;
	_ =	sdelay $0x1  }
0x14c: {  	v3 =	vperm.xlane v3, v2;
	v4 =	vadd.s32 v1, v4;
	_ =	sdelay $0x1  }
0x14d: {  	v3 =	vadd.s32 v1, v3;
	_ =	sdelay $0x1  }
0x14e: {  	s18 =	simm.s32 $0x500  }
0x14f: {  	[tilespmem:s18], [sflag:$0x1] =	stream.indirect_vreg.gather [hbm4b:s8+s3], $0x80, v4, vm0, $0xb8;
	[tilespmem:$0xA100] =	vst v63  }
0x150: {  	s18 =	simm.s32 $0xD00  }
0x151: {  	[tilespmem:s18], [sflag:$0x1] =	stream.indirect_vreg.gather [hbm4b:s8+s3], $0x80, v3, vm0, $0xb8;
	[tilespmem:$0xA100] =	vst v63  }
0x152: {  	v3 =	vld [tilespmem:$0x10];
	_ =	sdelay $0x4  }
0x153: {  	v60 =	vshll.u32 v3, $0x1  }
0x154: {  	v3 =	vand.u32 $0x7, v3;
	v4 =	vand.u32 $0xFFFFFFF0, v60  }
0x155: {  	v3 =	vor.u32 v3, v4  }
0x156: {  	v4 =	vperm.xlane v3, v0;
	_ =	sdelay $0x1  }
0x157: {  	v3 =	vperm.xlane v3, v2;
	v4 =	vadd.s32 v1, v4;
	_ =	sdelay $0x1  }
0x158: {  	v3 =	vadd.s32 v1, v3;
	_ =	sdelay $0x1  }
0x159: {  	s18 =	simm.s32 $0x1500  }
0x15a: {  	[tilespmem:s18], [sflag:$0x1] =	stream.indirect_vreg.gather [hbm4b:s8+s3], $0x80, v4, vm0, $0xb8;
	[tilespmem:$0xA100] =	vst v63  }
0x15b: {  	s18 =	simm.s32 $0x1D00  }
0x15c: {  	[tilespmem:s18], [sflag:$0x1] =	stream.indirect_vreg.gather [hbm4b:s8+s3], $0x80, v3, vm0, $0xb8;
	[tilespmem:$0xA100] =	vst v63  }
0x15d: {  	v3 =	vld [tilespmem:$0x20];
	_ =	sdelay $0x4  }
0x15e: {  	v61 =	vshll.u32 v3, $0x1  }
0x15f: {  	v3 =	vand.u32 $0x7, v3;
	v4 =	vand.u32 $0xFFFFFFF0, v61  }
0x160: {  	v3 =	vor.u32 v3, v4  }
0x161: {  	v4 =	vperm.xlane v3, v0;
	_ =	sdelay $0x1  }
0x162: {  	v3 =	vperm.xlane v3, v2;
	v4 =	vadd.s32 v1, v4;
	_ =	sdelay $0x1  }
0x163: {  	v3 =	vadd.s32 v1, v3;
	_ =	sdelay $0x1  }
0x164: {  	s18 =	simm.s32 $0x2500  }
0x165: {  	[tilespmem:s18], [sflag:$0x1] =	stream.indirect_vreg.gather [hbm4b:s8+s3], $0x80, v4, vm0, $0xb8;
	[tilespmem:$0xA100] =	vst v63  }
0x166: {  	s18 =	simm.s32 $0x2D00  }
0x167: {  	[tilespmem:s18], [sflag:$0x1] =	stream.indirect_vreg.gather [hbm4b:s8+s3], $0x80, v3, vm0, $0xb8;
	[tilespmem:$0xA100] =	vst v63  }
0x168: {  	v3 =	vld [tilespmem:$0x30];
	_ =	sdelay $0x4  }
0x169: {  	v62 =	vshll.u32 v3, $0x1  }
0x16a: {  	v3 =	vand.u32 $0x7, v3;
	v4 =	vand.u32 $0xFFFFFFF0, v62  }
0x16b: {  	v3 =	vor.u32 v3, v4  }
0x16c: {  	v4 =	vperm.xlane v3, v0;
	_ =	sdelay $0x1  }
0x16d: {  	v3 =	vperm.xlane v3, v2;
	v4 =	vadd.s32 v1, v4;
	_ =	sdelay $0x1  }
0x16e: {  	v3 =	vadd.s32 v1, v3;
	_ =	sdelay $0x1  }
0x16f: {  	s18 =	simm.s32 $0x3500  }
0x170: {  	[tilespmem:s18], [sflag:$0x1] =	stream.indirect_vreg.gather [hbm4b:s8+s3], $0x80, v4, vm0, $0xb8;
	[tilespmem:$0xA100] =	vst v63  }
0x171: {  	s18 =	simm.s32 $0x3D00  }
0x172: {  	[tilespmem:s18], [sflag:$0x1] =	stream.indirect_vreg.gather [hbm4b:s8+s3], $0x80, v3, vm0, $0xb8;
	[tilespmem:$0xA100] =	vst v63  }
0x173: {  	v3 =	vld [tilespmem:$0x40];
	_ =	sdelay $0x4  }
0x174: {  	v63 =	vshll.u32 v3, $0x1  }
0x175: {  	v3 =	vand.u32 $0x7, v3;
	v4 =	vand.u32 $0xFFFFFFF0, v63  }
0x176: {  	v3 =	vor.u32 v3, v4  }
0x177: {  	v4 =	vperm.xlane v3, v0;
	_ =	sdelay $0x1  }
0x178: {  	v3 =	vperm.xlane v3, v2;
	v4 =	vadd.s32 v1, v4;
	_ =	sdelay $0x1  }
0x179: {  	v3 =	vadd.s32 v1, v3  }
.Ltmp5:
0x17a: {  	_ = 	snop;
	(pc) =	sbr.rel .LBB2_4-.Ltmp5, $4  }
0x17b: {  	s18 =	simm.s32 $0x4500  }
0x17c: {  	[tilespmem:s18], [sflag:$0x1] =	stream.indirect_vreg.gather [hbm4b:s8+s3], $0x80, v4, vm0, $0xb8;
	[tilespmem:$0xA100] =	vst v63  }
0x17d: {  	s18 =	simm.s32 $0x4D00  }
0x17e: {  	[tilespmem:s18], [sflag:$0x1] =	stream.indirect_vreg.gather [hbm4b:s8+s3], $0x80, v3, vm0, $0xb8;
	[tilespmem:$0xA100] =	vst v63  }
.LBB2_6:
0x17f: {  	_ =	sfence.sel $0x180000  }
0x180: {  	[bflag:$0x0] =	sbarrier.arrive $0xFFFF  }
0x181: {  	_ =	strace $0x90000047  }
0x182: {  	s0 =	stileid.u32;
	[bflag:$0x2] =	sbarrier.arrive $0xFFFF  }
0x183: {  	p0 =	sne.s32 s0, $0x0;
	s0 =	rddreg [dreg:$0x2]  }
0x184: {  	s0 =	sadd.s32 @!p0 $0x100000, s0  }
0x185: {  	[sflag:s0] =	ssyncadd.tile.s32 @!p0 $0x1;
	_ =	shalt  }
.Lfunc_end2:
_tile_overlayer_lowered:
.L_overlay_start_2:
0x186: {  	(tag) =	ssettag $0x2  }
0x187: {  	s0 =	rddreg [dreg:$0x0];
	s2 =	stileid.u32  }
0x188: {  	s1 =	rddreg [dreg:$0x1];
	p0 =	sne.s32 s2, $0x0  }
0x189: {  	s3 =	rddreg [dreg:$0x2];
	[bflag:$0x3] =	sbarrier.arrive $0xFFFF;
	s2 =	simm.s32 @!p0 $0x1C03  }
0x18a: {  	[timem:s3], [sflag:s2] =	dma.local @!p0 [hbm:s0], s1  }
0x18b: {  	s0 =	simm.s32 @!p0 $0x3  }
0x18c: {  	_ =	swait.ge @!p0 [sflag:s0], s1  }
0x18d: {  	s1 =	ssub.s32 @!p0 $0x0, s1;
	[sflag:s0] =	ssyncset.done @!p0 $0x0  }
0x18e: {  	[sflag:s0] =	ssyncadd.s32 @!p0 s1  }
0x18f: {  	[bflag:$0x3] =	sbarrier.arrive $0xFFFF  }
0x190: {  	_ =	shalt  }

// kernel: kernel.16.cloned.1.call-start
scs
__scs_entry_jumppad:
0x0: {  	(pc) =	sbr.rel $0x88, $3  }
0x1: {  	(tag) =	ssettag $0x0;
	lr =	simm.s32 $0x1  }
0x2: {  	[smem:$0x3F9D] =	sst lr;
	_ =	strace $0xD0000000  }
0x3: {  	_ = 	snop  }
0x4: {  	_ = 	snop  }
0x5: {  	_ = 	snop  }
0x6: {  	_ = 	snop  }
0x7: {  	_ = 	snop  }
__scs_overlays_trampoline_lowered:
0x8: {  	[smem:$0x3FAC] =	sst s0  }
0x9: {  	[smem:$0x3FAD] =	sst s1  }
0xa: {  	[smem:$0x3FAE] =	sst s2  }
0xb: {  	[smem:$0x3FAF] =	sst s3  }
0xc: {  	[smem:$0x3FB0] =	sst s4  }
0xd: {  	[smem:$0x3FB1] =	sst s5  }
0xe: {  	[smem:$0x3FB2] =	sst s6  }
0xf: {  	[smem:$0x3FB3] =	sst s7  }
0x10: {  	[smem:$0x3FB4] =	sst s8  }
0x11: {  	[smem:$0x3FB5] =	sst s9;
	s0 =	simm.s32 @!p0 $0x0  }
0x12: {  	s1 =	sld [smem:$0x3F9B];
	s0 =	simm.s32 @p0 $0x1  }
0x13: {  	[smem:$0x3FB6] =	sst s0;
	s0 =	simm.s32 @!p1 $0x0  }
0x14: {  	s2 =	sld [smem:$0x3F9A];
	s0 =	simm.s32 @p1 $0x1  }
0x15: {  	[smem:$0x3FB7] =	sst s0;
	s0 =	simm.s32 @!p2 $0x0  }
0x16: {  	s3 =	sld [smem:$0x3FDB];
	s0 =	simm.s32 @p2 $0x1  }
0x17: {  	s4 =	simm.s32 $0x1BF5;
	[smem:$0x3FB9] =	sst s0  }
0x18: {  	s0 =	sld [smem:$0x3F9C];
	_ =	swait.ge [sflag:s4], $0x0  }
0x19: {  	s7 =	sld [smem:$0x3F9D]  }
0x1a: {  	s8 =	sadd.s32 $0xFFFFE003, lr  }
0x1b: {  	s9 =	sadd.s32 $0xFFFFFEF7, lr;
	s5 =	simm.s32 $0xFFFFFFFF;
	p2 =	slt.u32 s8, $0xFFFFF086  }
0x1c: {  	p1 =	slt.u32 s9, $0xF7A;
	s5 =	simm.s32 @!p2 $0x0  }
0x1d: {  	s5 =	simm.s32 @p1 $0x1;
	p0 =	seq.s32 s7, s2  }
0x1e: {  	s7 =	smul.u32 @!p0 $0xF7A, s2;
	p2 =	seq.s32 @!p0 s5, $0x0  }
0x1f: {  	s9 =	smul.u32 $0xF7A, s1;
	s8 =	simm.s32 @!p0 $0x1BF5;
	p2 =	por !p2, p0  }
0x20: {  	[sflag:s8] =	ssyncset.s32 @!p0 $0xFFFFF086;
	s6 =	sadd.s32 @!p0 s3, s7;
	s7 =	simm.s32 @!p0 $0x108  }
0x21: {  	s3 =	sadd.s32 s3, s9;
	s6 =	sadd.s32 @!p0 $0x88, s6;
	s7 =	simm.s32 @p2 $0x1082  }
0x22: {  	[simem:s7], [sflag:s8] =	dma.local @!p0 [hbm:s6], $0xF7A  }
0x23: {  	s9 =	sor.u32 $0xD0000000, s2;
	s6 =	simm.s32 $0x108;
	_ =	swait.ge @!p0 [sflag:s8], $0x0  }
0x24: {  	s3 =	sadd.s32 $0x88, s3;
	s6 =	simm.s32 @!p1 $0x1082;
	[sflag:s4] =	ssyncset.s32 $0xFFFFF086  }
0x25: {  	[simem:s6], [sflag:s4] =	dma.local [hbm:s3], $0xF7A  }
0x26: {  	[smem:$0x3F9D] =	sst s1;
	(tag) =	ssettag s2;
	_ =	strace s9  }
0x27: {  	s1 =	sld [smem:$0x3FAD]  }
0x28: {  	s2 =	sld [smem:$0x3FAE]  }
0x29: {  	s4 =	sld [smem:$0x3FB0]  }
0x2a: {  	p0 =	seq.s32 s5, $0x0;
	s5 =	sld [smem:$0x3FB1]  }
0x2b: {  	s6 =	sld [smem:$0x3FB2]  }
0x2c: {  	s7 =	sld [smem:$0x3FB3]  }
0x2d: {  	s3 =	simm.s32 $0x108;
	s8 =	sld [smem:$0x3FB4]  }
0x2e: {  	s3 =	simm.s32 @!p0 $0x1082;
	s9 =	sld [smem:$0x3FB5]  }
0x2f: {  	lr =	sadd.s32 s0, s3;
	s0 =	sld [smem:$0x3FAC]  }
0x30: {  	s3 =	sld [smem:$0x3FAF]  }
0x31: {  	[smem:$0x3FB8] =	sst s10  }
0x32: {  	s10 =	sld [smem:$0x3FB6];
	_ =	sdelay $0x3  }
0x33: {  	p0 =	seq.s32 s10, $0x1;
	s10 =	sld [smem:$0x3FB8];
	_ =	sdelay $0x3  }
0x34: {  	[smem:$0x3FB8] =	sst s10  }
0x35: {  	s10 =	sld [smem:$0x3FB7];
	_ =	sdelay $0x3  }
0x36: {  	p1 =	seq.s32 s10, $0x1;
	s10 =	sld [smem:$0x3FB8];
	_ =	sdelay $0x3  }
0x37: {  	[smem:$0x3FB8] =	sst s10  }
0x38: {  	s10 =	sld [smem:$0x3FB9]  }
0x39: {  	_ = 	snop;
	(pc) =	sbr.ind lr, $3  }
0x3a: {  	_ = 	snop  }
0x3b: {  	_ = 	snop  }
0x3c: {  	p2 =	seq.s32 s10, $0x1;
	s10 =	sld [smem:$0x3FB8]  }
0x3d: {  	_ =	shalt  }
0x3e: {  	_ =	shalt  }
0x3f: {  	_ =	shalt  }
0x40: {  	_ =	shalt  }
0x41: {  	_ =	shalt  }
0x42: {  	_ =	shalt  }
0x43: {  	_ =	shalt  }
0x44: {  	_ =	shalt  }
0x45: {  	_ =	shalt  }
0x46: {  	_ =	shalt  }
0x47: {  	_ =	shalt  }
0x48: {  	_ =	shalt  }
0x49: {  	_ =	shalt  }
0x4a: {  	_ =	shalt  }
0x4b: {  	_ =	shalt  }
0x4c: {  	_ =	shalt  }
0x4d: {  	_ =	shalt  }
0x4e: {  	_ =	shalt  }
0x4f: {  	_ =	shalt  }
0x50: {  	_ =	shalt  }
0x51: {  	_ =	shalt  }
0x52: {  	_ =	shalt  }
0x53: {  	_ =	shalt  }
0x54: {  	_ =	shalt  }
0x55: {  	_ =	shalt  }
0x56: {  	_ =	shalt  }
0x57: {  	_ =	shalt  }
0x58: {  	_ =	shalt  }
0x59: {  	_ =	shalt  }
0x5a: {  	_ =	shalt  }
0x5b: {  	_ =	shalt  }
0x5c: {  	_ =	shalt  }
0x5d: {  	_ =	shalt  }
0x5e: {  	_ =	shalt  }
0x5f: {  	_ =	shalt  }
0x60: {  	_ =	shalt  }
0x61: {  	_ =	shalt  }
0x62: {  	_ =	shalt  }
0x63: {  	_ =	shalt  }
0x64: {  	_ =	shalt  }
0x65: {  	_ =	shalt  }
0x66: {  	_ =	shalt  }
0x67: {  	_ =	shalt  }
0x68: {  	_ =	shalt  }
0x69: {  	_ =	shalt  }
0x6a: {  	_ =	shalt  }
0x6b: {  	_ =	shalt  }
0x6c: {  	_ =	shalt  }
0x6d: {  	_ =	shalt  }
0x6e: {  	_ =	shalt  }
0x6f: {  	_ =	shalt  }
0x70: {  	_ =	shalt  }
0x71: {  	_ =	shalt  }
0x72: {  	_ =	shalt  }
0x73: {  	_ =	shalt  }
0x74: {  	_ =	shalt  }
0x75: {  	_ =	shalt  }
0x76: {  	_ =	shalt  }
0x77: {  	_ =	shalt  }
0x78: {  	_ =	shalt  }
0x79: {  	_ =	shalt  }
0x7a: {  	_ =	shalt  }
0x7b: {  	_ =	shalt  }
0x7c: {  	_ =	shalt  }
0x7d: {  	_ =	shalt  }
0x7e: {  	_ =	shalt  }
0x7f: {  	_ =	shalt  }
0x80: {  	_ =	shalt  }
0x81: {  	_ =	shalt  }
0x82: {  	_ =	shalt  }
0x83: {  	_ =	shalt  }
0x84: {  	_ =	shalt  }
0x85: {  	_ =	shalt  }
0x86: {  	_ =	shalt  }
0x87: {  	_ =	shalt  }
.Lfunc_end0:
.L_simem_size_0:
called_computation.1_lowered:
.L_overlay_start_0:
0x88: {  	s2 =	sld [smem:$0x3FD9]  }
0x89: {  	s3 =	sld [smem:$0x3FFE];
	_ =	sdelay $0x1  }
0x8a: {  	s1 =	srdreg.scid  }
0x8b: {  	s0 =	sand.u32 $0x1, s1  }
0x8c: {  	s17 =	sshll.u32 s0, $0xA;
	s2 =	sadd.s32 s3, s2  }
0x8d: {  	s2 =	sadd.s32 s2, s17  }
0x8e: {  	[smem:$0x3FC4] =	sst s2  }
0x8f: {  	_ = 	snop  }
0x90: {  	(tm) =	ssettm $0x1  }
0x91: {  	s18 =	sld [smem:$0x3FFB];
	_ =	sdelay $0x3  }
0x92: {  	_ =	strace s18  }
0x93: {  	s2 =	sld [smem:$0x3FFC];
	_ =	sdelay $0x3  }
0x94: {  	_ =	strace s2  }
0x95: {  	s2 =	sld [smem:$0x3FFD];
	_ =	sdelay $0x3  }
0x96: {  	_ =	strace s2  }
0x97: {  	_ =	strace $0x8FFFFFFF  }
0x98: {  	s19 =	sld [smem:$0x3FDB];
	_ =	sdelay $0x1  }
0x99: {  	s20 =	simm.s32 $_scs_section_size  }
0x9a: {  	s4 =	simm.s32 $_size__tile_overlayer_lowered;
	s5 =	simm.s32 $_tile_overlayer_lowered  }
0x9b: {  	s6 =	simm.s32 $0x1BFF;
	s21 =	sshll.u32 s5, $0x1;
	s3 =	sadd.s32 s20, s19  }
0x9c: {  	s22 =	simm.s32 $0x0;
	s4 =	sshll.u32 s4, $0x1;
	s5 =	sadd.s32 s21, s3  }
0x9d: {  	[timem:s22], [sflag:s6] =	dma.local [hbm:s5], s4  }
0x9e: {  	_ =	swait.ge [sflag:s6], s4  }
0x9f: {  	s4 =	ssub.s32 $0x0, s4;
	[sflag:s6] =	ssyncset.done $0x0  }
0xa0: {  	[sflag:s6] =	ssyncadd.s32 s4;
	_ =	sdelay $0x1  }
0xa1: {  	s23 =	simm.s32 $0x1B8B  }
0xa2: {  	_ =	swait.ge [sflag:s23], $0x1  }
0xa3: {  	[sflag:s23] =	ssyncset.done $0x0  }
0xa4: {  	[sflag:s23] =	ssyncadd.s32 $0xFFFFFFFF  }
0xa5: {  	s4 =	sld [smem:$0x0]  }
0xa6: {  	s5 =	sand.u32 $0xFFFFFFFE, s1  }
0xa7: {  	p0 =	sne.s32 s1, s5  }
0xa8: {  	s5 =	sshll.u32 @p0 s5, $0xE  }
0xa9: {  	s5 =	sadd.s32 @p0 $0x11B8D, s5;
	s6 =	sshll.u32 @p0 s4, $0x11  }
0xaa: {  	s5 =	sor.u32 @p0 s6, s5  }
0xab: {  	[sflag:s5] =	ssyncadd.remote.s32 @p0 $0x1;
	_ =	sdelay $0x1  }
0xac: {  	s5 =	simm.s32 @p0 $0x1B8D  }
0xad: {  	_ =	swait.eq @p0 [sflag:s5], $0x1  }
0xae: {  	[sflag:s5] =	ssyncadd.s32 @p0 $0xFFFFFFFF  }
0xaf: {  	s6 =	sshll.u32 @!p0 s1, $0xE  }
0xb0: {  	s6 =	sor.u32 @!p0 $0x4000, s6;
	s5 =	simm.s32 @!p0 $0x1B8D  }
0xb1: {  	s4 =	sshll.u32 @!p0 s4, $0x11;
	s6 =	sadd.s32 @!p0 $0x11B8D, s6;
	_ =	swait.eq @!p0 [sflag:s5], $0x1  }
0xb2: {  	s4 =	sor.u32 @!p0 s4, s6;
	[sflag:s5] =	ssyncadd.s32 @!p0 $0xFFFFFFFF  }
0xb3: {  	s25 =	simm.s32 $0x1B8E;
	s24 =	sld [smem:$0x3FFE];
	[sflag:s4] =	ssyncadd.remote.s32 @!p0 $0x1  }
0xb4: {  	s26 =	simm.s32 $execute0_lowered;
	[smem:$0x3FD2] =	sst s25  }
0xb5: {  	s5 =	sshll.u32 s26, $0x1;
	_ =	strace $0x80000049;
	[dreg:$0x1] =	wrdreg $0xFFFFFFFF  }
0xb6: {  	s28 =	simm.s32 $_size_execute0_lowered;
	s3 =	sadd.s32 s3, s5;
	[dreg:$0x0] =	wrdreg $0x0  }
0xb7: {  	s5 =	sshll.u32 s28, $0x1;
	[dreg:$0x2] =	wrdreg s3  }
0xb8: {  	[dreg:$0x3] =	wrdreg s5  }
0xb9: {  	[dreg:$0x4] =	wrdreg $0xC0  }
0xba: {  	_ =	task [dreg:s22], $0x5FFFF  }
0xbb: {  	[dreg:$0x1] =	wrdreg $0xFFFFFFFF  }
0xbc: {  	[dreg:$0x0] =	wrdreg $0x60  }
0xbd: {  	[dreg:$0x2] =	wrdreg s24  }
0xbe: {  	[dreg:$0x3] =	wrdreg $0xA  }
0xbf: {  	_ =	task.clear_ibuf [dreg:s22], $0x4FFFF;
	_ =	strace $0x90000049  }
0xc0: {  	s29 =	simm.s32 $0xA;
	_ =	strace $0x8000004B  }
0xc1: {  	_ =	swait.ge [sflag:s29], $0x1  }
0xc2: {  	[sflag:s29] =	ssyncadd.s32 $0xFFFFFFFF  }
0xc3: {  	_ =	strace $0x9000004B  }
0xc4: {  	_ =	sfence  }
0xc5: {  	s30 =	sld [smem:$0x0];
	_ =	sdelay $0x2  }
0xc6: {  	s31 =	sshll.u32 s1, $0xD;
	s1 =	sshrl.u32 s1, $0x2  }
0xc7: {  	s4 =	sand.u32 $0x4000, s31;
	s1 =	sadd.s32 s1, s30  }
0xc8: {  	s0 =	sor.u32 s4, s0;
	s1 =	sshll.u32 s1, $0x11  }
0xc9: {  	s0 =	sor.u32 s1, s0  }
0xca: {  	s0 =	sadd.s32 $0x8F2B, s0  }
0xcb: {  	[sflag:s0] =	ssyncadd.remote.s32 $0x1  }
0xcc: {  	_ =	sfence.sel $0xFFFF  }
0xcd: {  	[dreg:$0x0] =	wrdreg $0xFFFFFFFF;
	(pc) =	sbr.abs _section_cstart, $3  }
0xce: {  	[dreg:$0x1] =	wrdreg $0xFFFFFFFF  }
0xcf: {  	_ =	task.clear_ibuf [dreg:s22], $0x2FFFF;
	_ =	strace $0x9FFFFFFF  }
0xd0: {  	(tm) =	ssettm $0x7FFFFFFF  }
0xd1: {  	_ =	shalt  }
tec
execute0_lowered:
.L_overlay_start_1:
0x0: {  	(tag) =	ssettag $0x1  }
0x1: {  	s0 =	srdreg.scid  }
0x2: {  	s2 =	stileid.u32;
	s1 =	rddreg [dreg:$0x0];
	s12 =	simm.s32 $0x3  }
0x3: {  	s13 =	simm.s32 $0x100;
	s11 =	simm.s32 $0x4;
	s14 =	simm.s32 $0x5100  }
0x4: {  	s20 =	simm.s32 $0x8100;
	s21 =	simm.s32 $0x8900;
	s22 =	simm.s32 $0x9100  }
0x5: {  	s23 =	simm.s32 $0x9900;
	s24 =	simm.s32 $0x5500;
	s28 =	simm.s32 $0x6D00  }
0x6: {  	s29 =	simm.s32 $0x7500;
	s30 =	simm.s32 $0x7D00;
	s31 =	simm.s32 $0x8500  }
0x7: {  	s10 =	simm.s32 $0x9D00;
	s15 =	simm.s32 $0x2;
	s17 =	simm.s32 $0x0  }
0x8: {  	s19 =	simm.s32 $0x80;
	s0 =	sand.u32 $0x1, s0;
	s3 =	sshll.u32 s2, $0x1  }
0x9: {  	s2 =	simm.s32 $0x0;
	s4 =	sadd.s32 $0x3C00, s1;
	s5 =	sadd.s32 $0x2200, s1  }
0xa: {  	s6 =	sadd.s32 $0x311000, s1;
	s3 =	sor.u32 s0, s3;
	s0 =	ssub.s32 $0x2, s0  }
0xb: {  	[smem:$0x7FF] =	sst s2;
	s3 =	smul.u32 $0x140, s3;
	s7 =	sshrl.u32 s0, $0x1  }
0xc: {  	_ =	strace $0x8000004A;
	s0 =	ssub.s32 s0, s7;
	s7 =	simm.s32 $0x1  }
.Ltmp0:
0xd: {  	s8 =	sshrl.u32 s3, $0x3;
	s0 =	smax.u32 s0, $0x1;
	(pc) =	sbr.rel .LBB2_1-.Ltmp0, $4  }
0xe: {  	s9 =	sadd.s32 $0x50, s3;
	s25 =	sadd.s32 s5, s8;
	[dreg:$0x4] =	wrdreg s0  }
0xf: {  	v2 =	vlaneseq.u32;
	s0 =	simm.s32 $0x9500;
	s8 =	sadd.s32 $0x500, s25;
	s26 =	sadd.s32 $0x514, s25  }
0x10: {  	vm0 =	vmmov $0xff;
	v1 =	vshrl.u32 v2, $0x3;
	s25 =	simm.s32 $0x5D00;
	[dreg:$0x2] =	wrdreg s8;
	s8 =	sadd.s32 $0x3C80, s1  }
0x11: {  	v0 =	vand.u32 $0x7, v2;
	v2 =	vor.u32 $0x8, v2;
	v1 =	vmul.u32 $0x8, v1;
	[dreg:$0x3] =	wrdreg s26;
	s26 =	simm.s32 $0x6500;
	s1 =	simm.s32 $0x8D00  }
.LBB2_5:
0x12: {  	s17 =	rddreg [dreg:$0x5]  }
0x13: {  	s16 =	rddreg [dreg:$0x4];
	s17 =	sadd.s32 $0x1, s17  }
0x14: {  	p0 =	sne.s32 s17, s16  }
.Ltmp1:
0x15: {  	_ = 	snop;
	(pc) =	sbr.rel @!p0 .LBB2_6-.Ltmp1, $1  }
0x16: {  	_ =	sdelay $0x3  }
.LBB2_1:
0x17: {  	[dreg:$0x5] =	wrdreg s17  }
0x18: {  	s16 =	rddreg [dreg:$0x2]  }
0x19: {  	[tilespmem:s2], [sflag:$0x3] =	stream.linear.gather [hbm4b:s16+s2], $0x50, $0x38;
	[tilespmem:$0xA100] =	vst v63  }
0x1a: {  	_ =	swait.ge [sflag:s12], $0x50  }
0x1b: {  	[sflag:s12] =	ssyncset.done $0x0  }
0x1c: {  	[sflag:s12] =	ssyncadd.s32 $0xFFFFFFB0  }
0x1d: {  	v3 =	vld [tilespmem:$0x0];
	_ =	sdelay $0x4  }
0x1e: {  	v4 =	vshll.u32 v3, $0x1  }
0x1f: {  	v3 =	vand.u32 $0x7, v3;
	v4 =	vand.u32 $0xFFFFFFF0, v4  }
0x20: {  	v3 =	vor.u32 v3, v4  }
0x21: {  	v4 =	vperm.xlane v3, v0;
	_ =	sdelay $0x1  }
0x22: {  	v3 =	vperm.xlane v3, v2;
	v4 =	vadd.s32 v1, v4;
	_ =	sdelay $0x1  }
0x23: {  	v3 =	vadd.s32 v1, v3;
	_ =	sdelay $0x2  }
0x24: {  	[tilespmem:s13], [sflag:$0x1] =	stream.indirect_vreg.gather [hbm4b:s4+s2], $0x80, v4, vm0, $0xb8;
	[tilespmem:$0xA100] =	vst v63  }
0x25: {  	s18 =	simm.s32 $0x900  }
0x26: {  	[tilespmem:s18], [sflag:$0x1] =	stream.indirect_vreg.gather [hbm4b:s4+s2], $0x80, v3, vm0, $0xb8;
	[tilespmem:$0xA100] =	vst v63  }
0x27: {  	v3 =	vld [tilespmem:$0x10];
	_ =	sdelay $0x4  }
0x28: {  	v55 =	vshll.u32 v3, $0x1  }
0x29: {  	v3 =	vand.u32 $0x7, v3;
	v4 =	vand.u32 $0xFFFFFFF0, v55  }
0x2a: {  	v3 =	vor.u32 v3, v4  }
0x2b: {  	v4 =	vperm.xlane v3, v0;
	_ =	sdelay $0x1  }
0x2c: {  	v3 =	vperm.xlane v3, v2;
	v4 =	vadd.s32 v1, v4;
	_ =	sdelay $0x1  }
0x2d: {  	v3 =	vadd.s32 v1, v3;
	_ =	sdelay $0x1  }
0x2e: {  	s17 =	simm.s32 $0x1100  }
0x2f: {  	[tilespmem:s17], [sflag:$0x1] =	stream.indirect_vreg.gather [hbm4b:s4+s2], $0x80, v4, vm0, $0xb8;
	[tilespmem:$0xA100] =	vst v63  }
0x30: {  	s18 =	simm.s32 $0x1900  }
0x31: {  	[tilespmem:s18], [sflag:$0x1] =	stream.indirect_vreg.gather [hbm4b:s4+s2], $0x80, v3, vm0, $0xb8;
	[tilespmem:$0xA100] =	vst v63  }
0x32: {  	v3 =	vld [tilespmem:$0x20];
	_ =	sdelay $0x4  }
0x33: {  	v56 =	vshll.u32 v3, $0x1  }
0x34: {  	v3 =	vand.u32 $0x7, v3;
	v4 =	vand.u32 $0xFFFFFFF0, v56  }
0x35: {  	v3 =	vor.u32 v3, v4  }
0x36: {  	v4 =	vperm.xlane v3, v0;
	_ =	sdelay $0x1  }
0x37: {  	v3 =	vperm.xlane v3, v2;
	v4 =	vadd.s32 v1, v4;
	_ =	sdelay $0x1  }
0x38: {  	v3 =	vadd.s32 v1, v3;
	_ =	sdelay $0x1  }
0x39: {  	s17 =	simm.s32 $0x2100  }
0x3a: {  	[tilespmem:s17], [sflag:$0x1] =	stream.indirect_vreg.gather [hbm4b:s4+s2], $0x80, v4, vm0, $0xb8;
	[tilespmem:$0xA100] =	vst v63  }
0x3b: {  	s18 =	simm.s32 $0x2900  }
0x3c: {  	[tilespmem:s18], [sflag:$0x1] =	stream.indirect_vreg.gather [hbm4b:s4+s2], $0x80, v3, vm0, $0xb8;
	[tilespmem:$0xA100] =	vst v63  }
0x3d: {  	v3 =	vld [tilespmem:$0x30];
	_ =	sdelay $0x4  }
0x3e: {  	v57 =	vshll.u32 v3, $0x1  }
0x3f: {  	v3 =	vand.u32 $0x7, v3;
	v4 =	vand.u32 $0xFFFFFFF0, v57  }
0x40: {  	v3 =	vor.u32 v3, v4  }
0x41: {  	v4 =	vperm.xlane v3, v0;
	_ =	sdelay $0x1  }
0x42: {  	v3 =	vperm.xlane v3, v2;
	v4 =	vadd.s32 v1, v4;
	_ =	sdelay $0x1  }
0x43: {  	v3 =	vadd.s32 v1, v3;
	_ =	sdelay $0x1  }
0x44: {  	s17 =	simm.s32 $0x3100  }
0x45: {  	[tilespmem:s17], [sflag:$0x1] =	stream.indirect_vreg.gather [hbm4b:s4+s2], $0x80, v4, vm0, $0xb8;
	[tilespmem:$0xA100] =	vst v63  }
0x46: {  	s18 =	simm.s32 $0x3900  }
0x47: {  	[tilespmem:s18], [sflag:$0x1] =	stream.indirect_vreg.gather [hbm4b:s4+s2], $0x80, v3, vm0, $0xb8;
	[tilespmem:$0xA100] =	vst v63  }
0x48: {  	v3 =	vld [tilespmem:$0x40];
	_ =	sdelay $0x4  }
0x49: {  	v58 =	vshll.u32 v3, $0x1  }
0x4a: {  	v3 =	vand.u32 $0x7, v3;
	v4 =	vand.u32 $0xFFFFFFF0, v58  }
0x4b: {  	v3 =	vor.u32 v3, v4  }
0x4c: {  	v4 =	vperm.xlane v3, v0;
	_ =	sdelay $0x1  }
0x4d: {  	v3 =	vperm.xlane v3, v2;
	v4 =	vadd.s32 v1, v4;
	_ =	sdelay $0x1  }
0x4e: {  	v3 =	vadd.s32 v1, v3;
	_ =	sdelay $0x1  }
0x4f: {  	s17 =	simm.s32 $0x4100  }
0x50: {  	[tilespmem:s17], [sflag:$0x1] =	stream.indirect_vreg.gather [hbm4b:s4+s2], $0x80, v4, vm0, $0xb8;
	[tilespmem:$0xA100] =	vst v63  }
0x51: {  	s18 =	simm.s32 $0x4900  }
0x52: {  	[tilespmem:s18], [sflag:$0x1] =	stream.indirect_vreg.gather [hbm4b:s4+s2], $0x80, v3, vm0, $0xb8;
	[tilespmem:$0xA100] =	vst v63  }
0x53: {  	v3 =	vld [tilespmem:$0x0];
	_ =	sdelay $0x4  }
0x54: {  	v59 =	vshll.u32 v3, $0x1  }
0x55: {  	v3 =	vand.u32 $0x7, v3;
	v4 =	vand.u32 $0xFFFFFFF0, v59  }
0x56: {  	v3 =	vor.u32 v3, v4  }
0x57: {  	v4 =	vperm.xlane v3, v0;
	_ =	sdelay $0x1  }
0x58: {  	v3 =	vperm.xlane v3, v2;
	v4 =	vadd.s32 v1, v4;
	_ =	sdelay $0x1  }
0x59: {  	v3 =	vadd.s32 v1, v3;
	_ =	sdelay $0x1  }
0x5a: {  	s17 =	simm.s32 $0x500  }
0x5b: {  	[tilespmem:s17], [sflag:$0x1] =	stream.indirect_vreg.gather [hbm4b:s8+s2], $0x80, v4, vm0, $0xb8;
	[tilespmem:$0xA100] =	vst v63  }
0x5c: {  	s18 =	simm.s32 $0xD00  }
0x5d: {  	[tilespmem:s18], [sflag:$0x1] =	stream.indirect_vreg.gather [hbm4b:s8+s2], $0x80, v3, vm0, $0xb8;
	[tilespmem:$0xA100] =	vst v63  }
0x5e: {  	v3 =	vld [tilespmem:$0x10];
	_ =	sdelay $0x4  }
0x5f: {  	v60 =	vshll.u32 v3, $0x1  }
0x60: {  	v3 =	vand.u32 $0x7, v3;
	v4 =	vand.u32 $0xFFFFFFF0, v60  }
0x61: {  	v3 =	vor.u32 v3, v4  }
0x62: {  	v4 =	vperm.xlane v3, v0;
	_ =	sdelay $0x1  }
0x63: {  	v3 =	vperm.xlane v3, v2;
	v4 =	vadd.s32 v1, v4;
	_ =	sdelay $0x1  }
0x64: {  	v3 =	vadd.s32 v1, v3;
	_ =	sdelay $0x1  }
0x65: {  	s17 =	simm.s32 $0x1500  }
0x66: {  	[tilespmem:s17], [sflag:$0x1] =	stream.indirect_vreg.gather [hbm4b:s8+s2], $0x80, v4, vm0, $0xb8;
	[tilespmem:$0xA100] =	vst v63  }
0x67: {  	s18 =	simm.s32 $0x1D00  }
0x68: {  	[tilespmem:s18], [sflag:$0x1] =	stream.indirect_vreg.gather [hbm4b:s8+s2], $0x80, v3, vm0, $0xb8;
	[tilespmem:$0xA100] =	vst v63  }
0x69: {  	v3 =	vld [tilespmem:$0x20];
	_ =	sdelay $0x4  }
0x6a: {  	v61 =	vshll.u32 v3, $0x1  }
0x6b: {  	v3 =	vand.u32 $0x7, v3;
	v4 =	vand.u32 $0xFFFFFFF0, v61  }
0x6c: {  	v3 =	vor.u32 v3, v4  }
0x6d: {  	v4 =	vperm.xlane v3, v0;
	_ =	sdelay $0x1  }
0x6e: {  	v3 =	vperm.xlane v3, v2;
	v4 =	vadd.s32 v1, v4;
	_ =	sdelay $0x1  }
0x6f: {  	v3 =	vadd.s32 v1, v3;
	_ =	sdelay $0x1  }
0x70: {  	s17 =	simm.s32 $0x2500  }
0x71: {  	[tilespmem:s17], [sflag:$0x1] =	stream.indirect_vreg.gather [hbm4b:s8+s2], $0x80, v4, vm0, $0xb8;
	[tilespmem:$0xA100] =	vst v63  }
0x72: {  	s18 =	simm.s32 $0x2D00  }
0x73: {  	[tilespmem:s18], [sflag:$0x1] =	stream.indirect_vreg.gather [hbm4b:s8+s2], $0x80, v3, vm0, $0xb8;
	[tilespmem:$0xA100] =	vst v63  }
0x74: {  	v3 =	vld [tilespmem:$0x30];
	_ =	sdelay $0x4  }
0x75: {  	v62 =	vshll.u32 v3, $0x1  }
0x76: {  	v3 =	vand.u32 $0x7, v3;
	v4 =	vand.u32 $0xFFFFFFF0, v62  }
0x77: {  	v3 =	vor.u32 v3, v4  }
0x78: {  	v4 =	vperm.xlane v3, v0;
	_ =	sdelay $0x1  }
0x79: {  	v3 =	vperm.xlane v3, v2;
	v4 =	vadd.s32 v1, v4;
	_ =	sdelay $0x1  }
0x7a: {  	v3 =	vadd.s32 v1, v3;
	_ =	sdelay $0x1  }
0x7b: {  	s17 =	simm.s32 $0x3500  }
0x7c: {  	[tilespmem:s17], [sflag:$0x1] =	stream.indirect_vreg.gather [hbm4b:s8+s2], $0x80, v4, vm0, $0xb8;
	[tilespmem:$0xA100] =	vst v63  }
0x7d: {  	s18 =	simm.s32 $0x3D00  }
0x7e: {  	[tilespmem:s18], [sflag:$0x1] =	stream.indirect_vreg.gather [hbm4b:s8+s2], $0x80, v3, vm0, $0xb8;
	[tilespmem:$0xA100] =	vst v63  }
0x7f: {  	v3 =	vld [tilespmem:$0x40];
	_ =	sdelay $0x4  }
0x80: {  	v63 =	vshll.u32 v3, $0x1  }
0x81: {  	v3 =	vand.u32 $0x7, v3;
	v4 =	vand.u32 $0xFFFFFFF0, v63  }
0x82: {  	v3 =	vor.u32 v3, v4  }
0x83: {  	v4 =	vperm.xlane v3, v0;
	_ =	sdelay $0x1  }
0x84: {  	v3 =	vperm.xlane v3, v2;
	v4 =	vadd.s32 v1, v4;
	_ =	sdelay $0x1  }
0x85: {  	v3 =	vadd.s32 v1, v3  }
.Ltmp2:
0x86: {  	_ = 	snop;
	(pc) =	sbr.rel .LBB2_2-.Ltmp2, $4  }
0x87: {  	s17 =	simm.s32 $0x4500  }
0x88: {  	[tilespmem:s17], [sflag:$0x1] =	stream.indirect_vreg.gather [hbm4b:s8+s2], $0x80, v4, vm0, $0xb8;
	[tilespmem:$0xA100] =	vst v63  }
0x89: {  	p1 =	por $0x1, $0x1;
	s18 =	simm.s32 $0x4D00;
	s17 =	simm.s32 $0x0  }
0x8a: {  	[tilespmem:s18], [sflag:$0x1] =	stream.indirect_vreg.gather [hbm4b:s8+s2], $0x80, v3, vm0, $0xb8;
	[tilespmem:$0xA100] =	vst v63  }
.LBB2_4:
0x8b: {  	_ =	swait.ge [sflag:s15], $0x2800  }
0x8c: {  	[sflag:s15] =	ssyncset.done $0x0  }
0x8d: {  	[sflag:s15] =	ssyncadd.s32 $0xFFFFD800  }
0x8e: {  	_ =	swait.ge [sflag:s15], $0x2800  }
0x8f: {  	s16 =	sshll.u32 s16, $0x5;
	[sflag:s15] =	ssyncset.done $0x0  }
.Ltmp3:
0x90: {  	s16 =	sadd.s32 s6, s16;
	[sflag:s15] =	ssyncadd.s32 $0xFFFFD800;
	(pc) =	sbr.rel @!p0 .LBB2_5-.Ltmp3, $4  }
0x91: {  	[hbm4b:s16+s2] =	stream.linear.scatter [tilespmem:s14], [sflag:$0x3], $0x5000, $0x38;
	[tilespmem:$0xA100] =	vst v63  }
0x92: {  	_ =	swait.ge [sflag:s12], $0x5000  }
0x93: {  	[sflag:s12] =	ssyncset.done $0x0  }
0x94: {  	s17 =	simm.s32 $0xA0;
	p1 =	por $0x0, $0x0;
	[sflag:s12] =	ssyncadd.s32 $0xFFFFB000  }
.LBB2_2:
0x95: {  	s16 =	sadd.s32 s17, s9  }
0x96: {  	s18 =	sshrl.u32 s16, $0x3  }
0x97: {  	s18 =	sadd.s32 s5, s18  }
0x98: {  	s18 =	sadd.s32 $0x500, s18  }
0x99: {  	[tilespmem:s19], [sflag:$0x4] =	stream.linear.gather [hbm4b:s18+s2], $0x50, $0x38;
	[tilespmem:$0xA100] =	vst v63  }
0x9a: {  	_ =	swait.ge [sflag:s11], $0x50  }
0x9b: {  	[sflag:s11] =	ssyncset.done $0x0  }
0x9c: {  	[sflag:s11] =	ssyncadd.s32 $0xFFFFFFB0  }
0x9d: {  	v3 =	vld [tilespmem:$0x80];
	_ =	sdelay $0x4  }
0x9e: {  	v4 =	vshll.u32 v3, $0x1  }
0x9f: {  	v3 =	vand.u32 $0x7, v3;
	v4 =	vand.u32 $0xFFFFFFF0, v4  }
0xa0: {  	v3 =	vor.u32 v3, v4  }
0xa1: {  	v4 =	vperm.xlane v3, v0;
	_ =	sdelay $0x1  }
0xa2: {  	v3 =	vperm.xlane v3, v2;
	v4 =	vadd.s32 v1, v4;
	_ =	sdelay $0x1  }
0xa3: {  	v3 =	vadd.s32 v1, v3;
	_ =	sdelay $0x2  }
0xa4: {  	[tilespmem:s14], [sflag:$0x2] =	stream.indirect_vreg.gather [hbm4b:s4+s2], $0x80, v4, vm0, $0xb8;
	[tilespmem:$0xA100] =	vst v63  }
0xa5: {  	s18 =	simm.s32 $0x5900  }
0xa6: {  	[tilespmem:s18], [sflag:$0x2] =	stream.indirect_vreg.gather [hbm4b:s4+s2], $0x80, v3, vm0, $0xb8;
	[tilespmem:$0xA100] =	vst v63  }
0xa7: {  	v3 =	vld [tilespmem:$0x90];
	_ =	sdelay $0x4  }
0xa8: {  	v55 =	vshll.u32 v3, $0x1  }
0xa9: {  	v3 =	vand.u32 $0x7, v3;
	v4 =	vand.u32 $0xFFFFFFF0, v55  }
0xaa: {  	v3 =	vor.u32 v3, v4  }
0xab: {  	v4 =	vperm.xlane v3, v0;
	_ =	sdelay $0x1  }
0xac: {  	v3 =	vperm.xlane v3, v2;
	v4 =	vadd.s32 v1, v4;
	_ =	sdelay $0x1  }
0xad: {  	v3 =	vadd.s32 v1, v3;
	_ =	sdelay $0x1  }
0xae: {  	s18 =	simm.s32 $0x6100  }
0xaf: {  	[tilespmem:s18], [sflag:$0x2] =	stream.indirect_vreg.gather [hbm4b:s4+s2], $0x80, v4, vm0, $0xb8;
	[tilespmem:$0xA100] =	vst v63  }
0xb0: {  	s18 =	simm.s32 $0x6900  }
0xb1: {  	[tilespmem:s18], [sflag:$0x2] =	stream.indirect_vreg.gather [hbm4b:s4+s2], $0x80, v3, vm0, $0xb8;
	[tilespmem:$0xA100] =	vst v63  }
0xb2: {  	v3 =	vld [tilespmem:$0xA0];
	_ =	sdelay $0x4  }
0xb3: {  	v56 =	vshll.u32 v3, $0x1  }
0xb4: {  	v3 =	vand.u32 $0x7, v3;
	v4 =	vand.u32 $0xFFFFFFF0, v56  }
0xb5: {  	v3 =	vor.u32 v3, v4  }
0xb6: {  	v4 =	vperm.xlane v3, v0;
	_ =	sdelay $0x1  }
0xb7: {  	v3 =	vperm.xlane v3, v2;
	v4 =	vadd.s32 v1, v4;
	_ =	sdelay $0x1  }
0xb8: {  	v3 =	vadd.s32 v1, v3;
	_ =	sdelay $0x1  }
0xb9: {  	s18 =	simm.s32 $0x7100  }
0xba: {  	[tilespmem:s18], [sflag:$0x2] =	stream.indirect_vreg.gather [hbm4b:s4+s2], $0x80, v4, vm0, $0xb8;
	[tilespmem:$0xA100] =	vst v63  }
0xbb: {  	s18 =	simm.s32 $0x7900  }
0xbc: {  	[tilespmem:s18], [sflag:$0x2] =	stream.indirect_vreg.gather [hbm4b:s4+s2], $0x80, v3, vm0, $0xb8;
	[tilespmem:$0xA100] =	vst v63  }
0xbd: {  	v3 =	vld [tilespmem:$0xB0];
	_ =	sdelay $0x4  }
0xbe: {  	v57 =	vshll.u32 v3, $0x1  }
0xbf: {  	v3 =	vand.u32 $0x7, v3;
	v4 =	vand.u32 $0xFFFFFFF0, v57  }
0xc0: {  	v3 =	vor.u32 v3, v4  }
0xc1: {  	v4 =	vperm.xlane v3, v0;
	_ =	sdelay $0x1  }
0xc2: {  	v3 =	vperm.xlane v3, v2;
	v4 =	vadd.s32 v1, v4;
	_ =	sdelay $0x1  }
0xc3: {  	v3 =	vadd.s32 v1, v3;
	_ =	sdelay $0x2  }
0xc4: {  	[tilespmem:s20], [sflag:$0x2] =	stream.indirect_vreg.gather [hbm4b:s4+s2], $0x80, v4, vm0, $0xb8;
	[tilespmem:$0xA100] =	vst v63  }
0xc5: {  	_ = 	snop  }
0xc6: {  	[tilespmem:s21], [sflag:$0x2] =	stream.indirect_vreg.gather [hbm4b:s4+s2], $0x80, v3, vm0, $0xb8;
	[tilespmem:$0xA100] =	vst v63  }
0xc7: {  	v3 =	vld [tilespmem:$0xC0];
	_ =	sdelay $0x4  }
0xc8: {  	v58 =	vshll.u32 v3, $0x1  }
0xc9: {  	v3 =	vand.u32 $0x7, v3;
	v4 =	vand.u32 $0xFFFFFFF0, v58  }
0xca: {  	v3 =	vor.u32 v3, v4  }
0xcb: {  	v4 =	vperm.xlane v3, v0;
	_ =	sdelay $0x1  }
0xcc: {  	v3 =	vperm.xlane v3, v2;
	v4 =	vadd.s32 v1, v4;
	_ =	sdelay $0x1  }
0xcd: {  	v3 =	vadd.s32 v1, v3;
	_ =	sdelay $0x2  }
0xce: {  	[tilespmem:s22], [sflag:$0x2] =	stream.indirect_vreg.gather [hbm4b:s4+s2], $0x80, v4, vm0, $0xb8;
	[tilespmem:$0xA100] =	vst v63  }
0xcf: {  	_ = 	snop  }
0xd0: {  	[tilespmem:s23], [sflag:$0x2] =	stream.indirect_vreg.gather [hbm4b:s4+s2], $0x80, v3, vm0, $0xb8;
	[tilespmem:$0xA100] =	vst v63  }
0xd1: {  	v3 =	vld [tilespmem:$0x80];
	_ =	sdelay $0x4  }
0xd2: {  	v59 =	vshll.u32 v3, $0x1  }
0xd3: {  	v3 =	vand.u32 $0x7, v3;
	v4 =	vand.u32 $0xFFFFFFF0, v59  }
0xd4: {  	v3 =	vor.u32 v3, v4  }
0xd5: {  	v4 =	vperm.xlane v3, v0;
	_ =	sdelay $0x1  }
0xd6: {  	v3 =	vperm.xlane v3, v2;
	v4 =	vadd.s32 v1, v4;
	_ =	sdelay $0x1  }
0xd7: {  	v3 =	vadd.s32 v1, v3;
	_ =	sdelay $0x2  }
0xd8: {  	[tilespmem:s24], [sflag:$0x2] =	stream.indirect_vreg.gather [hbm4b:s8+s2], $0x80, v4, vm0, $0xb8;
	[tilespmem:$0xA100] =	vst v63  }
0xd9: {  	_ = 	snop  }
0xda: {  	[tilespmem:s25], [sflag:$0x2] =	stream.indirect_vreg.gather [hbm4b:s8+s2], $0x80, v3, vm0, $0xb8;
	[tilespmem:$0xA100] =	vst v63  }
0xdb: {  	v3 =	vld [tilespmem:$0x90];
	_ =	sdelay $0x4  }
0xdc: {  	v60 =	vshll.u32 v3, $0x1  }
0xdd: {  	v3 =	vand.u32 $0x7, v3;
	v4 =	vand.u32 $0xFFFFFFF0, v60  }
0xde: {  	v3 =	vor.u32 v3, v4  }
0xdf: {  	v4 =	vperm.xlane v3, v0;
	_ =	sdelay $0x1  }
0xe0: {  	v3 =	vperm.xlane v3, v2;
	v4 =	vadd.s32 v1, v4;
	_ =	sdelay $0x1  }
0xe1: {  	v3 =	vadd.s32 v1, v3;
	_ =	sdelay $0x2  }
0xe2: {  	[tilespmem:s26], [sflag:$0x2] =	stream.indirect_vreg.gather [hbm4b:s8+s2], $0x80, v4, vm0, $0xb8;
	[tilespmem:$0xA100] =	vst v63  }
0xe3: {  	_ = 	snop  }
0xe4: {  	[tilespmem:s28], [sflag:$0x2] =	stream.indirect_vreg.gather [hbm4b:s8+s2], $0x80, v3, vm0, $0xb8;
	[tilespmem:$0xA100] =	vst v63  }
0xe5: {  	v3 =	vld [tilespmem:$0xA0];
	_ =	sdelay $0x4  }
0xe6: {  	v61 =	vshll.u32 v3, $0x1  }
0xe7: {  	v3 =	vand.u32 $0x7, v3;
	v4 =	vand.u32 $0xFFFFFFF0, v61  }
0xe8: {  	v3 =	vor.u32 v3, v4  }
0xe9: {  	v4 =	vperm.xlane v3, v0;
	_ =	sdelay $0x1  }
0xea: {  	v3 =	vperm.xlane v3, v2;
	v4 =	vadd.s32 v1, v4;
	_ =	sdelay $0x1  }
0xeb: {  	v3 =	vadd.s32 v1, v3;
	_ =	sdelay $0x2  }
0xec: {  	[tilespmem:s29], [sflag:$0x2] =	stream.indirect_vreg.gather [hbm4b:s8+s2], $0x80, v4, vm0, $0xb8;
	[tilespmem:$0xA100] =	vst v63  }
0xed: {  	_ = 	snop  }
0xee: {  	[tilespmem:s30], [sflag:$0x2] =	stream.indirect_vreg.gather [hbm4b:s8+s2], $0x80, v3, vm0, $0xb8;
	[tilespmem:$0xA100] =	vst v63  }
0xef: {  	v3 =	vld [tilespmem:$0xB0];
	_ =	sdelay $0x4  }
0xf0: {  	v62 =	vshll.u32 v3, $0x1  }
0xf1: {  	v3 =	vand.u32 $0x7, v3;
	v4 =	vand.u32 $0xFFFFFFF0, v62  }
0xf2: {  	v3 =	vor.u32 v3, v4  }
0xf3: {  	v4 =	vperm.xlane v3, v0;
	_ =	sdelay $0x1  }
0xf4: {  	v3 =	vperm.xlane v3, v2;
	v4 =	vadd.s32 v1, v4;
	_ =	sdelay $0x1  }
0xf5: {  	v3 =	vadd.s32 v1, v3;
	_ =	sdelay $0x2  }
0xf6: {  	[tilespmem:s31], [sflag:$0x2] =	stream.indirect_vreg.gather [hbm4b:s8+s2], $0x80, v4, vm0, $0xb8;
	[tilespmem:$0xA100] =	vst v63  }
0xf7: {  	_ = 	snop  }
0xf8: {  	[tilespmem:s1], [sflag:$0x2] =	stream.indirect_vreg.gather [hbm4b:s8+s2], $0x80, v3, vm0, $0xb8;
	[tilespmem:$0xA100] =	vst v63  }
0xf9: {  	v3 =	vld [tilespmem:$0xC0];
	_ =	sdelay $0x4  }
0xfa: {  	v63 =	vshll.u32 v3, $0x1  }
0xfb: {  	v3 =	vand.u32 $0x7, v3;
	v4 =	vand.u32 $0xFFFFFFF0, v63  }
0xfc: {  	v3 =	vor.u32 v3, v4  }
0xfd: {  	v4 =	vperm.xlane v3, v0;
	_ =	sdelay $0x1  }
0xfe: {  	v3 =	vperm.xlane v3, v2;
	v4 =	vadd.s32 v1, v4;
	_ =	sdelay $0x1  }
0xff: {  	v3 =	vadd.s32 v1, v3;
	_ =	sdelay $0x2  }
0x100: {  	[tilespmem:s0], [sflag:$0x2] =	stream.indirect_vreg.gather [hbm4b:s8+s2], $0x80, v4, vm0, $0xb8;
	[tilespmem:$0xA100] =	vst v63  }
0x101: {  	_ = 	snop  }
0x102: {  	[tilespmem:s10], [sflag:$0x2] =	stream.indirect_vreg.gather [hbm4b:s8+s2], $0x80, v3, vm0, $0xb8;
	[tilespmem:$0xA100] =	vst v63  }
0x103: {  	_ =	swait.ge [sflag:s7], $0x2800  }
0x104: {  	[sflag:s7] =	ssyncset.done $0x0  }
0x105: {  	[sflag:s7] =	ssyncadd.s32 $0xFFFFD800  }
0x106: {  	s18 =	sadd.s32 s3, s17;
	_ =	swait.ge [sflag:s7], $0x2800  }
0x107: {  	s17 =	sshll.u32 s18, $0x5;
	[sflag:s7] =	ssyncset.done $0x0  }
.Ltmp4:
0x108: {  	s17 =	sadd.s32 s6, s17;
	[sflag:s7] =	ssyncadd.s32 $0xFFFFD800;
	(pc) =	sbr.rel @!p1 .LBB2_4-.Ltmp4, $4  }
0x109: {  	[hbm4b:s17+s2] =	stream.linear.scatter [tilespmem:s13], [sflag:$0x4], $0x5000, $0x38;
	[tilespmem:$0xA100] =	vst v63  }
0x10a: {  	_ =	swait.ge [sflag:s11], $0x5000  }
0x10b: {  	[sflag:s11] =	ssyncset.done $0x0  }
0x10c: {  	p0 =	por p1, p1;
	[sflag:s11] =	ssyncadd.s32 $0xFFFFB000  }
0x10d: {  	s17 =	rddreg [dreg:$0x3]  }
0x10e: {  	[tilespmem:s2], [sflag:$0x4] =	stream.linear.gather [hbm4b:s17+s2], $0x50, $0x38;
	[tilespmem:$0xA100] =	vst v63  }
0x10f: {  	_ =	swait.ge [sflag:s11], $0x50  }
0x110: {  	[sflag:s11] =	ssyncset.done $0x0  }
0x111: {  	[sflag:s11] =	ssyncadd.s32 $0xFFFFFFB0  }
0x112: {  	v3 =	vld [tilespmem:$0x0];
	_ =	sdelay $0x4  }
0x113: {  	v4 =	vshll.u32 v3, $0x1  }
0x114: {  	v3 =	vand.u32 $0x7, v3;
	v4 =	vand.u32 $0xFFFFFFF0, v4  }
0x115: {  	v3 =	vor.u32 v3, v4  }
0x116: {  	v4 =	vperm.xlane v3, v0;
	_ =	sdelay $0x1  }
0x117: {  	v3 =	vperm.xlane v3, v2;
	v4 =	vadd.s32 v1, v4;
	_ =	sdelay $0x1  }
0x118: {  	v3 =	vadd.s32 v1, v3;
	_ =	sdelay $0x2  }
0x119: {  	[tilespmem:s13], [sflag:$0x1] =	stream.indirect_vreg.gather [hbm4b:s4+s2], $0x80, v4, vm0, $0xb8;
	[tilespmem:$0xA100] =	vst v63  }
0x11a: {  	s18 =	simm.s32 $0x900  }
0x11b: {  	[tilespmem:s18], [sflag:$0x1] =	stream.indirect_vreg.gather [hbm4b:s4+s2], $0x80, v3, vm0, $0xb8;
	[tilespmem:$0xA100] =	vst v63  }
0x11c: {  	v3 =	vld [tilespmem:$0x10];
	_ =	sdelay $0x4  }
0x11d: {  	v55 =	vshll.u32 v3, $0x1  }
0x11e: {  	v3 =	vand.u32 $0x7, v3;
	v4 =	vand.u32 $0xFFFFFFF0, v55  }
0x11f: {  	v3 =	vor.u32 v3, v4  }
0x120: {  	v4 =	vperm.xlane v3, v0;
	_ =	sdelay $0x1  }
0x121: {  	v3 =	vperm.xlane v3, v2;
	v4 =	vadd.s32 v1, v4;
	_ =	sdelay $0x1  }
0x122: {  	v3 =	vadd.s32 v1, v3;
	_ =	sdelay $0x1  }
0x123: {  	s18 =	simm.s32 $0x1100  }
0x124: {  	[tilespmem:s18], [sflag:$0x1] =	stream.indirect_vreg.gather [hbm4b:s4+s2], $0x80, v4, vm0, $0xb8;
	[tilespmem:$0xA100] =	vst v63  }
0x125: {  	s18 =	simm.s32 $0x1900  }
0x126: {  	[tilespmem:s18], [sflag:$0x1] =	stream.indirect_vreg.gather [hbm4b:s4+s2], $0x80, v3, vm0, $0xb8;
	[tilespmem:$0xA100] =	vst v63  }
0x127: {  	v3 =	vld [tilespmem:$0x20];
	_ =	sdelay $0x4  }
0x128: {  	v56 =	vshll.u32 v3, $0x1  }
0x129: {  	v3 =	vand.u32 $0x7, v3;
	v4 =	vand.u32 $0xFFFFFFF0, v56  }
0x12a: {  	v3 =	vor.u32 v3, v4  }
0x12b: {  	v4 =	vperm.xlane v3, v0;
	_ =	sdelay $0x1  }
0x12c: {  	v3 =	vperm.xlane v3, v2;
	v4 =	vadd.s32 v1, v4;
	_ =	sdelay $0x1  }
0x12d: {  	v3 =	vadd.s32 v1, v3;
	_ =	sdelay $0x1  }
0x12e: {  	s18 =	simm.s32 $0x2100  }
0x12f: {  	[tilespmem:s18], [sflag:$0x1] =	stream.indirect_vreg.gather [hbm4b:s4+s2], $0x80, v4, vm0, $0xb8;
	[tilespmem:$0xA100] =	vst v63  }
0x130: {  	s18 =	simm.s32 $0x2900  }
0x131: {  	[tilespmem:s18], [sflag:$0x1] =	stream.indirect_vreg.gather [hbm4b:s4+s2], $0x80, v3, vm0, $0xb8;
	[tilespmem:$0xA100] =	vst v63  }
0x132: {  	v3 =	vld [tilespmem:$0x30];
	_ =	sdelay $0x4  }
0x133: {  	v57 =	vshll.u32 v3, $0x1  }
0x134: {  	v3 =	vand.u32 $0x7, v3;
	v4 =	vand.u32 $0xFFFFFFF0, v57  }
0x135: {  	v3 =	vor.u32 v3, v4  }
0x136: {  	v4 =	vperm.xlane v3, v0;
	_ =	sdelay $0x1  }
0x137: {  	v3 =	vperm.xlane v3, v2;
	v4 =	vadd.s32 v1, v4;
	_ =	sdelay $0x1  }
0x138: {  	v3 =	vadd.s32 v1, v3;
	_ =	sdelay $0x1  }
0x139: {  	s18 =	simm.s32 $0x3100  }
0x13a: {  	[tilespmem:s18], [sflag:$0x1] =	stream.indirect_vreg.gather [hbm4b:s4+s2], $0x80, v4, vm0, $0xb8;
	[tilespmem:$0xA100] =	vst v63  }
0x13b: {  	s18 =	simm.s32 $0x3900  }
0x13c: {  	[tilespmem:s18], [sflag:$0x1] =	stream.indirect_vreg.gather [hbm4b:s4+s2], $0x80, v3, vm0, $0xb8;
	[tilespmem:$0xA100] =	vst v63  }
0x13d: {  	v3 =	vld [tilespmem:$0x40];
	_ =	sdelay $0x4  }
0x13e: {  	v58 =	vshll.u32 v3, $0x1  }
0x13f: {  	v3 =	vand.u32 $0x7, v3;
	v4 =	vand.u32 $0xFFFFFFF0, v58  }
0x140: {  	v3 =	vor.u32 v3, v4  }
0x141: {  	v4 =	vperm.xlane v3, v0;
	_ =	sdelay $0x1  }
0x142: {  	v3 =	vperm.xlane v3, v2;
	v4 =	vadd.s32 v1, v4;
	_ =	sdelay $0x1  }
0x143: {  	v3 =	vadd.s32 v1, v3;
	_ =	sdelay $0x1  }
0x144: {  	s18 =	simm.s32 $0x4100  }
0x145: {  	[tilespmem:s18], [sflag:$0x1] =	stream.indirect_vreg.gather [hbm4b:s4+s2], $0x80, v4, vm0, $0xb8;
	[tilespmem:$0xA100] =	vst v63  }
0x146: {  	s18 =	simm.s32 $0x4900  }
0x147: {  	[tilespmem:s18], [sflag:$0x1] =	stream.indirect_vreg.gather [hbm4b:s4+s2], $0x80, v3, vm0, $0xb8;
	[tilespmem:$0xA100] =	vst v63  }
0x148: {  	v3 =	vld [tilespmem:$0x0];
	_ =	sdelay $0x4  }
0x149: {  	v59 =	vshll.u32 v3, $0x1  }
0x14a: {  	v3 =	vand.u32 $0x7, v3;
	v4 =	vand.u32 $0xFFFFFFF0, v59  }
0x14b: {  	v3 =	vor.u32 v3, v4  }
0x14c: {  	v4 =	vperm.xlane v3, v0;
	_ =	sdelay $0x1  }
0x14d: {  	v3 =	vperm.xlane v3, v2;
	v4 =	vadd.s32 v1, v4;
	_ =	sdelay $0x1  }
0x14e: {  	v3 =	vadd.s32 v1, v3;
	_ =	sdelay $0x1  }
0x14f: {  	s18 =	simm.s32 $0x500  }
0x150: {  	[tilespmem:s18], [sflag:$0x1] =	stream.indirect_vreg.gather [hbm4b:s8+s2], $0x80, v4, vm0, $0xb8;
	[tilespmem:$0xA100] =	vst v63  }
0x151: {  	s18 =	simm.s32 $0xD00  }
0x152: {  	[tilespmem:s18], [sflag:$0x1] =	stream.indirect_vreg.gather [hbm4b:s8+s2], $0x80, v3, vm0, $0xb8;
	[tilespmem:$0xA100] =	vst v63  }
0x153: {  	v3 =	vld [tilespmem:$0x10];
	_ =	sdelay $0x4  }
0x154: {  	v60 =	vshll.u32 v3, $0x1  }
0x155: {  	v3 =	vand.u32 $0x7, v3;
	v4 =	vand.u32 $0xFFFFFFF0, v60  }
0x156: {  	v3 =	vor.u32 v3, v4  }
0x157: {  	v4 =	vperm.xlane v3, v0;
	_ =	sdelay $0x1  }
0x158: {  	v3 =	vperm.xlane v3, v2;
	v4 =	vadd.s32 v1, v4;
	_ =	sdelay $0x1  }
0x159: {  	v3 =	vadd.s32 v1, v3;
	_ =	sdelay $0x1  }
0x15a: {  	s18 =	simm.s32 $0x1500  }
0x15b: {  	[tilespmem:s18], [sflag:$0x1] =	stream.indirect_vreg.gather [hbm4b:s8+s2], $0x80, v4, vm0, $0xb8;
	[tilespmem:$0xA100] =	vst v63  }
0x15c: {  	s18 =	simm.s32 $0x1D00  }
0x15d: {  	[tilespmem:s18], [sflag:$0x1] =	stream.indirect_vreg.gather [hbm4b:s8+s2], $0x80, v3, vm0, $0xb8;
	[tilespmem:$0xA100] =	vst v63  }
0x15e: {  	v3 =	vld [tilespmem:$0x20];
	_ =	sdelay $0x4  }
0x15f: {  	v61 =	vshll.u32 v3, $0x1  }
0x160: {  	v3 =	vand.u32 $0x7, v3;
	v4 =	vand.u32 $0xFFFFFFF0, v61  }
0x161: {  	v3 =	vor.u32 v3, v4  }
0x162: {  	v4 =	vperm.xlane v3, v0;
	_ =	sdelay $0x1  }
0x163: {  	v3 =	vperm.xlane v3, v2;
	v4 =	vadd.s32 v1, v4;
	_ =	sdelay $0x1  }
0x164: {  	v3 =	vadd.s32 v1, v3;
	_ =	sdelay $0x1  }
0x165: {  	s18 =	simm.s32 $0x2500  }
0x166: {  	[tilespmem:s18], [sflag:$0x1] =	stream.indirect_vreg.gather [hbm4b:s8+s2], $0x80, v4, vm0, $0xb8;
	[tilespmem:$0xA100] =	vst v63  }
0x167: {  	s18 =	simm.s32 $0x2D00  }
0x168: {  	[tilespmem:s18], [sflag:$0x1] =	stream.indirect_vreg.gather [hbm4b:s8+s2], $0x80, v3, vm0, $0xb8;
	[tilespmem:$0xA100] =	vst v63  }
0x169: {  	v3 =	vld [tilespmem:$0x30];
	_ =	sdelay $0x4  }
0x16a: {  	v62 =	vshll.u32 v3, $0x1  }
0x16b: {  	v3 =	vand.u32 $0x7, v3;
	v4 =	vand.u32 $0xFFFFFFF0, v62  }
0x16c: {  	v3 =	vor.u32 v3, v4  }
0x16d: {  	v4 =	vperm.xlane v3, v0;
	_ =	sdelay $0x1  }
0x16e: {  	v3 =	vperm.xlane v3, v2;
	v4 =	vadd.s32 v1, v4;
	_ =	sdelay $0x1  }
0x16f: {  	v3 =	vadd.s32 v1, v3;
	_ =	sdelay $0x1  }
0x170: {  	s18 =	simm.s32 $0x3500  }
0x171: {  	[tilespmem:s18], [sflag:$0x1] =	stream.indirect_vreg.gather [hbm4b:s8+s2], $0x80, v4, vm0, $0xb8;
	[tilespmem:$0xA100] =	vst v63  }
0x172: {  	s18 =	simm.s32 $0x3D00  }
0x173: {  	[tilespmem:s18], [sflag:$0x1] =	stream.indirect_vreg.gather [hbm4b:s8+s2], $0x80, v3, vm0, $0xb8;
	[tilespmem:$0xA100] =	vst v63  }
0x174: {  	v3 =	vld [tilespmem:$0x40];
	_ =	sdelay $0x4  }
0x175: {  	v63 =	vshll.u32 v3, $0x1  }
0x176: {  	v3 =	vand.u32 $0x7, v3;
	v4 =	vand.u32 $0xFFFFFFF0, v63  }
0x177: {  	v3 =	vor.u32 v3, v4  }
0x178: {  	v4 =	vperm.xlane v3, v0;
	_ =	sdelay $0x1  }
0x179: {  	v3 =	vperm.xlane v3, v2;
	v4 =	vadd.s32 v1, v4;
	_ =	sdelay $0x1  }
0x17a: {  	v3 =	vadd.s32 v1, v3  }
.Ltmp5:
0x17b: {  	_ = 	snop;
	(pc) =	sbr.rel .LBB2_4-.Ltmp5, $4  }
0x17c: {  	s18 =	simm.s32 $0x4500  }
0x17d: {  	[tilespmem:s18], [sflag:$0x1] =	stream.indirect_vreg.gather [hbm4b:s8+s2], $0x80, v4, vm0, $0xb8;
	[tilespmem:$0xA100] =	vst v63  }
0x17e: {  	s18 =	simm.s32 $0x4D00  }
0x17f: {  	[tilespmem:s18], [sflag:$0x1] =	stream.indirect_vreg.gather [hbm4b:s8+s2], $0x80, v3, vm0, $0xb8;
	[tilespmem:$0xA100] =	vst v63  }
.LBB2_6:
0x180: {  	_ =	sfence.sel $0x180000  }
0x181: {  	[bflag:$0x0] =	sbarrier.arrive $0xFFFF  }
0x182: {  	_ =	strace $0x9000004A  }
0x183: {  	s0 =	stileid.u32;
	[bflag:$0x2] =	sbarrier.arrive $0xFFFF  }
0x184: {  	p0 =	sne.s32 s0, $0x0;
	s0 =	rddreg [dreg:$0x1]  }
0x185: {  	s0 =	sadd.s32 @!p0 $0x100000, s0  }
0x186: {  	[sflag:s0] =	ssyncadd.tile.s32 @!p0 $0x1;
	_ =	shalt  }
.Lfunc_end2:
_tile_overlayer_lowered:
.L_overlay_start_2:
0x187: {  	(tag) =	ssettag $0x2  }
0x188: {  	s0 =	rddreg [dreg:$0x0];
	s2 =	stileid.u32  }
0x189: {  	s1 =	rddreg [dreg:$0x1];
	p0 =	sne.s32 s2, $0x0  }
0x18a: {  	s3 =	rddreg [dreg:$0x2];
	[bflag:$0x3] =	sbarrier.arrive $0xFFFF;
	s2 =	simm.s32 @!p0 $0x1C03  }
0x18b: {  	[timem:s3], [sflag:s2] =	dma.local @!p0 [hbm:s0], s1  }
0x18c: {  	s0 =	simm.s32 @!p0 $0x3  }
0x18d: {  	_ =	swait.ge @!p0 [sflag:s0], s1  }
0x18e: {  	s1 =	ssub.s32 @!p0 $0x0, s1;
	[sflag:s0] =	ssyncset.done @!p0 $0x0  }
0x18f: {  	[sflag:s0] =	ssyncadd.s32 @!p0 s1  }
0x190: {  	[bflag:$0x3] =	sbarrier.arrive $0xFFFF  }
0x191: {  	_ =	shalt  }

// kernel: kernel.19.cloned.1.call-start
scs
__scs_entry_jumppad:
0x0: {  	(pc) =	sbr.rel $0x88, $3  }
0x1: {  	(tag) =	ssettag $0x0;
	lr =	simm.s32 $0x1  }
0x2: {  	[smem:$0x3F9D] =	sst lr;
	_ =	strace $0xD0000000  }
0x3: {  	_ = 	snop  }
0x4: {  	_ = 	snop  }
0x5: {  	_ = 	snop  }
0x6: {  	_ = 	snop  }
0x7: {  	_ = 	snop  }
__scs_overlays_trampoline_lowered:
0x8: {  	[smem:$0x3FAC] =	sst s0  }
0x9: {  	[smem:$0x3FAD] =	sst s1  }
0xa: {  	[smem:$0x3FAE] =	sst s2  }
0xb: {  	[smem:$0x3FAF] =	sst s3  }
0xc: {  	[smem:$0x3FB0] =	sst s4  }
0xd: {  	[smem:$0x3FB1] =	sst s5  }
0xe: {  	[smem:$0x3FB2] =	sst s6  }
0xf: {  	[smem:$0x3FB3] =	sst s7  }
0x10: {  	[smem:$0x3FB4] =	sst s8  }
0x11: {  	[smem:$0x3FB5] =	sst s9;
	s0 =	simm.s32 @!p0 $0x0  }
0x12: {  	s1 =	sld [smem:$0x3F9B];
	s0 =	simm.s32 @p0 $0x1  }
0x13: {  	[smem:$0x3FB6] =	sst s0;
	s0 =	simm.s32 @!p1 $0x0  }
0x14: {  	s2 =	sld [smem:$0x3F9A];
	s0 =	simm.s32 @p1 $0x1  }
0x15: {  	[smem:$0x3FB7] =	sst s0;
	s0 =	simm.s32 @!p2 $0x0  }
0x16: {  	s3 =	sld [smem:$0x3FDB];
	s0 =	simm.s32 @p2 $0x1  }
0x17: {  	s4 =	simm.s32 $0x1BF5;
	[smem:$0x3FB9] =	sst s0  }
0x18: {  	s0 =	sld [smem:$0x3F9C];
	_ =	swait.ge [sflag:s4], $0x0  }
0x19: {  	s7 =	sld [smem:$0x3F9D]  }
0x1a: {  	s8 =	sadd.s32 $0xFFFFE003, lr  }
0x1b: {  	s9 =	sadd.s32 $0xFFFFFEF7, lr;
	s5 =	simm.s32 $0xFFFFFFFF;
	p2 =	slt.u32 s8, $0xFFFFF086  }
0x1c: {  	p1 =	slt.u32 s9, $0xF7A;
	s5 =	simm.s32 @!p2 $0x0  }
0x1d: {  	s5 =	simm.s32 @p1 $0x1;
	p0 =	seq.s32 s7, s2  }
0x1e: {  	s7 =	smul.u32 @!p0 $0xF7A, s2;
	p2 =	seq.s32 @!p0 s5, $0x0  }
0x1f: {  	s9 =	smul.u32 $0xF7A, s1;
	s8 =	simm.s32 @!p0 $0x1BF5;
	p2 =	por !p2, p0  }
0x20: {  	[sflag:s8] =	ssyncset.s32 @!p0 $0xFFFFF086;
	s6 =	sadd.s32 @!p0 s3, s7;
	s7 =	simm.s32 @!p0 $0x108  }
0x21: {  	s3 =	sadd.s32 s3, s9;
	s6 =	sadd.s32 @!p0 $0x88, s6;
	s7 =	simm.s32 @p2 $0x1082  }
0x22: {  	[simem:s7], [sflag:s8] =	dma.local @!p0 [hbm:s6], $0xF7A  }
0x23: {  	s9 =	sor.u32 $0xD0000000, s2;
	s6 =	simm.s32 $0x108;
	_ =	swait.ge @!p0 [sflag:s8], $0x0  }
0x24: {  	s3 =	sadd.s32 $0x88, s3;
	s6 =	simm.s32 @!p1 $0x1082;
	[sflag:s4] =	ssyncset.s32 $0xFFFFF086  }
0x25: {  	[simem:s6], [sflag:s4] =	dma.local [hbm:s3], $0xF7A  }
0x26: {  	[smem:$0x3F9D] =	sst s1;
	(tag) =	ssettag s2;
	_ =	strace s9  }
0x27: {  	s1 =	sld [smem:$0x3FAD]  }
0x28: {  	s2 =	sld [smem:$0x3FAE]  }
0x29: {  	s4 =	sld [smem:$0x3FB0]  }
0x2a: {  	p0 =	seq.s32 s5, $0x0;
	s5 =	sld [smem:$0x3FB1]  }
0x2b: {  	s6 =	sld [smem:$0x3FB2]  }
0x2c: {  	s7 =	sld [smem:$0x3FB3]  }
0x2d: {  	s3 =	simm.s32 $0x108;
	s8 =	sld [smem:$0x3FB4]  }
0x2e: {  	s3 =	simm.s32 @!p0 $0x1082;
	s9 =	sld [smem:$0x3FB5]  }
0x2f: {  	lr =	sadd.s32 s0, s3;
	s0 =	sld [smem:$0x3FAC]  }
0x30: {  	s3 =	sld [smem:$0x3FAF]  }
0x31: {  	[smem:$0x3FB8] =	sst s10  }
0x32: {  	s10 =	sld [smem:$0x3FB6];
	_ =	sdelay $0x3  }
0x33: {  	p0 =	seq.s32 s10, $0x1;
	s10 =	sld [smem:$0x3FB8];
	_ =	sdelay $0x3  }
0x34: {  	[smem:$0x3FB8] =	sst s10  }
0x35: {  	s10 =	sld [smem:$0x3FB7];
	_ =	sdelay $0x3  }
0x36: {  	p1 =	seq.s32 s10, $0x1;
	s10 =	sld [smem:$0x3FB8];
	_ =	sdelay $0x3  }
0x37: {  	[smem:$0x3FB8] =	sst s10  }
0x38: {  	s10 =	sld [smem:$0x3FB9]  }
0x39: {  	_ = 	snop;
	(pc) =	sbr.ind lr, $3  }
0x3a: {  	_ = 	snop  }
0x3b: {  	_ = 	snop  }
0x3c: {  	p2 =	seq.s32 s10, $0x1;
	s10 =	sld [smem:$0x3FB8]  }
0x3d: {  	_ =	shalt  }
0x3e: {  	_ =	shalt  }
0x3f: {  	_ =	shalt  }
0x40: {  	_ =	shalt  }
0x41: {  	_ =	shalt  }
0x42: {  	_ =	shalt  }
0x43: {  	_ =	shalt  }
0x44: {  	_ =	shalt  }
0x45: {  	_ =	shalt  }
0x46: {  	_ =	shalt  }
0x47: {  	_ =	shalt  }
0x48: {  	_ =	shalt  }
0x49: {  	_ =	shalt  }
0x4a: {  	_ =	shalt  }
0x4b: {  	_ =	shalt  }
0x4c: {  	_ =	shalt  }
0x4d: {  	_ =	shalt  }
0x4e: {  	_ =	shalt  }
0x4f: {  	_ =	shalt  }
0x50: {  	_ =	shalt  }
0x51: {  	_ =	shalt  }
0x52: {  	_ =	shalt  }
0x53: {  	_ =	shalt  }
0x54: {  	_ =	shalt  }
0x55: {  	_ =	shalt  }
0x56: {  	_ =	shalt  }
0x57: {  	_ =	shalt  }
0x58: {  	_ =	shalt  }
0x59: {  	_ =	shalt  }
0x5a: {  	_ =	shalt  }
0x5b: {  	_ =	shalt  }
0x5c: {  	_ =	shalt  }
0x5d: {  	_ =	shalt  }
0x5e: {  	_ =	shalt  }
0x5f: {  	_ =	shalt  }
0x60: {  	_ =	shalt  }
0x61: {  	_ =	shalt  }
0x62: {  	_ =	shalt  }
0x63: {  	_ =	shalt  }
0x64: {  	_ =	shalt  }
0x65: {  	_ =	shalt  }
0x66: {  	_ =	shalt  }
0x67: {  	_ =	shalt  }
0x68: {  	_ =	shalt  }
0x69: {  	_ =	shalt  }
0x6a: {  	_ =	shalt  }
0x6b: {  	_ =	shalt  }
0x6c: {  	_ =	shalt  }
0x6d: {  	_ =	shalt  }
0x6e: {  	_ =	shalt  }
0x6f: {  	_ =	shalt  }
0x70: {  	_ =	shalt  }
0x71: {  	_ =	shalt  }
0x72: {  	_ =	shalt  }
0x73: {  	_ =	shalt  }
0x74: {  	_ =	shalt  }
0x75: {  	_ =	shalt  }
0x76: {  	_ =	shalt  }
0x77: {  	_ =	shalt  }
0x78: {  	_ =	shalt  }
0x79: {  	_ =	shalt  }
0x7a: {  	_ =	shalt  }
0x7b: {  	_ =	shalt  }
0x7c: {  	_ =	shalt  }
0x7d: {  	_ =	shalt  }
0x7e: {  	_ =	shalt  }
0x7f: {  	_ =	shalt  }
0x80: {  	_ =	shalt  }
0x81: {  	_ =	shalt  }
0x82: {  	_ =	shalt  }
0x83: {  	_ =	shalt  }
0x84: {  	_ =	shalt  }
0x85: {  	_ =	shalt  }
0x86: {  	_ =	shalt  }
0x87: {  	_ =	shalt  }
.Lfunc_end0:
.L_simem_size_0:
called_computation.2_lowered:
.L_overlay_start_0:
0x88: {  	s2 =	sld [smem:$0x3FD9]  }
0x89: {  	s3 =	sld [smem:$0x3FFE];
	_ =	sdelay $0x1  }
0x8a: {  	s1 =	srdreg.scid  }
0x8b: {  	s0 =	sand.u32 $0x1, s1  }
0x8c: {  	s17 =	sshll.u32 s0, $0xA;
	s2 =	sadd.s32 s3, s2  }
0x8d: {  	s2 =	sadd.s32 s2, s17  }
0x8e: {  	[smem:$0x3FC4] =	sst s2  }
0x8f: {  	_ = 	snop  }
0x90: {  	(tm) =	ssettm $0x1  }
0x91: {  	s18 =	sld [smem:$0x3FFB];
	_ =	sdelay $0x3  }
0x92: {  	_ =	strace s18  }
0x93: {  	s2 =	sld [smem:$0x3FFC];
	_ =	sdelay $0x3  }
0x94: {  	_ =	strace s2  }
0x95: {  	s2 =	sld [smem:$0x3FFD];
	_ =	sdelay $0x3  }
0x96: {  	_ =	strace s2  }
0x97: {  	_ =	strace $0x8FFFFFFF  }
0x98: {  	s19 =	sld [smem:$0x3FDB];
	_ =	sdelay $0x1  }
0x99: {  	s20 =	simm.s32 $_scs_section_size  }
0x9a: {  	s4 =	simm.s32 $_size__tile_overlayer_lowered;
	s5 =	simm.s32 $_tile_overlayer_lowered  }
0x9b: {  	s6 =	simm.s32 $0x1BFF;
	s21 =	sshll.u32 s5, $0x1;
	s3 =	sadd.s32 s20, s19  }
0x9c: {  	s22 =	simm.s32 $0x0;
	s4 =	sshll.u32 s4, $0x1;
	s5 =	sadd.s32 s21, s3  }
0x9d: {  	[timem:s22], [sflag:s6] =	dma.local [hbm:s5], s4  }
0x9e: {  	_ =	swait.ge [sflag:s6], s4  }
0x9f: {  	s4 =	ssub.s32 $0x0, s4;
	[sflag:s6] =	ssyncset.done $0x0  }
0xa0: {  	[sflag:s6] =	ssyncadd.s32 s4;
	_ =	sdelay $0x1  }
0xa1: {  	s23 =	simm.s32 $0x1B8B  }
0xa2: {  	_ =	swait.ge [sflag:s23], $0x1  }
0xa3: {  	[sflag:s23] =	ssyncset.done $0x0  }
0xa4: {  	[sflag:s23] =	ssyncadd.s32 $0xFFFFFFFF  }
0xa5: {  	s4 =	sld [smem:$0x0]  }
0xa6: {  	s5 =	sand.u32 $0xFFFFFFFE, s1  }
0xa7: {  	p0 =	sne.s32 s1, s5  }
0xa8: {  	s5 =	sshll.u32 @p0 s5, $0xE  }
0xa9: {  	s5 =	sadd.s32 @p0 $0x11B8D, s5;
	s6 =	sshll.u32 @p0 s4, $0x11  }
0xaa: {  	s5 =	sor.u32 @p0 s6, s5  }
0xab: {  	[sflag:s5] =	ssyncadd.remote.s32 @p0 $0x1;
	_ =	sdelay $0x1  }
0xac: {  	s5 =	simm.s32 @p0 $0x1B8D  }
0xad: {  	_ =	swait.eq @p0 [sflag:s5], $0x1  }
0xae: {  	[sflag:s5] =	ssyncadd.s32 @p0 $0xFFFFFFFF  }
0xaf: {  	s6 =	sshll.u32 @!p0 s1, $0xE  }
0xb0: {  	s6 =	sor.u32 @!p0 $0x4000, s6;
	s5 =	simm.s32 @!p0 $0x1B8D  }
0xb1: {  	s4 =	sshll.u32 @!p0 s4, $0x11;
	s6 =	sadd.s32 @!p0 $0x11B8D, s6;
	_ =	swait.eq @!p0 [sflag:s5], $0x1  }
0xb2: {  	s4 =	sor.u32 @!p0 s4, s6;
	[sflag:s5] =	ssyncadd.s32 @!p0 $0xFFFFFFFF  }
0xb3: {  	s25 =	simm.s32 $0x1B8E;
	s24 =	sld [smem:$0x3FFE];
	[sflag:s4] =	ssyncadd.remote.s32 @!p0 $0x1  }
0xb4: {  	s26 =	simm.s32 $execute0_lowered;
	[smem:$0x3FD2] =	sst s25  }
0xb5: {  	s5 =	sshll.u32 s26, $0x1;
	_ =	strace $0x8000004C;
	[dreg:$0x1] =	wrdreg $0xFFFFFFFF  }
0xb6: {  	s28 =	simm.s32 $_size_execute0_lowered;
	s3 =	sadd.s32 s3, s5;
	[dreg:$0x0] =	wrdreg $0x0  }
0xb7: {  	s5 =	sshll.u32 s28, $0x1;
	[dreg:$0x2] =	wrdreg s3  }
0xb8: {  	[dreg:$0x3] =	wrdreg s5  }
0xb9: {  	[dreg:$0x4] =	wrdreg $0xC0  }
0xba: {  	_ =	task [dreg:s22], $0x5FFFF  }
0xbb: {  	[dreg:$0x1] =	wrdreg $0xFFFFFFFF  }
0xbc: {  	[dreg:$0x0] =	wrdreg $0x60  }
0xbd: {  	[dreg:$0x2] =	wrdreg s24  }
0xbe: {  	[dreg:$0x3] =	wrdreg $0xB  }
0xbf: {  	_ =	task.clear_ibuf [dreg:s22], $0x4FFFF;
	_ =	strace $0x9000004C  }
0xc0: {  	s29 =	simm.s32 $0xB;
	_ =	strace $0x8000004E  }
0xc1: {  	_ =	swait.ge [sflag:s29], $0x1  }
0xc2: {  	[sflag:s29] =	ssyncadd.s32 $0xFFFFFFFF  }
0xc3: {  	_ =	strace $0x9000004E  }
0xc4: {  	_ =	sfence  }
0xc5: {  	s30 =	sld [smem:$0x0];
	_ =	sdelay $0x2  }
0xc6: {  	s31 =	sshll.u32 s1, $0xD;
	s1 =	sshrl.u32 s1, $0x2  }
0xc7: {  	s4 =	sand.u32 $0x4000, s31;
	s1 =	sadd.s32 s1, s30  }
0xc8: {  	s0 =	sor.u32 s4, s0;
	s1 =	sshll.u32 s1, $0x11  }
0xc9: {  	s0 =	sor.u32 s1, s0  }
0xca: {  	s0 =	sadd.s32 $0x8F2B, s0  }
0xcb: {  	[sflag:s0] =	ssyncadd.remote.s32 $0x1  }
0xcc: {  	_ =	sfence.sel $0xFFFF  }
0xcd: {  	[dreg:$0x0] =	wrdreg $0xFFFFFFFF;
	(pc) =	sbr.abs _section_cstart, $3  }
0xce: {  	[dreg:$0x1] =	wrdreg $0xFFFFFFFF  }
0xcf: {  	_ =	task.clear_ibuf [dreg:s22], $0x2FFFF;
	_ =	strace $0x9FFFFFFF  }
0xd0: {  	(tm) =	ssettm $0x7FFFFFFF  }
0xd1: {  	_ =	shalt  }
tec
execute0_lowered:
.L_overlay_start_1:
0x0: {  	(tag) =	ssettag $0x1  }
0x1: {  	s0 =	srdreg.scid  }
0x2: {  	s2 =	stileid.u32;
	s1 =	rddreg [dreg:$0x0];
	s12 =	simm.s32 $0x3  }
0x3: {  	s13 =	simm.s32 $0x100;
	s11 =	simm.s32 $0x4;
	s14 =	simm.s32 $0x5100  }
0x4: {  	s20 =	simm.s32 $0x8100;
	s21 =	simm.s32 $0x8900;
	s22 =	simm.s32 $0x9100  }
0x5: {  	s23 =	simm.s32 $0x9900;
	s24 =	simm.s32 $0x5500;
	s28 =	simm.s32 $0x6D00  }
0x6: {  	s29 =	simm.s32 $0x7500;
	s30 =	simm.s32 $0x7D00;
	s31 =	simm.s32 $0x8500  }
0x7: {  	s10 =	simm.s32 $0x9D00;
	s15 =	simm.s32 $0x2;
	s17 =	simm.s32 $0x0  }
0x8: {  	s19 =	simm.s32 $0x80;
	s0 =	sand.u32 $0x1, s0;
	s3 =	sshll.u32 s2, $0x1  }
0x9: {  	s2 =	simm.s32 $0x0;
	s4 =	sadd.s32 $0x3C00, s1;
	s5 =	sadd.s32 $0x2200, s1  }
0xa: {  	s6 =	sadd.s32 $0x361000, s1;
	s3 =	sor.u32 s0, s3;
	s0 =	ssub.s32 $0x2, s0  }
0xb: {  	[smem:$0x7FF] =	sst s2;
	s3 =	smul.u32 $0x140, s3;
	s7 =	sshrl.u32 s0, $0x1  }
0xc: {  	_ =	strace $0x8000004D;
	s0 =	ssub.s32 s0, s7;
	s7 =	simm.s32 $0x1  }
.Ltmp0:
0xd: {  	s8 =	sshrl.u32 s3, $0x3;
	s0 =	smax.u32 s0, $0x1;
	(pc) =	sbr.rel .LBB2_1-.Ltmp0, $4  }
0xe: {  	s9 =	sadd.s32 $0x50, s3;
	s25 =	sadd.s32 s5, s8;
	[dreg:$0x4] =	wrdreg s0  }
0xf: {  	v2 =	vlaneseq.u32;
	s0 =	simm.s32 $0x9500;
	s8 =	sadd.s32 $0xA00, s25;
	s26 =	sadd.s32 $0xA14, s25  }
0x10: {  	vm0 =	vmmov $0xff;
	v1 =	vshrl.u32 v2, $0x3;
	s25 =	simm.s32 $0x5D00;
	[dreg:$0x2] =	wrdreg s8;
	s8 =	sadd.s32 $0x3C80, s1  }
0x11: {  	v0 =	vand.u32 $0x7, v2;
	v2 =	vor.u32 $0x8, v2;
	v1 =	vmul.u32 $0x8, v1;
	[dreg:$0x3] =	wrdreg s26;
	s26 =	simm.s32 $0x6500;
	s1 =	simm.s32 $0x8D00  }
.LBB2_5:
0x12: {  	s17 =	rddreg [dreg:$0x5]  }
0x13: {  	s16 =	rddreg [dreg:$0x4];
	s17 =	sadd.s32 $0x1, s17  }
0x14: {  	p0 =	sne.s32 s17, s16  }
.Ltmp1:
0x15: {  	_ = 	snop;
	(pc) =	sbr.rel @!p0 .LBB2_6-.Ltmp1, $1  }
0x16: {  	_ =	sdelay $0x3  }
.LBB2_1:
0x17: {  	[dreg:$0x5] =	wrdreg s17  }
0x18: {  	s16 =	rddreg [dreg:$0x2]  }
0x19: {  	[tilespmem:s2], [sflag:$0x3] =	stream.linear.gather [hbm4b:s16+s2], $0x50, $0x38;
	[tilespmem:$0xA100] =	vst v63  }
0x1a: {  	_ =	swait.ge [sflag:s12], $0x50  }
0x1b: {  	[sflag:s12] =	ssyncset.done $0x0  }
0x1c: {  	[sflag:s12] =	ssyncadd.s32 $0xFFFFFFB0  }
0x1d: {  	v3 =	vld [tilespmem:$0x0];
	_ =	sdelay $0x4  }
0x1e: {  	v4 =	vshll.u32 v3, $0x1  }
0x1f: {  	v3 =	vand.u32 $0x7, v3;
	v4 =	vand.u32 $0xFFFFFFF0, v4  }
0x20: {  	v3 =	vor.u32 v3, v4  }
0x21: {  	v4 =	vperm.xlane v3, v0;
	_ =	sdelay $0x1  }
0x22: {  	v3 =	vperm.xlane v3, v2;
	v4 =	vadd.s32 v1, v4;
	_ =	sdelay $0x1  }
0x23: {  	v3 =	vadd.s32 v1, v3;
	_ =	sdelay $0x2  }
0x24: {  	[tilespmem:s13], [sflag:$0x1] =	stream.indirect_vreg.gather [hbm4b:s4+s2], $0x80, v4, vm0, $0xb8;
	[tilespmem:$0xA100] =	vst v63  }
0x25: {  	s18 =	simm.s32 $0x900  }
0x26: {  	[tilespmem:s18], [sflag:$0x1] =	stream.indirect_vreg.gather [hbm4b:s4+s2], $0x80, v3, vm0, $0xb8;
	[tilespmem:$0xA100] =	vst v63  }
0x27: {  	v3 =	vld [tilespmem:$0x10];
	_ =	sdelay $0x4  }
0x28: {  	v55 =	vshll.u32 v3, $0x1  }
0x29: {  	v3 =	vand.u32 $0x7, v3;
	v4 =	vand.u32 $0xFFFFFFF0, v55  }
0x2a: {  	v3 =	vor.u32 v3, v4  }
0x2b: {  	v4 =	vperm.xlane v3, v0;
	_ =	sdelay $0x1  }
0x2c: {  	v3 =	vperm.xlane v3, v2;
	v4 =	vadd.s32 v1, v4;
	_ =	sdelay $0x1  }
0x2d: {  	v3 =	vadd.s32 v1, v3;
	_ =	sdelay $0x1  }
0x2e: {  	s17 =	simm.s32 $0x1100  }
0x2f: {  	[tilespmem:s17], [sflag:$0x1] =	stream.indirect_vreg.gather [hbm4b:s4+s2], $0x80, v4, vm0, $0xb8;
	[tilespmem:$0xA100] =	vst v63  }
0x30: {  	s18 =	simm.s32 $0x1900  }
0x31: {  	[tilespmem:s18], [sflag:$0x1] =	stream.indirect_vreg.gather [hbm4b:s4+s2], $0x80, v3, vm0, $0xb8;
	[tilespmem:$0xA100] =	vst v63  }
0x32: {  	v3 =	vld [tilespmem:$0x20];
	_ =	sdelay $0x4  }
0x33: {  	v56 =	vshll.u32 v3, $0x1  }
0x34: {  	v3 =	vand.u32 $0x7, v3;
	v4 =	vand.u32 $0xFFFFFFF0, v56  }
0x35: {  	v3 =	vor.u32 v3, v4  }
0x36: {  	v4 =	vperm.xlane v3, v0;
	_ =	sdelay $0x1  }
0x37: {  	v3 =	vperm.xlane v3, v2;
	v4 =	vadd.s32 v1, v4;
	_ =	sdelay $0x1  }
0x38: {  	v3 =	vadd.s32 v1, v3;
	_ =	sdelay $0x1  }
0x39: {  	s17 =	simm.s32 $0x2100  }
0x3a: {  	[tilespmem:s17], [sflag:$0x1] =	stream.indirect_vreg.gather [hbm4b:s4+s2], $0x80, v4, vm0, $0xb8;
	[tilespmem:$0xA100] =	vst v63  }
0x3b: {  	s18 =	simm.s32 $0x2900  }
0x3c: {  	[tilespmem:s18], [sflag:$0x1] =	stream.indirect_vreg.gather [hbm4b:s4+s2], $0x80, v3, vm0, $0xb8;
	[tilespmem:$0xA100] =	vst v63  }
0x3d: {  	v3 =	vld [tilespmem:$0x30];
	_ =	sdelay $0x4  }
0x3e: {  	v57 =	vshll.u32 v3, $0x1  }
0x3f: {  	v3 =	vand.u32 $0x7, v3;
	v4 =	vand.u32 $0xFFFFFFF0, v57  }
0x40: {  	v3 =	vor.u32 v3, v4  }
0x41: {  	v4 =	vperm.xlane v3, v0;
	_ =	sdelay $0x1  }
0x42: {  	v3 =	vperm.xlane v3, v2;
	v4 =	vadd.s32 v1, v4;
	_ =	sdelay $0x1  }
0x43: {  	v3 =	vadd.s32 v1, v3;
	_ =	sdelay $0x1  }
0x44: {  	s17 =	simm.s32 $0x3100  }
0x45: {  	[tilespmem:s17], [sflag:$0x1] =	stream.indirect_vreg.gather [hbm4b:s4+s2], $0x80, v4, vm0, $0xb8;
	[tilespmem:$0xA100] =	vst v63  }
0x46: {  	s18 =	simm.s32 $0x3900  }
0x47: {  	[tilespmem:s18], [sflag:$0x1] =	stream.indirect_vreg.gather [hbm4b:s4+s2], $0x80, v3, vm0, $0xb8;
	[tilespmem:$0xA100] =	vst v63  }
0x48: {  	v3 =	vld [tilespmem:$0x40];
	_ =	sdelay $0x4  }
0x49: {  	v58 =	vshll.u32 v3, $0x1  }
0x4a: {  	v3 =	vand.u32 $0x7, v3;
	v4 =	vand.u32 $0xFFFFFFF0, v58  }
0x4b: {  	v3 =	vor.u32 v3, v4  }
0x4c: {  	v4 =	vperm.xlane v3, v0;
	_ =	sdelay $0x1  }
0x4d: {  	v3 =	vperm.xlane v3, v2;
	v4 =	vadd.s32 v1, v4;
	_ =	sdelay $0x1  }
0x4e: {  	v3 =	vadd.s32 v1, v3;
	_ =	sdelay $0x1  }
0x4f: {  	s17 =	simm.s32 $0x4100  }
0x50: {  	[tilespmem:s17], [sflag:$0x1] =	stream.indirect_vreg.gather [hbm4b:s4+s2], $0x80, v4, vm0, $0xb8;
	[tilespmem:$0xA100] =	vst v63  }
0x51: {  	s18 =	simm.s32 $0x4900  }
0x52: {  	[tilespmem:s18], [sflag:$0x1] =	stream.indirect_vreg.gather [hbm4b:s4+s2], $0x80, v3, vm0, $0xb8;
	[tilespmem:$0xA100] =	vst v63  }
0x53: {  	v3 =	vld [tilespmem:$0x0];
	_ =	sdelay $0x4  }
0x54: {  	v59 =	vshll.u32 v3, $0x1  }
0x55: {  	v3 =	vand.u32 $0x7, v3;
	v4 =	vand.u32 $0xFFFFFFF0, v59  }
0x56: {  	v3 =	vor.u32 v3, v4  }
0x57: {  	v4 =	vperm.xlane v3, v0;
	_ =	sdelay $0x1  }
0x58: {  	v3 =	vperm.xlane v3, v2;
	v4 =	vadd.s32 v1, v4;
	_ =	sdelay $0x1  }
0x59: {  	v3 =	vadd.s32 v1, v3;
	_ =	sdelay $0x1  }
0x5a: {  	s17 =	simm.s32 $0x500  }
0x5b: {  	[tilespmem:s17], [sflag:$0x1] =	stream.indirect_vreg.gather [hbm4b:s8+s2], $0x80, v4, vm0, $0xb8;
	[tilespmem:$0xA100] =	vst v63  }
0x5c: {  	s18 =	simm.s32 $0xD00  }
0x5d: {  	[tilespmem:s18], [sflag:$0x1] =	stream.indirect_vreg.gather [hbm4b:s8+s2], $0x80, v3, vm0, $0xb8;
	[tilespmem:$0xA100] =	vst v63  }
0x5e: {  	v3 =	vld [tilespmem:$0x10];
	_ =	sdelay $0x4  }
0x5f: {  	v60 =	vshll.u32 v3, $0x1  }
0x60: {  	v3 =	vand.u32 $0x7, v3;
	v4 =	vand.u32 $0xFFFFFFF0, v60  }
0x61: {  	v3 =	vor.u32 v3, v4  }
0x62: {  	v4 =	vperm.xlane v3, v0;
	_ =	sdelay $0x1  }
0x63: {  	v3 =	vperm.xlane v3, v2;
	v4 =	vadd.s32 v1, v4;
	_ =	sdelay $0x1  }
0x64: {  	v3 =	vadd.s32 v1, v3;
	_ =	sdelay $0x1  }
0x65: {  	s17 =	simm.s32 $0x1500  }
0x66: {  	[tilespmem:s17], [sflag:$0x1] =	stream.indirect_vreg.gather [hbm4b:s8+s2], $0x80, v4, vm0, $0xb8;
	[tilespmem:$0xA100] =	vst v63  }
0x67: {  	s18 =	simm.s32 $0x1D00  }
0x68: {  	[tilespmem:s18], [sflag:$0x1] =	stream.indirect_vreg.gather [hbm4b:s8+s2], $0x80, v3, vm0, $0xb8;
	[tilespmem:$0xA100] =	vst v63  }
0x69: {  	v3 =	vld [tilespmem:$0x20];
	_ =	sdelay $0x4  }
0x6a: {  	v61 =	vshll.u32 v3, $0x1  }
0x6b: {  	v3 =	vand.u32 $0x7, v3;
	v4 =	vand.u32 $0xFFFFFFF0, v61  }
0x6c: {  	v3 =	vor.u32 v3, v4  }
0x6d: {  	v4 =	vperm.xlane v3, v0;
	_ =	sdelay $0x1  }
0x6e: {  	v3 =	vperm.xlane v3, v2;
	v4 =	vadd.s32 v1, v4;
	_ =	sdelay $0x1  }
0x6f: {  	v3 =	vadd.s32 v1, v3;
	_ =	sdelay $0x1  }
0x70: {  	s17 =	simm.s32 $0x2500  }
0x71: {  	[tilespmem:s17], [sflag:$0x1] =	stream.indirect_vreg.gather [hbm4b:s8+s2], $0x80, v4, vm0, $0xb8;
	[tilespmem:$0xA100] =	vst v63  }
0x72: {  	s18 =	simm.s32 $0x2D00  }
0x73: {  	[tilespmem:s18], [sflag:$0x1] =	stream.indirect_vreg.gather [hbm4b:s8+s2], $0x80, v3, vm0, $0xb8;
	[tilespmem:$0xA100] =	vst v63  }
0x74: {  	v3 =	vld [tilespmem:$0x30];
	_ =	sdelay $0x4  }
0x75: {  	v62 =	vshll.u32 v3, $0x1  }
0x76: {  	v3 =	vand.u32 $0x7, v3;
	v4 =	vand.u32 $0xFFFFFFF0, v62  }
0x77: {  	v3 =	vor.u32 v3, v4  }
0x78: {  	v4 =	vperm.xlane v3, v0;
	_ =	sdelay $0x1  }
0x79: {  	v3 =	vperm.xlane v3, v2;
	v4 =	vadd.s32 v1, v4;
	_ =	sdelay $0x1  }
0x7a: {  	v3 =	vadd.s32 v1, v3;
	_ =	sdelay $0x1  }
0x7b: {  	s17 =	simm.s32 $0x3500  }
0x7c: {  	[tilespmem:s17], [sflag:$0x1] =	stream.indirect_vreg.gather [hbm4b:s8+s2], $0x80, v4, vm0, $0xb8;
	[tilespmem:$0xA100] =	vst v63  }
0x7d: {  	s18 =	simm.s32 $0x3D00  }
0x7e: {  	[tilespmem:s18], [sflag:$0x1] =	stream.indirect_vreg.gather [hbm4b:s8+s2], $0x80, v3, vm0, $0xb8;
	[tilespmem:$0xA100] =	vst v63  }
0x7f: {  	v3 =	vld [tilespmem:$0x40];
	_ =	sdelay $0x4  }
0x80: {  	v63 =	vshll.u32 v3, $0x1  }
0x81: {  	v3 =	vand.u32 $0x7, v3;
	v4 =	vand.u32 $0xFFFFFFF0, v63  }
0x82: {  	v3 =	vor.u32 v3, v4  }
0x83: {  	v4 =	vperm.xlane v3, v0;
	_ =	sdelay $0x1  }
0x84: {  	v3 =	vperm.xlane v3, v2;
	v4 =	vadd.s32 v1, v4;
	_ =	sdelay $0x1  }
0x85: {  	v3 =	vadd.s32 v1, v3  }
.Ltmp2:
0x86: {  	_ = 	snop;
	(pc) =	sbr.rel .LBB2_2-.Ltmp2, $4  }
0x87: {  	s17 =	simm.s32 $0x4500  }
0x88: {  	[tilespmem:s17], [sflag:$0x1] =	stream.indirect_vreg.gather [hbm4b:s8+s2], $0x80, v4, vm0, $0xb8;
	[tilespmem:$0xA100] =	vst v63  }
0x89: {  	p1 =	por $0x1, $0x1;
	s18 =	simm.s32 $0x4D00;
	s17 =	simm.s32 $0x0  }
0x8a: {  	[tilespmem:s18], [sflag:$0x1] =	stream.indirect_vreg.gather [hbm4b:s8+s2], $0x80, v3, vm0, $0xb8;
	[tilespmem:$0xA100] =	vst v63  }
.LBB2_4:
0x8b: {  	_ =	swait.ge [sflag:s15], $0x2800  }
0x8c: {  	[sflag:s15] =	ssyncset.done $0x0  }
0x8d: {  	[sflag:s15] =	ssyncadd.s32 $0xFFFFD800  }
0x8e: {  	_ =	swait.ge [sflag:s15], $0x2800  }
0x8f: {  	s16 =	sshll.u32 s16, $0x5;
	[sflag:s15] =	ssyncset.done $0x0  }
.Ltmp3:
0x90: {  	s16 =	sadd.s32 s6, s16;
	[sflag:s15] =	ssyncadd.s32 $0xFFFFD800;
	(pc) =	sbr.rel @!p0 .LBB2_5-.Ltmp3, $4  }
0x91: {  	[hbm4b:s16+s2] =	stream.linear.scatter [tilespmem:s14], [sflag:$0x3], $0x5000, $0x38;
	[tilespmem:$0xA100] =	vst v63  }
0x92: {  	_ =	swait.ge [sflag:s12], $0x5000  }
0x93: {  	[sflag:s12] =	ssyncset.done $0x0  }
0x94: {  	s17 =	simm.s32 $0xA0;
	p1 =	por $0x0, $0x0;
	[sflag:s12] =	ssyncadd.s32 $0xFFFFB000  }
.LBB2_2:
0x95: {  	s16 =	sadd.s32 s17, s9  }
0x96: {  	s18 =	sshrl.u32 s16, $0x3  }
0x97: {  	s18 =	sadd.s32 s5, s18  }
0x98: {  	s18 =	sadd.s32 $0xA00, s18  }
0x99: {  	[tilespmem:s19], [sflag:$0x4] =	stream.linear.gather [hbm4b:s18+s2], $0x50, $0x38;
	[tilespmem:$0xA100] =	vst v63  }
0x9a: {  	_ =	swait.ge [sflag:s11], $0x50  }
0x9b: {  	[sflag:s11] =	ssyncset.done $0x0  }
0x9c: {  	[sflag:s11] =	ssyncadd.s32 $0xFFFFFFB0  }
0x9d: {  	v3 =	vld [tilespmem:$0x80];
	_ =	sdelay $0x4  }
0x9e: {  	v4 =	vshll.u32 v3, $0x1  }
0x9f: {  	v3 =	vand.u32 $0x7, v3;
	v4 =	vand.u32 $0xFFFFFFF0, v4  }
0xa0: {  	v3 =	vor.u32 v3, v4  }
0xa1: {  	v4 =	vperm.xlane v3, v0;
	_ =	sdelay $0x1  }
0xa2: {  	v3 =	vperm.xlane v3, v2;
	v4 =	vadd.s32 v1, v4;
	_ =	sdelay $0x1  }
0xa3: {  	v3 =	vadd.s32 v1, v3;
	_ =	sdelay $0x2  }
0xa4: {  	[tilespmem:s14], [sflag:$0x2] =	stream.indirect_vreg.gather [hbm4b:s4+s2], $0x80, v4, vm0, $0xb8;
	[tilespmem:$0xA100] =	vst v63  }
0xa5: {  	s18 =	simm.s32 $0x5900  }
0xa6: {  	[tilespmem:s18], [sflag:$0x2] =	stream.indirect_vreg.gather [hbm4b:s4+s2], $0x80, v3, vm0, $0xb8;
	[tilespmem:$0xA100] =	vst v63  }
0xa7: {  	v3 =	vld [tilespmem:$0x90];
	_ =	sdelay $0x4  }
0xa8: {  	v55 =	vshll.u32 v3, $0x1  }
0xa9: {  	v3 =	vand.u32 $0x7, v3;
	v4 =	vand.u32 $0xFFFFFFF0, v55  }
0xaa: {  	v3 =	vor.u32 v3, v4  }
0xab: {  	v4 =	vperm.xlane v3, v0;
	_ =	sdelay $0x1  }
0xac: {  	v3 =	vperm.xlane v3, v2;
	v4 =	vadd.s32 v1, v4;
	_ =	sdelay $0x1  }
0xad: {  	v3 =	vadd.s32 v1, v3;
	_ =	sdelay $0x1  }
0xae: {  	s18 =	simm.s32 $0x6100  }
0xaf: {  	[tilespmem:s18], [sflag:$0x2] =	stream.indirect_vreg.gather [hbm4b:s4+s2], $0x80, v4, vm0, $0xb8;
	[tilespmem:$0xA100] =	vst v63  }
0xb0: {  	s18 =	simm.s32 $0x6900  }
0xb1: {  	[tilespmem:s18], [sflag:$0x2] =	stream.indirect_vreg.gather [hbm4b:s4+s2], $0x80, v3, vm0, $0xb8;
	[tilespmem:$0xA100] =	vst v63  }
0xb2: {  	v3 =	vld [tilespmem:$0xA0];
	_ =	sdelay $0x4  }
0xb3: {  	v56 =	vshll.u32 v3, $0x1  }
0xb4: {  	v3 =	vand.u32 $0x7, v3;
	v4 =	vand.u32 $0xFFFFFFF0, v56  }
0xb5: {  	v3 =	vor.u32 v3, v4  }
0xb6: {  	v4 =	vperm.xlane v3, v0;
	_ =	sdelay $0x1  }
0xb7: {  	v3 =	vperm.xlane v3, v2;
	v4 =	vadd.s32 v1, v4;
	_ =	sdelay $0x1  }
0xb8: {  	v3 =	vadd.s32 v1, v3;
	_ =	sdelay $0x1  }
0xb9: {  	s18 =	simm.s32 $0x7100  }
0xba: {  	[tilespmem:s18], [sflag:$0x2] =	stream.indirect_vreg.gather [hbm4b:s4+s2], $0x80, v4, vm0, $0xb8;
	[tilespmem:$0xA100] =	vst v63  }
0xbb: {  	s18 =	simm.s32 $0x7900  }
0xbc: {  	[tilespmem:s18], [sflag:$0x2] =	stream.indirect_vreg.gather [hbm4b:s4+s2], $0x80, v3, vm0, $0xb8;
	[tilespmem:$0xA100] =	vst v63  }
0xbd: {  	v3 =	vld [tilespmem:$0xB0];
	_ =	sdelay $0x4  }
0xbe: {  	v57 =	vshll.u32 v3, $0x1  }
0xbf: {  	v3 =	vand.u32 $0x7, v3;
	v4 =	vand.u32 $0xFFFFFFF0, v57  }
0xc0: {  	v3 =	vor.u32 v3, v4  }
0xc1: {  	v4 =	vperm.xlane v3, v0;
	_ =	sdelay $0x1  }
0xc2: {  	v3 =	vperm.xlane v3, v2;
	v4 =	vadd.s32 v1, v4;
	_ =	sdelay $0x1  }
0xc3: {  	v3 =	vadd.s32 v1, v3;
	_ =	sdelay $0x2  }
0xc4: {  	[tilespmem:s20], [sflag:$0x2] =	stream.indirect_vreg.gather [hbm4b:s4+s2], $0x80, v4, vm0, $0xb8;
	[tilespmem:$0xA100] =	vst v63  }
0xc5: {  	_ = 	snop  }
0xc6: {  	[tilespmem:s21], [sflag:$0x2] =	stream.indirect_vreg.gather [hbm4b:s4+s2], $0x80, v3, vm0, $0xb8;
	[tilespmem:$0xA100] =	vst v63  }
0xc7: {  	v3 =	vld [tilespmem:$0xC0];
	_ =	sdelay $0x4  }
0xc8: {  	v58 =	vshll.u32 v3, $0x1  }
0xc9: {  	v3 =	vand.u32 $0x7, v3;
	v4 =	vand.u32 $0xFFFFFFF0, v58  }
0xca: {  	v3 =	vor.u32 v3, v4  }
0xcb: {  	v4 =	vperm.xlane v3, v0;
	_ =	sdelay $0x1  }
0xcc: {  	v3 =	vperm.xlane v3, v2;
	v4 =	vadd.s32 v1, v4;
	_ =	sdelay $0x1  }
0xcd: {  	v3 =	vadd.s32 v1, v3;
	_ =	sdelay $0x2  }
0xce: {  	[tilespmem:s22], [sflag:$0x2] =	stream.indirect_vreg.gather [hbm4b:s4+s2], $0x80, v4, vm0, $0xb8;
	[tilespmem:$0xA100] =	vst v63  }
0xcf: {  	_ = 	snop  }
0xd0: {  	[tilespmem:s23], [sflag:$0x2] =	stream.indirect_vreg.gather [hbm4b:s4+s2], $0x80, v3, vm0, $0xb8;
	[tilespmem:$0xA100] =	vst v63  }
0xd1: {  	v3 =	vld [tilespmem:$0x80];
	_ =	sdelay $0x4  }
0xd2: {  	v59 =	vshll.u32 v3, $0x1  }
0xd3: {  	v3 =	vand.u32 $0x7, v3;
	v4 =	vand.u32 $0xFFFFFFF0, v59  }
0xd4: {  	v3 =	vor.u32 v3, v4  }
0xd5: {  	v4 =	vperm.xlane v3, v0;
	_ =	sdelay $0x1  }
0xd6: {  	v3 =	vperm.xlane v3, v2;
	v4 =	vadd.s32 v1, v4;
	_ =	sdelay $0x1  }
0xd7: {  	v3 =	vadd.s32 v1, v3;
	_ =	sdelay $0x2  }
0xd8: {  	[tilespmem:s24], [sflag:$0x2] =	stream.indirect_vreg.gather [hbm4b:s8+s2], $0x80, v4, vm0, $0xb8;
	[tilespmem:$0xA100] =	vst v63  }
0xd9: {  	_ = 	snop  }
0xda: {  	[tilespmem:s25], [sflag:$0x2] =	stream.indirect_vreg.gather [hbm4b:s8+s2], $0x80, v3, vm0, $0xb8;
	[tilespmem:$0xA100] =	vst v63  }
0xdb: {  	v3 =	vld [tilespmem:$0x90];
	_ =	sdelay $0x4  }
0xdc: {  	v60 =	vshll.u32 v3, $0x1  }
0xdd: {  	v3 =	vand.u32 $0x7, v3;
	v4 =	vand.u32 $0xFFFFFFF0, v60  }
0xde: {  	v3 =	vor.u32 v3, v4  }
0xdf: {  	v4 =	vperm.xlane v3, v0;
	_ =	sdelay $0x1  }
0xe0: {  	v3 =	vperm.xlane v3, v2;
	v4 =	vadd.s32 v1, v4;
	_ =	sdelay $0x1  }
0xe1: {  	v3 =	vadd.s32 v1, v3;
	_ =	sdelay $0x2  }
0xe2: {  	[tilespmem:s26], [sflag:$0x2] =	stream.indirect_vreg.gather [hbm4b:s8+s2], $0x80, v4, vm0, $0xb8;
	[tilespmem:$0xA100] =	vst v63  }
0xe3: {  	_ = 	snop  }
0xe4: {  	[tilespmem:s28], [sflag:$0x2] =	stream.indirect_vreg.gather [hbm4b:s8+s2], $0x80, v3, vm0, $0xb8;
	[tilespmem:$0xA100] =	vst v63  }
0xe5: {  	v3 =	vld [tilespmem:$0xA0];
	_ =	sdelay $0x4  }
0xe6: {  	v61 =	vshll.u32 v3, $0x1  }
0xe7: {  	v3 =	vand.u32 $0x7, v3;
	v4 =	vand.u32 $0xFFFFFFF0, v61  }
0xe8: {  	v3 =	vor.u32 v3, v4  }
0xe9: {  	v4 =	vperm.xlane v3, v0;
	_ =	sdelay $0x1  }
0xea: {  	v3 =	vperm.xlane v3, v2;
	v4 =	vadd.s32 v1, v4;
	_ =	sdelay $0x1  }
0xeb: {  	v3 =	vadd.s32 v1, v3;
	_ =	sdelay $0x2  }
0xec: {  	[tilespmem:s29], [sflag:$0x2] =	stream.indirect_vreg.gather [hbm4b:s8+s2], $0x80, v4, vm0, $0xb8;
	[tilespmem:$0xA100] =	vst v63  }
0xed: {  	_ = 	snop  }
0xee: {  	[tilespmem:s30], [sflag:$0x2] =	stream.indirect_vreg.gather [hbm4b:s8+s2], $0x80, v3, vm0, $0xb8;
	[tilespmem:$0xA100] =	vst v63  }
0xef: {  	v3 =	vld [tilespmem:$0xB0];
	_ =	sdelay $0x4  }
0xf0: {  	v62 =	vshll.u32 v3, $0x1  }
0xf1: {  	v3 =	vand.u32 $0x7, v3;
	v4 =	vand.u32 $0xFFFFFFF0, v62  }
0xf2: {  	v3 =	vor.u32 v3, v4  }
0xf3: {  	v4 =	vperm.xlane v3, v0;
	_ =	sdelay $0x1  }
0xf4: {  	v3 =	vperm.xlane v3, v2;
	v4 =	vadd.s32 v1, v4;
	_ =	sdelay $0x1  }
0xf5: {  	v3 =	vadd.s32 v1, v3;
	_ =	sdelay $0x2  }
0xf6: {  	[tilespmem:s31], [sflag:$0x2] =	stream.indirect_vreg.gather [hbm4b:s8+s2], $0x80, v4, vm0, $0xb8;
	[tilespmem:$0xA100] =	vst v63  }
0xf7: {  	_ = 	snop  }
0xf8: {  	[tilespmem:s1], [sflag:$0x2] =	stream.indirect_vreg.gather [hbm4b:s8+s2], $0x80, v3, vm0, $0xb8;
	[tilespmem:$0xA100] =	vst v63  }
0xf9: {  	v3 =	vld [tilespmem:$0xC0];
	_ =	sdelay $0x4  }
0xfa: {  	v63 =	vshll.u32 v3, $0x1  }
0xfb: {  	v3 =	vand.u32 $0x7, v3;
	v4 =	vand.u32 $0xFFFFFFF0, v63  }
0xfc: {  	v3 =	vor.u32 v3, v4  }
0xfd: {  	v4 =	vperm.xlane v3, v0;
	_ =	sdelay $0x1  }
0xfe: {  	v3 =	vperm.xlane v3, v2;
	v4 =	vadd.s32 v1, v4;
	_ =	sdelay $0x1  }
0xff: {  	v3 =	vadd.s32 v1, v3;
	_ =	sdelay $0x2  }
0x100: {  	[tilespmem:s0], [sflag:$0x2] =	stream.indirect_vreg.gather [hbm4b:s8+s2], $0x80, v4, vm0, $0xb8;
	[tilespmem:$0xA100] =	vst v63  }
0x101: {  	_ = 	snop  }
0x102: {  	[tilespmem:s10], [sflag:$0x2] =	stream.indirect_vreg.gather [hbm4b:s8+s2], $0x80, v3, vm0, $0xb8;
	[tilespmem:$0xA100] =	vst v63  }
0x103: {  	_ =	swait.ge [sflag:s7], $0x2800  }
0x104: {  	[sflag:s7] =	ssyncset.done $0x0  }
0x105: {  	[sflag:s7] =	ssyncadd.s32 $0xFFFFD800  }
0x106: {  	s18 =	sadd.s32 s3, s17;
	_ =	swait.ge [sflag:s7], $0x2800  }
0x107: {  	s17 =	sshll.u32 s18, $0x5;
	[sflag:s7] =	ssyncset.done $0x0  }
.Ltmp4:
0x108: {  	s17 =	sadd.s32 s6, s17;
	[sflag:s7] =	ssyncadd.s32 $0xFFFFD800;
	(pc) =	sbr.rel @!p1 .LBB2_4-.Ltmp4, $4  }
0x109: {  	[hbm4b:s17+s2] =	stream.linear.scatter [tilespmem:s13], [sflag:$0x4], $0x5000, $0x38;
	[tilespmem:$0xA100] =	vst v63  }
0x10a: {  	_ =	swait.ge [sflag:s11], $0x5000  }
0x10b: {  	[sflag:s11] =	ssyncset.done $0x0  }
0x10c: {  	p0 =	por p1, p1;
	[sflag:s11] =	ssyncadd.s32 $0xFFFFB000  }
0x10d: {  	s17 =	rddreg [dreg:$0x3]  }
0x10e: {  	[tilespmem:s2], [sflag:$0x4] =	stream.linear.gather [hbm4b:s17+s2], $0x50, $0x38;
	[tilespmem:$0xA100] =	vst v63  }
0x10f: {  	_ =	swait.ge [sflag:s11], $0x50  }
0x110: {  	[sflag:s11] =	ssyncset.done $0x0  }
0x111: {  	[sflag:s11] =	ssyncadd.s32 $0xFFFFFFB0  }
0x112: {  	v3 =	vld [tilespmem:$0x0];
	_ =	sdelay $0x4  }
0x113: {  	v4 =	vshll.u32 v3, $0x1  }
0x114: {  	v3 =	vand.u32 $0x7, v3;
	v4 =	vand.u32 $0xFFFFFFF0, v4  }
0x115: {  	v3 =	vor.u32 v3, v4  }
0x116: {  	v4 =	vperm.xlane v3, v0;
	_ =	sdelay $0x1  }
0x117: {  	v3 =	vperm.xlane v3, v2;
	v4 =	vadd.s32 v1, v4;
	_ =	sdelay $0x1  }
0x118: {  	v3 =	vadd.s32 v1, v3;
	_ =	sdelay $0x2  }
0x119: {  	[tilespmem:s13], [sflag:$0x1] =	stream.indirect_vreg.gather [hbm4b:s4+s2], $0x80, v4, vm0, $0xb8;
	[tilespmem:$0xA100] =	vst v63  }
0x11a: {  	s18 =	simm.s32 $0x900  }
0x11b: {  	[tilespmem:s18], [sflag:$0x1] =	stream.indirect_vreg.gather [hbm4b:s4+s2], $0x80, v3, vm0, $0xb8;
	[tilespmem:$0xA100] =	vst v63  }
0x11c: {  	v3 =	vld [tilespmem:$0x10];
	_ =	sdelay $0x4  }
0x11d: {  	v55 =	vshll.u32 v3, $0x1  }
0x11e: {  	v3 =	vand.u32 $0x7, v3;
	v4 =	vand.u32 $0xFFFFFFF0, v55  }
0x11f: {  	v3 =	vor.u32 v3, v4  }
0x120: {  	v4 =	vperm.xlane v3, v0;
	_ =	sdelay $0x1  }
0x121: {  	v3 =	vperm.xlane v3, v2;
	v4 =	vadd.s32 v1, v4;
	_ =	sdelay $0x1  }
0x122: {  	v3 =	vadd.s32 v1, v3;
	_ =	sdelay $0x1  }
0x123: {  	s18 =	simm.s32 $0x1100  }
0x124: {  	[tilespmem:s18], [sflag:$0x1] =	stream.indirect_vreg.gather [hbm4b:s4+s2], $0x80, v4, vm0, $0xb8;
	[tilespmem:$0xA100] =	vst v63  }
0x125: {  	s18 =	simm.s32 $0x1900  }
0x126: {  	[tilespmem:s18], [sflag:$0x1] =	stream.indirect_vreg.gather [hbm4b:s4+s2], $0x80, v3, vm0, $0xb8;
	[tilespmem:$0xA100] =	vst v63  }
0x127: {  	v3 =	vld [tilespmem:$0x20];
	_ =	sdelay $0x4  }
0x128: {  	v56 =	vshll.u32 v3, $0x1  }
0x129: {  	v3 =	vand.u32 $0x7, v3;
	v4 =	vand.u32 $0xFFFFFFF0, v56  }
0x12a: {  	v3 =	vor.u32 v3, v4  }
0x12b: {  	v4 =	vperm.xlane v3, v0;
	_ =	sdelay $0x1  }
0x12c: {  	v3 =	vperm.xlane v3, v2;
	v4 =	vadd.s32 v1, v4;
	_ =	sdelay $0x1  }
0x12d: {  	v3 =	vadd.s32 v1, v3;
	_ =	sdelay $0x1  }
0x12e: {  	s18 =	simm.s32 $0x2100  }
0x12f: {  	[tilespmem:s18], [sflag:$0x1] =	stream.indirect_vreg.gather [hbm4b:s4+s2], $0x80, v4, vm0, $0xb8;
	[tilespmem:$0xA100] =	vst v63  }
0x130: {  	s18 =	simm.s32 $0x2900  }
0x131: {  	[tilespmem:s18], [sflag:$0x1] =	stream.indirect_vreg.gather [hbm4b:s4+s2], $0x80, v3, vm0, $0xb8;
	[tilespmem:$0xA100] =	vst v63  }
0x132: {  	v3 =	vld [tilespmem:$0x30];
	_ =	sdelay $0x4  }
0x133: {  	v57 =	vshll.u32 v3, $0x1  }
0x134: {  	v3 =	vand.u32 $0x7, v3;
	v4 =	vand.u32 $0xFFFFFFF0, v57  }
0x135: {  	v3 =	vor.u32 v3, v4  }
0x136: {  	v4 =	vperm.xlane v3, v0;
	_ =	sdelay $0x1  }
0x137: {  	v3 =	vperm.xlane v3, v2;
	v4 =	vadd.s32 v1, v4;
	_ =	sdelay $0x1  }
0x138: {  	v3 =	vadd.s32 v1, v3;
	_ =	sdelay $0x1  }
0x139: {  	s18 =	simm.s32 $0x3100  }
0x13a: {  	[tilespmem:s18], [sflag:$0x1] =	stream.indirect_vreg.gather [hbm4b:s4+s2], $0x80, v4, vm0, $0xb8;
	[tilespmem:$0xA100] =	vst v63  }
0x13b: {  	s18 =	simm.s32 $0x3900  }
0x13c: {  	[tilespmem:s18], [sflag:$0x1] =	stream.indirect_vreg.gather [hbm4b:s4+s2], $0x80, v3, vm0, $0xb8;
	[tilespmem:$0xA100] =	vst v63  }
0x13d: {  	v3 =	vld [tilespmem:$0x40];
	_ =	sdelay $0x4  }
0x13e: {  	v58 =	vshll.u32 v3, $0x1  }
0x13f: {  	v3 =	vand.u32 $0x7, v3;
	v4 =	vand.u32 $0xFFFFFFF0, v58  }
0x140: {  	v3 =	vor.u32 v3, v4  }
0x141: {  	v4 =	vperm.xlane v3, v0;
	_ =	sdelay $0x1  }
0x142: {  	v3 =	vperm.xlane v3, v2;
	v4 =	vadd.s32 v1, v4;
	_ =	sdelay $0x1  }
0x143: {  	v3 =	vadd.s32 v1, v3;
	_ =	sdelay $0x1  }
0x144: {  	s18 =	simm.s32 $0x4100  }
0x145: {  	[tilespmem:s18], [sflag:$0x1] =	stream.indirect_vreg.gather [hbm4b:s4+s2], $0x80, v4, vm0, $0xb8;
	[tilespmem:$0xA100] =	vst v63  }
0x146: {  	s18 =	simm.s32 $0x4900  }
0x147: {  	[tilespmem:s18], [sflag:$0x1] =	stream.indirect_vreg.gather [hbm4b:s4+s2], $0x80, v3, vm0, $0xb8;
	[tilespmem:$0xA100] =	vst v63  }
0x148: {  	v3 =	vld [tilespmem:$0x0];
	_ =	sdelay $0x4  }
0x149: {  	v59 =	vshll.u32 v3, $0x1  }
0x14a: {  	v3 =	vand.u32 $0x7, v3;
	v4 =	vand.u32 $0xFFFFFFF0, v59  }
0x14b: {  	v3 =	vor.u32 v3, v4  }
0x14c: {  	v4 =	vperm.xlane v3, v0;
	_ =	sdelay $0x1  }
0x14d: {  	v3 =	vperm.xlane v3, v2;
	v4 =	vadd.s32 v1, v4;
	_ =	sdelay $0x1  }
0x14e: {  	v3 =	vadd.s32 v1, v3;
	_ =	sdelay $0x1  }
0x14f: {  	s18 =	simm.s32 $0x500  }
0x150: {  	[tilespmem:s18], [sflag:$0x1] =	stream.indirect_vreg.gather [hbm4b:s8+s2], $0x80, v4, vm0, $0xb8;
	[tilespmem:$0xA100] =	vst v63  }
0x151: {  	s18 =	simm.s32 $0xD00  }
0x152: {  	[tilespmem:s18], [sflag:$0x1] =	stream.indirect_vreg.gather [hbm4b:s8+s2], $0x80, v3, vm0, $0xb8;
	[tilespmem:$0xA100] =	vst v63  }
0x153: {  	v3 =	vld [tilespmem:$0x10];
	_ =	sdelay $0x4  }
0x154: {  	v60 =	vshll.u32 v3, $0x1  }
0x155: {  	v3 =	vand.u32 $0x7, v3;
	v4 =	vand.u32 $0xFFFFFFF0, v60  }
0x156: {  	v3 =	vor.u32 v3, v4  }
0x157: {  	v4 =	vperm.xlane v3, v0;
	_ =	sdelay $0x1  }
0x158: {  	v3 =	vperm.xlane v3, v2;
	v4 =	vadd.s32 v1, v4;
	_ =	sdelay $0x1  }
0x159: {  	v3 =	vadd.s32 v1, v3;
	_ =	sdelay $0x1  }
0x15a: {  	s18 =	simm.s32 $0x1500  }
0x15b: {  	[tilespmem:s18], [sflag:$0x1] =	stream.indirect_vreg.gather [hbm4b:s8+s2], $0x80, v4, vm0, $0xb8;
	[tilespmem:$0xA100] =	vst v63  }
0x15c: {  	s18 =	simm.s32 $0x1D00  }
0x15d: {  	[tilespmem:s18], [sflag:$0x1] =	stream.indirect_vreg.gather [hbm4b:s8+s2], $0x80, v3, vm0, $0xb8;
	[tilespmem:$0xA100] =	vst v63  }
0x15e: {  	v3 =	vld [tilespmem:$0x20];
	_ =	sdelay $0x4  }
0x15f: {  	v61 =	vshll.u32 v3, $0x1  }
0x160: {  	v3 =	vand.u32 $0x7, v3;
	v4 =	vand.u32 $0xFFFFFFF0, v61  }
0x161: {  	v3 =	vor.u32 v3, v4  }
0x162: {  	v4 =	vperm.xlane v3, v0;
	_ =	sdelay $0x1  }
0x163: {  	v3 =	vperm.xlane v3, v2;
	v4 =	vadd.s32 v1, v4;
	_ =	sdelay $0x1  }
0x164: {  	v3 =	vadd.s32 v1, v3;
	_ =	sdelay $0x1  }
0x165: {  	s18 =	simm.s32 $0x2500  }
0x166: {  	[tilespmem:s18], [sflag:$0x1] =	stream.indirect_vreg.gather [hbm4b:s8+s2], $0x80, v4, vm0, $0xb8;
	[tilespmem:$0xA100] =	vst v63  }
0x167: {  	s18 =	simm.s32 $0x2D00  }
0x168: {  	[tilespmem:s18], [sflag:$0x1] =	stream.indirect_vreg.gather [hbm4b:s8+s2], $0x80, v3, vm0, $0xb8;
	[tilespmem:$0xA100] =	vst v63  }
0x169: {  	v3 =	vld [tilespmem:$0x30];
	_ =	sdelay $0x4  }
0x16a: {  	v62 =	vshll.u32 v3, $0x1  }
0x16b: {  	v3 =	vand.u32 $0x7, v3;
	v4 =	vand.u32 $0xFFFFFFF0, v62  }
0x16c: {  	v3 =	vor.u32 v3, v4  }
0x16d: {  	v4 =	vperm.xlane v3, v0;
	_ =	sdelay $0x1  }
0x16e: {  	v3 =	vperm.xlane v3, v2;
	v4 =	vadd.s32 v1, v4;
	_ =	sdelay $0x1  }
0x16f: {  	v3 =	vadd.s32 v1, v3;
	_ =	sdelay $0x1  }
0x170: {  	s18 =	simm.s32 $0x3500  }
0x171: {  	[tilespmem:s18], [sflag:$0x1] =	stream.indirect_vreg.gather [hbm4b:s8+s2], $0x80, v4, vm0, $0xb8;
	[tilespmem:$0xA100] =	vst v63  }
0x172: {  	s18 =	simm.s32 $0x3D00  }
0x173: {  	[tilespmem:s18], [sflag:$0x1] =	stream.indirect_vreg.gather [hbm4b:s8+s2], $0x80, v3, vm0, $0xb8;
	[tilespmem:$0xA100] =	vst v63  }
0x174: {  	v3 =	vld [tilespmem:$0x40];
	_ =	sdelay $0x4  }
0x175: {  	v63 =	vshll.u32 v3, $0x1  }
0x176: {  	v3 =	vand.u32 $0x7, v3;
	v4 =	vand.u32 $0xFFFFFFF0, v63  }
0x177: {  	v3 =	vor.u32 v3, v4  }
0x178: {  	v4 =	vperm.xlane v3, v0;
	_ =	sdelay $0x1  }
0x179: {  	v3 =	vperm.xlane v3, v2;
	v4 =	vadd.s32 v1, v4;
	_ =	sdelay $0x1  }
0x17a: {  	v3 =	vadd.s32 v1, v3  }
.Ltmp5:
0x17b: {  	_ = 	snop;
	(pc) =	sbr.rel .LBB2_4-.Ltmp5, $4  }
0x17c: {  	s18 =	simm.s32 $0x4500  }
0x17d: {  	[tilespmem:s18], [sflag:$0x1] =	stream.indirect_vreg.gather [hbm4b:s8+s2], $0x80, v4, vm0, $0xb8;
	[tilespmem:$0xA100] =	vst v63  }
0x17e: {  	s18 =	simm.s32 $0x4D00  }
0x17f: {  	[tilespmem:s18], [sflag:$0x1] =	stream.indirect_vreg.gather [hbm4b:s8+s2], $0x80, v3, vm0, $0xb8;
	[tilespmem:$0xA100] =	vst v63  }
.LBB2_6:
0x180: {  	_ =	sfence.sel $0x180000  }
0x181: {  	[bflag:$0x0] =	sbarrier.arrive $0xFFFF  }
0x182: {  	_ =	strace $0x9000004D  }
0x183: {  	s0 =	stileid.u32;
	[bflag:$0x2] =	sbarrier.arrive $0xFFFF  }
0x184: {  	p0 =	sne.s32 s0, $0x0;
	s0 =	rddreg [dreg:$0x1]  }
0x185: {  	s0 =	sadd.s32 @!p0 $0x100000, s0  }
0x186: {  	[sflag:s0] =	ssyncadd.tile.s32 @!p0 $0x1;
	_ =	shalt  }
.Lfunc_end2:
_tile_overlayer_lowered:
.L_overlay_start_2:
0x187: {  	(tag) =	ssettag $0x2  }
0x188: {  	s0 =	rddreg [dreg:$0x0];
	s2 =	stileid.u32  }
0x189: {  	s1 =	rddreg [dreg:$0x1];
	p0 =	sne.s32 s2, $0x0  }
0x18a: {  	s3 =	rddreg [dreg:$0x2];
	[bflag:$0x3] =	sbarrier.arrive $0xFFFF;
	s2 =	simm.s32 @!p0 $0x1C03  }
0x18b: {  	[timem:s3], [sflag:s2] =	dma.local @!p0 [hbm:s0], s1  }
0x18c: {  	s0 =	simm.s32 @!p0 $0x3  }
0x18d: {  	_ =	swait.ge @!p0 [sflag:s0], s1  }
0x18e: {  	s1 =	ssub.s32 @!p0 $0x0, s1;
	[sflag:s0] =	ssyncset.done @!p0 $0x0  }
0x18f: {  	[sflag:s0] =	ssyncadd.s32 @!p0 s1  }
0x190: {  	[bflag:$0x3] =	sbarrier.arrive $0xFFFF  }
0x191: {  	_ =	shalt  }

// kernel: kernel.22.cloned.1.call-start
scs
__scs_entry_jumppad:
0x0: {  	(pc) =	sbr.rel $0x88, $3  }
0x1: {  	(tag) =	ssettag $0x0;
	lr =	simm.s32 $0x1  }
0x2: {  	[smem:$0x3F9D] =	sst lr;
	_ =	strace $0xD0000000  }
0x3: {  	_ = 	snop  }
0x4: {  	_ = 	snop  }
0x5: {  	_ = 	snop  }
0x6: {  	_ = 	snop  }
0x7: {  	_ = 	snop  }
__scs_overlays_trampoline_lowered:
0x8: {  	[smem:$0x3FAC] =	sst s0  }
0x9: {  	[smem:$0x3FAD] =	sst s1  }
0xa: {  	[smem:$0x3FAE] =	sst s2  }
0xb: {  	[smem:$0x3FAF] =	sst s3  }
0xc: {  	[smem:$0x3FB0] =	sst s4  }
0xd: {  	[smem:$0x3FB1] =	sst s5  }
0xe: {  	[smem:$0x3FB2] =	sst s6  }
0xf: {  	[smem:$0x3FB3] =	sst s7  }
0x10: {  	[smem:$0x3FB4] =	sst s8  }
0x11: {  	[smem:$0x3FB5] =	sst s9;
	s0 =	simm.s32 @!p0 $0x0  }
0x12: {  	s1 =	sld [smem:$0x3F9B];
	s0 =	simm.s32 @p0 $0x1  }
0x13: {  	[smem:$0x3FB6] =	sst s0;
	s0 =	simm.s32 @!p1 $0x0  }
0x14: {  	s2 =	sld [smem:$0x3F9A];
	s0 =	simm.s32 @p1 $0x1  }
0x15: {  	[smem:$0x3FB7] =	sst s0;
	s0 =	simm.s32 @!p2 $0x0  }
0x16: {  	s3 =	sld [smem:$0x3FDB];
	s0 =	simm.s32 @p2 $0x1  }
0x17: {  	s4 =	simm.s32 $0x1BF5;
	[smem:$0x3FB9] =	sst s0  }
0x18: {  	s0 =	sld [smem:$0x3F9C];
	_ =	swait.ge [sflag:s4], $0x0  }
0x19: {  	s7 =	sld [smem:$0x3F9D]  }
0x1a: {  	s8 =	sadd.s32 $0xFFFFE003, lr  }
0x1b: {  	s9 =	sadd.s32 $0xFFFFFEF7, lr;
	s5 =	simm.s32 $0xFFFFFFFF;
	p2 =	slt.u32 s8, $0xFFFFF086  }
0x1c: {  	p1 =	slt.u32 s9, $0xF7A;
	s5 =	simm.s32 @!p2 $0x0  }
0x1d: {  	s5 =	simm.s32 @p1 $0x1;
	p0 =	seq.s32 s7, s2  }
0x1e: {  	s7 =	smul.u32 @!p0 $0xF7A, s2;
	p2 =	seq.s32 @!p0 s5, $0x0  }
0x1f: {  	s9 =	smul.u32 $0xF7A, s1;
	s8 =	simm.s32 @!p0 $0x1BF5;
	p2 =	por !p2, p0  }
0x20: {  	[sflag:s8] =	ssyncset.s32 @!p0 $0xFFFFF086;
	s6 =	sadd.s32 @!p0 s3, s7;
	s7 =	simm.s32 @!p0 $0x108  }
0x21: {  	s3 =	sadd.s32 s3, s9;
	s6 =	sadd.s32 @!p0 $0x88, s6;
	s7 =	simm.s32 @p2 $0x1082  }
0x22: {  	[simem:s7], [sflag:s8] =	dma.local @!p0 [hbm:s6], $0xF7A  }
0x23: {  	s9 =	sor.u32 $0xD0000000, s2;
	s6 =	simm.s32 $0x108;
	_ =	swait.ge @!p0 [sflag:s8], $0x0  }
0x24: {  	s3 =	sadd.s32 $0x88, s3;
	s6 =	simm.s32 @!p1 $0x1082;
	[sflag:s4] =	ssyncset.s32 $0xFFFFF086  }
0x25: {  	[simem:s6], [sflag:s4] =	dma.local [hbm:s3], $0xF7A  }
0x26: {  	[smem:$0x3F9D] =	sst s1;
	(tag) =	ssettag s2;
	_ =	strace s9  }
0x27: {  	s1 =	sld [smem:$0x3FAD]  }
0x28: {  	s2 =	sld [smem:$0x3FAE]  }
0x29: {  	s4 =	sld [smem:$0x3FB0]  }
0x2a: {  	p0 =	seq.s32 s5, $0x0;
	s5 =	sld [smem:$0x3FB1]  }
0x2b: {  	s6 =	sld [smem:$0x3FB2]  }
0x2c: {  	s7 =	sld [smem:$0x3FB3]  }
0x2d: {  	s3 =	simm.s32 $0x108;
	s8 =	sld [smem:$0x3FB4]  }
0x2e: {  	s3 =	simm.s32 @!p0 $0x1082;
	s9 =	sld [smem:$0x3FB5]  }
0x2f: {  	lr =	sadd.s32 s0, s3;
	s0 =	sld [smem:$0x3FAC]  }
0x30: {  	s3 =	sld [smem:$0x3FAF]  }
0x31: {  	[smem:$0x3FB8] =	sst s10  }
0x32: {  	s10 =	sld [smem:$0x3FB6];
	_ =	sdelay $0x3  }
0x33: {  	p0 =	seq.s32 s10, $0x1;
	s10 =	sld [smem:$0x3FB8];
	_ =	sdelay $0x3  }
0x34: {  	[smem:$0x3FB8] =	sst s10  }
0x35: {  	s10 =	sld [smem:$0x3FB7];
	_ =	sdelay $0x3  }
0x36: {  	p1 =	seq.s32 s10, $0x1;
	s10 =	sld [smem:$0x3FB8];
	_ =	sdelay $0x3  }
0x37: {  	[smem:$0x3FB8] =	sst s10  }
0x38: {  	s10 =	sld [smem:$0x3FB9]  }
0x39: {  	_ = 	snop;
	(pc) =	sbr.ind lr, $3  }
0x3a: {  	_ = 	snop  }
0x3b: {  	_ = 	snop  }
0x3c: {  	p2 =	seq.s32 s10, $0x1;
	s10 =	sld [smem:$0x3FB8]  }
0x3d: {  	_ =	shalt  }
0x3e: {  	_ =	shalt  }
0x3f: {  	_ =	shalt  }
0x40: {  	_ =	shalt  }
0x41: {  	_ =	shalt  }
0x42: {  	_ =	shalt  }
0x43: {  	_ =	shalt  }
0x44: {  	_ =	shalt  }
0x45: {  	_ =	shalt  }
0x46: {  	_ =	shalt  }
0x47: {  	_ =	shalt  }
0x48: {  	_ =	shalt  }
0x49: {  	_ =	shalt  }
0x4a: {  	_ =	shalt  }
0x4b: {  	_ =	shalt  }
0x4c: {  	_ =	shalt  }
0x4d: {  	_ =	shalt  }
0x4e: {  	_ =	shalt  }
0x4f: {  	_ =	shalt  }
0x50: {  	_ =	shalt  }
0x51: {  	_ =	shalt  }
0x52: {  	_ =	shalt  }
0x53: {  	_ =	shalt  }
0x54: {  	_ =	shalt  }
0x55: {  	_ =	shalt  }
0x56: {  	_ =	shalt  }
0x57: {  	_ =	shalt  }
0x58: {  	_ =	shalt  }
0x59: {  	_ =	shalt  }
0x5a: {  	_ =	shalt  }
0x5b: {  	_ =	shalt  }
0x5c: {  	_ =	shalt  }
0x5d: {  	_ =	shalt  }
0x5e: {  	_ =	shalt  }
0x5f: {  	_ =	shalt  }
0x60: {  	_ =	shalt  }
0x61: {  	_ =	shalt  }
0x62: {  	_ =	shalt  }
0x63: {  	_ =	shalt  }
0x64: {  	_ =	shalt  }
0x65: {  	_ =	shalt  }
0x66: {  	_ =	shalt  }
0x67: {  	_ =	shalt  }
0x68: {  	_ =	shalt  }
0x69: {  	_ =	shalt  }
0x6a: {  	_ =	shalt  }
0x6b: {  	_ =	shalt  }
0x6c: {  	_ =	shalt  }
0x6d: {  	_ =	shalt  }
0x6e: {  	_ =	shalt  }
0x6f: {  	_ =	shalt  }
0x70: {  	_ =	shalt  }
0x71: {  	_ =	shalt  }
0x72: {  	_ =	shalt  }
0x73: {  	_ =	shalt  }
0x74: {  	_ =	shalt  }
0x75: {  	_ =	shalt  }
0x76: {  	_ =	shalt  }
0x77: {  	_ =	shalt  }
0x78: {  	_ =	shalt  }
0x79: {  	_ =	shalt  }
0x7a: {  	_ =	shalt  }
0x7b: {  	_ =	shalt  }
0x7c: {  	_ =	shalt  }
0x7d: {  	_ =	shalt  }
0x7e: {  	_ =	shalt  }
0x7f: {  	_ =	shalt  }
0x80: {  	_ =	shalt  }
0x81: {  	_ =	shalt  }
0x82: {  	_ =	shalt  }
0x83: {  	_ =	shalt  }
0x84: {  	_ =	shalt  }
0x85: {  	_ =	shalt  }
0x86: {  	_ =	shalt  }
0x87: {  	_ =	shalt  }
.Lfunc_end0:
.L_simem_size_0:
called_computation.3_lowered:
.L_overlay_start_0:
0x88: {  	s2 =	sld [smem:$0x3FD9]  }
0x89: {  	s3 =	sld [smem:$0x3FFE];
	_ =	sdelay $0x1  }
0x8a: {  	s1 =	srdreg.scid  }
0x8b: {  	s0 =	sand.u32 $0x1, s1  }
0x8c: {  	s17 =	sshll.u32 s0, $0xA;
	s2 =	sadd.s32 s3, s2  }
0x8d: {  	s2 =	sadd.s32 s2, s17  }
0x8e: {  	[smem:$0x3FC4] =	sst s2  }
0x8f: {  	_ = 	snop  }
0x90: {  	(tm) =	ssettm $0x1  }
0x91: {  	s18 =	sld [smem:$0x3FFB];
	_ =	sdelay $0x3  }
0x92: {  	_ =	strace s18  }
0x93: {  	s2 =	sld [smem:$0x3FFC];
	_ =	sdelay $0x3  }
0x94: {  	_ =	strace s2  }
0x95: {  	s2 =	sld [smem:$0x3FFD];
	_ =	sdelay $0x3  }
0x96: {  	_ =	strace s2  }
0x97: {  	_ =	strace $0x8FFFFFFF  }
0x98: {  	s19 =	sld [smem:$0x3FDB];
	_ =	sdelay $0x1  }
0x99: {  	s20 =	simm.s32 $_scs_section_size  }
0x9a: {  	s4 =	simm.s32 $_size__tile_overlayer_lowered;
	s5 =	simm.s32 $_tile_overlayer_lowered  }
0x9b: {  	s6 =	simm.s32 $0x1BFF;
	s21 =	sshll.u32 s5, $0x1;
	s3 =	sadd.s32 s20, s19  }
0x9c: {  	s22 =	simm.s32 $0x0;
	s4 =	sshll.u32 s4, $0x1;
	s5 =	sadd.s32 s21, s3  }
0x9d: {  	[timem:s22], [sflag:s6] =	dma.local [hbm:s5], s4  }
0x9e: {  	_ =	swait.ge [sflag:s6], s4  }
0x9f: {  	s4 =	ssub.s32 $0x0, s4;
	[sflag:s6] =	ssyncset.done $0x0  }
0xa0: {  	[sflag:s6] =	ssyncadd.s32 s4;
	_ =	sdelay $0x1  }
0xa1: {  	s23 =	simm.s32 $0x1B8B  }
0xa2: {  	_ =	swait.ge [sflag:s23], $0x1  }
0xa3: {  	[sflag:s23] =	ssyncset.done $0x0  }
0xa4: {  	[sflag:s23] =	ssyncadd.s32 $0xFFFFFFFF  }
0xa5: {  	s4 =	sld [smem:$0x0]  }
0xa6: {  	s5 =	sand.u32 $0xFFFFFFFE, s1  }
0xa7: {  	p0 =	sne.s32 s1, s5  }
0xa8: {  	s5 =	sshll.u32 @p0 s5, $0xE  }
0xa9: {  	s5 =	sadd.s32 @p0 $0x11B8D, s5;
	s6 =	sshll.u32 @p0 s4, $0x11  }
0xaa: {  	s5 =	sor.u32 @p0 s6, s5  }
0xab: {  	[sflag:s5] =	ssyncadd.remote.s32 @p0 $0x1;
	_ =	sdelay $0x1  }
0xac: {  	s5 =	simm.s32 @p0 $0x1B8D  }
0xad: {  	_ =	swait.eq @p0 [sflag:s5], $0x1  }
0xae: {  	[sflag:s5] =	ssyncadd.s32 @p0 $0xFFFFFFFF  }
0xaf: {  	s6 =	sshll.u32 @!p0 s1, $0xE  }
0xb0: {  	s6 =	sor.u32 @!p0 $0x4000, s6;
	s5 =	simm.s32 @!p0 $0x1B8D  }
0xb1: {  	s4 =	sshll.u32 @!p0 s4, $0x11;
	s6 =	sadd.s32 @!p0 $0x11B8D, s6;
	_ =	swait.eq @!p0 [sflag:s5], $0x1  }
0xb2: {  	s4 =	sor.u32 @!p0 s4, s6;
	[sflag:s5] =	ssyncadd.s32 @!p0 $0xFFFFFFFF  }
0xb3: {  	s25 =	simm.s32 $0x1B8E;
	s24 =	sld [smem:$0x3FFE];
	[sflag:s4] =	ssyncadd.remote.s32 @!p0 $0x1  }
0xb4: {  	s26 =	simm.s32 $execute0_lowered;
	[smem:$0x3FD2] =	sst s25  }
0xb5: {  	s5 =	sshll.u32 s26, $0x1;
	_ =	strace $0x8000004F;
	[dreg:$0x1] =	wrdreg $0xFFFFFFFF  }
0xb6: {  	s28 =	simm.s32 $_size_execute0_lowered;
	s3 =	sadd.s32 s3, s5;
	[dreg:$0x0] =	wrdreg $0x0  }
0xb7: {  	s5 =	sshll.u32 s28, $0x1;
	[dreg:$0x2] =	wrdreg s3  }
0xb8: {  	[dreg:$0x3] =	wrdreg s5  }
0xb9: {  	[dreg:$0x4] =	wrdreg $0xC0  }
0xba: {  	_ =	task [dreg:s22], $0x5FFFF  }
0xbb: {  	[dreg:$0x1] =	wrdreg $0xFFFFFFFF  }
0xbc: {  	[dreg:$0x0] =	wrdreg $0x60  }
0xbd: {  	[dreg:$0x2] =	wrdreg s24  }
0xbe: {  	[dreg:$0x3] =	wrdreg $0xC  }
0xbf: {  	_ =	task.clear_ibuf [dreg:s22], $0x4FFFF;
	_ =	strace $0x9000004F  }
0xc0: {  	s29 =	simm.s32 $0xC;
	_ =	strace $0x80000051  }
0xc1: {  	_ =	swait.ge [sflag:s29], $0x1  }
0xc2: {  	[sflag:s29] =	ssyncadd.s32 $0xFFFFFFFF  }
0xc3: {  	_ =	strace $0x90000051  }
0xc4: {  	_ =	sfence  }
0xc5: {  	s30 =	sld [smem:$0x0];
	_ =	sdelay $0x2  }
0xc6: {  	s31 =	sshll.u32 s1, $0xD;
	s1 =	sshrl.u32 s1, $0x2  }
0xc7: {  	s4 =	sand.u32 $0x4000, s31;
	s1 =	sadd.s32 s1, s30  }
0xc8: {  	s0 =	sor.u32 s4, s0;
	s1 =	sshll.u32 s1, $0x11  }
0xc9: {  	s0 =	sor.u32 s1, s0  }
0xca: {  	s0 =	sadd.s32 $0x8F2B, s0  }
0xcb: {  	[sflag:s0] =	ssyncadd.remote.s32 $0x1  }
0xcc: {  	_ =	sfence.sel $0xFFFF  }
0xcd: {  	[dreg:$0x0] =	wrdreg $0xFFFFFFFF;
	(pc) =	sbr.abs _section_cstart, $3  }
0xce: {  	[dreg:$0x1] =	wrdreg $0xFFFFFFFF  }
0xcf: {  	_ =	task.clear_ibuf [dreg:s22], $0x2FFFF;
	_ =	strace $0x9FFFFFFF  }
0xd0: {  	(tm) =	ssettm $0x7FFFFFFF  }
0xd1: {  	_ =	shalt  }
tec
execute0_lowered:
.L_overlay_start_1:
0x0: {  	(tag) =	ssettag $0x1  }
0x1: {  	s0 =	srdreg.scid  }
0x2: {  	s2 =	stileid.u32;
	s1 =	rddreg [dreg:$0x0];
	s12 =	simm.s32 $0x3  }
0x3: {  	s13 =	simm.s32 $0x100;
	s11 =	simm.s32 $0x4;
	s14 =	simm.s32 $0x5100  }
0x4: {  	s20 =	simm.s32 $0x8100;
	s21 =	simm.s32 $0x8900;
	s22 =	simm.s32 $0x9100  }
0x5: {  	s23 =	simm.s32 $0x9900;
	s24 =	simm.s32 $0x5500;
	s28 =	simm.s32 $0x6D00  }
0x6: {  	s29 =	simm.s32 $0x7500;
	s30 =	simm.s32 $0x7D00;
	s31 =	simm.s32 $0x8500  }
0x7: {  	s10 =	simm.s32 $0x9D00;
	s15 =	simm.s32 $0x2;
	s17 =	simm.s32 $0x0  }
0x8: {  	s19 =	simm.s32 $0x80;
	s0 =	sand.u32 $0x1, s0;
	s3 =	sshll.u32 s2, $0x1  }
0x9: {  	s2 =	simm.s32 $0x0;
	s4 =	sadd.s32 $0x3C00, s1;
	s5 =	sadd.s32 $0x2200, s1  }
0xa: {  	s6 =	sadd.s32 $0x3B1000, s1;
	s3 =	sor.u32 s0, s3;
	s0 =	ssub.s32 $0x2, s0  }
0xb: {  	[smem:$0x7FF] =	sst s2;
	s3 =	smul.u32 $0x140, s3;
	s7 =	sshrl.u32 s0, $0x1  }
0xc: {  	_ =	strace $0x80000050;
	s0 =	ssub.s32 s0, s7;
	s7 =	simm.s32 $0x1  }
.Ltmp0:
0xd: {  	s8 =	sshrl.u32 s3, $0x3;
	s0 =	smax.u32 s0, $0x1;
	(pc) =	sbr.rel .LBB2_1-.Ltmp0, $4  }
0xe: {  	s9 =	sadd.s32 $0x50, s3;
	s25 =	sadd.s32 s5, s8;
	[dreg:$0x4] =	wrdreg s0  }
0xf: {  	v2 =	vlaneseq.u32;
	s0 =	simm.s32 $0x9500;
	s8 =	sadd.s32 $0xF00, s25;
	s26 =	sadd.s32 $0xF14, s25  }
0x10: {  	vm0 =	vmmov $0xff;
	v1 =	vshrl.u32 v2, $0x3;
	s25 =	simm.s32 $0x5D00;
	[dreg:$0x2] =	wrdreg s8;
	s8 =	sadd.s32 $0x3C80, s1  }
0x11: {  	v0 =	vand.u32 $0x7, v2;
	v2 =	vor.u32 $0x8, v2;
	v1 =	vmul.u32 $0x8, v1;
	[dreg:$0x3] =	wrdreg s26;
	s26 =	simm.s32 $0x6500;
	s1 =	simm.s32 $0x8D00  }
.LBB2_5:
0x12: {  	s17 =	rddreg [dreg:$0x5]  }
0x13: {  	s16 =	rddreg [dreg:$0x4];
	s17 =	sadd.s32 $0x1, s17  }
0x14: {  	p0 =	sne.s32 s17, s16  }
.Ltmp1:
0x15: {  	_ = 	snop;
	(pc) =	sbr.rel @!p0 .LBB2_6-.Ltmp1, $1  }
0x16: {  	_ =	sdelay $0x3  }
.LBB2_1:
0x17: {  	[dreg:$0x5] =	wrdreg s17  }
0x18: {  	s16 =	rddreg [dreg:$0x2]  }
0x19: {  	[tilespmem:s2], [sflag:$0x3] =	stream.linear.gather [hbm4b:s16+s2], $0x50, $0x38;
	[tilespmem:$0xA100] =	vst v63  }
0x1a: {  	_ =	swait.ge [sflag:s12], $0x50  }
0x1b: {  	[sflag:s12] =	ssyncset.done $0x0  }
0x1c: {  	[sflag:s12] =	ssyncadd.s32 $0xFFFFFFB0  }
0x1d: {  	v3 =	vld [tilespmem:$0x0];
	_ =	sdelay $0x4  }
0x1e: {  	v4 =	vshll.u32 v3, $0x1  }
0x1f: {  	v3 =	vand.u32 $0x7, v3;
	v4 =	vand.u32 $0xFFFFFFF0, v4  }
0x20: {  	v3 =	vor.u32 v3, v4  }
0x21: {  	v4 =	vperm.xlane v3, v0;
	_ =	sdelay $0x1  }
0x22: {  	v3 =	vperm.xlane v3, v2;
	v4 =	vadd.s32 v1, v4;
	_ =	sdelay $0x1  }
0x23: {  	v3 =	vadd.s32 v1, v3;
	_ =	sdelay $0x2  }
0x24: {  	[tilespmem:s13], [sflag:$0x1] =	stream.indirect_vreg.gather [hbm4b:s4+s2], $0x80, v4, vm0, $0xb8;
	[tilespmem:$0xA100] =	vst v63  }
0x25: {  	s18 =	simm.s32 $0x900  }
0x26: {  	[tilespmem:s18], [sflag:$0x1] =	stream.indirect_vreg.gather [hbm4b:s4+s2], $0x80, v3, vm0, $0xb8;
	[tilespmem:$0xA100] =	vst v63  }
0x27: {  	v3 =	vld [tilespmem:$0x10];
	_ =	sdelay $0x4  }
0x28: {  	v55 =	vshll.u32 v3, $0x1  }
0x29: {  	v3 =	vand.u32 $0x7, v3;
	v4 =	vand.u32 $0xFFFFFFF0, v55  }
0x2a: {  	v3 =	vor.u32 v3, v4  }
0x2b: {  	v4 =	vperm.xlane v3, v0;
	_ =	sdelay $0x1  }
0x2c: {  	v3 =	vperm.xlane v3, v2;
	v4 =	vadd.s32 v1, v4;
	_ =	sdelay $0x1  }
0x2d: {  	v3 =	vadd.s32 v1, v3;
	_ =	sdelay $0x1  }
0x2e: {  	s17 =	simm.s32 $0x1100  }
0x2f: {  	[tilespmem:s17], [sflag:$0x1] =	stream.indirect_vreg.gather [hbm4b:s4+s2], $0x80, v4, vm0, $0xb8;
	[tilespmem:$0xA100] =	vst v63  }
0x30: {  	s18 =	simm.s32 $0x1900  }
0x31: {  	[tilespmem:s18], [sflag:$0x1] =	stream.indirect_vreg.gather [hbm4b:s4+s2], $0x80, v3, vm0, $0xb8;
	[tilespmem:$0xA100] =	vst v63  }
0x32: {  	v3 =	vld [tilespmem:$0x20];
	_ =	sdelay $0x4  }
0x33: {  	v56 =	vshll.u32 v3, $0x1  }
0x34: {  	v3 =	vand.u32 $0x7, v3;
	v4 =	vand.u32 $0xFFFFFFF0, v56  }
0x35: {  	v3 =	vor.u32 v3, v4  }
0x36: {  	v4 =	vperm.xlane v3, v0;
	_ =	sdelay $0x1  }
0x37: {  	v3 =	vperm.xlane v3, v2;
	v4 =	vadd.s32 v1, v4;
	_ =	sdelay $0x1  }
0x38: {  	v3 =	vadd.s32 v1, v3;
	_ =	sdelay $0x1  }
0x39: {  	s17 =	simm.s32 $0x2100  }
0x3a: {  	[tilespmem:s17], [sflag:$0x1] =	stream.indirect_vreg.gather [hbm4b:s4+s2], $0x80, v4, vm0, $0xb8;
	[tilespmem:$0xA100] =	vst v63  }
0x3b: {  	s18 =	simm.s32 $0x2900  }
0x3c: {  	[tilespmem:s18], [sflag:$0x1] =	stream.indirect_vreg.gather [hbm4b:s4+s2], $0x80, v3, vm0, $0xb8;
	[tilespmem:$0xA100] =	vst v63  }
0x3d: {  	v3 =	vld [tilespmem:$0x30];
	_ =	sdelay $0x4  }
0x3e: {  	v57 =	vshll.u32 v3, $0x1  }
0x3f: {  	v3 =	vand.u32 $0x7, v3;
	v4 =	vand.u32 $0xFFFFFFF0, v57  }
0x40: {  	v3 =	vor.u32 v3, v4  }
0x41: {  	v4 =	vperm.xlane v3, v0;
	_ =	sdelay $0x1  }
0x42: {  	v3 =	vperm.xlane v3, v2;
	v4 =	vadd.s32 v1, v4;
	_ =	sdelay $0x1  }
0x43: {  	v3 =	vadd.s32 v1, v3;
	_ =	sdelay $0x1  }
0x44: {  	s17 =	simm.s32 $0x3100  }
0x45: {  	[tilespmem:s17], [sflag:$0x1] =	stream.indirect_vreg.gather [hbm4b:s4+s2], $0x80, v4, vm0, $0xb8;
	[tilespmem:$0xA100] =	vst v63  }
0x46: {  	s18 =	simm.s32 $0x3900  }
0x47: {  	[tilespmem:s18], [sflag:$0x1] =	stream.indirect_vreg.gather [hbm4b:s4+s2], $0x80, v3, vm0, $0xb8;
	[tilespmem:$0xA100] =	vst v63  }
0x48: {  	v3 =	vld [tilespmem:$0x40];
	_ =	sdelay $0x4  }
0x49: {  	v58 =	vshll.u32 v3, $0x1  }
0x4a: {  	v3 =	vand.u32 $0x7, v3;
	v4 =	vand.u32 $0xFFFFFFF0, v58  }
0x4b: {  	v3 =	vor.u32 v3, v4  }
0x4c: {  	v4 =	vperm.xlane v3, v0;
	_ =	sdelay $0x1  }
0x4d: {  	v3 =	vperm.xlane v3, v2;
	v4 =	vadd.s32 v1, v4;
	_ =	sdelay $0x1  }
0x4e: {  	v3 =	vadd.s32 v1, v3;
	_ =	sdelay $0x1  }
0x4f: {  	s17 =	simm.s32 $0x4100  }
0x50: {  	[tilespmem:s17], [sflag:$0x1] =	stream.indirect_vreg.gather [hbm4b:s4+s2], $0x80, v4, vm0, $0xb8;
	[tilespmem:$0xA100] =	vst v63  }
0x51: {  	s18 =	simm.s32 $0x4900  }
0x52: {  	[tilespmem:s18], [sflag:$0x1] =	stream.indirect_vreg.gather [hbm4b:s4+s2], $0x80, v3, vm0, $0xb8;
	[tilespmem:$0xA100] =	vst v63  }
0x53: {  	v3 =	vld [tilespmem:$0x0];
	_ =	sdelay $0x4  }
0x54: {  	v59 =	vshll.u32 v3, $0x1  }
0x55: {  	v3 =	vand.u32 $0x7, v3;
	v4 =	vand.u32 $0xFFFFFFF0, v59  }
0x56: {  	v3 =	vor.u32 v3, v4  }
0x57: {  	v4 =	vperm.xlane v3, v0;
	_ =	sdelay $0x1  }
0x58: {  	v3 =	vperm.xlane v3, v2;
	v4 =	vadd.s32 v1, v4;
	_ =	sdelay $0x1  }
0x59: {  	v3 =	vadd.s32 v1, v3;
	_ =	sdelay $0x1  }
0x5a: {  	s17 =	simm.s32 $0x500  }
0x5b: {  	[tilespmem:s17], [sflag:$0x1] =	stream.indirect_vreg.gather [hbm4b:s8+s2], $0x80, v4, vm0, $0xb8;
	[tilespmem:$0xA100] =	vst v63  }
0x5c: {  	s18 =	simm.s32 $0xD00  }
0x5d: {  	[tilespmem:s18], [sflag:$0x1] =	stream.indirect_vreg.gather [hbm4b:s8+s2], $0x80, v3, vm0, $0xb8;
	[tilespmem:$0xA100] =	vst v63  }
0x5e: {  	v3 =	vld [tilespmem:$0x10];
	_ =	sdelay $0x4  }
0x5f: {  	v60 =	vshll.u32 v3, $0x1  }
0x60: {  	v3 =	vand.u32 $0x7, v3;
	v4 =	vand.u32 $0xFFFFFFF0, v60  }
0x61: {  	v3 =	vor.u32 v3, v4  }
0x62: {  	v4 =	vperm.xlane v3, v0;
	_ =	sdelay $0x1  }
0x63: {  	v3 =	vperm.xlane v3, v2;
	v4 =	vadd.s32 v1, v4;
	_ =	sdelay $0x1  }
0x64: {  	v3 =	vadd.s32 v1, v3;
	_ =	sdelay $0x1  }
0x65: {  	s17 =	simm.s32 $0x1500  }
0x66: {  	[tilespmem:s17], [sflag:$0x1] =	stream.indirect_vreg.gather [hbm4b:s8+s2], $0x80, v4, vm0, $0xb8;
	[tilespmem:$0xA100] =	vst v63  }
0x67: {  	s18 =	simm.s32 $0x1D00  }
0x68: {  	[tilespmem:s18], [sflag:$0x1] =	stream.indirect_vreg.gather [hbm4b:s8+s2], $0x80, v3, vm0, $0xb8;
	[tilespmem:$0xA100] =	vst v63  }
0x69: {  	v3 =	vld [tilespmem:$0x20];
	_ =	sdelay $0x4  }
0x6a: {  	v61 =	vshll.u32 v3, $0x1  }
0x6b: {  	v3 =	vand.u32 $0x7, v3;
	v4 =	vand.u32 $0xFFFFFFF0, v61  }
0x6c: {  	v3 =	vor.u32 v3, v4  }
0x6d: {  	v4 =	vperm.xlane v3, v0;
	_ =	sdelay $0x1  }
0x6e: {  	v3 =	vperm.xlane v3, v2;
	v4 =	vadd.s32 v1, v4;
	_ =	sdelay $0x1  }
0x6f: {  	v3 =	vadd.s32 v1, v3;
	_ =	sdelay $0x1  }
0x70: {  	s17 =	simm.s32 $0x2500  }
0x71: {  	[tilespmem:s17], [sflag:$0x1] =	stream.indirect_vreg.gather [hbm4b:s8+s2], $0x80, v4, vm0, $0xb8;
	[tilespmem:$0xA100] =	vst v63  }
0x72: {  	s18 =	simm.s32 $0x2D00  }
0x73: {  	[tilespmem:s18], [sflag:$0x1] =	stream.indirect_vreg.gather [hbm4b:s8+s2], $0x80, v3, vm0, $0xb8;
	[tilespmem:$0xA100] =	vst v63  }
0x74: {  	v3 =	vld [tilespmem:$0x30];
	_ =	sdelay $0x4  }
0x75: {  	v62 =	vshll.u32 v3, $0x1  }
0x76: {  	v3 =	vand.u32 $0x7, v3;
	v4 =	vand.u32 $0xFFFFFFF0, v62  }
0x77: {  	v3 =	vor.u32 v3, v4  }
0x78: {  	v4 =	vperm.xlane v3, v0;
	_ =	sdelay $0x1  }
0x79: {  	v3 =	vperm.xlane v3, v2;
	v4 =	vadd.s32 v1, v4;
	_ =	sdelay $0x1  }
0x7a: {  	v3 =	vadd.s32 v1, v3;
	_ =	sdelay $0x1  }
0x7b: {  	s17 =	simm.s32 $0x3500  }
0x7c: {  	[tilespmem:s17], [sflag:$0x1] =	stream.indirect_vreg.gather [hbm4b:s8+s2], $0x80, v4, vm0, $0xb8;
	[tilespmem:$0xA100] =	vst v63  }
0x7d: {  	s18 =	simm.s32 $0x3D00  }
0x7e: {  	[tilespmem:s18], [sflag:$0x1] =	stream.indirect_vreg.gather [hbm4b:s8+s2], $0x80, v3, vm0, $0xb8;
	[tilespmem:$0xA100] =	vst v63  }
0x7f: {  	v3 =	vld [tilespmem:$0x40];
	_ =	sdelay $0x4  }
0x80: {  	v63 =	vshll.u32 v3, $0x1  }
0x81: {  	v3 =	vand.u32 $0x7, v3;
	v4 =	vand.u32 $0xFFFFFFF0, v63  }
0x82: {  	v3 =	vor.u32 v3, v4  }
0x83: {  	v4 =	vperm.xlane v3, v0;
	_ =	sdelay $0x1  }
0x84: {  	v3 =	vperm.xlane v3, v2;
	v4 =	vadd.s32 v1, v4;
	_ =	sdelay $0x1  }
0x85: {  	v3 =	vadd.s32 v1, v3  }
.Ltmp2:
0x86: {  	_ = 	snop;
	(pc) =	sbr.rel .LBB2_2-.Ltmp2, $4  }
0x87: {  	s17 =	simm.s32 $0x4500  }
0x88: {  	[tilespmem:s17], [sflag:$0x1] =	stream.indirect_vreg.gather [hbm4b:s8+s2], $0x80, v4, vm0, $0xb8;
	[tilespmem:$0xA100] =	vst v63  }
0x89: {  	p1 =	por $0x1, $0x1;
	s18 =	simm.s32 $0x4D00;
	s17 =	simm.s32 $0x0  }
0x8a: {  	[tilespmem:s18], [sflag:$0x1] =	stream.indirect_vreg.gather [hbm4b:s8+s2], $0x80, v3, vm0, $0xb8;
	[tilespmem:$0xA100] =	vst v63  }
.LBB2_4:
0x8b: {  	_ =	swait.ge [sflag:s15], $0x2800  }
0x8c: {  	[sflag:s15] =	ssyncset.done $0x0  }
0x8d: {  	[sflag:s15] =	ssyncadd.s32 $0xFFFFD800  }
0x8e: {  	_ =	swait.ge [sflag:s15], $0x2800  }
0x8f: {  	s16 =	sshll.u32 s16, $0x5;
	[sflag:s15] =	ssyncset.done $0x0  }
.Ltmp3:
0x90: {  	s16 =	sadd.s32 s6, s16;
	[sflag:s15] =	ssyncadd.s32 $0xFFFFD800;
	(pc) =	sbr.rel @!p0 .LBB2_5-.Ltmp3, $4  }
0x91: {  	[hbm4b:s16+s2] =	stream.linear.scatter [tilespmem:s14], [sflag:$0x3], $0x5000, $0x38;
	[tilespmem:$0xA100] =	vst v63  }
0x92: {  	_ =	swait.ge [sflag:s12], $0x5000  }
0x93: {  	[sflag:s12] =	ssyncset.done $0x0  }
0x94: {  	s17 =	simm.s32 $0xA0;
	p1 =	por $0x0, $0x0;
	[sflag:s12] =	ssyncadd.s32 $0xFFFFB000  }
.LBB2_2:
0x95: {  	s16 =	sadd.s32 s17, s9  }
0x96: {  	s18 =	sshrl.u32 s16, $0x3  }
0x97: {  	s18 =	sadd.s32 s5, s18  }
0x98: {  	s18 =	sadd.s32 $0xF00, s18  }
0x99: {  	[tilespmem:s19], [sflag:$0x4] =	stream.linear.gather [hbm4b:s18+s2], $0x50, $0x38;
	[tilespmem:$0xA100] =	vst v63  }
0x9a: {  	_ =	swait.ge [sflag:s11], $0x50  }
0x9b: {  	[sflag:s11] =	ssyncset.done $0x0  }
0x9c: {  	[sflag:s11] =	ssyncadd.s32 $0xFFFFFFB0  }
0x9d: {  	v3 =	vld [tilespmem:$0x80];
	_ =	sdelay $0x4  }
0x9e: {  	v4 =	vshll.u32 v3, $0x1  }
0x9f: {  	v3 =	vand.u32 $0x7, v3;
	v4 =	vand.u32 $0xFFFFFFF0, v4  }
0xa0: {  	v3 =	vor.u32 v3, v4  }
0xa1: {  	v4 =	vperm.xlane v3, v0;
	_ =	sdelay $0x1  }
0xa2: {  	v3 =	vperm.xlane v3, v2;
	v4 =	vadd.s32 v1, v4;
	_ =	sdelay $0x1  }
0xa3: {  	v3 =	vadd.s32 v1, v3;
	_ =	sdelay $0x2  }
0xa4: {  	[tilespmem:s14], [sflag:$0x2] =	stream.indirect_vreg.gather [hbm4b:s4+s2], $0x80, v4, vm0, $0xb8;
	[tilespmem:$0xA100] =	vst v63  }
0xa5: {  	s18 =	simm.s32 $0x5900  }
0xa6: {  	[tilespmem:s18], [sflag:$0x2] =	stream.indirect_vreg.gather [hbm4b:s4+s2], $0x80, v3, vm0, $0xb8;
	[tilespmem:$0xA100] =	vst v63  }
0xa7: {  	v3 =	vld [tilespmem:$0x90];
	_ =	sdelay $0x4  }
0xa8: {  	v55 =	vshll.u32 v3, $0x1  }
0xa9: {  	v3 =	vand.u32 $0x7, v3;
	v4 =	vand.u32 $0xFFFFFFF0, v55  }
0xaa: {  	v3 =	vor.u32 v3, v4  }
0xab: {  	v4 =	vperm.xlane v3, v0;
	_ =	sdelay $0x1  }
0xac: {  	v3 =	vperm.xlane v3, v2;
	v4 =	vadd.s32 v1, v4;
	_ =	sdelay $0x1  }
0xad: {  	v3 =	vadd.s32 v1, v3;
	_ =	sdelay $0x1  }
0xae: {  	s18 =	simm.s32 $0x6100  }
0xaf: {  	[tilespmem:s18], [sflag:$0x2] =	stream.indirect_vreg.gather [hbm4b:s4+s2], $0x80, v4, vm0, $0xb8;
	[tilespmem:$0xA100] =	vst v63  }
0xb0: {  	s18 =	simm.s32 $0x6900  }
0xb1: {  	[tilespmem:s18], [sflag:$0x2] =	stream.indirect_vreg.gather [hbm4b:s4+s2], $0x80, v3, vm0, $0xb8;
	[tilespmem:$0xA100] =	vst v63  }
0xb2: {  	v3 =	vld [tilespmem:$0xA0];
	_ =	sdelay $0x4  }
0xb3: {  	v56 =	vshll.u32 v3, $0x1  }
0xb4: {  	v3 =	vand.u32 $0x7, v3;
	v4 =	vand.u32 $0xFFFFFFF0, v56  }
0xb5: {  	v3 =	vor.u32 v3, v4  }
0xb6: {  	v4 =	vperm.xlane v3, v0;
	_ =	sdelay $0x1  }
0xb7: {  	v3 =	vperm.xlane v3, v2;
	v4 =	vadd.s32 v1, v4;
	_ =	sdelay $0x1  }
0xb8: {  	v3 =	vadd.s32 v1, v3;
	_ =	sdelay $0x1  }
0xb9: {  	s18 =	simm.s32 $0x7100  }
0xba: {  	[tilespmem:s18], [sflag:$0x2] =	stream.indirect_vreg.gather [hbm4b:s4+s2], $0x80, v4, vm0, $0xb8;
	[tilespmem:$0xA100] =	vst v63  }
0xbb: {  	s18 =	simm.s32 $0x7900  }
0xbc: {  	[tilespmem:s18], [sflag:$0x2] =	stream.indirect_vreg.gather [hbm4b:s4+s2], $0x80, v3, vm0, $0xb8;
	[tilespmem:$0xA100] =	vst v63  }
0xbd: {  	v3 =	vld [tilespmem:$0xB0];
	_ =	sdelay $0x4  }
0xbe: {  	v57 =	vshll.u32 v3, $0x1  }
0xbf: {  	v3 =	vand.u32 $0x7, v3;
	v4 =	vand.u32 $0xFFFFFFF0, v57  }
0xc0: {  	v3 =	vor.u32 v3, v4  }
0xc1: {  	v4 =	vperm.xlane v3, v0;
	_ =	sdelay $0x1  }
0xc2: {  	v3 =	vperm.xlane v3, v2;
	v4 =	vadd.s32 v1, v4;
	_ =	sdelay $0x1  }
0xc3: {  	v3 =	vadd.s32 v1, v3;
	_ =	sdelay $0x2  }
0xc4: {  	[tilespmem:s20], [sflag:$0x2] =	stream.indirect_vreg.gather [hbm4b:s4+s2], $0x80, v4, vm0, $0xb8;
	[tilespmem:$0xA100] =	vst v63  }
0xc5: {  	_ = 	snop  }
0xc6: {  	[tilespmem:s21], [sflag:$0x2] =	stream.indirect_vreg.gather [hbm4b:s4+s2], $0x80, v3, vm0, $0xb8;
	[tilespmem:$0xA100] =	vst v63  }
0xc7: {  	v3 =	vld [tilespmem:$0xC0];
	_ =	sdelay $0x4  }
0xc8: {  	v58 =	vshll.u32 v3, $0x1  }
0xc9: {  	v3 =	vand.u32 $0x7, v3;
	v4 =	vand.u32 $0xFFFFFFF0, v58  }
0xca: {  	v3 =	vor.u32 v3, v4  }
0xcb: {  	v4 =	vperm.xlane v3, v0;
	_ =	sdelay $0x1  }
0xcc: {  	v3 =	vperm.xlane v3, v2;
	v4 =	vadd.s32 v1, v4;
	_ =	sdelay $0x1  }
0xcd: {  	v3 =	vadd.s32 v1, v3;
	_ =	sdelay $0x2  }
0xce: {  	[tilespmem:s22], [sflag:$0x2] =	stream.indirect_vreg.gather [hbm4b:s4+s2], $0x80, v4, vm0, $0xb8;
	[tilespmem:$0xA100] =	vst v63  }
0xcf: {  	_ = 	snop  }
0xd0: {  	[tilespmem:s23], [sflag:$0x2] =	stream.indirect_vreg.gather [hbm4b:s4+s2], $0x80, v3, vm0, $0xb8;
	[tilespmem:$0xA100] =	vst v63  }
0xd1: {  	v3 =	vld [tilespmem:$0x80];
	_ =	sdelay $0x4  }
0xd2: {  	v59 =	vshll.u32 v3, $0x1  }
0xd3: {  	v3 =	vand.u32 $0x7, v3;
	v4 =	vand.u32 $0xFFFFFFF0, v59  }
0xd4: {  	v3 =	vor.u32 v3, v4  }
0xd5: {  	v4 =	vperm.xlane v3, v0;
	_ =	sdelay $0x1  }
0xd6: {  	v3 =	vperm.xlane v3, v2;
	v4 =	vadd.s32 v1, v4;
	_ =	sdelay $0x1  }
0xd7: {  	v3 =	vadd.s32 v1, v3;
	_ =	sdelay $0x2  }
0xd8: {  	[tilespmem:s24], [sflag:$0x2] =	stream.indirect_vreg.gather [hbm4b:s8+s2], $0x80, v4, vm0, $0xb8;
	[tilespmem:$0xA100] =	vst v63  }
0xd9: {  	_ = 	snop  }
0xda: {  	[tilespmem:s25], [sflag:$0x2] =	stream.indirect_vreg.gather [hbm4b:s8+s2], $0x80, v3, vm0, $0xb8;
	[tilespmem:$0xA100] =	vst v63  }
0xdb: {  	v3 =	vld [tilespmem:$0x90];
	_ =	sdelay $0x4  }
0xdc: {  	v60 =	vshll.u32 v3, $0x1  }
0xdd: {  	v3 =	vand.u32 $0x7, v3;
	v4 =	vand.u32 $0xFFFFFFF0, v60  }
0xde: {  	v3 =	vor.u32 v3, v4  }
0xdf: {  	v4 =	vperm.xlane v3, v0;
	_ =	sdelay $0x1  }
0xe0: {  	v3 =	vperm.xlane v3, v2;
	v4 =	vadd.s32 v1, v4;
	_ =	sdelay $0x1  }
0xe1: {  	v3 =	vadd.s32 v1, v3;
	_ =	sdelay $0x2  }
0xe2: {  	[tilespmem:s26], [sflag:$0x2] =	stream.indirect_vreg.gather [hbm4b:s8+s2], $0x80, v4, vm0, $0xb8;
	[tilespmem:$0xA100] =	vst v63  }
0xe3: {  	_ = 	snop  }
0xe4: {  	[tilespmem:s28], [sflag:$0x2] =	stream.indirect_vreg.gather [hbm4b:s8+s2], $0x80, v3, vm0, $0xb8;
	[tilespmem:$0xA100] =	vst v63  }
0xe5: {  	v3 =	vld [tilespmem:$0xA0];
	_ =	sdelay $0x4  }
0xe6: {  	v61 =	vshll.u32 v3, $0x1  }
0xe7: {  	v3 =	vand.u32 $0x7, v3;
	v4 =	vand.u32 $0xFFFFFFF0, v61  }
0xe8: {  	v3 =	vor.u32 v3, v4  }
0xe9: {  	v4 =	vperm.xlane v3, v0;
	_ =	sdelay $0x1  }
0xea: {  	v3 =	vperm.xlane v3, v2;
	v4 =	vadd.s32 v1, v4;
	_ =	sdelay $0x1  }
0xeb: {  	v3 =	vadd.s32 v1, v3;
	_ =	sdelay $0x2  }
0xec: {  	[tilespmem:s29], [sflag:$0x2] =	stream.indirect_vreg.gather [hbm4b:s8+s2], $0x80, v4, vm0, $0xb8;
	[tilespmem:$0xA100] =	vst v63  }
0xed: {  	_ = 	snop  }
0xee: {  	[tilespmem:s30], [sflag:$0x2] =	stream.indirect_vreg.gather [hbm4b:s8+s2], $0x80, v3, vm0, $0xb8;
	[tilespmem:$0xA100] =	vst v63  }
0xef: {  	v3 =	vld [tilespmem:$0xB0];
	_ =	sdelay $0x4  }
0xf0: {  	v62 =	vshll.u32 v3, $0x1  }
0xf1: {  	v3 =	vand.u32 $0x7, v3;
	v4 =	vand.u32 $0xFFFFFFF0, v62  }
0xf2: {  	v3 =	vor.u32 v3, v4  }
0xf3: {  	v4 =	vperm.xlane v3, v0;
	_ =	sdelay $0x1  }
0xf4: {  	v3 =	vperm.xlane v3, v2;
	v4 =	vadd.s32 v1, v4;
	_ =	sdelay $0x1  }
0xf5: {  	v3 =	vadd.s32 v1, v3;
	_ =	sdelay $0x2  }
0xf6: {  	[tilespmem:s31], [sflag:$0x2] =	stream.indirect_vreg.gather [hbm4b:s8+s2], $0x80, v4, vm0, $0xb8;
	[tilespmem:$0xA100] =	vst v63  }
0xf7: {  	_ = 	snop  }
0xf8: {  	[tilespmem:s1], [sflag:$0x2] =	stream.indirect_vreg.gather [hbm4b:s8+s2], $0x80, v3, vm0, $0xb8;
	[tilespmem:$0xA100] =	vst v63  }
0xf9: {  	v3 =	vld [tilespmem:$0xC0];
	_ =	sdelay $0x4  }
0xfa: {  	v63 =	vshll.u32 v3, $0x1  }
0xfb: {  	v3 =	vand.u32 $0x7, v3;
	v4 =	vand.u32 $0xFFFFFFF0, v63  }
0xfc: {  	v3 =	vor.u32 v3, v4  }
0xfd: {  	v4 =	vperm.xlane v3, v0;
	_ =	sdelay $0x1  }
0xfe: {  	v3 =	vperm.xlane v3, v2;
	v4 =	vadd.s32 v1, v4;
	_ =	sdelay $0x1  }
0xff: {  	v3 =	vadd.s32 v1, v3;
	_ =	sdelay $0x2  }
0x100: {  	[tilespmem:s0], [sflag:$0x2] =	stream.indirect_vreg.gather [hbm4b:s8+s2], $0x80, v4, vm0, $0xb8;
	[tilespmem:$0xA100] =	vst v63  }
0x101: {  	_ = 	snop  }
0x102: {  	[tilespmem:s10], [sflag:$0x2] =	stream.indirect_vreg.gather [hbm4b:s8+s2], $0x80, v3, vm0, $0xb8;
	[tilespmem:$0xA100] =	vst v63  }
0x103: {  	_ =	swait.ge [sflag:s7], $0x2800  }
0x104: {  	[sflag:s7] =	ssyncset.done $0x0  }
0x105: {  	[sflag:s7] =	ssyncadd.s32 $0xFFFFD800  }
0x106: {  	s18 =	sadd.s32 s3, s17;
	_ =	swait.ge [sflag:s7], $0x2800  }
0x107: {  	s17 =	sshll.u32 s18, $0x5;
	[sflag:s7] =	ssyncset.done $0x0  }
.Ltmp4:
0x108: {  	s17 =	sadd.s32 s6, s17;
	[sflag:s7] =	ssyncadd.s32 $0xFFFFD800;
	(pc) =	sbr.rel @!p1 .LBB2_4-.Ltmp4, $4  }
0x109: {  	[hbm4b:s17+s2] =	stream.linear.scatter [tilespmem:s13], [sflag:$0x4], $0x5000, $0x38;
	[tilespmem:$0xA100] =	vst v63  }
0x10a: {  	_ =	swait.ge [sflag:s11], $0x5000  }
0x10b: {  	[sflag:s11] =	ssyncset.done $0x0  }
0x10c: {  	p0 =	por p1, p1;
	[sflag:s11] =	ssyncadd.s32 $0xFFFFB000  }
0x10d: {  	s17 =	rddreg [dreg:$0x3]  }
0x10e: {  	[tilespmem:s2], [sflag:$0x4] =	stream.linear.gather [hbm4b:s17+s2], $0x50, $0x38;
	[tilespmem:$0xA100] =	vst v63  }
0x10f: {  	_ =	swait.ge [sflag:s11], $0x50  }
0x110: {  	[sflag:s11] =	ssyncset.done $0x0  }
0x111: {  	[sflag:s11] =	ssyncadd.s32 $0xFFFFFFB0  }
0x112: {  	v3 =	vld [tilespmem:$0x0];
	_ =	sdelay $0x4  }
0x113: {  	v4 =	vshll.u32 v3, $0x1  }
0x114: {  	v3 =	vand.u32 $0x7, v3;
	v4 =	vand.u32 $0xFFFFFFF0, v4  }
0x115: {  	v3 =	vor.u32 v3, v4  }
0x116: {  	v4 =	vperm.xlane v3, v0;
	_ =	sdelay $0x1  }
0x117: {  	v3 =	vperm.xlane v3, v2;
	v4 =	vadd.s32 v1, v4;
	_ =	sdelay $0x1  }
0x118: {  	v3 =	vadd.s32 v1, v3;
	_ =	sdelay $0x2  }
0x119: {  	[tilespmem:s13], [sflag:$0x1] =	stream.indirect_vreg.gather [hbm4b:s4+s2], $0x80, v4, vm0, $0xb8;
	[tilespmem:$0xA100] =	vst v63  }
0x11a: {  	s18 =	simm.s32 $0x900  }
0x11b: {  	[tilespmem:s18], [sflag:$0x1] =	stream.indirect_vreg.gather [hbm4b:s4+s2], $0x80, v3, vm0, $0xb8;
	[tilespmem:$0xA100] =	vst v63  }
0x11c: {  	v3 =	vld [tilespmem:$0x10];
	_ =	sdelay $0x4  }
0x11d: {  	v55 =	vshll.u32 v3, $0x1  }
0x11e: {  	v3 =	vand.u32 $0x7, v3;
	v4 =	vand.u32 $0xFFFFFFF0, v55  }
0x11f: {  	v3 =	vor.u32 v3, v4  }
0x120: {  	v4 =	vperm.xlane v3, v0;
	_ =	sdelay $0x1  }
0x121: {  	v3 =	vperm.xlane v3, v2;
	v4 =	vadd.s32 v1, v4;
	_ =	sdelay $0x1  }
0x122: {  	v3 =	vadd.s32 v1, v3;
	_ =	sdelay $0x1  }
0x123: {  	s18 =	simm.s32 $0x1100  }
0x124: {  	[tilespmem:s18], [sflag:$0x1] =	stream.indirect_vreg.gather [hbm4b:s4+s2], $0x80, v4, vm0, $0xb8;
	[tilespmem:$0xA100] =	vst v63  }
0x125: {  	s18 =	simm.s32 $0x1900  }
0x126: {  	[tilespmem:s18], [sflag:$0x1] =	stream.indirect_vreg.gather [hbm4b:s4+s2], $0x80, v3, vm0, $0xb8;
	[tilespmem:$0xA100] =	vst v63  }
0x127: {  	v3 =	vld [tilespmem:$0x20];
	_ =	sdelay $0x4  }
0x128: {  	v56 =	vshll.u32 v3, $0x1  }
0x129: {  	v3 =	vand.u32 $0x7, v3;
	v4 =	vand.u32 $0xFFFFFFF0, v56  }
0x12a: {  	v3 =	vor.u32 v3, v4  }
0x12b: {  	v4 =	vperm.xlane v3, v0;
	_ =	sdelay $0x1  }
0x12c: {  	v3 =	vperm.xlane v3, v2;
	v4 =	vadd.s32 v1, v4;
	_ =	sdelay $0x1  }
0x12d: {  	v3 =	vadd.s32 v1, v3;
	_ =	sdelay $0x1  }
0x12e: {  	s18 =	simm.s32 $0x2100  }
0x12f: {  	[tilespmem:s18], [sflag:$0x1] =	stream.indirect_vreg.gather [hbm4b:s4+s2], $0x80, v4, vm0, $0xb8;
	[tilespmem:$0xA100] =	vst v63  }
0x130: {  	s18 =	simm.s32 $0x2900  }
0x131: {  	[tilespmem:s18], [sflag:$0x1] =	stream.indirect_vreg.gather [hbm4b:s4+s2], $0x80, v3, vm0, $0xb8;
	[tilespmem:$0xA100] =	vst v63  }
0x132: {  	v3 =	vld [tilespmem:$0x30];
	_ =	sdelay $0x4  }
0x133: {  	v57 =	vshll.u32 v3, $0x1  }
0x134: {  	v3 =	vand.u32 $0x7, v3;
	v4 =	vand.u32 $0xFFFFFFF0, v57  }
0x135: {  	v3 =	vor.u32 v3, v4  }
0x136: {  	v4 =	vperm.xlane v3, v0;
	_ =	sdelay $0x1  }
0x137: {  	v3 =	vperm.xlane v3, v2;
	v4 =	vadd.s32 v1, v4;
	_ =	sdelay $0x1  }
0x138: {  	v3 =	vadd.s32 v1, v3;
	_ =	sdelay $0x1  }
0x139: {  	s18 =	simm.s32 $0x3100  }
0x13a: {  	[tilespmem:s18], [sflag:$0x1] =	stream.indirect_vreg.gather [hbm4b:s4+s2], $0x80, v4, vm0, $0xb8;
	[tilespmem:$0xA100] =	vst v63  }
0x13b: {  	s18 =	simm.s32 $0x3900  }
0x13c: {  	[tilespmem:s18], [sflag:$0x1] =	stream.indirect_vreg.gather [hbm4b:s4+s2], $0x80, v3, vm0, $0xb8;
	[tilespmem:$0xA100] =	vst v63  }
0x13d: {  	v3 =	vld [tilespmem:$0x40];
	_ =	sdelay $0x4  }
0x13e: {  	v58 =	vshll.u32 v3, $0x1  }
0x13f: {  	v3 =	vand.u32 $0x7, v3;
	v4 =	vand.u32 $0xFFFFFFF0, v58  }
0x140: {  	v3 =	vor.u32 v3, v4  }
0x141: {  	v4 =	vperm.xlane v3, v0;
	_ =	sdelay $0x1  }
0x142: {  	v3 =	vperm.xlane v3, v2;
	v4 =	vadd.s32 v1, v4;
	_ =	sdelay $0x1  }
0x143: {  	v3 =	vadd.s32 v1, v3;
	_ =	sdelay $0x1  }
0x144: {  	s18 =	simm.s32 $0x4100  }
0x145: {  	[tilespmem:s18], [sflag:$0x1] =	stream.indirect_vreg.gather [hbm4b:s4+s2], $0x80, v4, vm0, $0xb8;
	[tilespmem:$0xA100] =	vst v63  }
0x146: {  	s18 =	simm.s32 $0x4900  }
0x147: {  	[tilespmem:s18], [sflag:$0x1] =	stream.indirect_vreg.gather [hbm4b:s4+s2], $0x80, v3, vm0, $0xb8;
	[tilespmem:$0xA100] =	vst v63  }
0x148: {  	v3 =	vld [tilespmem:$0x0];
	_ =	sdelay $0x4  }
0x149: {  	v59 =	vshll.u32 v3, $0x1  }
0x14a: {  	v3 =	vand.u32 $0x7, v3;
	v4 =	vand.u32 $0xFFFFFFF0, v59  }
0x14b: {  	v3 =	vor.u32 v3, v4  }
0x14c: {  	v4 =	vperm.xlane v3, v0;
	_ =	sdelay $0x1  }
0x14d: {  	v3 =	vperm.xlane v3, v2;
	v4 =	vadd.s32 v1, v4;
	_ =	sdelay $0x1  }
0x14e: {  	v3 =	vadd.s32 v1, v3;
	_ =	sdelay $0x1  }
0x14f: {  	s18 =	simm.s32 $0x500  }
0x150: {  	[tilespmem:s18], [sflag:$0x1] =	stream.indirect_vreg.gather [hbm4b:s8+s2], $0x80, v4, vm0, $0xb8;
	[tilespmem:$0xA100] =	vst v63  }
0x151: {  	s18 =	simm.s32 $0xD00  }
0x152: {  	[tilespmem:s18], [sflag:$0x1] =	stream.indirect_vreg.gather [hbm4b:s8+s2], $0x80, v3, vm0, $0xb8;
	[tilespmem:$0xA100] =	vst v63  }
0x153: {  	v3 =	vld [tilespmem:$0x10];
	_ =	sdelay $0x4  }
0x154: {  	v60 =	vshll.u32 v3, $0x1  }
0x155: {  	v3 =	vand.u32 $0x7, v3;
	v4 =	vand.u32 $0xFFFFFFF0, v60  }
0x156: {  	v3 =	vor.u32 v3, v4  }
0x157: {  	v4 =	vperm.xlane v3, v0;
	_ =	sdelay $0x1  }
0x158: {  	v3 =	vperm.xlane v3, v2;
	v4 =	vadd.s32 v1, v4;
	_ =	sdelay $0x1  }
0x159: {  	v3 =	vadd.s32 v1, v3;
	_ =	sdelay $0x1  }
0x15a: {  	s18 =	simm.s32 $0x1500  }
0x15b: {  	[tilespmem:s18], [sflag:$0x1] =	stream.indirect_vreg.gather [hbm4b:s8+s2], $0x80, v4, vm0, $0xb8;
	[tilespmem:$0xA100] =	vst v63  }
0x15c: {  	s18 =	simm.s32 $0x1D00  }
0x15d: {  	[tilespmem:s18], [sflag:$0x1] =	stream.indirect_vreg.gather [hbm4b:s8+s2], $0x80, v3, vm0, $0xb8;
	[tilespmem:$0xA100] =	vst v63  }
0x15e: {  	v3 =	vld [tilespmem:$0x20];
	_ =	sdelay $0x4  }
0x15f: {  	v61 =	vshll.u32 v3, $0x1  }
0x160: {  	v3 =	vand.u32 $0x7, v3;
	v4 =	vand.u32 $0xFFFFFFF0, v61  }
0x161: {  	v3 =	vor.u32 v3, v4  }
0x162: {  	v4 =	vperm.xlane v3, v0;
	_ =	sdelay $0x1  }
0x163: {  	v3 =	vperm.xlane v3, v2;
	v4 =	vadd.s32 v1, v4;
	_ =	sdelay $0x1  }
0x164: {  	v3 =	vadd.s32 v1, v3;
	_ =	sdelay $0x1  }
0x165: {  	s18 =	simm.s32 $0x2500  }
0x166: {  	[tilespmem:s18], [sflag:$0x1] =	stream.indirect_vreg.gather [hbm4b:s8+s2], $0x80, v4, vm0, $0xb8;
	[tilespmem:$0xA100] =	vst v63  }
0x167: {  	s18 =	simm.s32 $0x2D00  }
0x168: {  	[tilespmem:s18], [sflag:$0x1] =	stream.indirect_vreg.gather [hbm4b:s8+s2], $0x80, v3, vm0, $0xb8;
	[tilespmem:$0xA100] =	vst v63  }
0x169: {  	v3 =	vld [tilespmem:$0x30];
	_ =	sdelay $0x4  }
0x16a: {  	v62 =	vshll.u32 v3, $0x1  }
0x16b: {  	v3 =	vand.u32 $0x7, v3;
	v4 =	vand.u32 $0xFFFFFFF0, v62  }
0x16c: {  	v3 =	vor.u32 v3, v4  }
0x16d: {  	v4 =	vperm.xlane v3, v0;
	_ =	sdelay $0x1  }
0x16e: {  	v3 =	vperm.xlane v3, v2;
	v4 =	vadd.s32 v1, v4;
	_ =	sdelay $0x1  }
0x16f: {  	v3 =	vadd.s32 v1, v3;
	_ =	sdelay $0x1  }
0x170: {  	s18 =	simm.s32 $0x3500  }
0x171: {  	[tilespmem:s18], [sflag:$0x1] =	stream.indirect_vreg.gather [hbm4b:s8+s2], $0x80, v4, vm0, $0xb8;
	[tilespmem:$0xA100] =	vst v63  }
0x172: {  	s18 =	simm.s32 $0x3D00  }
0x173: {  	[tilespmem:s18], [sflag:$0x1] =	stream.indirect_vreg.gather [hbm4b:s8+s2], $0x80, v3, vm0, $0xb8;
	[tilespmem:$0xA100] =	vst v63  }
0x174: {  	v3 =	vld [tilespmem:$0x40];
	_ =	sdelay $0x4  }
0x175: {  	v63 =	vshll.u32 v3, $0x1  }
0x176: {  	v3 =	vand.u32 $0x7, v3;
	v4 =	vand.u32 $0xFFFFFFF0, v63  }
0x177: {  	v3 =	vor.u32 v3, v4  }
0x178: {  	v4 =	vperm.xlane v3, v0;
	_ =	sdelay $0x1  }
0x179: {  	v3 =	vperm.xlane v3, v2;
	v4 =	vadd.s32 v1, v4;
	_ =	sdelay $0x1  }
0x17a: {  	v3 =	vadd.s32 v1, v3  }
.Ltmp5:
0x17b: {  	_ = 	snop;
	(pc) =	sbr.rel .LBB2_4-.Ltmp5, $4  }
0x17c: {  	s18 =	simm.s32 $0x4500  }
0x17d: {  	[tilespmem:s18], [sflag:$0x1] =	stream.indirect_vreg.gather [hbm4b:s8+s2], $0x80, v4, vm0, $0xb8;
	[tilespmem:$0xA100] =	vst v63  }
0x17e: {  	s18 =	simm.s32 $0x4D00  }
0x17f: {  	[tilespmem:s18], [sflag:$0x1] =	stream.indirect_vreg.gather [hbm4b:s8+s2], $0x80, v3, vm0, $0xb8;
	[tilespmem:$0xA100] =	vst v63  }
.LBB2_6:
0x180: {  	_ =	sfence.sel $0x180000  }
0x181: {  	[bflag:$0x0] =	sbarrier.arrive $0xFFFF  }
0x182: {  	_ =	strace $0x90000050  }
0x183: {  	s0 =	stileid.u32;
	[bflag:$0x2] =	sbarrier.arrive $0xFFFF  }
0x184: {  	p0 =	sne.s32 s0, $0x0;
	s0 =	rddreg [dreg:$0x1]  }
0x185: {  	s0 =	sadd.s32 @!p0 $0x100000, s0  }
0x186: {  	[sflag:s0] =	ssyncadd.tile.s32 @!p0 $0x1;
	_ =	shalt  }
.Lfunc_end2:
_tile_overlayer_lowered:
.L_overlay_start_2:
0x187: {  	(tag) =	ssettag $0x2  }
0x188: {  	s0 =	rddreg [dreg:$0x0];
	s2 =	stileid.u32  }
0x189: {  	s1 =	rddreg [dreg:$0x1];
	p0 =	sne.s32 s2, $0x0  }
0x18a: {  	s3 =	rddreg [dreg:$0x2];
	[bflag:$0x3] =	sbarrier.arrive $0xFFFF;
	s2 =	simm.s32 @!p0 $0x1C03  }
0x18b: {  	[timem:s3], [sflag:s2] =	dma.local @!p0 [hbm:s0], s1  }
0x18c: {  	s0 =	simm.s32 @!p0 $0x3  }
0x18d: {  	_ =	swait.ge @!p0 [sflag:s0], s1  }
0x18e: {  	s1 =	ssub.s32 @!p0 $0x0, s1;
	[sflag:s0] =	ssyncset.done @!p0 $0x0  }
0x18f: {  	[sflag:s0] =	ssyncadd.s32 @!p0 s1  }
0x190: {  	[bflag:$0x3] =	sbarrier.arrive $0xFFFF  }
0x191: {  	_ =	shalt  }

// kernel: kernel.25.cloned.1.call-start
scs
__scs_entry_jumppad:
0x0: {  	(pc) =	sbr.rel $0x88, $3  }
0x1: {  	(tag) =	ssettag $0x0;
	lr =	simm.s32 $0x1  }
0x2: {  	[smem:$0x3F9D] =	sst lr;
	_ =	strace $0xD0000000  }
0x3: {  	_ = 	snop  }
0x4: {  	_ = 	snop  }
0x5: {  	_ = 	snop  }
0x6: {  	_ = 	snop  }
0x7: {  	_ = 	snop  }
__scs_overlays_trampoline_lowered:
0x8: {  	[smem:$0x3FAC] =	sst s0  }
0x9: {  	[smem:$0x3FAD] =	sst s1  }
0xa: {  	[smem:$0x3FAE] =	sst s2  }
0xb: {  	[smem:$0x3FAF] =	sst s3  }
0xc: {  	[smem:$0x3FB0] =	sst s4  }
0xd: {  	[smem:$0x3FB1] =	sst s5  }
0xe: {  	[smem:$0x3FB2] =	sst s6  }
0xf: {  	[smem:$0x3FB3] =	sst s7  }
0x10: {  	[smem:$0x3FB4] =	sst s8  }
0x11: {  	[smem:$0x3FB5] =	sst s9;
	s0 =	simm.s32 @!p0 $0x0  }
0x12: {  	s1 =	sld [smem:$0x3F9B];
	s0 =	simm.s32 @p0 $0x1  }
0x13: {  	[smem:$0x3FB6] =	sst s0;
	s0 =	simm.s32 @!p1 $0x0  }
0x14: {  	s2 =	sld [smem:$0x3F9A];
	s0 =	simm.s32 @p1 $0x1  }
0x15: {  	[smem:$0x3FB7] =	sst s0;
	s0 =	simm.s32 @!p2 $0x0  }
0x16: {  	s3 =	sld [smem:$0x3FDB];
	s0 =	simm.s32 @p2 $0x1  }
0x17: {  	s4 =	simm.s32 $0x1BF5;
	[smem:$0x3FB9] =	sst s0  }
0x18: {  	s0 =	sld [smem:$0x3F9C];
	_ =	swait.ge [sflag:s4], $0x0  }
0x19: {  	s7 =	sld [smem:$0x3F9D]  }
0x1a: {  	s8 =	sadd.s32 $0xFFFFE003, lr  }
0x1b: {  	s9 =	sadd.s32 $0xFFFFFEF7, lr;
	s5 =	simm.s32 $0xFFFFFFFF;
	p2 =	slt.u32 s8, $0xFFFFF086  }
0x1c: {  	p1 =	slt.u32 s9, $0xF7A;
	s5 =	simm.s32 @!p2 $0x0  }
0x1d: {  	s5 =	simm.s32 @p1 $0x1;
	p0 =	seq.s32 s7, s2  }
0x1e: {  	s7 =	smul.u32 @!p0 $0xF7A, s2;
	p2 =	seq.s32 @!p0 s5, $0x0  }
0x1f: {  	s9 =	smul.u32 $0xF7A, s1;
	s8 =	simm.s32 @!p0 $0x1BF5;
	p2 =	por !p2, p0  }
0x20: {  	[sflag:s8] =	ssyncset.s32 @!p0 $0xFFFFF086;
	s6 =	sadd.s32 @!p0 s3, s7;
	s7 =	simm.s32 @!p0 $0x108  }
0x21: {  	s3 =	sadd.s32 s3, s9;
	s6 =	sadd.s32 @!p0 $0x88, s6;
	s7 =	simm.s32 @p2 $0x1082  }
0x22: {  	[simem:s7], [sflag:s8] =	dma.local @!p0 [hbm:s6], $0xF7A  }
0x23: {  	s9 =	sor.u32 $0xD0000000, s2;
	s6 =	simm.s32 $0x108;
	_ =	swait.ge @!p0 [sflag:s8], $0x0  }
0x24: {  	s3 =	sadd.s32 $0x88, s3;
	s6 =	simm.s32 @!p1 $0x1082;
	[sflag:s4] =	ssyncset.s32 $0xFFFFF086  }
0x25: {  	[simem:s6], [sflag:s4] =	dma.local [hbm:s3], $0xF7A  }
0x26: {  	[smem:$0x3F9D] =	sst s1;
	(tag) =	ssettag s2;
	_ =	strace s9  }
0x27: {  	s1 =	sld [smem:$0x3FAD]  }
0x28: {  	s2 =	sld [smem:$0x3FAE]  }
0x29: {  	s4 =	sld [smem:$0x3FB0]  }
0x2a: {  	p0 =	seq.s32 s5, $0x0;
	s5 =	sld [smem:$0x3FB1]  }
0x2b: {  	s6 =	sld [smem:$0x3FB2]  }
0x2c: {  	s7 =	sld [smem:$0x3FB3]  }
0x2d: {  	s3 =	simm.s32 $0x108;
	s8 =	sld [smem:$0x3FB4]  }
0x2e: {  	s3 =	simm.s32 @!p0 $0x1082;
	s9 =	sld [smem:$0x3FB5]  }
0x2f: {  	lr =	sadd.s32 s0, s3;
	s0 =	sld [smem:$0x3FAC]  }
0x30: {  	s3 =	sld [smem:$0x3FAF]  }
0x31: {  	[smem:$0x3FB8] =	sst s10  }
0x32: {  	s10 =	sld [smem:$0x3FB6];
	_ =	sdelay $0x3  }
0x33: {  	p0 =	seq.s32 s10, $0x1;
	s10 =	sld [smem:$0x3FB8];
	_ =	sdelay $0x3  }
0x34: {  	[smem:$0x3FB8] =	sst s10  }
0x35: {  	s10 =	sld [smem:$0x3FB7];
	_ =	sdelay $0x3  }
0x36: {  	p1 =	seq.s32 s10, $0x1;
	s10 =	sld [smem:$0x3FB8];
	_ =	sdelay $0x3  }
0x37: {  	[smem:$0x3FB8] =	sst s10  }
0x38: {  	s10 =	sld [smem:$0x3FB9]  }
0x39: {  	_ = 	snop;
	(pc) =	sbr.ind lr, $3  }
0x3a: {  	_ = 	snop  }
0x3b: {  	_ = 	snop  }
0x3c: {  	p2 =	seq.s32 s10, $0x1;
	s10 =	sld [smem:$0x3FB8]  }
0x3d: {  	_ =	shalt  }
0x3e: {  	_ =	shalt  }
0x3f: {  	_ =	shalt  }
0x40: {  	_ =	shalt  }
0x41: {  	_ =	shalt  }
0x42: {  	_ =	shalt  }
0x43: {  	_ =	shalt  }
0x44: {  	_ =	shalt  }
0x45: {  	_ =	shalt  }
0x46: {  	_ =	shalt  }
0x47: {  	_ =	shalt  }
0x48: {  	_ =	shalt  }
0x49: {  	_ =	shalt  }
0x4a: {  	_ =	shalt  }
0x4b: {  	_ =	shalt  }
0x4c: {  	_ =	shalt  }
0x4d: {  	_ =	shalt  }
0x4e: {  	_ =	shalt  }
0x4f: {  	_ =	shalt  }
0x50: {  	_ =	shalt  }
0x51: {  	_ =	shalt  }
0x52: {  	_ =	shalt  }
0x53: {  	_ =	shalt  }
0x54: {  	_ =	shalt  }
0x55: {  	_ =	shalt  }
0x56: {  	_ =	shalt  }
0x57: {  	_ =	shalt  }
0x58: {  	_ =	shalt  }
0x59: {  	_ =	shalt  }
0x5a: {  	_ =	shalt  }
0x5b: {  	_ =	shalt  }
0x5c: {  	_ =	shalt  }
0x5d: {  	_ =	shalt  }
0x5e: {  	_ =	shalt  }
0x5f: {  	_ =	shalt  }
0x60: {  	_ =	shalt  }
0x61: {  	_ =	shalt  }
0x62: {  	_ =	shalt  }
0x63: {  	_ =	shalt  }
0x64: {  	_ =	shalt  }
0x65: {  	_ =	shalt  }
0x66: {  	_ =	shalt  }
0x67: {  	_ =	shalt  }
0x68: {  	_ =	shalt  }
0x69: {  	_ =	shalt  }
0x6a: {  	_ =	shalt  }
0x6b: {  	_ =	shalt  }
0x6c: {  	_ =	shalt  }
0x6d: {  	_ =	shalt  }
0x6e: {  	_ =	shalt  }
0x6f: {  	_ =	shalt  }
0x70: {  	_ =	shalt  }
0x71: {  	_ =	shalt  }
0x72: {  	_ =	shalt  }
0x73: {  	_ =	shalt  }
0x74: {  	_ =	shalt  }
0x75: {  	_ =	shalt  }
0x76: {  	_ =	shalt  }
0x77: {  	_ =	shalt  }
0x78: {  	_ =	shalt  }
0x79: {  	_ =	shalt  }
0x7a: {  	_ =	shalt  }
0x7b: {  	_ =	shalt  }
0x7c: {  	_ =	shalt  }
0x7d: {  	_ =	shalt  }
0x7e: {  	_ =	shalt  }
0x7f: {  	_ =	shalt  }
0x80: {  	_ =	shalt  }
0x81: {  	_ =	shalt  }
0x82: {  	_ =	shalt  }
0x83: {  	_ =	shalt  }
0x84: {  	_ =	shalt  }
0x85: {  	_ =	shalt  }
0x86: {  	_ =	shalt  }
0x87: {  	_ =	shalt  }
.Lfunc_end0:
.L_simem_size_0:
called_computation.4_lowered:
.L_overlay_start_0:
0x88: {  	s2 =	sld [smem:$0x3FD9]  }
0x89: {  	s3 =	sld [smem:$0x3FFE];
	_ =	sdelay $0x1  }
0x8a: {  	s1 =	srdreg.scid  }
0x8b: {  	s0 =	sand.u32 $0x1, s1  }
0x8c: {  	s17 =	sshll.u32 s0, $0xA;
	s2 =	sadd.s32 s3, s2  }
0x8d: {  	s2 =	sadd.s32 s2, s17  }
0x8e: {  	[smem:$0x3FC4] =	sst s2  }
0x8f: {  	_ = 	snop  }
0x90: {  	(tm) =	ssettm $0x1  }
0x91: {  	s18 =	sld [smem:$0x3FFB];
	_ =	sdelay $0x3  }
0x92: {  	_ =	strace s18  }
0x93: {  	s2 =	sld [smem:$0x3FFC];
	_ =	sdelay $0x3  }
0x94: {  	_ =	strace s2  }
0x95: {  	s2 =	sld [smem:$0x3FFD];
	_ =	sdelay $0x3  }
0x96: {  	_ =	strace s2  }
0x97: {  	_ =	strace $0x8FFFFFFF  }
0x98: {  	s19 =	sld [smem:$0x3FDB];
	_ =	sdelay $0x1  }
0x99: {  	s20 =	simm.s32 $_scs_section_size  }
0x9a: {  	s4 =	simm.s32 $_size__tile_overlayer_lowered;
	s5 =	simm.s32 $_tile_overlayer_lowered  }
0x9b: {  	s6 =	simm.s32 $0x1BFF;
	s21 =	sshll.u32 s5, $0x1;
	s3 =	sadd.s32 s20, s19  }
0x9c: {  	s22 =	simm.s32 $0x0;
	s4 =	sshll.u32 s4, $0x1;
	s5 =	sadd.s32 s21, s3  }
0x9d: {  	[timem:s22], [sflag:s6] =	dma.local [hbm:s5], s4  }
0x9e: {  	_ =	swait.ge [sflag:s6], s4  }
0x9f: {  	s4 =	ssub.s32 $0x0, s4;
	[sflag:s6] =	ssyncset.done $0x0  }
0xa0: {  	[sflag:s6] =	ssyncadd.s32 s4;
	_ =	sdelay $0x1  }
0xa1: {  	s23 =	simm.s32 $0x1B8B  }
0xa2: {  	_ =	swait.ge [sflag:s23], $0x1  }
0xa3: {  	[sflag:s23] =	ssyncset.done $0x0  }
0xa4: {  	[sflag:s23] =	ssyncadd.s32 $0xFFFFFFFF  }
0xa5: {  	s4 =	sld [smem:$0x0]  }
0xa6: {  	s5 =	sand.u32 $0xFFFFFFFE, s1  }
0xa7: {  	p0 =	sne.s32 s1, s5  }
0xa8: {  	s5 =	sshll.u32 @p0 s5, $0xE  }
0xa9: {  	s5 =	sadd.s32 @p0 $0x11B8D, s5;
	s6 =	sshll.u32 @p0 s4, $0x11  }
0xaa: {  	s5 =	sor.u32 @p0 s6, s5  }
0xab: {  	[sflag:s5] =	ssyncadd.remote.s32 @p0 $0x1;
	_ =	sdelay $0x1  }
0xac: {  	s5 =	simm.s32 @p0 $0x1B8D  }
0xad: {  	_ =	swait.eq @p0 [sflag:s5], $0x1  }
0xae: {  	[sflag:s5] =	ssyncadd.s32 @p0 $0xFFFFFFFF  }
0xaf: {  	s6 =	sshll.u32 @!p0 s1, $0xE  }
0xb0: {  	s6 =	sor.u32 @!p0 $0x4000, s6;
	s5 =	simm.s32 @!p0 $0x1B8D  }
0xb1: {  	s4 =	sshll.u32 @!p0 s4, $0x11;
	s6 =	sadd.s32 @!p0 $0x11B8D, s6;
	_ =	swait.eq @!p0 [sflag:s5], $0x1  }
0xb2: {  	s4 =	sor.u32 @!p0 s4, s6;
	[sflag:s5] =	ssyncadd.s32 @!p0 $0xFFFFFFFF  }
0xb3: {  	s25 =	simm.s32 $0x1B8E;
	s24 =	sld [smem:$0x3FFE];
	[sflag:s4] =	ssyncadd.remote.s32 @!p0 $0x1  }
0xb4: {  	s26 =	simm.s32 $execute0_lowered;
	[smem:$0x3FD2] =	sst s25  }
0xb5: {  	s5 =	sshll.u32 s26, $0x1;
	_ =	strace $0x80000052;
	[dreg:$0x1] =	wrdreg $0xFFFFFFFF  }
0xb6: {  	s28 =	simm.s32 $_size_execute0_lowered;
	s3 =	sadd.s32 s3, s5;
	[dreg:$0x0] =	wrdreg $0x0  }
0xb7: {  	s5 =	sshll.u32 s28, $0x1;
	[dreg:$0x2] =	wrdreg s3  }
0xb8: {  	[dreg:$0x3] =	wrdreg s5  }
0xb9: {  	[dreg:$0x4] =	wrdreg $0xC0  }
0xba: {  	_ =	task [dreg:s22], $0x5FFFF  }
0xbb: {  	[dreg:$0x1] =	wrdreg $0xFFFFFFFF  }
0xbc: {  	[dreg:$0x0] =	wrdreg $0x60  }
0xbd: {  	[dreg:$0x2] =	wrdreg s24  }
0xbe: {  	[dreg:$0x3] =	wrdreg $0xD  }
0xbf: {  	_ =	task.clear_ibuf [dreg:s22], $0x4FFFF;
	_ =	strace $0x90000052  }
0xc0: {  	s29 =	simm.s32 $0xD;
	_ =	strace $0x80000054  }
0xc1: {  	_ =	swait.ge [sflag:s29], $0x1  }
0xc2: {  	[sflag:s29] =	ssyncadd.s32 $0xFFFFFFFF  }
0xc3: {  	_ =	strace $0x90000054  }
0xc4: {  	_ =	sfence  }
0xc5: {  	s30 =	sld [smem:$0x0];
	_ =	sdelay $0x2  }
0xc6: {  	s31 =	sshll.u32 s1, $0xD;
	s1 =	sshrl.u32 s1, $0x2  }
0xc7: {  	s4 =	sand.u32 $0x4000, s31;
	s1 =	sadd.s32 s1, s30  }
0xc8: {  	s0 =	sor.u32 s4, s0;
	s1 =	sshll.u32 s1, $0x11  }
0xc9: {  	s0 =	sor.u32 s1, s0  }
0xca: {  	s0 =	sadd.s32 $0x8F2B, s0  }
0xcb: {  	[sflag:s0] =	ssyncadd.remote.s32 $0x1  }
0xcc: {  	_ =	sfence.sel $0xFFFF  }
0xcd: {  	[dreg:$0x0] =	wrdreg $0xFFFFFFFF;
	(pc) =	sbr.abs _section_cstart, $3  }
0xce: {  	[dreg:$0x1] =	wrdreg $0xFFFFFFFF  }
0xcf: {  	_ =	task.clear_ibuf [dreg:s22], $0x2FFFF;
	_ =	strace $0x9FFFFFFF  }
0xd0: {  	(tm) =	ssettm $0x7FFFFFFF  }
0xd1: {  	_ =	shalt  }
tec
execute0_lowered:
.L_overlay_start_1:
0x0: {  	(tag) =	ssettag $0x1  }
0x1: {  	s0 =	srdreg.scid  }
0x2: {  	s2 =	stileid.u32;
	s1 =	rddreg [dreg:$0x0];
	s12 =	simm.s32 $0x3  }
0x3: {  	s13 =	simm.s32 $0x100;
	s11 =	simm.s32 $0x4;
	s14 =	simm.s32 $0x5100  }
0x4: {  	s20 =	simm.s32 $0x8100;
	s21 =	simm.s32 $0x8900;
	s22 =	simm.s32 $0x9100  }
0x5: {  	s23 =	simm.s32 $0x9900;
	s24 =	simm.s32 $0x5500;
	s28 =	simm.s32 $0x6D00  }
0x6: {  	s29 =	simm.s32 $0x7500;
	s30 =	simm.s32 $0x7D00;
	s31 =	simm.s32 $0x8500  }
0x7: {  	s10 =	simm.s32 $0x9D00;
	s15 =	simm.s32 $0x2;
	s17 =	simm.s32 $0x0  }
0x8: {  	s19 =	simm.s32 $0x80;
	s0 =	sand.u32 $0x1, s0;
	s3 =	sshll.u32 s2, $0x1  }
0x9: {  	s2 =	simm.s32 $0x0;
	s4 =	sadd.s32 $0x3C00, s1;
	s5 =	sadd.s32 $0x2200, s1  }
0xa: {  	s6 =	sadd.s32 $0x401000, s1;
	s3 =	sor.u32 s0, s3;
	s0 =	ssub.s32 $0x2, s0  }
0xb: {  	[smem:$0x7FF] =	sst s2;
	s3 =	smul.u32 $0x140, s3;
	s7 =	sshrl.u32 s0, $0x1  }
0xc: {  	_ =	strace $0x80000053;
	s0 =	ssub.s32 s0, s7;
	s7 =	simm.s32 $0x1  }
.Ltmp0:
0xd: {  	s8 =	sshrl.u32 s3, $0x3;
	s0 =	smax.u32 s0, $0x1;
	(pc) =	sbr.rel .LBB2_1-.Ltmp0, $4  }
0xe: {  	s9 =	sadd.s32 $0x50, s3;
	s25 =	sadd.s32 s5, s8;
	[dreg:$0x4] =	wrdreg s0  }
0xf: {  	v2 =	vlaneseq.u32;
	s0 =	simm.s32 $0x9500;
	s8 =	sadd.s32 $0x1400, s25;
	s26 =	sadd.s32 $0x1414, s25  }
0x10: {  	vm0 =	vmmov $0xff;
	v1 =	vshrl.u32 v2, $0x3;
	s25 =	simm.s32 $0x5D00;
	[dreg:$0x2] =	wrdreg s8;
	s8 =	sadd.s32 $0x3C80, s1  }
0x11: {  	v0 =	vand.u32 $0x7, v2;
	v2 =	vor.u32 $0x8, v2;
	v1 =	vmul.u32 $0x8, v1;
	[dreg:$0x3] =	wrdreg s26;
	s26 =	simm.s32 $0x6500;
	s1 =	simm.s32 $0x8D00  }
.LBB2_5:
0x12: {  	s17 =	rddreg [dreg:$0x5]  }
0x13: {  	s16 =	rddreg [dreg:$0x4];
	s17 =	sadd.s32 $0x1, s17  }
0x14: {  	p0 =	sne.s32 s17, s16  }
.Ltmp1:
0x15: {  	_ = 	snop;
	(pc) =	sbr.rel @!p0 .LBB2_6-.Ltmp1, $1  }
0x16: {  	_ =	sdelay $0x3  }
.LBB2_1:
0x17: {  	[dreg:$0x5] =	wrdreg s17  }
0x18: {  	s16 =	rddreg [dreg:$0x2]  }
0x19: {  	[tilespmem:s2], [sflag:$0x3] =	stream.linear.gather [hbm4b:s16+s2], $0x50, $0x38;
	[tilespmem:$0xA100] =	vst v63  }
0x1a: {  	_ =	swait.ge [sflag:s12], $0x50  }
0x1b: {  	[sflag:s12] =	ssyncset.done $0x0  }
0x1c: {  	[sflag:s12] =	ssyncadd.s32 $0xFFFFFFB0  }
0x1d: {  	v3 =	vld [tilespmem:$0x0];
	_ =	sdelay $0x4  }
0x1e: {  	v4 =	vshll.u32 v3, $0x1  }
0x1f: {  	v3 =	vand.u32 $0x7, v3;
	v4 =	vand.u32 $0xFFFFFFF0, v4  }
0x20: {  	v3 =	vor.u32 v3, v4  }
0x21: {  	v4 =	vperm.xlane v3, v0;
	_ =	sdelay $0x1  }
0x22: {  	v3 =	vperm.xlane v3, v2;
	v4 =	vadd.s32 v1, v4;
	_ =	sdelay $0x1  }
0x23: {  	v3 =	vadd.s32 v1, v3;
	_ =	sdelay $0x2  }
0x24: {  	[tilespmem:s13], [sflag:$0x1] =	stream.indirect_vreg.gather [hbm4b:s4+s2], $0x80, v4, vm0, $0xb8;
	[tilespmem:$0xA100] =	vst v63  }
0x25: {  	s18 =	simm.s32 $0x900  }
0x26: {  	[tilespmem:s18], [sflag:$0x1] =	stream.indirect_vreg.gather [hbm4b:s4+s2], $0x80, v3, vm0, $0xb8;
	[tilespmem:$0xA100] =	vst v63  }
0x27: {  	v3 =	vld [tilespmem:$0x10];
	_ =	sdelay $0x4  }
0x28: {  	v55 =	vshll.u32 v3, $0x1  }
0x29: {  	v3 =	vand.u32 $0x7, v3;
	v4 =	vand.u32 $0xFFFFFFF0, v55  }
0x2a: {  	v3 =	vor.u32 v3, v4  }
0x2b: {  	v4 =	vperm.xlane v3, v0;
	_ =	sdelay $0x1  }
0x2c: {  	v3 =	vperm.xlane v3, v2;
	v4 =	vadd.s32 v1, v4;
	_ =	sdelay $0x1  }
0x2d: {  	v3 =	vadd.s32 v1, v3;
	_ =	sdelay $0x1  }
0x2e: {  	s17 =	simm.s32 $0x1100  }
0x2f: {  	[tilespmem:s17], [sflag:$0x1] =	stream.indirect_vreg.gather [hbm4b:s4+s2], $0x80, v4, vm0, $0xb8;
	[tilespmem:$0xA100] =	vst v63  }
0x30: {  	s18 =	simm.s32 $0x1900  }
0x31: {  	[tilespmem:s18], [sflag:$0x1] =	stream.indirect_vreg.gather [hbm4b:s4+s2], $0x80, v3, vm0, $0xb8;
	[tilespmem:$0xA100] =	vst v63  }
0x32: {  	v3 =	vld [tilespmem:$0x20];
	_ =	sdelay $0x4  }
0x33: {  	v56 =	vshll.u32 v3, $0x1  }
0x34: {  	v3 =	vand.u32 $0x7, v3;
	v4 =	vand.u32 $0xFFFFFFF0, v56  }
0x35: {  	v3 =	vor.u32 v3, v4  }
0x36: {  	v4 =	vperm.xlane v3, v0;
	_ =	sdelay $0x1  }
0x37: {  	v3 =	vperm.xlane v3, v2;
	v4 =	vadd.s32 v1, v4;
	_ =	sdelay $0x1  }
0x38: {  	v3 =	vadd.s32 v1, v3;
	_ =	sdelay $0x1  }
0x39: {  	s17 =	simm.s32 $0x2100  }
0x3a: {  	[tilespmem:s17], [sflag:$0x1] =	stream.indirect_vreg.gather [hbm4b:s4+s2], $0x80, v4, vm0, $0xb8;
	[tilespmem:$0xA100] =	vst v63  }
0x3b: {  	s18 =	simm.s32 $0x2900  }
0x3c: {  	[tilespmem:s18], [sflag:$0x1] =	stream.indirect_vreg.gather [hbm4b:s4+s2], $0x80, v3, vm0, $0xb8;
	[tilespmem:$0xA100] =	vst v63  }
0x3d: {  	v3 =	vld [tilespmem:$0x30];
	_ =	sdelay $0x4  }
0x3e: {  	v57 =	vshll.u32 v3, $0x1  }
0x3f: {  	v3 =	vand.u32 $0x7, v3;
	v4 =	vand.u32 $0xFFFFFFF0, v57  }
0x40: {  	v3 =	vor.u32 v3, v4  }
0x41: {  	v4 =	vperm.xlane v3, v0;
	_ =	sdelay $0x1  }
0x42: {  	v3 =	vperm.xlane v3, v2;
	v4 =	vadd.s32 v1, v4;
	_ =	sdelay $0x1  }
0x43: {  	v3 =	vadd.s32 v1, v3;
	_ =	sdelay $0x1  }
0x44: {  	s17 =	simm.s32 $0x3100  }
0x45: {  	[tilespmem:s17], [sflag:$0x1] =	stream.indirect_vreg.gather [hbm4b:s4+s2], $0x80, v4, vm0, $0xb8;
	[tilespmem:$0xA100] =	vst v63  }
0x46: {  	s18 =	simm.s32 $0x3900  }
0x47: {  	[tilespmem:s18], [sflag:$0x1] =	stream.indirect_vreg.gather [hbm4b:s4+s2], $0x80, v3, vm0, $0xb8;
	[tilespmem:$0xA100] =	vst v63  }
0x48: {  	v3 =	vld [tilespmem:$0x40];
	_ =	sdelay $0x4  }
0x49: {  	v58 =	vshll.u32 v3, $0x1  }
0x4a: {  	v3 =	vand.u32 $0x7, v3;
	v4 =	vand.u32 $0xFFFFFFF0, v58  }
0x4b: {  	v3 =	vor.u32 v3, v4  }
0x4c: {  	v4 =	vperm.xlane v3, v0;
	_ =	sdelay $0x1  }
0x4d: {  	v3 =	vperm.xlane v3, v2;
	v4 =	vadd.s32 v1, v4;
	_ =	sdelay $0x1  }
0x4e: {  	v3 =	vadd.s32 v1, v3;
	_ =	sdelay $0x1  }
0x4f: {  	s17 =	simm.s32 $0x4100  }
0x50: {  	[tilespmem:s17], [sflag:$0x1] =	stream.indirect_vreg.gather [hbm4b:s4+s2], $0x80, v4, vm0, $0xb8;
	[tilespmem:$0xA100] =	vst v63  }
0x51: {  	s18 =	simm.s32 $0x4900  }
0x52: {  	[tilespmem:s18], [sflag:$0x1] =	stream.indirect_vreg.gather [hbm4b:s4+s2], $0x80, v3, vm0, $0xb8;
	[tilespmem:$0xA100] =	vst v63  }
0x53: {  	v3 =	vld [tilespmem:$0x0];
	_ =	sdelay $0x4  }
0x54: {  	v59 =	vshll.u32 v3, $0x1  }
0x55: {  	v3 =	vand.u32 $0x7, v3;
	v4 =	vand.u32 $0xFFFFFFF0, v59  }
0x56: {  	v3 =	vor.u32 v3, v4  }
0x57: {  	v4 =	vperm.xlane v3, v0;
	_ =	sdelay $0x1  }
0x58: {  	v3 =	vperm.xlane v3, v2;
	v4 =	vadd.s32 v1, v4;
	_ =	sdelay $0x1  }
0x59: {  	v3 =	vadd.s32 v1, v3;
	_ =	sdelay $0x1  }
0x5a: {  	s17 =	simm.s32 $0x500  }
0x5b: {  	[tilespmem:s17], [sflag:$0x1] =	stream.indirect_vreg.gather [hbm4b:s8+s2], $0x80, v4, vm0, $0xb8;
	[tilespmem:$0xA100] =	vst v63  }
0x5c: {  	s18 =	simm.s32 $0xD00  }
0x5d: {  	[tilespmem:s18], [sflag:$0x1] =	stream.indirect_vreg.gather [hbm4b:s8+s2], $0x80, v3, vm0, $0xb8;
	[tilespmem:$0xA100] =	vst v63  }
0x5e: {  	v3 =	vld [tilespmem:$0x10];
	_ =	sdelay $0x4  }
0x5f: {  	v60 =	vshll.u32 v3, $0x1  }
0x60: {  	v3 =	vand.u32 $0x7, v3;
	v4 =	vand.u32 $0xFFFFFFF0, v60  }
0x61: {  	v3 =	vor.u32 v3, v4  }
0x62: {  	v4 =	vperm.xlane v3, v0;
	_ =	sdelay $0x1  }
0x63: {  	v3 =	vperm.xlane v3, v2;
	v4 =	vadd.s32 v1, v4;
	_ =	sdelay $0x1  }
0x64: {  	v3 =	vadd.s32 v1, v3;
	_ =	sdelay $0x1  }
0x65: {  	s17 =	simm.s32 $0x1500  }
0x66: {  	[tilespmem:s17], [sflag:$0x1] =	stream.indirect_vreg.gather [hbm4b:s8+s2], $0x80, v4, vm0, $0xb8;
	[tilespmem:$0xA100] =	vst v63  }
0x67: {  	s18 =	simm.s32 $0x1D00  }
0x68: {  	[tilespmem:s18], [sflag:$0x1] =	stream.indirect_vreg.gather [hbm4b:s8+s2], $0x80, v3, vm0, $0xb8;
	[tilespmem:$0xA100] =	vst v63  }
0x69: {  	v3 =	vld [tilespmem:$0x20];
	_ =	sdelay $0x4  }
0x6a: {  	v61 =	vshll.u32 v3, $0x1  }
0x6b: {  	v3 =	vand.u32 $0x7, v3;
	v4 =	vand.u32 $0xFFFFFFF0, v61  }
0x6c: {  	v3 =	vor.u32 v3, v4  }
0x6d: {  	v4 =	vperm.xlane v3, v0;
	_ =	sdelay $0x1  }
0x6e: {  	v3 =	vperm.xlane v3, v2;
	v4 =	vadd.s32 v1, v4;
	_ =	sdelay $0x1  }
0x6f: {  	v3 =	vadd.s32 v1, v3;
	_ =	sdelay $0x1  }
0x70: {  	s17 =	simm.s32 $0x2500  }
0x71: {  	[tilespmem:s17], [sflag:$0x1] =	stream.indirect_vreg.gather [hbm4b:s8+s2], $0x80, v4, vm0, $0xb8;
	[tilespmem:$0xA100] =	vst v63  }
0x72: {  	s18 =	simm.s32 $0x2D00  }
0x73: {  	[tilespmem:s18], [sflag:$0x1] =	stream.indirect_vreg.gather [hbm4b:s8+s2], $0x80, v3, vm0, $0xb8;
	[tilespmem:$0xA100] =	vst v63  }
0x74: {  	v3 =	vld [tilespmem:$0x30];
	_ =	sdelay $0x4  }
0x75: {  	v62 =	vshll.u32 v3, $0x1  }
0x76: {  	v3 =	vand.u32 $0x7, v3;
	v4 =	vand.u32 $0xFFFFFFF0, v62  }
0x77: {  	v3 =	vor.u32 v3, v4  }
0x78: {  	v4 =	vperm.xlane v3, v0;
	_ =	sdelay $0x1  }
0x79: {  	v3 =	vperm.xlane v3, v2;
	v4 =	vadd.s32 v1, v4;
	_ =	sdelay $0x1  }
0x7a: {  	v3 =	vadd.s32 v1, v3;
	_ =	sdelay $0x1  }
0x7b: {  	s17 =	simm.s32 $0x3500  }
0x7c: {  	[tilespmem:s17], [sflag:$0x1] =	stream.indirect_vreg.gather [hbm4b:s8+s2], $0x80, v4, vm0, $0xb8;
	[tilespmem:$0xA100] =	vst v63  }
0x7d: {  	s18 =	simm.s32 $0x3D00  }
0x7e: {  	[tilespmem:s18], [sflag:$0x1] =	stream.indirect_vreg.gather [hbm4b:s8+s2], $0x80, v3, vm0, $0xb8;
	[tilespmem:$0xA100] =	vst v63  }
0x7f: {  	v3 =	vld [tilespmem:$0x40];
	_ =	sdelay $0x4  }
0x80: {  	v63 =	vshll.u32 v3, $0x1  }
0x81: {  	v3 =	vand.u32 $0x7, v3;
	v4 =	vand.u32 $0xFFFFFFF0, v63  }
0x82: {  	v3 =	vor.u32 v3, v4  }
0x83: {  	v4 =	vperm.xlane v3, v0;
	_ =	sdelay $0x1  }
0x84: {  	v3 =	vperm.xlane v3, v2;
	v4 =	vadd.s32 v1, v4;
	_ =	sdelay $0x1  }
0x85: {  	v3 =	vadd.s32 v1, v3  }
.Ltmp2:
0x86: {  	_ = 	snop;
	(pc) =	sbr.rel .LBB2_2-.Ltmp2, $4  }
0x87: {  	s17 =	simm.s32 $0x4500  }
0x88: {  	[tilespmem:s17], [sflag:$0x1] =	stream.indirect_vreg.gather [hbm4b:s8+s2], $0x80, v4, vm0, $0xb8;
	[tilespmem:$0xA100] =	vst v63  }
0x89: {  	p1 =	por $0x1, $0x1;
	s18 =	simm.s32 $0x4D00;
	s17 =	simm.s32 $0x0  }
0x8a: {  	[tilespmem:s18], [sflag:$0x1] =	stream.indirect_vreg.gather [hbm4b:s8+s2], $0x80, v3, vm0, $0xb8;
	[tilespmem:$0xA100] =	vst v63  }
.LBB2_4:
0x8b: {  	_ =	swait.ge [sflag:s15], $0x2800  }
0x8c: {  	[sflag:s15] =	ssyncset.done $0x0  }
0x8d: {  	[sflag:s15] =	ssyncadd.s32 $0xFFFFD800  }
0x8e: {  	_ =	swait.ge [sflag:s15], $0x2800  }
0x8f: {  	s16 =	sshll.u32 s16, $0x5;
	[sflag:s15] =	ssyncset.done $0x0  }
.Ltmp3:
0x90: {  	s16 =	sadd.s32 s6, s16;
	[sflag:s15] =	ssyncadd.s32 $0xFFFFD800;
	(pc) =	sbr.rel @!p0 .LBB2_5-.Ltmp3, $4  }
0x91: {  	[hbm4b:s16+s2] =	stream.linear.scatter [tilespmem:s14], [sflag:$0x3], $0x5000, $0x38;
	[tilespmem:$0xA100] =	vst v63  }
0x92: {  	_ =	swait.ge [sflag:s12], $0x5000  }
0x93: {  	[sflag:s12] =	ssyncset.done $0x0  }
0x94: {  	s17 =	simm.s32 $0xA0;
	p1 =	por $0x0, $0x0;
	[sflag:s12] =	ssyncadd.s32 $0xFFFFB000  }
.LBB2_2:
0x95: {  	s16 =	sadd.s32 s17, s9  }
0x96: {  	s18 =	sshrl.u32 s16, $0x3  }
0x97: {  	s18 =	sadd.s32 s5, s18  }
0x98: {  	s18 =	sadd.s32 $0x1400, s18  }
0x99: {  	[tilespmem:s19], [sflag:$0x4] =	stream.linear.gather [hbm4b:s18+s2], $0x50, $0x38;
	[tilespmem:$0xA100] =	vst v63  }
0x9a: {  	_ =	swait.ge [sflag:s11], $0x50  }
0x9b: {  	[sflag:s11] =	ssyncset.done $0x0  }
0x9c: {  	[sflag:s11] =	ssyncadd.s32 $0xFFFFFFB0  }
0x9d: {  	v3 =	vld [tilespmem:$0x80];
	_ =	sdelay $0x4  }
0x9e: {  	v4 =	vshll.u32 v3, $0x1  }
0x9f: {  	v3 =	vand.u32 $0x7, v3;
	v4 =	vand.u32 $0xFFFFFFF0, v4  }
0xa0: {  	v3 =	vor.u32 v3, v4  }
0xa1: {  	v4 =	vperm.xlane v3, v0;
	_ =	sdelay $0x1  }
0xa2: {  	v3 =	vperm.xlane v3, v2;
	v4 =	vadd.s32 v1, v4;
	_ =	sdelay $0x1  }
0xa3: {  	v3 =	vadd.s32 v1, v3;
	_ =	sdelay $0x2  }
0xa4: {  	[tilespmem:s14], [sflag:$0x2] =	stream.indirect_vreg.gather [hbm4b:s4+s2], $0x80, v4, vm0, $0xb8;
	[tilespmem:$0xA100] =	vst v63  }
0xa5: {  	s18 =	simm.s32 $0x5900  }
0xa6: {  	[tilespmem:s18], [sflag:$0x2] =	stream.indirect_vreg.gather [hbm4b:s4+s2], $0x80, v3, vm0, $0xb8;
	[tilespmem:$0xA100] =	vst v63  }
0xa7: {  	v3 =	vld [tilespmem:$0x90];
	_ =	sdelay $0x4  }
0xa8: {  	v55 =	vshll.u32 v3, $0x1  }
0xa9: {  	v3 =	vand.u32 $0x7, v3;
	v4 =	vand.u32 $0xFFFFFFF0, v55  }
0xaa: {  	v3 =	vor.u32 v3, v4  }
0xab: {  	v4 =	vperm.xlane v3, v0;
	_ =	sdelay $0x1  }
0xac: {  	v3 =	vperm.xlane v3, v2;
	v4 =	vadd.s32 v1, v4;
	_ =	sdelay $0x1  }
0xad: {  	v3 =	vadd.s32 v1, v3;
	_ =	sdelay $0x1  }
0xae: {  	s18 =	simm.s32 $0x6100  }
0xaf: {  	[tilespmem:s18], [sflag:$0x2] =	stream.indirect_vreg.gather [hbm4b:s4+s2], $0x80, v4, vm0, $0xb8;
	[tilespmem:$0xA100] =	vst v63  }
0xb0: {  	s18 =	simm.s32 $0x6900  }
0xb1: {  	[tilespmem:s18], [sflag:$0x2] =	stream.indirect_vreg.gather [hbm4b:s4+s2], $0x80, v3, vm0, $0xb8;
	[tilespmem:$0xA100] =	vst v63  }
0xb2: {  	v3 =	vld [tilespmem:$0xA0];
	_ =	sdelay $0x4  }
0xb3: {  	v56 =	vshll.u32 v3, $0x1  }
0xb4: {  	v3 =	vand.u32 $0x7, v3;
	v4 =	vand.u32 $0xFFFFFFF0, v56  }
0xb5: {  	v3 =	vor.u32 v3, v4  }
0xb6: {  	v4 =	vperm.xlane v3, v0;
	_ =	sdelay $0x1  }
0xb7: {  	v3 =	vperm.xlane v3, v2;
	v4 =	vadd.s32 v1, v4;
	_ =	sdelay $0x1  }
0xb8: {  	v3 =	vadd.s32 v1, v3;
	_ =	sdelay $0x1  }
0xb9: {  	s18 =	simm.s32 $0x7100  }
0xba: {  	[tilespmem:s18], [sflag:$0x2] =	stream.indirect_vreg.gather [hbm4b:s4+s2], $0x80, v4, vm0, $0xb8;
	[tilespmem:$0xA100] =	vst v63  }
0xbb: {  	s18 =	simm.s32 $0x7900  }
0xbc: {  	[tilespmem:s18], [sflag:$0x2] =	stream.indirect_vreg.gather [hbm4b:s4+s2], $0x80, v3, vm0, $0xb8;
	[tilespmem:$0xA100] =	vst v63  }
0xbd: {  	v3 =	vld [tilespmem:$0xB0];
	_ =	sdelay $0x4  }
0xbe: {  	v57 =	vshll.u32 v3, $0x1  }
0xbf: {  	v3 =	vand.u32 $0x7, v3;
	v4 =	vand.u32 $0xFFFFFFF0, v57  }
0xc0: {  	v3 =	vor.u32 v3, v4  }
0xc1: {  	v4 =	vperm.xlane v3, v0;
	_ =	sdelay $0x1  }
0xc2: {  	v3 =	vperm.xlane v3, v2;
	v4 =	vadd.s32 v1, v4;
	_ =	sdelay $0x1  }
0xc3: {  	v3 =	vadd.s32 v1, v3;
	_ =	sdelay $0x2  }
0xc4: {  	[tilespmem:s20], [sflag:$0x2] =	stream.indirect_vreg.gather [hbm4b:s4+s2], $0x80, v4, vm0, $0xb8;
	[tilespmem:$0xA100] =	vst v63  }
0xc5: {  	_ = 	snop  }
0xc6: {  	[tilespmem:s21], [sflag:$0x2] =	stream.indirect_vreg.gather [hbm4b:s4+s2], $0x80, v3, vm0, $0xb8;
	[tilespmem:$0xA100] =	vst v63  }
0xc7: {  	v3 =	vld [tilespmem:$0xC0];
	_ =	sdelay $0x4  }
0xc8: {  	v58 =	vshll.u32 v3, $0x1  }
0xc9: {  	v3 =	vand.u32 $0x7, v3;
	v4 =	vand.u32 $0xFFFFFFF0, v58  }
0xca: {  	v3 =	vor.u32 v3, v4  }
0xcb: {  	v4 =	vperm.xlane v3, v0;
	_ =	sdelay $0x1  }
0xcc: {  	v3 =	vperm.xlane v3, v2;
	v4 =	vadd.s32 v1, v4;
	_ =	sdelay $0x1  }
0xcd: {  	v3 =	vadd.s32 v1, v3;
	_ =	sdelay $0x2  }
0xce: {  	[tilespmem:s22], [sflag:$0x2] =	stream.indirect_vreg.gather [hbm4b:s4+s2], $0x80, v4, vm0, $0xb8;
	[tilespmem:$0xA100] =	vst v63  }
0xcf: {  	_ = 	snop  }
0xd0: {  	[tilespmem:s23], [sflag:$0x2] =	stream.indirect_vreg.gather [hbm4b:s4+s2], $0x80, v3, vm0, $0xb8;
	[tilespmem:$0xA100] =	vst v63  }
0xd1: {  	v3 =	vld [tilespmem:$0x80];
	_ =	sdelay $0x4  }
0xd2: {  	v59 =	vshll.u32 v3, $0x1  }
0xd3: {  	v3 =	vand.u32 $0x7, v3;
	v4 =	vand.u32 $0xFFFFFFF0, v59  }
0xd4: {  	v3 =	vor.u32 v3, v4  }
0xd5: {  	v4 =	vperm.xlane v3, v0;
	_ =	sdelay $0x1  }
0xd6: {  	v3 =	vperm.xlane v3, v2;
	v4 =	vadd.s32 v1, v4;
	_ =	sdelay $0x1  }
0xd7: {  	v3 =	vadd.s32 v1, v3;
	_ =	sdelay $0x2  }
0xd8: {  	[tilespmem:s24], [sflag:$0x2] =	stream.indirect_vreg.gather [hbm4b:s8+s2], $0x80, v4, vm0, $0xb8;
	[tilespmem:$0xA100] =	vst v63  }
0xd9: {  	_ = 	snop  }
0xda: {  	[tilespmem:s25], [sflag:$0x2] =	stream.indirect_vreg.gather [hbm4b:s8+s2], $0x80, v3, vm0, $0xb8;
	[tilespmem:$0xA100] =	vst v63  }
0xdb: {  	v3 =	vld [tilespmem:$0x90];
	_ =	sdelay $0x4  }
0xdc: {  	v60 =	vshll.u32 v3, $0x1  }
0xdd: {  	v3 =	vand.u32 $0x7, v3;
	v4 =	vand.u32 $0xFFFFFFF0, v60  }
0xde: {  	v3 =	vor.u32 v3, v4  }
0xdf: {  	v4 =	vperm.xlane v3, v0;
	_ =	sdelay $0x1  }
0xe0: {  	v3 =	vperm.xlane v3, v2;
	v4 =	vadd.s32 v1, v4;
	_ =	sdelay $0x1  }
0xe1: {  	v3 =	vadd.s32 v1, v3;
	_ =	sdelay $0x2  }
0xe2: {  	[tilespmem:s26], [sflag:$0x2] =	stream.indirect_vreg.gather [hbm4b:s8+s2], $0x80, v4, vm0, $0xb8;
	[tilespmem:$0xA100] =	vst v63  }
0xe3: {  	_ = 	snop  }
0xe4: {  	[tilespmem:s28], [sflag:$0x2] =	stream.indirect_vreg.gather [hbm4b:s8+s2], $0x80, v3, vm0, $0xb8;
	[tilespmem:$0xA100] =	vst v63  }
0xe5: {  	v3 =	vld [tilespmem:$0xA0];
	_ =	sdelay $0x4  }
0xe6: {  	v61 =	vshll.u32 v3, $0x1  }
0xe7: {  	v3 =	vand.u32 $0x7, v3;
	v4 =	vand.u32 $0xFFFFFFF0, v61  }
0xe8: {  	v3 =	vor.u32 v3, v4  }
0xe9: {  	v4 =	vperm.xlane v3, v0;
	_ =	sdelay $0x1  }
0xea: {  	v3 =	vperm.xlane v3, v2;
	v4 =	vadd.s32 v1, v4;
	_ =	sdelay $0x1  }
0xeb: {  	v3 =	vadd.s32 v1, v3;
	_ =	sdelay $0x2  }
0xec: {  	[tilespmem:s29], [sflag:$0x2] =	stream.indirect_vreg.gather [hbm4b:s8+s2], $0x80, v4, vm0, $0xb8;
	[tilespmem:$0xA100] =	vst v63  }
0xed: {  	_ = 	snop  }
0xee: {  	[tilespmem:s30], [sflag:$0x2] =	stream.indirect_vreg.gather [hbm4b:s8+s2], $0x80, v3, vm0, $0xb8;
	[tilespmem:$0xA100] =	vst v63  }
0xef: {  	v3 =	vld [tilespmem:$0xB0];
	_ =	sdelay $0x4  }
0xf0: {  	v62 =	vshll.u32 v3, $0x1  }
0xf1: {  	v3 =	vand.u32 $0x7, v3;
	v4 =	vand.u32 $0xFFFFFFF0, v62  }
0xf2: {  	v3 =	vor.u32 v3, v4  }
0xf3: {  	v4 =	vperm.xlane v3, v0;
	_ =	sdelay $0x1  }
0xf4: {  	v3 =	vperm.xlane v3, v2;
	v4 =	vadd.s32 v1, v4;
	_ =	sdelay $0x1  }
0xf5: {  	v3 =	vadd.s32 v1, v3;
	_ =	sdelay $0x2  }
0xf6: {  	[tilespmem:s31], [sflag:$0x2] =	stream.indirect_vreg.gather [hbm4b:s8+s2], $0x80, v4, vm0, $0xb8;
	[tilespmem:$0xA100] =	vst v63  }
0xf7: {  	_ = 	snop  }
0xf8: {  	[tilespmem:s1], [sflag:$0x2] =	stream.indirect_vreg.gather [hbm4b:s8+s2], $0x80, v3, vm0, $0xb8;
	[tilespmem:$0xA100] =	vst v63  }
0xf9: {  	v3 =	vld [tilespmem:$0xC0];
	_ =	sdelay $0x4  }
0xfa: {  	v63 =	vshll.u32 v3, $0x1  }
0xfb: {  	v3 =	vand.u32 $0x7, v3;
	v4 =	vand.u32 $0xFFFFFFF0, v63  }
0xfc: {  	v3 =	vor.u32 v3, v4  }
0xfd: {  	v4 =	vperm.xlane v3, v0;
	_ =	sdelay $0x1  }
0xfe: {  	v3 =	vperm.xlane v3, v2;
	v4 =	vadd.s32 v1, v4;
	_ =	sdelay $0x1  }
0xff: {  	v3 =	vadd.s32 v1, v3;
	_ =	sdelay $0x2  }
0x100: {  	[tilespmem:s0], [sflag:$0x2] =	stream.indirect_vreg.gather [hbm4b:s8+s2], $0x80, v4, vm0, $0xb8;
	[tilespmem:$0xA100] =	vst v63  }
0x101: {  	_ = 	snop  }
0x102: {  	[tilespmem:s10], [sflag:$0x2] =	stream.indirect_vreg.gather [hbm4b:s8+s2], $0x80, v3, vm0, $0xb8;
	[tilespmem:$0xA100] =	vst v63  }
0x103: {  	_ =	swait.ge [sflag:s7], $0x2800  }
0x104: {  	[sflag:s7] =	ssyncset.done $0x0  }
0x105: {  	[sflag:s7] =	ssyncadd.s32 $0xFFFFD800  }
0x106: {  	s18 =	sadd.s32 s3, s17;
	_ =	swait.ge [sflag:s7], $0x2800  }
0x107: {  	s17 =	sshll.u32 s18, $0x5;
	[sflag:s7] =	ssyncset.done $0x0  }
.Ltmp4:
0x108: {  	s17 =	sadd.s32 s6, s17;
	[sflag:s7] =	ssyncadd.s32 $0xFFFFD800;
	(pc) =	sbr.rel @!p1 .LBB2_4-.Ltmp4, $4  }
0x109: {  	[hbm4b:s17+s2] =	stream.linear.scatter [tilespmem:s13], [sflag:$0x4], $0x5000, $0x38;
	[tilespmem:$0xA100] =	vst v63  }
0x10a: {  	_ =	swait.ge [sflag:s11], $0x5000  }
0x10b: {  	[sflag:s11] =	ssyncset.done $0x0  }
0x10c: {  	p0 =	por p1, p1;
	[sflag:s11] =	ssyncadd.s32 $0xFFFFB000  }
0x10d: {  	s17 =	rddreg [dreg:$0x3]  }
0x10e: {  	[tilespmem:s2], [sflag:$0x4] =	stream.linear.gather [hbm4b:s17+s2], $0x50, $0x38;
	[tilespmem:$0xA100] =	vst v63  }
0x10f: {  	_ =	swait.ge [sflag:s11], $0x50  }
0x110: {  	[sflag:s11] =	ssyncset.done $0x0  }
0x111: {  	[sflag:s11] =	ssyncadd.s32 $0xFFFFFFB0  }
0x112: {  	v3 =	vld [tilespmem:$0x0];
	_ =	sdelay $0x4  }
0x113: {  	v4 =	vshll.u32 v3, $0x1  }
0x114: {  	v3 =	vand.u32 $0x7, v3;
	v4 =	vand.u32 $0xFFFFFFF0, v4  }
0x115: {  	v3 =	vor.u32 v3, v4  }
0x116: {  	v4 =	vperm.xlane v3, v0;
	_ =	sdelay $0x1  }
0x117: {  	v3 =	vperm.xlane v3, v2;
	v4 =	vadd.s32 v1, v4;
	_ =	sdelay $0x1  }
0x118: {  	v3 =	vadd.s32 v1, v3;
	_ =	sdelay $0x2  }
0x119: {  	[tilespmem:s13], [sflag:$0x1] =	stream.indirect_vreg.gather [hbm4b:s4+s2], $0x80, v4, vm0, $0xb8;
	[tilespmem:$0xA100] =	vst v63  }
0x11a: {  	s18 =	simm.s32 $0x900  }
0x11b: {  	[tilespmem:s18], [sflag:$0x1] =	stream.indirect_vreg.gather [hbm4b:s4+s2], $0x80, v3, vm0, $0xb8;
	[tilespmem:$0xA100] =	vst v63  }
0x11c: {  	v3 =	vld [tilespmem:$0x10];
	_ =	sdelay $0x4  }
0x11d: {  	v55 =	vshll.u32 v3, $0x1  }
0x11e: {  	v3 =	vand.u32 $0x7, v3;
	v4 =	vand.u32 $0xFFFFFFF0, v55  }
0x11f: {  	v3 =	vor.u32 v3, v4  }
0x120: {  	v4 =	vperm.xlane v3, v0;
	_ =	sdelay $0x1  }
0x121: {  	v3 =	vperm.xlane v3, v2;
	v4 =	vadd.s32 v1, v4;
	_ =	sdelay $0x1  }
0x122: {  	v3 =	vadd.s32 v1, v3;
	_ =	sdelay $0x1  }
0x123: {  	s18 =	simm.s32 $0x1100  }
0x124: {  	[tilespmem:s18], [sflag:$0x1] =	stream.indirect_vreg.gather [hbm4b:s4+s2], $0x80, v4, vm0, $0xb8;
	[tilespmem:$0xA100] =	vst v63  }
0x125: {  	s18 =	simm.s32 $0x1900  }
0x126: {  	[tilespmem:s18], [sflag:$0x1] =	stream.indirect_vreg.gather [hbm4b:s4+s2], $0x80, v3, vm0, $0xb8;
	[tilespmem:$0xA100] =	vst v63  }
0x127: {  	v3 =	vld [tilespmem:$0x20];
	_ =	sdelay $0x4  }
0x128: {  	v56 =	vshll.u32 v3, $0x1  }
0x129: {  	v3 =	vand.u32 $0x7, v3;
	v4 =	vand.u32 $0xFFFFFFF0, v56  }
0x12a: {  	v3 =	vor.u32 v3, v4  }
0x12b: {  	v4 =	vperm.xlane v3, v0;
	_ =	sdelay $0x1  }
0x12c: {  	v3 =	vperm.xlane v3, v2;
	v4 =	vadd.s32 v1, v4;
	_ =	sdelay $0x1  }
0x12d: {  	v3 =	vadd.s32 v1, v3;
	_ =	sdelay $0x1  }
0x12e: {  	s18 =	simm.s32 $0x2100  }
0x12f: {  	[tilespmem:s18], [sflag:$0x1] =	stream.indirect_vreg.gather [hbm4b:s4+s2], $0x80, v4, vm0, $0xb8;
	[tilespmem:$0xA100] =	vst v63  }
0x130: {  	s18 =	simm.s32 $0x2900  }
0x131: {  	[tilespmem:s18], [sflag:$0x1] =	stream.indirect_vreg.gather [hbm4b:s4+s2], $0x80, v3, vm0, $0xb8;
	[tilespmem:$0xA100] =	vst v63  }
0x132: {  	v3 =	vld [tilespmem:$0x30];
	_ =	sdelay $0x4  }
0x133: {  	v57 =	vshll.u32 v3, $0x1  }
0x134: {  	v3 =	vand.u32 $0x7, v3;
	v4 =	vand.u32 $0xFFFFFFF0, v57  }
0x135: {  	v3 =	vor.u32 v3, v4  }
0x136: {  	v4 =	vperm.xlane v3, v0;
	_ =	sdelay $0x1  }
0x137: {  	v3 =	vperm.xlane v3, v2;
	v4 =	vadd.s32 v1, v4;
	_ =	sdelay $0x1  }
0x138: {  	v3 =	vadd.s32 v1, v3;
	_ =	sdelay $0x1  }
0x139: {  	s18 =	simm.s32 $0x3100  }
0x13a: {  	[tilespmem:s18], [sflag:$0x1] =	stream.indirect_vreg.gather [hbm4b:s4+s2], $0x80, v4, vm0, $0xb8;
	[tilespmem:$0xA100] =	vst v63  }
0x13b: {  	s18 =	simm.s32 $0x3900  }
0x13c: {  	[tilespmem:s18], [sflag:$0x1] =	stream.indirect_vreg.gather [hbm4b:s4+s2], $0x80, v3, vm0, $0xb8;
	[tilespmem:$0xA100] =	vst v63  }
0x13d: {  	v3 =	vld [tilespmem:$0x40];
	_ =	sdelay $0x4  }
0x13e: {  	v58 =	vshll.u32 v3, $0x1  }
0x13f: {  	v3 =	vand.u32 $0x7, v3;
	v4 =	vand.u32 $0xFFFFFFF0, v58  }
0x140: {  	v3 =	vor.u32 v3, v4  }
0x141: {  	v4 =	vperm.xlane v3, v0;
	_ =	sdelay $0x1  }
0x142: {  	v3 =	vperm.xlane v3, v2;
	v4 =	vadd.s32 v1, v4;
	_ =	sdelay $0x1  }
0x143: {  	v3 =	vadd.s32 v1, v3;
	_ =	sdelay $0x1  }
0x144: {  	s18 =	simm.s32 $0x4100  }
0x145: {  	[tilespmem:s18], [sflag:$0x1] =	stream.indirect_vreg.gather [hbm4b:s4+s2], $0x80, v4, vm0, $0xb8;
	[tilespmem:$0xA100] =	vst v63  }
0x146: {  	s18 =	simm.s32 $0x4900  }
0x147: {  	[tilespmem:s18], [sflag:$0x1] =	stream.indirect_vreg.gather [hbm4b:s4+s2], $0x80, v3, vm0, $0xb8;
	[tilespmem:$0xA100] =	vst v63  }
0x148: {  	v3 =	vld [tilespmem:$0x0];
	_ =	sdelay $0x4  }
0x149: {  	v59 =	vshll.u32 v3, $0x1  }
0x14a: {  	v3 =	vand.u32 $0x7, v3;
	v4 =	vand.u32 $0xFFFFFFF0, v59  }
0x14b: {  	v3 =	vor.u32 v3, v4  }
0x14c: {  	v4 =	vperm.xlane v3, v0;
	_ =	sdelay $0x1  }
0x14d: {  	v3 =	vperm.xlane v3, v2;
	v4 =	vadd.s32 v1, v4;
	_ =	sdelay $0x1  }
0x14e: {  	v3 =	vadd.s32 v1, v3;
	_ =	sdelay $0x1  }
0x14f: {  	s18 =	simm.s32 $0x500  }
0x150: {  	[tilespmem:s18], [sflag:$0x1] =	stream.indirect_vreg.gather [hbm4b:s8+s2], $0x80, v4, vm0, $0xb8;
	[tilespmem:$0xA100] =	vst v63  }
0x151: {  	s18 =	simm.s32 $0xD00  }
0x152: {  	[tilespmem:s18], [sflag:$0x1] =	stream.indirect_vreg.gather [hbm4b:s8+s2], $0x80, v3, vm0, $0xb8;
	[tilespmem:$0xA100] =	vst v63  }
0x153: {  	v3 =	vld [tilespmem:$0x10];
	_ =	sdelay $0x4  }
0x154: {  	v60 =	vshll.u32 v3, $0x1  }
0x155: {  	v3 =	vand.u32 $0x7, v3;
	v4 =	vand.u32 $0xFFFFFFF0, v60  }
0x156: {  	v3 =	vor.u32 v3, v4  }
0x157: {  	v4 =	vperm.xlane v3, v0;
	_ =	sdelay $0x1  }
0x158: {  	v3 =	vperm.xlane v3, v2;
	v4 =	vadd.s32 v1, v4;
	_ =	sdelay $0x1  }
0x159: {  	v3 =	vadd.s32 v1, v3;
	_ =	sdelay $0x1  }
0x15a: {  	s18 =	simm.s32 $0x1500  }
0x15b: {  	[tilespmem:s18], [sflag:$0x1] =	stream.indirect_vreg.gather [hbm4b:s8+s2], $0x80, v4, vm0, $0xb8;
	[tilespmem:$0xA100] =	vst v63  }
0x15c: {  	s18 =	simm.s32 $0x1D00  }
0x15d: {  	[tilespmem:s18], [sflag:$0x1] =	stream.indirect_vreg.gather [hbm4b:s8+s2], $0x80, v3, vm0, $0xb8;
	[tilespmem:$0xA100] =	vst v63  }
0x15e: {  	v3 =	vld [tilespmem:$0x20];
	_ =	sdelay $0x4  }
0x15f: {  	v61 =	vshll.u32 v3, $0x1  }
0x160: {  	v3 =	vand.u32 $0x7, v3;
	v4 =	vand.u32 $0xFFFFFFF0, v61  }
0x161: {  	v3 =	vor.u32 v3, v4  }
0x162: {  	v4 =	vperm.xlane v3, v0;
	_ =	sdelay $0x1  }
0x163: {  	v3 =	vperm.xlane v3, v2;
	v4 =	vadd.s32 v1, v4;
	_ =	sdelay $0x1  }
0x164: {  	v3 =	vadd.s32 v1, v3;
	_ =	sdelay $0x1  }
0x165: {  	s18 =	simm.s32 $0x2500  }
0x166: {  	[tilespmem:s18], [sflag:$0x1] =	stream.indirect_vreg.gather [hbm4b:s8+s2], $0x80, v4, vm0, $0xb8;
	[tilespmem:$0xA100] =	vst v63  }
0x167: {  	s18 =	simm.s32 $0x2D00  }
0x168: {  	[tilespmem:s18], [sflag:$0x1] =	stream.indirect_vreg.gather [hbm4b:s8+s2], $0x80, v3, vm0, $0xb8;
	[tilespmem:$0xA100] =	vst v63  }
0x169: {  	v3 =	vld [tilespmem:$0x30];
	_ =	sdelay $0x4  }
0x16a: {  	v62 =	vshll.u32 v3, $0x1  }
0x16b: {  	v3 =	vand.u32 $0x7, v3;
	v4 =	vand.u32 $0xFFFFFFF0, v62  }
0x16c: {  	v3 =	vor.u32 v3, v4  }
0x16d: {  	v4 =	vperm.xlane v3, v0;
	_ =	sdelay $0x1  }
0x16e: {  	v3 =	vperm.xlane v3, v2;
	v4 =	vadd.s32 v1, v4;
	_ =	sdelay $0x1  }
0x16f: {  	v3 =	vadd.s32 v1, v3;
	_ =	sdelay $0x1  }
0x170: {  	s18 =	simm.s32 $0x3500  }
0x171: {  	[tilespmem:s18], [sflag:$0x1] =	stream.indirect_vreg.gather [hbm4b:s8+s2], $0x80, v4, vm0, $0xb8;
	[tilespmem:$0xA100] =	vst v63  }
0x172: {  	s18 =	simm.s32 $0x3D00  }
0x173: {  	[tilespmem:s18], [sflag:$0x1] =	stream.indirect_vreg.gather [hbm4b:s8+s2], $0x80, v3, vm0, $0xb8;
	[tilespmem:$0xA100] =	vst v63  }
0x174: {  	v3 =	vld [tilespmem:$0x40];
	_ =	sdelay $0x4  }
0x175: {  	v63 =	vshll.u32 v3, $0x1  }
0x176: {  	v3 =	vand.u32 $0x7, v3;
	v4 =	vand.u32 $0xFFFFFFF0, v63  }
0x177: {  	v3 =	vor.u32 v3, v4  }
0x178: {  	v4 =	vperm.xlane v3, v0;
	_ =	sdelay $0x1  }
0x179: {  	v3 =	vperm.xlane v3, v2;
	v4 =	vadd.s32 v1, v4;
	_ =	sdelay $0x1  }
0x17a: {  	v3 =	vadd.s32 v1, v3  }
.Ltmp5:
0x17b: {  	_ = 	snop;
	(pc) =	sbr.rel .LBB2_4-.Ltmp5, $4  }
0x17c: {  	s18 =	simm.s32 $0x4500  }
0x17d: {  	[tilespmem:s18], [sflag:$0x1] =	stream.indirect_vreg.gather [hbm4b:s8+s2], $0x80, v4, vm0, $0xb8;
	[tilespmem:$0xA100] =	vst v63  }
0x17e: {  	s18 =	simm.s32 $0x4D00  }
0x17f: {  	[tilespmem:s18], [sflag:$0x1] =	stream.indirect_vreg.gather [hbm4b:s8+s2], $0x80, v3, vm0, $0xb8;
	[tilespmem:$0xA100] =	vst v63  }
.LBB2_6:
0x180: {  	_ =	sfence.sel $0x180000  }
0x181: {  	[bflag:$0x0] =	sbarrier.arrive $0xFFFF  }
0x182: {  	_ =	strace $0x90000053  }
0x183: {  	s0 =	stileid.u32;
	[bflag:$0x2] =	sbarrier.arrive $0xFFFF  }
0x184: {  	p0 =	sne.s32 s0, $0x0;
	s0 =	rddreg [dreg:$0x1]  }
0x185: {  	s0 =	sadd.s32 @!p0 $0x100000, s0  }
0x186: {  	[sflag:s0] =	ssyncadd.tile.s32 @!p0 $0x1;
	_ =	shalt  }
.Lfunc_end2:
_tile_overlayer_lowered:
.L_overlay_start_2:
0x187: {  	(tag) =	ssettag $0x2  }
0x188: {  	s0 =	rddreg [dreg:$0x0];
	s2 =	stileid.u32  }
0x189: {  	s1 =	rddreg [dreg:$0x1];
	p0 =	sne.s32 s2, $0x0  }
0x18a: {  	s3 =	rddreg [dreg:$0x2];
	[bflag:$0x3] =	sbarrier.arrive $0xFFFF;
	s2 =	simm.s32 @!p0 $0x1C03  }
0x18b: {  	[timem:s3], [sflag:s2] =	dma.local @!p0 [hbm:s0], s1  }
0x18c: {  	s0 =	simm.s32 @!p0 $0x3  }
0x18d: {  	_ =	swait.ge @!p0 [sflag:s0], s1  }
0x18e: {  	s1 =	ssub.s32 @!p0 $0x0, s1;
	[sflag:s0] =	ssyncset.done @!p0 $0x0  }
0x18f: {  	[sflag:s0] =	ssyncadd.s32 @!p0 s1  }
0x190: {  	[bflag:$0x3] =	sbarrier.arrive $0xFFFF  }
0x191: {  	_ =	shalt  }

</sc_bundles>
